<compile_context>
chip_gen: v7x
topology: tpu7x:2x2x1
jax: 0.10.2.dev20260603
libtpu: 0.0.44.dev20260713+nightly
codegen_flags: <defaults>
</compile_context>

<pallas_src>
import functools

import jax
import jax.numpy as jnp
from jax import lax
from jax.experimental import pallas as pl
from jax.experimental.pallas import tpu as pltpu
from jax.experimental.pallas import tpu_sc as plsc

N = 10000
NP = 10240
F_IN = 128
H = 32
G = 128
E = 320000
NC = 2
NS = 16
NW = NC * NS
CH = 160
EP = 327680
NCHT = EP // CH
NCH0 = 128
NBUF = 8
LA = 4
RPT = NP // NS
DUMP = 10200
NB = 5
BR = NP // NB

_mesh = plsc.VectorSubcoreMesh(core_axis_name="c", subcore_axis_name="s")
_sc_params = pltpu.CompilerParams(use_tc_tiling_on_sc=False)

_f32 = jnp.float32
_i32 = jnp.int32


@functools.partial(
    pl.kernel,
    out_type=jax.ShapeDtypeStruct((NP,), _f32),
    mesh=_mesh,
    scratch_types=[
        pltpu.VMEM((NCH0, CH), _i32),
        pltpu.VMEM((CH,), _f32),
        pltpu.VMEM((RPT,), _f32),
        pltpu.VMEM_SHARED((NP,), _f32),
    ] + [pltpu.SemaphoreType.DMA] * 4,
    compiler_params=_sc_params,
)
def _sc_deg(ei_hbm, out_hbm, didx, ones, zbuf, acc, *sems):
    c = lax.axis_index("c")
    s = lax.axis_index("s")

    @pl.when(c == 0)
    def _run():
        def fill(i, _):
            zbuf[pl.ds(i * 16, 16)] = jnp.zeros((16,), _f32)
            return 0

        lax.fori_loop(0, RPT // 16, fill, 0)

        def fill1(i, _):
            ones[pl.ds(i * 16, 16)] = jnp.ones((16,), _f32)
            return 0

        lax.fori_loop(0, CH // 16, fill1, 0)
        pltpu.sync_copy(ei_hbm.at[1, pl.ds(s * NCH0, NCH0)], didx)
        pltpu.sync_copy(zbuf, acc.at[pl.ds(s * RPT, RPT)])
        plsc.subcore_barrier()

        def outer(jj, _):
            for b in range(4):
                j = jj * 4 + b

                @pl.when(j >= 4)
                def _wait():
                    pltpu.make_async_copy(ones, acc.at[didx.at[j - 4]],
                                          sems[b]).wait()

                pltpu.async_copy(ones, acc.at[didx.at[j]], sems[b], add=True)
            return 0

        lax.fori_loop(0, NCH0 // 4, outer, 0)
        for b in range(4):
            pltpu.make_async_copy(ones, acc.at[didx.at[NCH0 - 4 + b]],
                                  sems[b]).wait()
        plsc.subcore_barrier()
        pltpu.sync_copy(acc.at[pl.ds(s * RPT, RPT)],
                        out_hbm.at[pl.ds(s * RPT, RPT)])


@functools.partial(
    pl.kernel,
    out_type=jax.ShapeDtypeStruct((NP, H), _f32),
    mesh=_mesh,
    scratch_types=(
        [pltpu.VMEM((NCH0, CH), _i32)] * 2
        + [pltpu.VMEM((CH, H), _f32)] * NBUF
        + [pltpu.VMEM((RPT // 10, H), _f32),
           pltpu.VMEM_SHARED((NP, H), _f32)]
        + [pltpu.SemaphoreType.DMA] * (2 * NBUF)
    ),
    compiler_params=_sc_params,
)
def _sc_agg(y_hbm, ei_hbm, out_hbm, sidx, didx, *rest):
    rows = rest[:NBUF]
    zbuf, acc = rest[NBUF], rest[NBUF + 1]
    semg = rest[NBUF + 2:2 * NBUF + 2]
    sems = rest[2 * NBUF + 2:]
    c = lax.axis_index("c")
    s = lax.axis_index("s")

    @pl.when(c == 0)
    def _run():
        base = s * NCH0
        pltpu.sync_copy(ei_hbm.at[0, pl.ds(base, NCH0)], sidx)
        pltpu.sync_copy(ei_hbm.at[1, pl.ds(base, NCH0)], didx)
        for b in range(LA):
            pltpu.async_copy(y_hbm.at[sidx.at[b]], rows[b], semg[b])

        def fill(i, _):
            zbuf[i, pl.ds(0, 16)] = jnp.zeros((16,), _f32)
            zbuf[i, pl.ds(16, 16)] = jnp.zeros((16,), _f32)
            return 0

        lax.fori_loop(0, RPT // 10, fill, 0)

        def zcopy(k, _):
            pltpu.sync_copy(zbuf,
                            acc.at[pl.ds(s * RPT + k * (RPT // 10), RPT // 10)])
            return 0

        lax.fori_loop(0, 10, zcopy, 0)
        plsc.subcore_barrier()

        def outer(jj, _):
            for b in range(NBUF):
                j = jj * NBUF + b
                bf = (b + LA) % NBUF

                @pl.when(j >= LA)
                def _drain():
                    pltpu.make_async_copy(rows[bf], acc.at[didx.at[j - LA]],
                                          sems[bf]).wait()

                @pl.when(j + LA < NCH0)
                def _prefetch():
                    pltpu.async_copy(y_hbm.at[sidx.at[j + LA]], rows[bf],
                                     semg[bf])

                pltpu.make_async_copy(y_hbm.at[sidx.at[j]], rows[b],
                                      semg[b]).wait()
                pltpu.async_copy(rows[b], acc.at[didx.at[j]], sems[b], add=True)
            return 0

        lax.fori_loop(0, NCH0 // NBUF, outer, 0)
        for b in range(LA):
            j = NCH0 - LA + b
            pltpu.make_async_copy(rows[j % NBUF], acc.at[didx.at[j]],
                                  sems[j % NBUF]).wait()
        plsc.subcore_barrier()
        pltpu.sync_copy(acc.at[pl.ds(s * RPT, RPT)],
                        out_hbm.at[pl.ds(s * RPT, RPT)])


def _tc1_body(x_ref, d_ref, w_ref, y_ref, dinv_ref):
    deg = d_ref[...] + 1.0
    dinv = lax.rsqrt(deg)
    y = jnp.dot(x_ref[...], w_ref[...], preferred_element_type=_f32)
    y_ref[...] = y * dinv
    dinv_ref[...] = dinv


def _tc1(xp, deg2, W1):
    return pl.pallas_call(
        _tc1_body,
        grid=(NB,),
        in_specs=[
            pl.BlockSpec((BR, F_IN), lambda i: (i, 0)),
            pl.BlockSpec((BR, 1), lambda i: (i, 0)),
            pl.BlockSpec((F_IN, H), lambda i: (0, 0)),
        ],
        out_specs=[
            pl.BlockSpec((BR, H), lambda i: (i, 0)),
            pl.BlockSpec((BR, 1), lambda i: (i, 0)),
        ],
        out_shape=[
            jax.ShapeDtypeStruct((NP, H), _f32),
            jax.ShapeDtypeStruct((NP, 1), _f32),
        ],
    )(xp, deg2, W1)


def _tc_mid_body(a_ref, y_ref, dinv_ref, b_ref, w_ref, h_ref, ynext_ref):
    agg = a_ref[...] + y_ref[...]
    dinv = dinv_ref[...]
    h = jnp.maximum(agg * dinv + b_ref[...], 0.0)
    h_ref[...] = h
    ynext_ref[...] = jnp.dot(h, w_ref[...], preferred_element_type=_f32) * dinv


def _tc_mid(agg, y_prev, dinv, b, W_next):
    return pl.pallas_call(
        _tc_mid_body,
        grid=(NB,),
        in_specs=[
            pl.BlockSpec((BR, H), lambda i: (i, 0)),
            pl.BlockSpec((BR, H), lambda i: (i, 0)),
            pl.BlockSpec((BR, 1), lambda i: (i, 0)),
            pl.BlockSpec((1, H), lambda i: (0, 0)),
            pl.BlockSpec((H, H), lambda i: (0, 0)),
        ],
        out_specs=[
            pl.BlockSpec((BR, H), lambda i: (i, 0)),
            pl.BlockSpec((BR, H), lambda i: (i, 0)),
        ],
        out_shape=[
            jax.ShapeDtypeStruct((NP, H), _f32),
            jax.ShapeDtypeStruct((NP, H), _f32),
        ],
    )(agg, y_prev, dinv, b, W_next)


def _tc_final_body(a_ref, y_ref, dinv_ref, b_ref, h1_ref, h2_ref,
                   wlin_ref, blin_ref, wg_ref, bg_ref, h_ref, gate_ref):
    agg = a_ref[...] + y_ref[...]
    h3 = jnp.maximum(agg * dinv_ref[...] + b_ref[...], 0.0)
    hcat = jnp.concatenate([h1_ref[...], h2_ref[...], h3], axis=1)
    h = jnp.maximum(
        jnp.dot(hcat, wlin_ref[...], preferred_element_type=_f32)
        + blin_ref[...], 0.0)
    h_ref[...] = h
    gate_ref[...] = (
        jnp.dot(h, wg_ref[...], preferred_element_type=_f32) + bg_ref[...])


def _tc_final(agg, y3, dinv, b3, h1, h2, Wlin, blin, Wgate, bgate):
    return pl.pallas_call(
        _tc_final_body,
        grid=(NB,),
        in_specs=[
            pl.BlockSpec((BR, H), lambda i: (i, 0)),
            pl.BlockSpec((BR, H), lambda i: (i, 0)),
            pl.BlockSpec((BR, 1), lambda i: (i, 0)),
            pl.BlockSpec((1, H), lambda i: (0, 0)),
            pl.BlockSpec((BR, H), lambda i: (i, 0)),
            pl.BlockSpec((BR, H), lambda i: (i, 0)),
            pl.BlockSpec((3 * H, H), lambda i: (0, 0)),
            pl.BlockSpec((1, H), lambda i: (0, 0)),
            pl.BlockSpec((H, 1), lambda i: (0, 0)),
            pl.BlockSpec((1, 1), lambda i: (0, 0)),
        ],
        out_specs=[
            pl.BlockSpec((BR, H), lambda i: (i, 0)),
            pl.BlockSpec((BR, 1), lambda i: (i, 0)),
        ],
        out_shape=[
            jax.ShapeDtypeStruct((NP, H), _f32),
            jax.ShapeDtypeStruct((NP, 1), _f32),
        ],
    )(agg, y3, dinv, b3, h1, h2, Wlin, blin, Wgate, bgate)


def _tc_pool_body(h_ref, gate_ref, seg_ref, out_ref):
    gate = gate_ref[...]
    rowid = lax.broadcasted_iota(_i32, (NP, 1), 0)
    valid = rowid < N
    m = jnp.max(jnp.where(valid, gate, -jnp.inf))
    a = jnp.where(valid, jnp.exp(gate - m), 0.0)
    onehot = jnp.where(
        seg_ref[...] == lax.broadcasted_iota(_i32, (G, NP), 0),
        1.0, 0.0)
    p = jnp.dot(onehot, a * h_ref[...], preferred_element_type=_f32)
    s = jnp.dot(onehot, a, preferred_element_type=_f32)
    out_ref[...] = p / jnp.maximum(s, 1e-16)


def _tc_pool(h, gate, seg):
    return pl.pallas_call(
        _tc_pool_body,
        out_shape=jax.ShapeDtypeStruct((G, H), _f32),
    )(h, gate, seg)


def kernel(batch, x, edge_index, batch_idx, W1, b1, W2, b2, W3, b3,
           Wlin, blin, Wgate, bgate):
    ei_p = (jnp.full((2, EP), DUMP, _i32)
            .at[:, :E].set(edge_index.astype(_i32)).reshape(2, NCHT, CH))
    xp = jnp.zeros((NP, F_IN), _f32).at[:N].set(x[:, :F_IN])
    seg = jnp.zeros((1, NP), _i32).at[0, :N].set(batch_idx.astype(_i32))

    deg2 = _sc_deg(ei_p).reshape(NP, 1)
    y1, dinv = _tc1(xp, deg2, W1)
    agg1 = _sc_agg(y1, ei_p)
    h1, y2 = _tc_mid(agg1, y1, dinv, b1.reshape(1, H), W2)
    agg2 = _sc_agg(y2, ei_p)
    h2, y3 = _tc_mid(agg2, y2, dinv, b2.reshape(1, H), W3)
    agg3 = _sc_agg(y3, ei_p)
    h, gate = _tc_final(agg3, y3, dinv, b3.reshape(1, H), h1, h2,
                        Wlin, blin.reshape(1, H), Wgate, bgate.reshape(1, 1))
    pooled = _tc_pool(h, gate, seg)
    return h[:N], pooled

# --- scband reference (transcript-rebuilt; emitter-appended) ---
"""Pipeline reference for scband-gcn-47940424958477 (READ-ONLY COPY).

The authoritative reference and input builder live on the scoring server;
editing this copy changes nothing except your own understanding.
"""

import jax, jax.numpy as jnp
import numpy as np

N = 10000
E = 320000
F_IN = 128
H = 32
G = 128


def _gcn_conv(x, src, dst, W, b, n):
    xw = x @ W
    ones = jnp.ones((src.shape[0],), dtype=xw.dtype)
    deg = jax.ops.segment_sum(ones, dst, num_segments=n)
    dinv = jnp.where(deg > 0, 1.0 / jnp.sqrt(deg), 0.0)
    norm = dinv[src] * dinv[dst]
    msg = xw[src] * norm[:, None]
    out = jax.ops.segment_sum(msg, dst, num_segments=n)
    return out + b


def setup_inputs(seed: int = 0) -> dict:
    key = jax.random.key(seed)
    ks = jax.random.split(key, 16)
    x = jax.random.normal(ks[0], (N, F_IN), dtype=jnp.float32)
    edge_index = jax.random.randint(ks[1], (2, E), 0, N, dtype=jnp.int64)
    batch_idx = jnp.sort(jax.random.randint(ks[2], (N,), 0, G, dtype=jnp.int64))
    batch = batch_idx
    sc1 = 1.0 / np.sqrt(F_IN)
    sch = 1.0 / np.sqrt(H)
    sc3 = 1.0 / np.sqrt(3 * H)
    W1 = jax.random.uniform(ks[3], (F_IN, H), jnp.float32, -sc1, sc1)
    b1 = jnp.zeros((H,), jnp.float32)
    W2 = jax.random.uniform(ks[4], (H, H), jnp.float32, -sch, sch)
    b2 = jnp.zeros((H,), jnp.float32)
    W3 = jax.random.uniform(ks[5], (H, H), jnp.float32, -sch, sch)
    b3 = jnp.zeros((H,), jnp.float32)
    Wlin = jax.random.uniform(ks[6], (3 * H, H), jnp.float32, -sc3, sc3)
    blin = jax.random.uniform(ks[7], (H,), jnp.float32, -sc3, sc3)
    Wgate = jax.random.uniform(ks[8], (H, 1), jnp.float32, -sch, sch)
    bgate = jax.random.uniform(ks[9], (1,), jnp.float32, -sch, sch)
    return {"batch": batch, "x": x, "edge_index": edge_index, "batch_idx": batch_idx,
            "W1": W1, "b1": b1, "W2": W2, "b2": b2, "W3": W3, "b3": b3,
            "Wlin": Wlin, "blin": blin, "Wgate": Wgate, "bgate": bgate}


def reference(batch, x, edge_index, batch_idx, W1, b1, W2, b2, W3, b3, Wlin, blin, Wgate, bgate):
    # x is provided -> tag is False; module uses batch_idx as segment ids and returns (h, pooled)
    seg = batch_idx
    n = x.shape[0]
    x = x[:, :F_IN]
    # add self-loops once (GCNConv default add_self_loops=True)
    loop = jnp.arange(n, dtype=edge_index.dtype)
    src = jnp.concatenate([edge_index[0], loop])
    dst = jnp.concatenate([edge_index[1], loop])
    h1 = jax.nn.relu(_gcn_conv(x, src, dst, W1, b1, n))
    h2 = jax.nn.relu(_gcn_conv(h1, src, dst, W2, b2, n))
    h3 = jax.nn.relu(_gcn_conv(h2, src, dst, W3, b3, n))
    hcat = jnp.concatenate([h1, h2, h3], axis=1)
    h = jax.nn.relu(hcat @ Wlin + blin)
    # AttentionalAggregation: gate = Linear(H,1); per-segment softmax; weighted sum
    gate = (h @ Wgate + bgate)[:, 0]
    m = jax.ops.segment_max(gate, seg, num_segments=G)
    m = jnp.where(jnp.isfinite(m), m, 0.0)
    a = jnp.exp(gate - m[seg])
    s = jax.ops.segment_sum(a, seg, num_segments=G)
    alpha = a / jnp.maximum(s[seg], 1e-16)
    pooled = jax.ops.segment_sum(alpha[:, None] * h, seg, num_segments=G)
    return (h, pooled)

if __name__ == "__main__":
    import jax
    _d = setup_inputs()
    print(jax.jit(kernel)(*tuple(_d.values())))

</pallas_src>

<mosaic_0001>
#map = affine_map<(d0, d1) -> (0, 0)>
#map1 = affine_map<(d0, d1) -> (0, 0, 0)>
module attributes {stable_mosaic.version = 14 : i64} {
  func.func @_sc_agg(%arg0: i32, %arg1: i32, %arg2: memref<10240x32xf32, #tpu.memory_space<hbm>>, %arg3: memref<2x2048x160xi32, #tpu.memory_space<hbm>>, %arg4: memref<10240x32xf32, #tpu.memory_space<hbm>>, %arg5: memref<128x160xi32, #tpu.memory_space<vmem>>, %arg6: memref<128x160xi32, #tpu.memory_space<vmem>>, %arg7: memref<160x32xf32, #tpu.memory_space<vmem>>, %arg8: memref<160x32xf32, #tpu.memory_space<vmem>>, %arg9: memref<160x32xf32, #tpu.memory_space<vmem>>, %arg10: memref<160x32xf32, #tpu.memory_space<vmem>>, %arg11: memref<160x32xf32, #tpu.memory_space<vmem>>, %arg12: memref<160x32xf32, #tpu.memory_space<vmem>>, %arg13: memref<160x32xf32, #tpu.memory_space<vmem>>, %arg14: memref<160x32xf32, #tpu.memory_space<vmem>>, %arg15: memref<64x32xf32, #tpu.memory_space<vmem>>, %arg16: memref<10240x32xf32, #tpu.memory_space<vmem_shared>>, %arg17: memref<!tpu.dma_semaphore, #tpu.memory_space<semaphore_mem>>, %arg18: memref<!tpu.dma_semaphore, #tpu.memory_space<semaphore_mem>>, %arg19: memref<!tpu.dma_semaphore, #tpu.memory_space<semaphore_mem>>, %arg20: memref<!tpu.dma_semaphore, #tpu.memory_space<semaphore_mem>>, %arg21: memref<!tpu.dma_semaphore, #tpu.memory_space<semaphore_mem>>, %arg22: memref<!tpu.dma_semaphore, #tpu.memory_space<semaphore_mem>>, %arg23: memref<!tpu.dma_semaphore, #tpu.memory_space<semaphore_mem>>, %arg24: memref<!tpu.dma_semaphore, #tpu.memory_space<semaphore_mem>>, %arg25: memref<!tpu.dma_semaphore, #tpu.memory_space<semaphore_mem>>, %arg26: memref<!tpu.dma_semaphore, #tpu.memory_space<semaphore_mem>>, %arg27: memref<!tpu.dma_semaphore, #tpu.memory_space<semaphore_mem>>, %arg28: memref<!tpu.dma_semaphore, #tpu.memory_space<semaphore_mem>>, %arg29: memref<!tpu.dma_semaphore, #tpu.memory_space<semaphore_mem>>, %arg30: memref<!tpu.dma_semaphore, #tpu.memory_space<semaphore_mem>>, %arg31: memref<!tpu.dma_semaphore, #tpu.memory_space<semaphore_mem>>, %arg32: memref<!tpu.dma_semaphore, #tpu.memory_space<semaphore_mem>>) attributes {dimension_semantics = [#tpu.dimension_semantics<core_parallel>, #tpu.dimension_semantics<subcore_parallel>], iteration_bounds = array<i64: 2, 16>, scalar_prefetch = 0 : i64, scratch_operands = 28 : i64, tpu.core_type = #tpu.core_type<sc_vector_subcore>, window_params = [{transform_indices = #map}, {transform_indices = #map1}, {transform_indices = #map}]} {
    %eq3A = arith.constant 0 : i32
    %eq3A_0 = arith.cmpi eq, %arg0, %eq3A : i32
    %convert_element_type3A = arith.extui %eq3A_0 : i1 to i32
    %cond3A = arith.constant 0 : i32
    %cond3A_1 = arith.cmpi ne, %convert_element_type3A, %cond3A : i32
    scf.if %cond3A_1 {
      %mul3A = arith.constant 128 : i32
      %mul3A_2 = arith.muli %arg1, %mul3A : i32
      %run_scoped3A = arith.constant 0 : i32
      "tpu.region"() ({
        %run_scoped3A_83 = tpu.sem_alloc : memref<!tpu.dma_semaphore, #tpu.memory_space<semaphore_mem>>
        %dma_start3A_84 = arith.constant 0 : i32
        %dma_start3A_85 = tpu.memref_slice %arg3[%run_scoped3A, %mul3A_2, %dma_start3A_84] : memref<2x2048x160xi32, #tpu.memory_space<hbm>> -> memref<1x128x160xi32, #tpu.memory_space<hbm>>
        %dma_start3A_86 = tpu.memref_squeeze %dma_start3A_85 : memref<1x128x160xi32, #tpu.memory_space<hbm>> -> memref<128x160xi32, #tpu.memory_space<hbm>>
        %dma_start3A_87 = arith.constant 0 : i32
        %dma_start3A_88 = tpu.memref_slice %arg3[%run_scoped3A, %mul3A_2, %dma_start3A_87] : memref<2x2048x160xi32, #tpu.memory_space<hbm>> -> memref<1x128x160xi32, #tpu.memory_space<hbm>>
        %dma_start3A_89 = tpu.memref_squeeze %dma_start3A_88 : memref<1x128x160xi32, #tpu.memory_space<hbm>> -> memref<128x160xi32, #tpu.memory_space<hbm>>
        tpu.enqueue_dma source(%dma_start3A_89 : memref<128x160xi32, #tpu.memory_space<hbm>>) target(%arg5 : memref<128x160xi32, #tpu.memory_space<vmem>>) target_semaphore(%run_scoped3A_83 : memref<!tpu.dma_semaphore, #tpu.memory_space<semaphore_mem>>)
        %dma_wait3A_90 = arith.constant 0 : i32
        %dma_wait3A_91 = tpu.memref_slice %arg3[%run_scoped3A, %mul3A_2, %dma_wait3A_90] : memref<2x2048x160xi32, #tpu.memory_space<hbm>> -> memref<1x128x160xi32, #tpu.memory_space<hbm>>
        %dma_wait3A_92 = tpu.memref_squeeze %dma_wait3A_91 : memref<1x128x160xi32, #tpu.memory_space<hbm>> -> memref<128x160xi32, #tpu.memory_space<hbm>>
        %dma_wait3A_93 = arith.constant 0 : i32
        %dma_wait3A_94 = tpu.memref_slice %arg3[%run_scoped3A, %mul3A_2, %dma_wait3A_93] : memref<2x2048x160xi32, #tpu.memory_space<hbm>> -> memref<1x128x160xi32, #tpu.memory_space<hbm>>
        %dma_wait3A_95 = tpu.memref_squeeze %dma_wait3A_94 : memref<1x128x160xi32, #tpu.memory_space<hbm>> -> memref<128x160xi32, #tpu.memory_space<hbm>>
        tpu.wait_dma2 semaphore(%run_scoped3A_83 : memref<!tpu.dma_semaphore, #tpu.memory_space<semaphore_mem>>) src(%dma_wait3A_95 : memref<128x160xi32, #tpu.memory_space<hbm>>) dst(%arg5 : memref<128x160xi32, #tpu.memory_space<vmem>>)
        tpu.yield
      }) : () -> ()
      %run_scoped3A_3 = arith.constant 1 : i32
      "tpu.region"() ({
        %run_scoped3A_83 = tpu.sem_alloc : memref<!tpu.dma_semaphore, #tpu.memory_space<semaphore_mem>>
        %dma_start3A_84 = arith.constant 0 : i32
        %dma_start3A_85 = tpu.memref_slice %arg3[%run_scoped3A_3, %mul3A_2, %dma_start3A_84] : memref<2x2048x160xi32, #tpu.memory_space<hbm>> -> memref<1x128x160xi32, #tpu.memory_space<hbm>>
        %dma_start3A_86 = tpu.memref_squeeze %dma_start3A_85 : memref<1x128x160xi32, #tpu.memory_space<hbm>> -> memref<128x160xi32, #tpu.memory_space<hbm>>
        %dma_start3A_87 = arith.constant 0 : i32
        %dma_start3A_88 = tpu.memref_slice %arg3[%run_scoped3A_3, %mul3A_2, %dma_start3A_87] : memref<2x2048x160xi32, #tpu.memory_space<hbm>> -> memref<1x128x160xi32, #tpu.memory_space<hbm>>
        %dma_start3A_89 = tpu.memref_squeeze %dma_start3A_88 : memref<1x128x160xi32, #tpu.memory_space<hbm>> -> memref<128x160xi32, #tpu.memory_space<hbm>>
        tpu.enqueue_dma source(%dma_start3A_89 : memref<128x160xi32, #tpu.memory_space<hbm>>) target(%arg6 : memref<128x160xi32, #tpu.memory_space<vmem>>) target_semaphore(%run_scoped3A_83 : memref<!tpu.dma_semaphore, #tpu.memory_space<semaphore_mem>>)
        %dma_wait3A_90 = arith.constant 0 : i32
        %dma_wait3A_91 = tpu.memref_slice %arg3[%run_scoped3A_3, %mul3A_2, %dma_wait3A_90] : memref<2x2048x160xi32, #tpu.memory_space<hbm>> -> memref<1x128x160xi32, #tpu.memory_space<hbm>>
        %dma_wait3A_92 = tpu.memref_squeeze %dma_wait3A_91 : memref<1x128x160xi32, #tpu.memory_space<hbm>> -> memref<128x160xi32, #tpu.memory_space<hbm>>
        %dma_wait3A_93 = arith.constant 0 : i32
        %dma_wait3A_94 = tpu.memref_slice %arg3[%run_scoped3A_3, %mul3A_2, %dma_wait3A_93] : memref<2x2048x160xi32, #tpu.memory_space<hbm>> -> memref<1x128x160xi32, #tpu.memory_space<hbm>>
        %dma_wait3A_95 = tpu.memref_squeeze %dma_wait3A_94 : memref<1x128x160xi32, #tpu.memory_space<hbm>> -> memref<128x160xi32, #tpu.memory_space<hbm>>
        tpu.wait_dma2 semaphore(%run_scoped3A_83 : memref<!tpu.dma_semaphore, #tpu.memory_space<semaphore_mem>>) src(%dma_wait3A_95 : memref<128x160xi32, #tpu.memory_space<hbm>>) dst(%arg6 : memref<128x160xi32, #tpu.memory_space<vmem>>)
        tpu.yield
      }) : () -> ()
      %dma_start3A = arith.constant 0 : i32
      %dma_start3A_4 = arith.constant 0 : i32
      %dma_start3A_5 = tpu.memref_slice %arg5[%dma_start3A, %dma_start3A_4] : memref<128x160xi32, #tpu.memory_space<vmem>> -> memref<1x160xi32, #tpu.memory_space<vmem>>
      %dma_start3A_6 = tpu.memref_squeeze %dma_start3A_5 : memref<1x160xi32, #tpu.memory_space<vmem>> -> memref<160xi32, #tpu.memory_space<vmem>>
      %dma_start3A_7 = arith.constant 0 : i32
      %dma_start3A_8 = arith.constant 0 : i32
      %dma_start3A_9 = tpu.memref_slice %arg2[%dma_start3A_7, %dma_start3A_8] : memref<10240x32xf32, #tpu.memory_space<hbm>> -> memref<10240x32xf32, #tpu.memory_space<hbm>>
      tpu.enqueue_indirect_dma source(%dma_start3A_9 : memref<10240x32xf32, #tpu.memory_space<hbm>>) target(%arg7 : memref<160x32xf32, #tpu.memory_space<vmem>>) offsets(%dma_start3A_6 : memref<160xi32, #tpu.memory_space<vmem>>) semaphore(%arg17 : memref<!tpu.dma_semaphore, #tpu.memory_space<semaphore_mem>>)
      %dma_start3A_10 = arith.constant 1 : i32
      %dma_start3A_11 = arith.constant 0 : i32
      %dma_start3A_12 = tpu.memref_slice %arg5[%dma_start3A_10, %dma_start3A_11] : memref<128x160xi32, #tpu.memory_space<vmem>> -> memref<1x160xi32, #tpu.memory_space<vmem>>
      %dma_start3A_13 = tpu.memref_squeeze %dma_start3A_12 : memref<1x160xi32, #tpu.memory_space<vmem>> -> memref<160xi32, #tpu.memory_space<vmem>>
      %dma_start3A_14 = arith.constant 0 : i32
      %dma_start3A_15 = arith.constant 0 : i32
      %dma_start3A_16 = tpu.memref_slice %arg2[%dma_start3A_14, %dma_start3A_15] : memref<10240x32xf32, #tpu.memory_space<hbm>> -> memref<10240x32xf32, #tpu.memory_space<hbm>>
      tpu.enqueue_indirect_dma source(%dma_start3A_16 : memref<10240x32xf32, #tpu.memory_space<hbm>>) target(%arg8 : memref<160x32xf32, #tpu.memory_space<vmem>>) offsets(%dma_start3A_13 : memref<160xi32, #tpu.memory_space<vmem>>) semaphore(%arg18 : memref<!tpu.dma_semaphore, #tpu.memory_space<semaphore_mem>>)
      %dma_start3A_17 = arith.constant 2 : i32
      %dma_start3A_18 = arith.constant 0 : i32
      %dma_start3A_19 = tpu.memref_slice %arg5[%dma_start3A_17, %dma_start3A_18] : memref<128x160xi32, #tpu.memory_space<vmem>> -> memref<1x160xi32, #tpu.memory_space<vmem>>
      %dma_start3A_20 = tpu.memref_squeeze %dma_start3A_19 : memref<1x160xi32, #tpu.memory_space<vmem>> -> memref<160xi32, #tpu.memory_space<vmem>>
      %dma_start3A_21 = arith.constant 0 : i32
      %dma_start3A_22 = arith.constant 0 : i32
      %dma_start3A_23 = tpu.memref_slice %arg2[%dma_start3A_21, %dma_start3A_22] : memref<10240x32xf32, #tpu.memory_space<hbm>> -> memref<10240x32xf32, #tpu.memory_space<hbm>>
      tpu.enqueue_indirect_dma source(%dma_start3A_23 : memref<10240x32xf32, #tpu.memory_space<hbm>>) target(%arg9 : memref<160x32xf32, #tpu.memory_space<vmem>>) offsets(%dma_start3A_20 : memref<160xi32, #tpu.memory_space<vmem>>) semaphore(%arg19 : memref<!tpu.dma_semaphore, #tpu.memory_space<semaphore_mem>>)
      %dma_start3A_24 = arith.constant 3 : i32
      %dma_start3A_25 = arith.constant 0 : i32
      %dma_start3A_26 = tpu.memref_slice %arg5[%dma_start3A_24, %dma_start3A_25] : memref<128x160xi32, #tpu.memory_space<vmem>> -> memref<1x160xi32, #tpu.memory_space<vmem>>
      %dma_start3A_27 = tpu.memref_squeeze %dma_start3A_26 : memref<1x160xi32, #tpu.memory_space<vmem>> -> memref<160xi32, #tpu.memory_space<vmem>>
      %dma_start3A_28 = arith.constant 0 : i32
      %dma_start3A_29 = arith.constant 0 : i32
      %dma_start3A_30 = tpu.memref_slice %arg2[%dma_start3A_28, %dma_start3A_29] : memref<10240x32xf32, #tpu.memory_space<hbm>> -> memref<10240x32xf32, #tpu.memory_space<hbm>>
      tpu.enqueue_indirect_dma source(%dma_start3A_30 : memref<10240x32xf32, #tpu.memory_space<hbm>>) target(%arg10 : memref<160x32xf32, #tpu.memory_space<vmem>>) offsets(%dma_start3A_27 : memref<160xi32, #tpu.memory_space<vmem>>) semaphore(%arg20 : memref<!tpu.dma_semaphore, #tpu.memory_space<semaphore_mem>>)
      %scan3A = arith.constant 0 : i32
      %scan3A_31 = arith.constant 0 : i32
      %scan3A_32 = arith.constant 64 : i32
      %scan3A_33 = arith.addi %scan3A_31, %scan3A_32 : i32
      %scan3A_34 = arith.constant 1 : i32
      %scan3A_35 = scf.for %scan3A_83 = %scan3A_31 to %scan3A_33 step %scan3A_34 iter_args(%scan3A_84 = %scan3A) -> (i32)  : i32 {
        %broadcast_in_dim3A = arith.constant 0.000000e+00 : f32
        %broadcast_in_dim3A_85 = vector.broadcast %broadcast_in_dim3A : f32 to vector<16xf32>
        %swap3A = arith.index_cast %scan3A_83 : i32 to index
        %swap3A_86 = arith.constant 0 : index
        %swap3A_87 = tpu.vector_load %arg15[%swap3A, %swap3A_86] {strides = array<i32>} : memref<64x32xf32, #tpu.memory_space<vmem>>, vector<1x16xf32>,
        %swap3A_88 = vector.shape_cast %swap3A_87 : vector<1x16xf32> to vector<16xf32>
        %swap3A_89 = vector.shape_cast %broadcast_in_dim3A_85 : vector<16xf32> to vector<1x16xf32>
        tpu.vector_store %arg15[%swap3A, %swap3A_86], %swap3A_89 {strides = array<i32>} : memref<64x32xf32, #tpu.memory_space<vmem>>, vector<1x16xf32>,
        %broadcast_in_dim3A_90 = arith.constant 0.000000e+00 : f32
        %broadcast_in_dim3A_91 = vector.broadcast %broadcast_in_dim3A_90 : f32 to vector<16xf32>
        %swap3A_92 = arith.index_cast %scan3A_83 : i32 to index
        %swap3A_93 = arith.constant 16 : index
        %swap3A_94 = tpu.vector_load %arg15[%swap3A_92, %swap3A_93] {strides = array<i32>} : memref<64x32xf32, #tpu.memory_space<vmem>>, vector<1x16xf32>,
        %swap3A_95 = vector.shape_cast %swap3A_94 : vector<1x16xf32> to vector<16xf32>
        %swap3A_96 = vector.shape_cast %broadcast_in_dim3A_91 : vector<16xf32> to vector<1x16xf32>
        tpu.vector_store %arg15[%swap3A_92, %swap3A_93], %swap3A_96 {strides = array<i32>} : memref<64x32xf32, #tpu.memory_space<vmem>>, vector<1x16xf32>,
        %scan3A_97 = arith.constant 0 : i32
        scf.yield %scan3A_97 : i32
      }
      %scan3A_36 = arith.constant 64 : i32
      %scan3A_37 = arith.constant 0 : i32
      %scan3A_38 = arith.constant 0 : i32
      %scan3A_39 = arith.constant 10 : i32
      %scan3A_40 = arith.addi %scan3A_38, %scan3A_39 : i32
      %scan3A_41 = arith.constant 1 : i32
      %scan3A_42 = scf.for %scan3A_83 = %scan3A_38 to %scan3A_40 step %scan3A_41 iter_args(%scan3A_84 = %scan3A_37) -> (i32)  : i32 {
        %mul3A_85 = arith.constant 640 : i32
        %mul3A_86 = arith.muli %arg1, %mul3A_85 : i32
        %mul3A_87 = arith.constant 64 : i32
        %mul3A_88 = arith.muli %scan3A_83, %mul3A_87 : i32
        %add3A = arith.addi %mul3A_86, %mul3A_88 : i32
        "tpu.region"() ({
          %run_scoped3A_90 = tpu.sem_alloc : memref<!tpu.dma_semaphore, #tpu.memory_space<semaphore_mem>>
          %dma_start3A_91 = arith.constant 0 : i32
          %dma_start3A_92 = tpu.memref_slice %arg16[%add3A, %dma_start3A_91] : memref<10240x32xf32, #tpu.memory_space<vmem_shared>> -> memref<64x32xf32, #tpu.memory_space<vmem_shared>>
          %dma_start3A_93 = arith.constant 0 : i32
          %dma_start3A_94 = tpu.memref_slice %arg16[%add3A, %dma_start3A_93] : memref<10240x32xf32, #tpu.memory_space<vmem_shared>> -> memref<64x32xf32, #tpu.memory_space<vmem_shared>>
          tpu.enqueue_dma source(%arg15 : memref<64x32xf32, #tpu.memory_space<vmem>>) target(%dma_start3A_94 : memref<64x32xf32, #tpu.memory_space<vmem_shared>>) target_semaphore(%run_scoped3A_90 : memref<!tpu.dma_semaphore, #tpu.memory_space<semaphore_mem>>)
          %dma_wait3A_95 = arith.constant 0 : i32
          %dma_wait3A_96 = tpu.memref_slice %arg16[%add3A, %dma_wait3A_95] : memref<10240x32xf32, #tpu.memory_space<vmem_shared>> -> memref<64x32xf32, #tpu.memory_space<vmem_shared>>
          %dma_wait3A_97 = arith.constant 0 : i32
          %dma_wait3A_98 = tpu.memref_slice %arg16[%add3A, %dma_wait3A_97] : memref<10240x32xf32, #tpu.memory_space<vmem_shared>> -> memref<64x32xf32, #tpu.memory_space<vmem_shared>>
          tpu.wait_dma2 semaphore(%run_scoped3A_90 : memref<!tpu.dma_semaphore, #tpu.memory_space<semaphore_mem>>) src(%arg15 : memref<64x32xf32, #tpu.memory_space<vmem>>) dst(%dma_wait3A_98 : memref<64x32xf32, #tpu.memory_space<vmem_shared>>)
          tpu.yield
        }) : () -> ()
        %scan3A_89 = arith.constant 0 : i32
        scf.yield %scan3A_89 : i32
      }
      %scan3A_43 = arith.constant 10 : i32
      %barrier3A = arith.constant 0 : index
      tpu.barrier barrier_id(%barrier3A)
      %scan3A_44 = arith.constant 0 : i32
      %scan3A_45 = arith.constant 0 : i32
      %scan3A_46 = arith.constant 16 : i32
      %scan3A_47 = arith.addi %scan3A_45, %scan3A_46 : i32
      %scan3A_48 = arith.constant 1 : i32
      %scan3A_49 = scf.for %scan3A_83 = %scan3A_45 to %scan3A_47 step %scan3A_48 iter_args(%scan3A_84 = %scan3A_44) -> (i32)  : i32 {
        %mul3A_85 = arith.constant 8 : i32
        %mul3A_86 = arith.muli %scan3A_83, %mul3A_85 : i32
        %add3A = arith.constant 0 : i32
        %add3A_87 = arith.addi %mul3A_86, %add3A : i32
        %ge3A = arith.constant 4 : i32
        %ge3A_88 = arith.cmpi sge, %add3A_87, %ge3A : i32
        %convert_element_type3A_89 = arith.extui %ge3A_88 : i1 to i32
        %cond3A_90 = arith.constant 0 : i32
        %cond3A_91 = arith.cmpi ne, %convert_element_type3A_89, %cond3A_90 : i32
        scf.if %cond3A_91 {
          %sub3A = arith.constant 4 : i32
          %sub3A_307 = arith.subi %add3A_87, %sub3A : i32
          %dma_wait3A_308 = arith.constant 0 : i32
          %dma_wait3A_309 = tpu.memref_slice %arg6[%sub3A_307, %dma_wait3A_308] : memref<128x160xi32, #tpu.memory_space<vmem>> -> memref<1x160xi32, #tpu.memory_space<vmem>>
          %dma_wait3A_310 = tpu.memref_squeeze %dma_wait3A_309 : memref<1x160xi32, #tpu.memory_space<vmem>> -> memref<160xi32, #tpu.memory_space<vmem>>
          %dma_wait3A_311 = arith.constant 0 : i32
          %dma_wait3A_312 = arith.constant 0 : i32
          %dma_wait3A_313 = tpu.memref_slice %arg16[%dma_wait3A_311, %dma_wait3A_312] : memref<10240x32xf32, #tpu.memory_space<vmem_shared>> -> memref<10240x32xf32, #tpu.memory_space<vmem_shared>>
          tpu.wait_indirect_dma semaphore(%arg29 : memref<!tpu.dma_semaphore, #tpu.memory_space<semaphore_mem>>) src(%arg11 : memref<160x32xf32, #tpu.memory_space<vmem>>) dst(%dma_wait3A_313 : memref<10240x32xf32, #tpu.memory_space<vmem_shared>>)
        } else {
        }
        %add3A_92 = arith.constant 4 : i32
        %add3A_93 = arith.addi %add3A_87, %add3A_92 : i32
        %lt3A = arith.constant 128 : i32
        %lt3A_94 = arith.cmpi slt, %add3A_93, %lt3A : i32
        %convert_element_type3A_95 = arith.extui %lt3A_94 : i1 to i32
        %cond3A_96 = arith.constant 0 : i32
        %cond3A_97 = arith.cmpi ne, %convert_element_type3A_95, %cond3A_96 : i32
        scf.if %cond3A_97 {
          %add3A_307 = arith.constant 4 : i32
          %add3A_308 = arith.addi %add3A_87, %add3A_307 : i32
          %dma_start3A_309 = arith.constant 0 : i32
          %dma_start3A_310 = tpu.memref_slice %arg5[%add3A_308, %dma_start3A_309] : memref<128x160xi32, #tpu.memory_space<vmem>> -> memref<1x160xi32, #tpu.memory_space<vmem>>
          %dma_start3A_311 = tpu.memref_squeeze %dma_start3A_310 : memref<1x160xi32, #tpu.memory_space<vmem>> -> memref<160xi32, #tpu.memory_space<vmem>>
          %dma_start3A_312 = arith.constant 0 : i32
          %dma_start3A_313 = arith.constant 0 : i32
          %dma_start3A_314 = tpu.memref_slice %arg2[%dma_start3A_312, %dma_start3A_313] : memref<10240x32xf32, #tpu.memory_space<hbm>> -> memref<10240x32xf32, #tpu.memory_space<hbm>>
          tpu.enqueue_indirect_dma source(%dma_start3A_314 : memref<10240x32xf32, #tpu.memory_space<hbm>>) target(%arg11 : memref<160x32xf32, #tpu.memory_space<vmem>>) offsets(%dma_start3A_311 : memref<160xi32, #tpu.memory_space<vmem>>) semaphore(%arg21 : memref<!tpu.dma_semaphore, #tpu.memory_space<semaphore_mem>>)
        } else {
        }
        %dma_wait3A_98 = arith.constant 0 : i32
        %dma_wait3A_99 = tpu.memref_slice %arg5[%add3A_87, %dma_wait3A_98] : memref<128x160xi32, #tpu.memory_space<vmem>> -> memref<1x160xi32, #tpu.memory_space<vmem>>
        %dma_wait3A_100 = tpu.memref_squeeze %dma_wait3A_99 : memref<1x160xi32, #tpu.memory_space<vmem>> -> memref<160xi32, #tpu.memory_space<vmem>>
        %dma_wait3A_101 = arith.constant 0 : i32
        %dma_wait3A_102 = arith.constant 0 : i32
        %dma_wait3A_103 = tpu.memref_slice %arg2[%dma_wait3A_101, %dma_wait3A_102] : memref<10240x32xf32, #tpu.memory_space<hbm>> -> memref<10240x32xf32, #tpu.memory_space<hbm>>
        tpu.wait_indirect_dma semaphore(%arg17 : memref<!tpu.dma_semaphore, #tpu.memory_space<semaphore_mem>>) src(%dma_wait3A_103 : memref<10240x32xf32, #tpu.memory_space<hbm>>) dst(%arg7 : memref<160x32xf32, #tpu.memory_space<vmem>>)
        %dma_start3A_104 = arith.constant 0 : i32
        %dma_start3A_105 = tpu.memref_slice %arg6[%add3A_87, %dma_start3A_104] : memref<128x160xi32, #tpu.memory_space<vmem>> -> memref<1x160xi32, #tpu.memory_space<vmem>>
        %dma_start3A_106 = tpu.memref_squeeze %dma_start3A_105 : memref<1x160xi32, #tpu.memory_space<vmem>> -> memref<160xi32, #tpu.memory_space<vmem>>
        %dma_start3A_107 = arith.constant 0 : i32
        %dma_start3A_108 = arith.constant 0 : i32
        %dma_start3A_109 = tpu.memref_slice %arg16[%dma_start3A_107, %dma_start3A_108] : memref<10240x32xf32, #tpu.memory_space<vmem_shared>> -> memref<10240x32xf32, #tpu.memory_space<vmem_shared>>
        tpu.enqueue_indirect_dma source(%arg7 : memref<160x32xf32, #tpu.memory_space<vmem>>) target(%dma_start3A_109 : memref<10240x32xf32, #tpu.memory_space<vmem_shared>>) offsets(%dma_start3A_106 : memref<160xi32, #tpu.memory_space<vmem>>) semaphore(%arg25 : memref<!tpu.dma_semaphore, #tpu.memory_space<semaphore_mem>>) {add = true}
        %mul3A_110 = arith.constant 8 : i32
        %mul3A_111 = arith.muli %scan3A_83, %mul3A_110 : i32
        %add3A_112 = arith.constant 1 : i32
        %add3A_113 = arith.addi %mul3A_111, %add3A_112 : i32
        %ge3A_114 = arith.constant 4 : i32
        %ge3A_115 = arith.cmpi sge, %add3A_113, %ge3A_114 : i32
        %convert_element_type3A_116 = arith.extui %ge3A_115 : i1 to i32
        %cond3A_117 = arith.constant 0 : i32
        %cond3A_118 = arith.cmpi ne, %convert_element_type3A_116, %cond3A_117 : i32
        scf.if %cond3A_118 {
          %sub3A = arith.constant 4 : i32
          %sub3A_307 = arith.subi %add3A_113, %sub3A : i32
          %dma_wait3A_308 = arith.constant 0 : i32
          %dma_wait3A_309 = tpu.memref_slice %arg6[%sub3A_307, %dma_wait3A_308] : memref<128x160xi32, #tpu.memory_space<vmem>> -> memref<1x160xi32, #tpu.memory_space<vmem>>
          %dma_wait3A_310 = tpu.memref_squeeze %dma_wait3A_309 : memref<1x160xi32, #tpu.memory_space<vmem>> -> memref<160xi32, #tpu.memory_space<vmem>>
          %dma_wait3A_311 = arith.constant 0 : i32
          %dma_wait3A_312 = arith.constant 0 : i32
          %dma_wait3A_313 = tpu.memref_slice %arg16[%dma_wait3A_311, %dma_wait3A_312] : memref<10240x32xf32, #tpu.memory_space<vmem_shared>> -> memref<10240x32xf32, #tpu.memory_space<vmem_shared>>
          tpu.wait_indirect_dma semaphore(%arg30 : memref<!tpu.dma_semaphore, #tpu.memory_space<semaphore_mem>>) src(%arg12 : memref<160x32xf32, #tpu.memory_space<vmem>>) dst(%dma_wait3A_313 : memref<10240x32xf32, #tpu.memory_space<vmem_shared>>)
        } else {
        }
        %add3A_119 = arith.constant 4 : i32
        %add3A_120 = arith.addi %add3A_113, %add3A_119 : i32
        %lt3A_121 = arith.constant 128 : i32
        %lt3A_122 = arith.cmpi slt, %add3A_120, %lt3A_121 : i32
        %convert_element_type3A_123 = arith.extui %lt3A_122 : i1 to i32
        %cond3A_124 = arith.constant 0 : i32
        %cond3A_125 = arith.cmpi ne, %convert_element_type3A_123, %cond3A_124 : i32
        scf.if %cond3A_125 {
          %add3A_307 = arith.constant 4 : i32
          %add3A_308 = arith.addi %add3A_113, %add3A_307 : i32
          %dma_start3A_309 = arith.constant 0 : i32
          %dma_start3A_310 = tpu.memref_slice %arg5[%add3A_308, %dma_start3A_309] : memref<128x160xi32, #tpu.memory_space<vmem>> -> memref<1x160xi32, #tpu.memory_space<vmem>>
          %dma_start3A_311 = tpu.memref_squeeze %dma_start3A_310 : memref<1x160xi32, #tpu.memory_space<vmem>> -> memref<160xi32, #tpu.memory_space<vmem>>
          %dma_start3A_312 = arith.constant 0 : i32
          %dma_start3A_313 = arith.constant 0 : i32
          %dma_start3A_314 = tpu.memref_slice %arg2[%dma_start3A_312, %dma_start3A_313] : memref<10240x32xf32, #tpu.memory_space<hbm>> -> memref<10240x32xf32, #tpu.memory_space<hbm>>
          tpu.enqueue_indirect_dma source(%dma_start3A_314 : memref<10240x32xf32, #tpu.memory_space<hbm>>) target(%arg12 : memref<160x32xf32, #tpu.memory_space<vmem>>) offsets(%dma_start3A_311 : memref<160xi32, #tpu.memory_space<vmem>>) semaphore(%arg22 : memref<!tpu.dma_semaphore, #tpu.memory_space<semaphore_mem>>)
        } else {
        }
        %dma_wait3A_126 = arith.constant 0 : i32
        %dma_wait3A_127 = tpu.memref_slice %arg5[%add3A_113, %dma_wait3A_126] : memref<128x160xi32, #tpu.memory_space<vmem>> -> memref<1x160xi32, #tpu.memory_space<vmem>>
        %dma_wait3A_128 = tpu.memref_squeeze %dma_wait3A_127 : memref<1x160xi32, #tpu.memory_space<vmem>> -> memref<160xi32, #tpu.memory_space<vmem>>
        %dma_wait3A_129 = arith.constant 0 : i32
        %dma_wait3A_130 = arith.constant 0 : i32
        %dma_wait3A_131 = tpu.memref_slice %arg2[%dma_wait3A_129, %dma_wait3A_130] : memref<10240x32xf32, #tpu.memory_space<hbm>> -> memref<10240x32xf32, #tpu.memory_space<hbm>>
        tpu.wait_indirect_dma semaphore(%arg18 : memref<!tpu.dma_semaphore, #tpu.memory_space<semaphore_mem>>) src(%dma_wait3A_131 : memref<10240x32xf32, #tpu.memory_space<hbm>>) dst(%arg8 : memref<160x32xf32, #tpu.memory_space<vmem>>)
        %dma_start3A_132 = arith.constant 0 : i32
        %dma_start3A_133 = tpu.memref_slice %arg6[%add3A_113, %dma_start3A_132] : memref<128x160xi32, #tpu.memory_space<vmem>> -> memref<1x160xi32, #tpu.memory_space<vmem>>
        %dma_start3A_134 = tpu.memref_squeeze %dma_start3A_133 : memref<1x160xi32, #tpu.memory_space<vmem>> -> memref<160xi32, #tpu.memory_space<vmem>>
        %dma_start3A_135 = arith.constant 0 : i32
        %dma_start3A_136 = arith.constant 0 : i32
        %dma_start3A_137 = tpu.memref_slice %arg16[%dma_start3A_135, %dma_start3A_136] : memref<10240x32xf32, #tpu.memory_space<vmem_shared>> -> memref<10240x32xf32, #tpu.memory_space<vmem_shared>>
        tpu.enqueue_indirect_dma source(%arg8 : memref<160x32xf32, #tpu.memory_space<vmem>>) target(%dma_start3A_137 : memref<10240x32xf32, #tpu.memory_space<vmem_shared>>) offsets(%dma_start3A_134 : memref<160xi32, #tpu.memory_space<vmem>>) semaphore(%arg26 : memref<!tpu.dma_semaphore, #tpu.memory_space<semaphore_mem>>) {add = true}
        %mul3A_138 = arith.constant 8 : i32
        %mul3A_139 = arith.muli %scan3A_83, %mul3A_138 : i32
        %add3A_140 = arith.constant 2 : i32
        %add3A_141 = arith.addi %mul3A_139, %add3A_140 : i32
        %ge3A_142 = arith.constant 4 : i32
        %ge3A_143 = arith.cmpi sge, %add3A_141, %ge3A_142 : i32
        %convert_element_type3A_144 = arith.extui %ge3A_143 : i1 to i32
        %cond3A_145 = arith.constant 0 : i32
        %cond3A_146 = arith.cmpi ne, %convert_element_type3A_144, %cond3A_145 : i32
        scf.if %cond3A_146 {
          %sub3A = arith.constant 4 : i32
          %sub3A_307 = arith.subi %add3A_141, %sub3A : i32
          %dma_wait3A_308 = arith.constant 0 : i32
          %dma_wait3A_309 = tpu.memref_slice %arg6[%sub3A_307, %dma_wait3A_308] : memref<128x160xi32, #tpu.memory_space<vmem>> -> memref<1x160xi32, #tpu.memory_space<vmem>>
          %dma_wait3A_310 = tpu.memref_squeeze %dma_wait3A_309 : memref<1x160xi32, #tpu.memory_space<vmem>> -> memref<160xi32, #tpu.memory_space<vmem>>
          %dma_wait3A_311 = arith.constant 0 : i32
          %dma_wait3A_312 = arith.constant 0 : i32
          %dma_wait3A_313 = tpu.memref_slice %arg16[%dma_wait3A_311, %dma_wait3A_312] : memref<10240x32xf32, #tpu.memory_space<vmem_shared>> -> memref<10240x32xf32, #tpu.memory_space<vmem_shared>>
          tpu.wait_indirect_dma semaphore(%arg31 : memref<!tpu.dma_semaphore, #tpu.memory_space<semaphore_mem>>) src(%arg13 : memref<160x32xf32, #tpu.memory_space<vmem>>) dst(%dma_wait3A_313 : memref<10240x32xf32, #tpu.memory_space<vmem_shared>>)
        } else {
        }
        %add3A_147 = arith.constant 4 : i32
        %add3A_148 = arith.addi %add3A_141, %add3A_147 : i32
        %lt3A_149 = arith.constant 128 : i32
        %lt3A_150 = arith.cmpi slt, %add3A_148, %lt3A_149 : i32
        %convert_element_type3A_151 = arith.extui %lt3A_150 : i1 to i32
        %cond3A_152 = arith.constant 0 : i32
        %cond3A_153 = arith.cmpi ne, %convert_element_type3A_151, %cond3A_152 : i32
        scf.if %cond3A_153 {
          %add3A_307 = arith.constant 4 : i32
          %add3A_308 = arith.addi %add3A_141, %add3A_307 : i32
          %dma_start3A_309 = arith.constant 0 : i32
          %dma_start3A_310 = tpu.memref_slice %arg5[%add3A_308, %dma_start3A_309] : memref<128x160xi32, #tpu.memory_space<vmem>> -> memref<1x160xi32, #tpu.memory_space<vmem>>
          %dma_start3A_311 = tpu.memref_squeeze %dma_start3A_310 : memref<1x160xi32, #tpu.memory_space<vmem>> -> memref<160xi32, #tpu.memory_space<vmem>>
          %dma_start3A_312 = arith.constant 0 : i32
          %dma_start3A_313 = arith.constant 0 : i32
          %dma_start3A_314 = tpu.memref_slice %arg2[%dma_start3A_312, %dma_start3A_313] : memref<10240x32xf32, #tpu.memory_space<hbm>> -> memref<10240x32xf32, #tpu.memory_space<hbm>>
          tpu.enqueue_indirect_dma source(%dma_start3A_314 : memref<10240x32xf32, #tpu.memory_space<hbm>>) target(%arg13 : memref<160x32xf32, #tpu.memory_space<vmem>>) offsets(%dma_start3A_311 : memref<160xi32, #tpu.memory_space<vmem>>) semaphore(%arg23 : memref<!tpu.dma_semaphore, #tpu.memory_space<semaphore_mem>>)
        } else {
        }
        %dma_wait3A_154 = arith.constant 0 : i32
        %dma_wait3A_155 = tpu.memref_slice %arg5[%add3A_141, %dma_wait3A_154] : memref<128x160xi32, #tpu.memory_space<vmem>> -> memref<1x160xi32, #tpu.memory_space<vmem>>
        %dma_wait3A_156 = tpu.memref_squeeze %dma_wait3A_155 : memref<1x160xi32, #tpu.memory_space<vmem>> -> memref<160xi32, #tpu.memory_space<vmem>>
        %dma_wait3A_157 = arith.constant 0 : i32
        %dma_wait3A_158 = arith.constant 0 : i32
        %dma_wait3A_159 = tpu.memref_slice %arg2[%dma_wait3A_157, %dma_wait3A_158] : memref<10240x32xf32, #tpu.memory_space<hbm>> -> memref<10240x32xf32, #tpu.memory_space<hbm>>
        tpu.wait_indirect_dma semaphore(%arg19 : memref<!tpu.dma_semaphore, #tpu.memory_space<semaphore_mem>>) src(%dma_wait3A_159 : memref<10240x32xf32, #tpu.memory_space<hbm>>) dst(%arg9 : memref<160x32xf32, #tpu.memory_space<vmem>>)
        %dma_start3A_160 = arith.constant 0 : i32
        %dma_start3A_161 = tpu.memref_slice %arg6[%add3A_141, %dma_start3A_160] : memref<128x160xi32, #tpu.memory_space<vmem>> -> memref<1x160xi32, #tpu.memory_space<vmem>>
        %dma_start3A_162 = tpu.memref_squeeze %dma_start3A_161 : memref<1x160xi32, #tpu.memory_space<vmem>> -> memref<160xi32, #tpu.memory_space<vmem>>
        %dma_start3A_163 = arith.constant 0 : i32
        %dma_start3A_164 = arith.constant 0 : i32
        %dma_start3A_165 = tpu.memref_slice %arg16[%dma_start3A_163, %dma_start3A_164] : memref<10240x32xf32, #tpu.memory_space<vmem_shared>> -> memref<10240x32xf32, #tpu.memory_space<vmem_shared>>
        tpu.enqueue_indirect_dma source(%arg9 : memref<160x32xf32, #tpu.memory_space<vmem>>) target(%dma_start3A_165 : memref<10240x32xf32, #tpu.memory_space<vmem_shared>>) offsets(%dma_start3A_162 : memref<160xi32, #tpu.memory_space<vmem>>) semaphore(%arg27 : memref<!tpu.dma_semaphore, #tpu.memory_space<semaphore_mem>>) {add = true}
        %mul3A_166 = arith.constant 8 : i32
        %mul3A_167 = arith.muli %scan3A_83, %mul3A_166 : i32
        %add3A_168 = arith.constant 3 : i32
        %add3A_169 = arith.addi %mul3A_167, %add3A_168 : i32
        %ge3A_170 = arith.constant 4 : i32
        %ge3A_171 = arith.cmpi sge, %add3A_169, %ge3A_170 : i32
        %convert_element_type3A_172 = arith.extui %ge3A_171 : i1 to i32
        %cond3A_173 = arith.constant 0 : i32
        %cond3A_174 = arith.cmpi ne, %convert_element_type3A_172, %cond3A_173 : i32
        scf.if %cond3A_174 {
          %sub3A = arith.constant 4 : i32
          %sub3A_307 = arith.subi %add3A_169, %sub3A : i32
          %dma_wait3A_308 = arith.constant 0 : i32
          %dma_wait3A_309 = tpu.memref_slice %arg6[%sub3A_307, %dma_wait3A_308] : memref<128x160xi32, #tpu.memory_space<vmem>> -> memref<1x160xi32, #tpu.memory_space<vmem>>
          %dma_wait3A_310 = tpu.memref_squeeze %dma_wait3A_309 : memref<1x160xi32, #tpu.memory_space<vmem>> -> memref<160xi32, #tpu.memory_space<vmem>>
          %dma_wait3A_311 = arith.constant 0 : i32
          %dma_wait3A_312 = arith.constant 0 : i32
          %dma_wait3A_313 = tpu.memref_slice %arg16[%dma_wait3A_311, %dma_wait3A_312] : memref<10240x32xf32, #tpu.memory_space<vmem_shared>> -> memref<10240x32xf32, #tpu.memory_space<vmem_shared>>
          tpu.wait_indirect_dma semaphore(%arg32 : memref<!tpu.dma_semaphore, #tpu.memory_space<semaphore_mem>>) src(%arg14 : memref<160x32xf32, #tpu.memory_space<vmem>>) dst(%dma_wait3A_313 : memref<10240x32xf32, #tpu.memory_space<vmem_shared>>)
        } else {
        }
        %add3A_175 = arith.constant 4 : i32
        %add3A_176 = arith.addi %add3A_169, %add3A_175 : i32
        %lt3A_177 = arith.constant 128 : i32
        %lt3A_178 = arith.cmpi slt, %add3A_176, %lt3A_177 : i32
        %convert_element_type3A_179 = arith.extui %lt3A_178 : i1 to i32
        %cond3A_180 = arith.constant 0 : i32
        %cond3A_181 = arith.cmpi ne, %convert_element_type3A_179, %cond3A_180 : i32
        scf.if %cond3A_181 {
          %add3A_307 = arith.constant 4 : i32
          %add3A_308 = arith.addi %add3A_169, %add3A_307 : i32
          %dma_start3A_309 = arith.constant 0 : i32
          %dma_start3A_310 = tpu.memref_slice %arg5[%add3A_308, %dma_start3A_309] : memref<128x160xi32, #tpu.memory_space<vmem>> -> memref<1x160xi32, #tpu.memory_space<vmem>>
          %dma_start3A_311 = tpu.memref_squeeze %dma_start3A_310 : memref<1x160xi32, #tpu.memory_space<vmem>> -> memref<160xi32, #tpu.memory_space<vmem>>
          %dma_start3A_312 = arith.constant 0 : i32
          %dma_start3A_313 = arith.constant 0 : i32
          %dma_start3A_314 = tpu.memref_slice %arg2[%dma_start3A_312, %dma_start3A_313] : memref<10240x32xf32, #tpu.memory_space<hbm>> -> memref<10240x32xf32, #tpu.memory_space<hbm>>
          tpu.enqueue_indirect_dma source(%dma_start3A_314 : memref<10240x32xf32, #tpu.memory_space<hbm>>) target(%arg14 : memref<160x32xf32, #tpu.memory_space<vmem>>) offsets(%dma_start3A_311 : memref<160xi32, #tpu.memory_space<vmem>>) semaphore(%arg24 : memref<!tpu.dma_semaphore, #tpu.memory_space<semaphore_mem>>)
        } else {
        }
        %dma_wait3A_182 = arith.constant 0 : i32
        %dma_wait3A_183 = tpu.memref_slice %arg5[%add3A_169, %dma_wait3A_182] : memref<128x160xi32, #tpu.memory_space<vmem>> -> memref<1x160xi32, #tpu.memory_space<vmem>>
        %dma_wait3A_184 = tpu.memref_squeeze %dma_wait3A_183 : memref<1x160xi32, #tpu.memory_space<vmem>> -> memref<160xi32, #tpu.memory_space<vmem>>
        %dma_wait3A_185 = arith.constant 0 : i32
        %dma_wait3A_186 = arith.constant 0 : i32
        %dma_wait3A_187 = tpu.memref_slice %arg2[%dma_wait3A_185, %dma_wait3A_186] : memref<10240x32xf32, #tpu.memory_space<hbm>> -> memref<10240x32xf32, #tpu.memory_space<hbm>>
        tpu.wait_indirect_dma semaphore(%arg20 : memref<!tpu.dma_semaphore, #tpu.memory_space<semaphore_mem>>) src(%dma_wait3A_187 : memref<10240x32xf32, #tpu.memory_space<hbm>>) dst(%arg10 : memref<160x32xf32, #tpu.memory_space<vmem>>)
        %dma_start3A_188 = arith.constant 0 : i32
        %dma_start3A_189 = tpu.memref_slice %arg6[%add3A_169, %dma_start3A_188] : memref<128x160xi32, #tpu.memory_space<vmem>> -> memref<1x160xi32, #tpu.memory_space<vmem>>
        %dma_start3A_190 = tpu.memref_squeeze %dma_start3A_189 : memref<1x160xi32, #tpu.memory_space<vmem>> -> memref<160xi32, #tpu.memory_space<vmem>>
        %dma_start3A_191 = arith.constant 0 : i32
        %dma_start3A_192 = arith.constant 0 : i32
        %dma_start3A_193 = tpu.memref_slice %arg16[%dma_start3A_191, %dma_start3A_192] : memref<10240x32xf32, #tpu.memory_space<vmem_shared>> -> memref<10240x32xf32, #tpu.memory_space<vmem_shared>>
        tpu.enqueue_indirect_dma source(%arg10 : memref<160x32xf32, #tpu.memory_space<vmem>>) target(%dma_start3A_193 : memref<10240x32xf32, #tpu.memory_space<vmem_shared>>) offsets(%dma_start3A_190 : memref<160xi32, #tpu.memory_space<vmem>>) semaphore(%arg28 : memref<!tpu.dma_semaphore, #tpu.memory_space<semaphore_mem>>) {add = true}
        %mul3A_194 = arith.constant 8 : i32
        %mul3A_195 = arith.muli %scan3A_83, %mul3A_194 : i32
        %add3A_196 = arith.constant 4 : i32
        %add3A_197 = arith.addi %mul3A_195, %add3A_196 : i32
        %ge3A_198 = arith.constant 4 : i32
        %ge3A_199 = arith.cmpi sge, %add3A_197, %ge3A_198 : i32
        %convert_element_type3A_200 = arith.extui %ge3A_199 : i1 to i32
        %cond3A_201 = arith.constant 0 : i32
        %cond3A_202 = arith.cmpi ne, %convert_element_type3A_200, %cond3A_201 : i32
        scf.if %cond3A_202 {
          %sub3A = arith.constant 4 : i32
          %sub3A_307 = arith.subi %add3A_197, %sub3A : i32
          %dma_wait3A_308 = arith.constant 0 : i32
          %dma_wait3A_309 = tpu.memref_slice %arg6[%sub3A_307, %dma_wait3A_308] : memref<128x160xi32, #tpu.memory_space<vmem>> -> memref<1x160xi32, #tpu.memory_space<vmem>>
          %dma_wait3A_310 = tpu.memref_squeeze %dma_wait3A_309 : memref<1x160xi32, #tpu.memory_space<vmem>> -> memref<160xi32, #tpu.memory_space<vmem>>
          %dma_wait3A_311 = arith.constant 0 : i32
          %dma_wait3A_312 = arith.constant 0 : i32
          %dma_wait3A_313 = tpu.memref_slice %arg16[%dma_wait3A_311, %dma_wait3A_312] : memref<10240x32xf32, #tpu.memory_space<vmem_shared>> -> memref<10240x32xf32, #tpu.memory_space<vmem_shared>>
          tpu.wait_indirect_dma semaphore(%arg25 : memref<!tpu.dma_semaphore, #tpu.memory_space<semaphore_mem>>) src(%arg7 : memref<160x32xf32, #tpu.memory_space<vmem>>) dst(%dma_wait3A_313 : memref<10240x32xf32, #tpu.memory_space<vmem_shared>>)
        } else {
        }
        %add3A_203 = arith.constant 4 : i32
        %add3A_204 = arith.addi %add3A_197, %add3A_203 : i32
        %lt3A_205 = arith.constant 128 : i32
        %lt3A_206 = arith.cmpi slt, %add3A_204, %lt3A_205 : i32
        %convert_element_type3A_207 = arith.extui %lt3A_206 : i1 to i32
        %cond3A_208 = arith.constant 0 : i32
        %cond3A_209 = arith.cmpi ne, %convert_element_type3A_207, %cond3A_208 : i32
        scf.if %cond3A_209 {
          %add3A_307 = arith.constant 4 : i32
          %add3A_308 = arith.addi %add3A_197, %add3A_307 : i32
          %dma_start3A_309 = arith.constant 0 : i32
          %dma_start3A_310 = tpu.memref_slice %arg5[%add3A_308, %dma_start3A_309] : memref<128x160xi32, #tpu.memory_space<vmem>> -> memref<1x160xi32, #tpu.memory_space<vmem>>
          %dma_start3A_311 = tpu.memref_squeeze %dma_start3A_310 : memref<1x160xi32, #tpu.memory_space<vmem>> -> memref<160xi32, #tpu.memory_space<vmem>>
          %dma_start3A_312 = arith.constant 0 : i32
          %dma_start3A_313 = arith.constant 0 : i32
          %dma_start3A_314 = tpu.memref_slice %arg2[%dma_start3A_312, %dma_start3A_313] : memref<10240x32xf32, #tpu.memory_space<hbm>> -> memref<10240x32xf32, #tpu.memory_space<hbm>>
          tpu.enqueue_indirect_dma source(%dma_start3A_314 : memref<10240x32xf32, #tpu.memory_space<hbm>>) target(%arg7 : memref<160x32xf32, #tpu.memory_space<vmem>>) offsets(%dma_start3A_311 : memref<160xi32, #tpu.memory_space<vmem>>) semaphore(%arg17 : memref<!tpu.dma_semaphore, #tpu.memory_space<semaphore_mem>>)
        } else {
        }
        %dma_wait3A_210 = arith.constant 0 : i32
        %dma_wait3A_211 = tpu.memref_slice %arg5[%add3A_197, %dma_wait3A_210] : memref<128x160xi32, #tpu.memory_space<vmem>> -> memref<1x160xi32, #tpu.memory_space<vmem>>
        %dma_wait3A_212 = tpu.memref_squeeze %dma_wait3A_211 : memref<1x160xi32, #tpu.memory_space<vmem>> -> memref<160xi32, #tpu.memory_space<vmem>>
        %dma_wait3A_213 = arith.constant 0 : i32
        %dma_wait3A_214 = arith.constant 0 : i32
        %dma_wait3A_215 = tpu.memref_slice %arg2[%dma_wait3A_213, %dma_wait3A_214] : memref<10240x32xf32, #tpu.memory_space<hbm>> -> memref<10240x32xf32, #tpu.memory_space<hbm>>
        tpu.wait_indirect_dma semaphore(%arg21 : memref<!tpu.dma_semaphore, #tpu.memory_space<semaphore_mem>>) src(%dma_wait3A_215 : memref<10240x32xf32, #tpu.memory_space<hbm>>) dst(%arg11 : memref<160x32xf32, #tpu.memory_space<vmem>>)
        %dma_start3A_216 = arith.constant 0 : i32
        %dma_start3A_217 = tpu.memref_slice %arg6[%add3A_197, %dma_start3A_216] : memref<128x160xi32, #tpu.memory_space<vmem>> -> memref<1x160xi32, #tpu.memory_space<vmem>>
        %dma_start3A_218 = tpu.memref_squeeze %dma_start3A_217 : memref<1x160xi32, #tpu.memory_space<vmem>> -> memref<160xi32, #tpu.memory_space<vmem>>
        %dma_start3A_219 = arith.constant 0 : i32
        %dma_start3A_220 = arith.constant 0 : i32
        %dma_start3A_221 = tpu.memref_slice %arg16[%dma_start3A_219, %dma_start3A_220] : memref<10240x32xf32, #tpu.memory_space<vmem_shared>> -> memref<10240x32xf32, #tpu.memory_space<vmem_shared>>
        tpu.enqueue_indirect_dma source(%arg11 : memref<160x32xf32, #tpu.memory_space<vmem>>) target(%dma_start3A_221 : memref<10240x32xf32, #tpu.memory_space<vmem_shared>>) offsets(%dma_start3A_218 : memref<160xi32, #tpu.memory_space<vmem>>) semaphore(%arg29 : memref<!tpu.dma_semaphore, #tpu.memory_space<semaphore_mem>>) {add = true}
        %mul3A_222 = arith.constant 8 : i32
        %mul3A_223 = arith.muli %scan3A_83, %mul3A_222 : i32
        %add3A_224 = arith.constant 5 : i32
        %add3A_225 = arith.addi %mul3A_223, %add3A_224 : i32
        %ge3A_226 = arith.constant 4 : i32
        %ge3A_227 = arith.cmpi sge, %add3A_225, %ge3A_226 : i32
        %convert_element_type3A_228 = arith.extui %ge3A_227 : i1 to i32
        %cond3A_229 = arith.constant 0 : i32
        %cond3A_230 = arith.cmpi ne, %convert_element_type3A_228, %cond3A_229 : i32
        scf.if %cond3A_230 {
          %sub3A = arith.constant 4 : i32
          %sub3A_307 = arith.subi %add3A_225, %sub3A : i32
          %dma_wait3A_308 = arith.constant 0 : i32
          %dma_wait3A_309 = tpu.memref_slice %arg6[%sub3A_307, %dma_wait3A_308] : memref<128x160xi32, #tpu.memory_space<vmem>> -> memref<1x160xi32, #tpu.memory_space<vmem>>
          %dma_wait3A_310 = tpu.memref_squeeze %dma_wait3A_309 : memref<1x160xi32, #tpu.memory_space<vmem>> -> memref<160xi32, #tpu.memory_space<vmem>>
          %dma_wait3A_311 = arith.constant 0 : i32
          %dma_wait3A_312 = arith.constant 0 : i32
          %dma_wait3A_313 = tpu.memref_slice %arg16[%dma_wait3A_311, %dma_wait3A_312] : memref<10240x32xf32, #tpu.memory_space<vmem_shared>> -> memref<10240x32xf32, #tpu.memory_space<vmem_shared>>
          tpu.wait_indirect_dma semaphore(%arg26 : memref<!tpu.dma_semaphore, #tpu.memory_space<semaphore_mem>>) src(%arg8 : memref<160x32xf32, #tpu.memory_space<vmem>>) dst(%dma_wait3A_313 : memref<10240x32xf32, #tpu.memory_space<vmem_shared>>)
        } else {
        }
        %add3A_231 = arith.constant 4 : i32
        %add3A_232 = arith.addi %add3A_225, %add3A_231 : i32
        %lt3A_233 = arith.constant 128 : i32
        %lt3A_234 = arith.cmpi slt, %add3A_232, %lt3A_233 : i32
        %convert_element_type3A_235 = arith.extui %lt3A_234 : i1 to i32
        %cond3A_236 = arith.constant 0 : i32
        %cond3A_237 = arith.cmpi ne, %convert_element_type3A_235, %cond3A_236 : i32
        scf.if %cond3A_237 {
          %add3A_307 = arith.constant 4 : i32
          %add3A_308 = arith.addi %add3A_225, %add3A_307 : i32
          %dma_start3A_309 = arith.constant 0 : i32
          %dma_start3A_310 = tpu.memref_slice %arg5[%add3A_308, %dma_start3A_309] : memref<128x160xi32, #tpu.memory_space<vmem>> -> memref<1x160xi32, #tpu.memory_space<vmem>>
          %dma_start3A_311 = tpu.memref_squeeze %dma_start3A_310 : memref<1x160xi32, #tpu.memory_space<vmem>> -> memref<160xi32, #tpu.memory_space<vmem>>
          %dma_start3A_312 = arith.constant 0 : i32
          %dma_start3A_313 = arith.constant 0 : i32
          %dma_start3A_314 = tpu.memref_slice %arg2[%dma_start3A_312, %dma_start3A_313] : memref<10240x32xf32, #tpu.memory_space<hbm>> -> memref<10240x32xf32, #tpu.memory_space<hbm>>
          tpu.enqueue_indirect_dma source(%dma_start3A_314 : memref<10240x32xf32, #tpu.memory_space<hbm>>) target(%arg8 : memref<160x32xf32, #tpu.memory_space<vmem>>) offsets(%dma_start3A_311 : memref<160xi32, #tpu.memory_space<vmem>>) semaphore(%arg18 : memref<!tpu.dma_semaphore, #tpu.memory_space<semaphore_mem>>)
        } else {
        }
        %dma_wait3A_238 = arith.constant 0 : i32
        %dma_wait3A_239 = tpu.memref_slice %arg5[%add3A_225, %dma_wait3A_238] : memref<128x160xi32, #tpu.memory_space<vmem>> -> memref<1x160xi32, #tpu.memory_space<vmem>>
        %dma_wait3A_240 = tpu.memref_squeeze %dma_wait3A_239 : memref<1x160xi32, #tpu.memory_space<vmem>> -> memref<160xi32, #tpu.memory_space<vmem>>
        %dma_wait3A_241 = arith.constant 0 : i32
        %dma_wait3A_242 = arith.constant 0 : i32
        %dma_wait3A_243 = tpu.memref_slice %arg2[%dma_wait3A_241, %dma_wait3A_242] : memref<10240x32xf32, #tpu.memory_space<hbm>> -> memref<10240x32xf32, #tpu.memory_space<hbm>>
        tpu.wait_indirect_dma semaphore(%arg22 : memref<!tpu.dma_semaphore, #tpu.memory_space<semaphore_mem>>) src(%dma_wait3A_243 : memref<10240x32xf32, #tpu.memory_space<hbm>>) dst(%arg12 : memref<160x32xf32, #tpu.memory_space<vmem>>)
        %dma_start3A_244 = arith.constant 0 : i32
        %dma_start3A_245 = tpu.memref_slice %arg6[%add3A_225, %dma_start3A_244] : memref<128x160xi32, #tpu.memory_space<vmem>> -> memref<1x160xi32, #tpu.memory_space<vmem>>
        %dma_start3A_246 = tpu.memref_squeeze %dma_start3A_245 : memref<1x160xi32, #tpu.memory_space<vmem>> -> memref<160xi32, #tpu.memory_space<vmem>>
        %dma_start3A_247 = arith.constant 0 : i32
        %dma_start3A_248 = arith.constant 0 : i32
        %dma_start3A_249 = tpu.memref_slice %arg16[%dma_start3A_247, %dma_start3A_248] : memref<10240x32xf32, #tpu.memory_space<vmem_shared>> -> memref<10240x32xf32, #tpu.memory_space<vmem_shared>>
        tpu.enqueue_indirect_dma source(%arg12 : memref<160x32xf32, #tpu.memory_space<vmem>>) target(%dma_start3A_249 : memref<10240x32xf32, #tpu.memory_space<vmem_shared>>) offsets(%dma_start3A_246 : memref<160xi32, #tpu.memory_space<vmem>>) semaphore(%arg30 : memref<!tpu.dma_semaphore, #tpu.memory_space<semaphore_mem>>) {add = true}
        %mul3A_250 = arith.constant 8 : i32
        %mul3A_251 = arith.muli %scan3A_83, %mul3A_250 : i32
        %add3A_252 = arith.constant 6 : i32
        %add3A_253 = arith.addi %mul3A_251, %add3A_252 : i32
        %ge3A_254 = arith.constant 4 : i32
        %ge3A_255 = arith.cmpi sge, %add3A_253, %ge3A_254 : i32
        %convert_element_type3A_256 = arith.extui %ge3A_255 : i1 to i32
        %cond3A_257 = arith.constant 0 : i32
        %cond3A_258 = arith.cmpi ne, %convert_element_type3A_256, %cond3A_257 : i32
        scf.if %cond3A_258 {
          %sub3A = arith.constant 4 : i32
          %sub3A_307 = arith.subi %add3A_253, %sub3A : i32
          %dma_wait3A_308 = arith.constant 0 : i32
          %dma_wait3A_309 = tpu.memref_slice %arg6[%sub3A_307, %dma_wait3A_308] : memref<128x160xi32, #tpu.memory_space<vmem>> -> memref<1x160xi32, #tpu.memory_space<vmem>>
          %dma_wait3A_310 = tpu.memref_squeeze %dma_wait3A_309 : memref<1x160xi32, #tpu.memory_space<vmem>> -> memref<160xi32, #tpu.memory_space<vmem>>
          %dma_wait3A_311 = arith.constant 0 : i32
          %dma_wait3A_312 = arith.constant 0 : i32
          %dma_wait3A_313 = tpu.memref_slice %arg16[%dma_wait3A_311, %dma_wait3A_312] : memref<10240x32xf32, #tpu.memory_space<vmem_shared>> -> memref<10240x32xf32, #tpu.memory_space<vmem_shared>>
          tpu.wait_indirect_dma semaphore(%arg27 : memref<!tpu.dma_semaphore, #tpu.memory_space<semaphore_mem>>) src(%arg9 : memref<160x32xf32, #tpu.memory_space<vmem>>) dst(%dma_wait3A_313 : memref<10240x32xf32, #tpu.memory_space<vmem_shared>>)
        } else {
        }
        %add3A_259 = arith.constant 4 : i32
        %add3A_260 = arith.addi %add3A_253, %add3A_259 : i32
        %lt3A_261 = arith.constant 128 : i32
        %lt3A_262 = arith.cmpi slt, %add3A_260, %lt3A_261 : i32
        %convert_element_type3A_263 = arith.extui %lt3A_262 : i1 to i32
        %cond3A_264 = arith.constant 0 : i32
        %cond3A_265 = arith.cmpi ne, %convert_element_type3A_263, %cond3A_264 : i32
        scf.if %cond3A_265 {
          %add3A_307 = arith.constant 4 : i32
          %add3A_308 = arith.addi %add3A_253, %add3A_307 : i32
          %dma_start3A_309 = arith.constant 0 : i32
          %dma_start3A_310 = tpu.memref_slice %arg5[%add3A_308, %dma_start3A_309] : memref<128x160xi32, #tpu.memory_space<vmem>> -> memref<1x160xi32, #tpu.memory_space<vmem>>
          %dma_start3A_311 = tpu.memref_squeeze %dma_start3A_310 : memref<1x160xi32, #tpu.memory_space<vmem>> -> memref<160xi32, #tpu.memory_space<vmem>>
          %dma_start3A_312 = arith.constant 0 : i32
          %dma_start3A_313 = arith.constant 0 : i32
          %dma_start3A_314 = tpu.memref_slice %arg2[%dma_start3A_312, %dma_start3A_313] : memref<10240x32xf32, #tpu.memory_space<hbm>> -> memref<10240x32xf32, #tpu.memory_space<hbm>>
          tpu.enqueue_indirect_dma source(%dma_start3A_314 : memref<10240x32xf32, #tpu.memory_space<hbm>>) target(%arg9 : memref<160x32xf32, #tpu.memory_space<vmem>>) offsets(%dma_start3A_311 : memref<160xi32, #tpu.memory_space<vmem>>) semaphore(%arg19 : memref<!tpu.dma_semaphore, #tpu.memory_space<semaphore_mem>>)
        } else {
        }
        %dma_wait3A_266 = arith.constant 0 : i32
        %dma_wait3A_267 = tpu.memref_slice %arg5[%add3A_253, %dma_wait3A_266] : memref<128x160xi32, #tpu.memory_space<vmem>> -> memref<1x160xi32, #tpu.memory_space<vmem>>
        %dma_wait3A_268 = tpu.memref_squeeze %dma_wait3A_267 : memref<1x160xi32, #tpu.memory_space<vmem>> -> memref<160xi32, #tpu.memory_space<vmem>>
        %dma_wait3A_269 = arith.constant 0 : i32
        %dma_wait3A_270 = arith.constant 0 : i32
        %dma_wait3A_271 = tpu.memref_slice %arg2[%dma_wait3A_269, %dma_wait3A_270] : memref<10240x32xf32, #tpu.memory_space<hbm>> -> memref<10240x32xf32, #tpu.memory_space<hbm>>
        tpu.wait_indirect_dma semaphore(%arg23 : memref<!tpu.dma_semaphore, #tpu.memory_space<semaphore_mem>>) src(%dma_wait3A_271 : memref<10240x32xf32, #tpu.memory_space<hbm>>) dst(%arg13 : memref<160x32xf32, #tpu.memory_space<vmem>>)
        %dma_start3A_272 = arith.constant 0 : i32
        %dma_start3A_273 = tpu.memref_slice %arg6[%add3A_253, %dma_start3A_272] : memref<128x160xi32, #tpu.memory_space<vmem>> -> memref<1x160xi32, #tpu.memory_space<vmem>>
        %dma_start3A_274 = tpu.memref_squeeze %dma_start3A_273 : memref<1x160xi32, #tpu.memory_space<vmem>> -> memref<160xi32, #tpu.memory_space<vmem>>
        %dma_start3A_275 = arith.constant 0 : i32
        %dma_start3A_276 = arith.constant 0 : i32
        %dma_start3A_277 = tpu.memref_slice %arg16[%dma_start3A_275, %dma_start3A_276] : memref<10240x32xf32, #tpu.memory_space<vmem_shared>> -> memref<10240x32xf32, #tpu.memory_space<vmem_shared>>
        tpu.enqueue_indirect_dma source(%arg13 : memref<160x32xf32, #tpu.memory_space<vmem>>) target(%dma_start3A_277 : memref<10240x32xf32, #tpu.memory_space<vmem_shared>>) offsets(%dma_start3A_274 : memref<160xi32, #tpu.memory_space<vmem>>) semaphore(%arg31 : memref<!tpu.dma_semaphore, #tpu.memory_space<semaphore_mem>>) {add = true}
        %mul3A_278 = arith.constant 8 : i32
        %mul3A_279 = arith.muli %scan3A_83, %mul3A_278 : i32
        %add3A_280 = arith.constant 7 : i32
        %add3A_281 = arith.addi %mul3A_279, %add3A_280 : i32
        %ge3A_282 = arith.constant 4 : i32
        %ge3A_283 = arith.cmpi sge, %add3A_281, %ge3A_282 : i32
        %convert_element_type3A_284 = arith.extui %ge3A_283 : i1 to i32
        %cond3A_285 = arith.constant 0 : i32
        %cond3A_286 = arith.cmpi ne, %convert_element_type3A_284, %cond3A_285 : i32
        scf.if %cond3A_286 {
          %sub3A = arith.constant 4 : i32
          %sub3A_307 = arith.subi %add3A_281, %sub3A : i32
          %dma_wait3A_308 = arith.constant 0 : i32
          %dma_wait3A_309 = tpu.memref_slice %arg6[%sub3A_307, %dma_wait3A_308] : memref<128x160xi32, #tpu.memory_space<vmem>> -> memref<1x160xi32, #tpu.memory_space<vmem>>
          %dma_wait3A_310 = tpu.memref_squeeze %dma_wait3A_309 : memref<1x160xi32, #tpu.memory_space<vmem>> -> memref<160xi32, #tpu.memory_space<vmem>>
          %dma_wait3A_311 = arith.constant 0 : i32
          %dma_wait3A_312 = arith.constant 0 : i32
          %dma_wait3A_313 = tpu.memref_slice %arg16[%dma_wait3A_311, %dma_wait3A_312] : memref<10240x32xf32, #tpu.memory_space<vmem_shared>> -> memref<10240x32xf32, #tpu.memory_space<vmem_shared>>
          tpu.wait_indirect_dma semaphore(%arg28 : memref<!tpu.dma_semaphore, #tpu.memory_space<semaphore_mem>>) src(%arg10 : memref<160x32xf32, #tpu.memory_space<vmem>>) dst(%dma_wait3A_313 : memref<10240x32xf32, #tpu.memory_space<vmem_shared>>)
        } else {
        }
        %add3A_287 = arith.constant 4 : i32
        %add3A_288 = arith.addi %add3A_281, %add3A_287 : i32
        %lt3A_289 = arith.constant 128 : i32
        %lt3A_290 = arith.cmpi slt, %add3A_288, %lt3A_289 : i32
        %convert_element_type3A_291 = arith.extui %lt3A_290 : i1 to i32
        %cond3A_292 = arith.constant 0 : i32
        %cond3A_293 = arith.cmpi ne, %convert_element_type3A_291, %cond3A_292 : i32
        scf.if %cond3A_293 {
          %add3A_307 = arith.constant 4 : i32
          %add3A_308 = arith.addi %add3A_281, %add3A_307 : i32
          %dma_start3A_309 = arith.constant 0 : i32
          %dma_start3A_310 = tpu.memref_slice %arg5[%add3A_308, %dma_start3A_309] : memref<128x160xi32, #tpu.memory_space<vmem>> -> memref<1x160xi32, #tpu.memory_space<vmem>>
          %dma_start3A_311 = tpu.memref_squeeze %dma_start3A_310 : memref<1x160xi32, #tpu.memory_space<vmem>> -> memref<160xi32, #tpu.memory_space<vmem>>
          %dma_start3A_312 = arith.constant 0 : i32
          %dma_start3A_313 = arith.constant 0 : i32
          %dma_start3A_314 = tpu.memref_slice %arg2[%dma_start3A_312, %dma_start3A_313] : memref<10240x32xf32, #tpu.memory_space<hbm>> -> memref<10240x32xf32, #tpu.memory_space<hbm>>
          tpu.enqueue_indirect_dma source(%dma_start3A_314 : memref<10240x32xf32, #tpu.memory_space<hbm>>) target(%arg10 : memref<160x32xf32, #tpu.memory_space<vmem>>) offsets(%dma_start3A_311 : memref<160xi32, #tpu.memory_space<vmem>>) semaphore(%arg20 : memref<!tpu.dma_semaphore, #tpu.memory_space<semaphore_mem>>)
        } else {
        }
        %dma_wait3A_294 = arith.constant 0 : i32
        %dma_wait3A_295 = tpu.memref_slice %arg5[%add3A_281, %dma_wait3A_294] : memref<128x160xi32, #tpu.memory_space<vmem>> -> memref<1x160xi32, #tpu.memory_space<vmem>>
        %dma_wait3A_296 = tpu.memref_squeeze %dma_wait3A_295 : memref<1x160xi32, #tpu.memory_space<vmem>> -> memref<160xi32, #tpu.memory_space<vmem>>
        %dma_wait3A_297 = arith.constant 0 : i32
        %dma_wait3A_298 = arith.constant 0 : i32
        %dma_wait3A_299 = tpu.memref_slice %arg2[%dma_wait3A_297, %dma_wait3A_298] : memref<10240x32xf32, #tpu.memory_space<hbm>> -> memref<10240x32xf32, #tpu.memory_space<hbm>>
        tpu.wait_indirect_dma semaphore(%arg24 : memref<!tpu.dma_semaphore, #tpu.memory_space<semaphore_mem>>) src(%dma_wait3A_299 : memref<10240x32xf32, #tpu.memory_space<hbm>>) dst(%arg14 : memref<160x32xf32, #tpu.memory_space<vmem>>)
        %dma_start3A_300 = arith.constant 0 : i32
        %dma_start3A_301 = tpu.memref_slice %arg6[%add3A_281, %dma_start3A_300] : memref<128x160xi32, #tpu.memory_space<vmem>> -> memref<1x160xi32, #tpu.memory_space<vmem>>
        %dma_start3A_302 = tpu.memref_squeeze %dma_start3A_301 : memref<1x160xi32, #tpu.memory_space<vmem>> -> memref<160xi32, #tpu.memory_space<vmem>>
        %dma_start3A_303 = arith.constant 0 : i32
        %dma_start3A_304 = arith.constant 0 : i32
        %dma_start3A_305 = tpu.memref_slice %arg16[%dma_start3A_303, %dma_start3A_304] : memref<10240x32xf32, #tpu.memory_space<vmem_shared>> -> memref<10240x32xf32, #tpu.memory_space<vmem_shared>>
        tpu.enqueue_indirect_dma source(%arg14 : memref<160x32xf32, #tpu.memory_space<vmem>>) target(%dma_start3A_305 : memref<10240x32xf32, #tpu.memory_space<vmem_shared>>) offsets(%dma_start3A_302 : memref<160xi32, #tpu.memory_space<vmem>>) semaphore(%arg32 : memref<!tpu.dma_semaphore, #tpu.memory_space<semaphore_mem>>) {add = true}
        %scan3A_306 = arith.constant 0 : i32
        scf.yield %scan3A_306 : i32
      }
      %scan3A_50 = arith.constant 16 : i32
      %dma_wait3A = arith.constant 124 : i32
      %dma_wait3A_51 = arith.constant 0 : i32
      %dma_wait3A_52 = tpu.memref_slice %arg6[%dma_wait3A, %dma_wait3A_51] : memref<128x160xi32, #tpu.memory_space<vmem>> -> memref<1x160xi32, #tpu.memory_space<vmem>>
      %dma_wait3A_53 = tpu.memref_squeeze %dma_wait3A_52 : memref<1x160xi32, #tpu.memory_space<vmem>> -> memref<160xi32, #tpu.memory_space<vmem>>
      %dma_wait3A_54 = arith.constant 0 : i32
      %dma_wait3A_55 = arith.constant 0 : i32
      %dma_wait3A_56 = tpu.memref_slice %arg16[%dma_wait3A_54, %dma_wait3A_55] : memref<10240x32xf32, #tpu.memory_space<vmem_shared>> -> memref<10240x32xf32, #tpu.memory_space<vmem_shared>>
      tpu.wait_indirect_dma semaphore(%arg29 : memref<!tpu.dma_semaphore, #tpu.memory_space<semaphore_mem>>) src(%arg11 : memref<160x32xf32, #tpu.memory_space<vmem>>) dst(%dma_wait3A_56 : memref<10240x32xf32, #tpu.memory_space<vmem_shared>>)
      %dma_wait3A_57 = arith.constant 125 : i32
      %dma_wait3A_58 = arith.constant 0 : i32
      %dma_wait3A_59 = tpu.memref_slice %arg6[%dma_wait3A_57, %dma_wait3A_58] : memref<128x160xi32, #tpu.memory_space<vmem>> -> memref<1x160xi32, #tpu.memory_space<vmem>>
      %dma_wait3A_60 = tpu.memref_squeeze %dma_wait3A_59 : memref<1x160xi32, #tpu.memory_space<vmem>> -> memref<160xi32, #tpu.memory_space<vmem>>
      %dma_wait3A_61 = arith.constant 0 : i32
      %dma_wait3A_62 = arith.constant 0 : i32
      %dma_wait3A_63 = tpu.memref_slice %arg16[%dma_wait3A_61, %dma_wait3A_62] : memref<10240x32xf32, #tpu.memory_space<vmem_shared>> -> memref<10240x32xf32, #tpu.memory_space<vmem_shared>>
      tpu.wait_indirect_dma semaphore(%arg30 : memref<!tpu.dma_semaphore, #tpu.memory_space<semaphore_mem>>) src(%arg12 : memref<160x32xf32, #tpu.memory_space<vmem>>) dst(%dma_wait3A_63 : memref<10240x32xf32, #tpu.memory_space<vmem_shared>>)
      %dma_wait3A_64 = arith.constant 126 : i32
      %dma_wait3A_65 = arith.constant 0 : i32
      %dma_wait3A_66 = tpu.memref_slice %arg6[%dma_wait3A_64, %dma_wait3A_65] : memref<128x160xi32, #tpu.memory_space<vmem>> -> memref<1x160xi32, #tpu.memory_space<vmem>>
      %dma_wait3A_67 = tpu.memref_squeeze %dma_wait3A_66 : memref<1x160xi32, #tpu.memory_space<vmem>> -> memref<160xi32, #tpu.memory_space<vmem>>
      %dma_wait3A_68 = arith.constant 0 : i32
      %dma_wait3A_69 = arith.constant 0 : i32
      %dma_wait3A_70 = tpu.memref_slice %arg16[%dma_wait3A_68, %dma_wait3A_69] : memref<10240x32xf32, #tpu.memory_space<vmem_shared>> -> memref<10240x32xf32, #tpu.memory_space<vmem_shared>>
      tpu.wait_indirect_dma semaphore(%arg31 : memref<!tpu.dma_semaphore, #tpu.memory_space<semaphore_mem>>) src(%arg13 : memref<160x32xf32, #tpu.memory_space<vmem>>) dst(%dma_wait3A_70 : memref<10240x32xf32, #tpu.memory_space<vmem_shared>>)
      %dma_wait3A_71 = arith.constant 127 : i32
      %dma_wait3A_72 = arith.constant 0 : i32
      %dma_wait3A_73 = tpu.memref_slice %arg6[%dma_wait3A_71, %dma_wait3A_72] : memref<128x160xi32, #tpu.memory_space<vmem>> -> memref<1x160xi32, #tpu.memory_space<vmem>>
      %dma_wait3A_74 = tpu.memref_squeeze %dma_wait3A_73 : memref<1x160xi32, #tpu.memory_space<vmem>> -> memref<160xi32, #tpu.memory_space<vmem>>
      %dma_wait3A_75 = arith.constant 0 : i32
      %dma_wait3A_76 = arith.constant 0 : i32
      %dma_wait3A_77 = tpu.memref_slice %arg16[%dma_wait3A_75, %dma_wait3A_76] : memref<10240x32xf32, #tpu.memory_space<vmem_shared>> -> memref<10240x32xf32, #tpu.memory_space<vmem_shared>>
      tpu.wait_indirect_dma semaphore(%arg32 : memref<!tpu.dma_semaphore, #tpu.memory_space<semaphore_mem>>) src(%arg14 : memref<160x32xf32, #tpu.memory_space<vmem>>) dst(%dma_wait3A_77 : memref<10240x32xf32, #tpu.memory_space<vmem_shared>>)
      %barrier3A_78 = arith.constant 0 : index
      tpu.barrier barrier_id(%barrier3A_78)
      %mul3A_79 = arith.constant 640 : i32
      %mul3A_80 = arith.muli %arg1, %mul3A_79 : i32
      %mul3A_81 = arith.constant 640 : i32
      %mul3A_82 = arith.muli %arg1, %mul3A_81 : i32
      "tpu.region"() ({
        %run_scoped3A_83 = tpu.sem_alloc : memref<!tpu.dma_semaphore, #tpu.memory_space<semaphore_mem>>
        %dma_start3A_84 = arith.constant 0 : i32
        %dma_start3A_85 = tpu.memref_slice %arg4[%mul3A_82, %dma_start3A_84] : memref<10240x32xf32, #tpu.memory_space<hbm>> -> memref<640x32xf32, #tpu.memory_space<hbm>>
        %dma_start3A_86 = arith.constant 0 : i32
        %dma_start3A_87 = tpu.memref_slice %arg16[%mul3A_80, %dma_start3A_86] : memref<10240x32xf32, #tpu.memory_space<vmem_shared>> -> memref<640x32xf32, #tpu.memory_space<vmem_shared>>
        tpu.enqueue_dma source(%dma_start3A_87 : memref<640x32xf32, #tpu.memory_space<vmem_shared>>) target(%dma_start3A_85 : memref<640x32xf32, #tpu.memory_space<hbm>>) target_semaphore(%run_scoped3A_83 : memref<!tpu.dma_semaphore, #tpu.memory_space<semaphore_mem>>)
        %dma_wait3A_88 = arith.constant 0 : i32
        %dma_wait3A_89 = tpu.memref_slice %arg4[%mul3A_82, %dma_wait3A_88] : memref<10240x32xf32, #tpu.memory_space<hbm>> -> memref<640x32xf32, #tpu.memory_space<hbm>>
        %dma_wait3A_90 = arith.constant 0 : i32
        %dma_wait3A_91 = tpu.memref_slice %arg16[%mul3A_80, %dma_wait3A_90] : memref<10240x32xf32, #tpu.memory_space<vmem_shared>> -> memref<640x32xf32, #tpu.memory_space<vmem_shared>>
        tpu.wait_dma2 semaphore(%run_scoped3A_83 : memref<!tpu.dma_semaphore, #tpu.memory_space<semaphore_mem>>) src(%dma_wait3A_91 : memref<640x32xf32, #tpu.memory_space<vmem_shared>>) dst(%dma_wait3A_89 : memref<640x32xf32, #tpu.memory_space<hbm>>)
        tpu.yield
      }) : () -> ()
    } else {
    }
    return
  }
}

#map = affine_map<(d0, d1) -> (0, 0, 0)>
#map1 = affine_map<(d0, d1) -> (0)>
module attributes {stable_mosaic.version = 14 : i64} {
  func.func @_sc_deg(%arg0: i32, %arg1: i32, %arg2: memref<2x2048x160xi32, #tpu.memory_space<hbm>>, %arg3: memref<10240xf32, #tpu.memory_space<hbm>>, %arg4: memref<128x160xi32, #tpu.memory_space<vmem>>, %arg5: memref<160xf32, #tpu.memory_space<vmem>>, %arg6: memref<640xf32, #tpu.memory_space<vmem>>, %arg7: memref<10240xf32, #tpu.memory_space<vmem_shared>>, %arg8: memref<!tpu.dma_semaphore, #tpu.memory_space<semaphore_mem>>, %arg9: memref<!tpu.dma_semaphore, #tpu.memory_space<semaphore_mem>>, %arg10: memref<!tpu.dma_semaphore, #tpu.memory_space<semaphore_mem>>, %arg11: memref<!tpu.dma_semaphore, #tpu.memory_space<semaphore_mem>>) attributes {dimension_semantics = [#tpu.dimension_semantics<core_parallel>, #tpu.dimension_semantics<subcore_parallel>], iteration_bounds = array<i64: 2, 16>, scalar_prefetch = 0 : i64, scratch_operands = 8 : i64, tpu.core_type = #tpu.core_type<sc_vector_subcore>, window_params = [{transform_indices = #map}, {transform_indices = #map1}]} {
    %eq3A = arith.constant 0 : i32
    %eq3A_0 = arith.cmpi eq, %arg0, %eq3A : i32
    %convert_element_type3A = arith.extui %eq3A_0 : i1 to i32
    %cond3A = arith.constant 0 : i32
    %cond3A_1 = arith.cmpi ne, %convert_element_type3A, %cond3A : i32
    scf.if %cond3A_1 {
      %scan3A = arith.constant 0 : i32
      %scan3A_2 = arith.constant 0 : i32
      %scan3A_3 = arith.constant 40 : i32
      %scan3A_4 = arith.addi %scan3A_2, %scan3A_3 : i32
      %scan3A_5 = arith.constant 1 : i32
      %scan3A_6 = scf.for %scan3A_53 = %scan3A_2 to %scan3A_4 step %scan3A_5 iter_args(%scan3A_54 = %scan3A) -> (i32)  : i32 {
        %broadcast_in_dim3A = arith.constant 0.000000e+00 : f32
        %broadcast_in_dim3A_55 = vector.broadcast %broadcast_in_dim3A : f32 to vector<16xf32>
        %mul3A_56 = arith.constant 16 : i32
        %mul3A_57 = arith.muli %scan3A_53, %mul3A_56 : i32
        %swap3A = arith.index_cast %mul3A_57 : i32 to index
        %swap3A_58 = tpu.vector_load %arg6[%swap3A] {strides = array<i32>} : memref<640xf32, #tpu.memory_space<vmem>>, vector<16xf32>,
        %swap3A_59 = vector.shape_cast %swap3A_58 : vector<16xf32> to vector<16xf32>
        %swap3A_60 = vector.shape_cast %broadcast_in_dim3A_55 : vector<16xf32> to vector<16xf32>
        tpu.vector_store %arg6[%swap3A], %swap3A_60 {strides = array<i32>} : memref<640xf32, #tpu.memory_space<vmem>>, vector<16xf32>,
        %scan3A_61 = arith.constant 0 : i32
        scf.yield %scan3A_61 : i32
      }
      %scan3A_7 = arith.constant 40 : i32
      %scan3A_8 = arith.constant 0 : i32
      %scan3A_9 = arith.constant 0 : i32
      %scan3A_10 = arith.constant 10 : i32
      %scan3A_11 = arith.addi %scan3A_9, %scan3A_10 : i32
      %scan3A_12 = arith.constant 1 : i32
      %scan3A_13 = scf.for %scan3A_53 = %scan3A_9 to %scan3A_11 step %scan3A_12 iter_args(%scan3A_54 = %scan3A_8) -> (i32)  : i32 {
        %broadcast_in_dim3A = arith.constant 1.000000e+00 : f32
        %broadcast_in_dim3A_55 = vector.broadcast %broadcast_in_dim3A : f32 to vector<16xf32>
        %mul3A_56 = arith.constant 16 : i32
        %mul3A_57 = arith.muli %scan3A_53, %mul3A_56 : i32
        %swap3A = arith.index_cast %mul3A_57 : i32 to index
        %swap3A_58 = tpu.vector_load %arg5[%swap3A] {strides = array<i32>} : memref<160xf32, #tpu.memory_space<vmem>>, vector<16xf32>,
        %swap3A_59 = vector.shape_cast %swap3A_58 : vector<16xf32> to vector<16xf32>
        %swap3A_60 = vector.shape_cast %broadcast_in_dim3A_55 : vector<16xf32> to vector<16xf32>
        tpu.vector_store %arg5[%swap3A], %swap3A_60 {strides = array<i32>} : memref<160xf32, #tpu.memory_space<vmem>>, vector<16xf32>,
        %scan3A_61 = arith.constant 0 : i32
        scf.yield %scan3A_61 : i32
      }
      %scan3A_14 = arith.constant 10 : i32
      %mul3A = arith.constant 128 : i32
      %mul3A_15 = arith.muli %arg1, %mul3A : i32
      %run_scoped3A = arith.constant 1 : i32
      "tpu.region"() ({
        %run_scoped3A_53 = tpu.sem_alloc : memref<!tpu.dma_semaphore, #tpu.memory_space<semaphore_mem>>
        %dma_start3A = arith.constant 0 : i32
        %dma_start3A_54 = tpu.memref_slice %arg2[%run_scoped3A, %mul3A_15, %dma_start3A] : memref<2x2048x160xi32, #tpu.memory_space<hbm>> -> memref<1x128x160xi32, #tpu.memory_space<hbm>>
        %dma_start3A_55 = tpu.memref_squeeze %dma_start3A_54 : memref<1x128x160xi32, #tpu.memory_space<hbm>> -> memref<128x160xi32, #tpu.memory_space<hbm>>
        %dma_start3A_56 = arith.constant 0 : i32
        %dma_start3A_57 = tpu.memref_slice %arg2[%run_scoped3A, %mul3A_15, %dma_start3A_56] : memref<2x2048x160xi32, #tpu.memory_space<hbm>> -> memref<1x128x160xi32, #tpu.memory_space<hbm>>
        %dma_start3A_58 = tpu.memref_squeeze %dma_start3A_57 : memref<1x128x160xi32, #tpu.memory_space<hbm>> -> memref<128x160xi32, #tpu.memory_space<hbm>>
        tpu.enqueue_dma source(%dma_start3A_58 : memref<128x160xi32, #tpu.memory_space<hbm>>) target(%arg4 : memref<128x160xi32, #tpu.memory_space<vmem>>) target_semaphore(%run_scoped3A_53 : memref<!tpu.dma_semaphore, #tpu.memory_space<semaphore_mem>>)
        %dma_wait3A_59 = arith.constant 0 : i32
        %dma_wait3A_60 = tpu.memref_slice %arg2[%run_scoped3A, %mul3A_15, %dma_wait3A_59] : memref<2x2048x160xi32, #tpu.memory_space<hbm>> -> memref<1x128x160xi32, #tpu.memory_space<hbm>>
        %dma_wait3A_61 = tpu.memref_squeeze %dma_wait3A_60 : memref<1x128x160xi32, #tpu.memory_space<hbm>> -> memref<128x160xi32, #tpu.memory_space<hbm>>
        %dma_wait3A_62 = arith.constant 0 : i32
        %dma_wait3A_63 = tpu.memref_slice %arg2[%run_scoped3A, %mul3A_15, %dma_wait3A_62] : memref<2x2048x160xi32, #tpu.memory_space<hbm>> -> memref<1x128x160xi32, #tpu.memory_space<hbm>>
        %dma_wait3A_64 = tpu.memref_squeeze %dma_wait3A_63 : memref<1x128x160xi32, #tpu.memory_space<hbm>> -> memref<128x160xi32, #tpu.memory_space<hbm>>
        tpu.wait_dma2 semaphore(%run_scoped3A_53 : memref<!tpu.dma_semaphore, #tpu.memory_space<semaphore_mem>>) src(%dma_wait3A_64 : memref<128x160xi32, #tpu.memory_space<hbm>>) dst(%arg4 : memref<128x160xi32, #tpu.memory_space<vmem>>)
        tpu.yield
      }) : () -> ()
      %mul3A_16 = arith.constant 640 : i32
      %mul3A_17 = arith.muli %arg1, %mul3A_16 : i32
      "tpu.region"() ({
        %run_scoped3A_53 = tpu.sem_alloc : memref<!tpu.dma_semaphore, #tpu.memory_space<semaphore_mem>>
        %dma_start3A = tpu.memref_slice %arg7[%mul3A_17] : memref<10240xf32, #tpu.memory_space<vmem_shared>> -> memref<640xf32, #tpu.memory_space<vmem_shared>>
        %dma_start3A_54 = tpu.memref_slice %arg7[%mul3A_17] : memref<10240xf32, #tpu.memory_space<vmem_shared>> -> memref<640xf32, #tpu.memory_space<vmem_shared>>
        tpu.enqueue_dma source(%arg6 : memref<640xf32, #tpu.memory_space<vmem>>) target(%dma_start3A_54 : memref<640xf32, #tpu.memory_space<vmem_shared>>) target_semaphore(%run_scoped3A_53 : memref<!tpu.dma_semaphore, #tpu.memory_space<semaphore_mem>>)
        %dma_wait3A_55 = tpu.memref_slice %arg7[%mul3A_17] : memref<10240xf32, #tpu.memory_space<vmem_shared>> -> memref<640xf32, #tpu.memory_space<vmem_shared>>
        %dma_wait3A_56 = tpu.memref_slice %arg7[%mul3A_17] : memref<10240xf32, #tpu.memory_space<vmem_shared>> -> memref<640xf32, #tpu.memory_space<vmem_shared>>
        tpu.wait_dma2 semaphore(%run_scoped3A_53 : memref<!tpu.dma_semaphore, #tpu.memory_space<semaphore_mem>>) src(%arg6 : memref<640xf32, #tpu.memory_space<vmem>>) dst(%dma_wait3A_56 : memref<640xf32, #tpu.memory_space<vmem_shared>>)
        tpu.yield
      }) : () -> ()
      %barrier3A = arith.constant 0 : index
      tpu.barrier barrier_id(%barrier3A)
      %scan3A_18 = arith.constant 0 : i32
      %scan3A_19 = arith.constant 0 : i32
      %scan3A_20 = arith.constant 32 : i32
      %scan3A_21 = arith.addi %scan3A_19, %scan3A_20 : i32
      %scan3A_22 = arith.constant 1 : i32
      %scan3A_23 = scf.for %scan3A_53 = %scan3A_19 to %scan3A_21 step %scan3A_22 iter_args(%scan3A_54 = %scan3A_18) -> (i32)  : i32 {
        %mul3A_55 = arith.constant 4 : i32
        %mul3A_56 = arith.muli %scan3A_53, %mul3A_55 : i32
        %add3A = arith.constant 0 : i32
        %add3A_57 = arith.addi %mul3A_56, %add3A : i32
        %ge3A = arith.constant 4 : i32
        %ge3A_58 = arith.cmpi sge, %add3A_57, %ge3A : i32
        %convert_element_type3A_59 = arith.extui %ge3A_58 : i1 to i32
        %cond3A_60 = arith.constant 0 : i32
        %cond3A_61 = arith.cmpi ne, %convert_element_type3A_59, %cond3A_60 : i32
        scf.if %cond3A_61 {
          %sub3A = arith.constant 4 : i32
          %sub3A_109 = arith.subi %add3A_57, %sub3A : i32
          %dma_wait3A_110 = arith.constant 0 : i32
          %dma_wait3A_111 = tpu.memref_slice %arg4[%sub3A_109, %dma_wait3A_110] : memref<128x160xi32, #tpu.memory_space<vmem>> -> memref<1x160xi32, #tpu.memory_space<vmem>>
          %dma_wait3A_112 = tpu.memref_squeeze %dma_wait3A_111 : memref<1x160xi32, #tpu.memory_space<vmem>> -> memref<160xi32, #tpu.memory_space<vmem>>
          %dma_wait3A_113 = arith.constant 0 : i32
          %dma_wait3A_114 = tpu.memref_slice %arg7[%dma_wait3A_113] : memref<10240xf32, #tpu.memory_space<vmem_shared>> -> memref<10240xf32, #tpu.memory_space<vmem_shared>>
          tpu.wait_indirect_dma semaphore(%arg8 : memref<!tpu.dma_semaphore, #tpu.memory_space<semaphore_mem>>) src(%arg5 : memref<160xf32, #tpu.memory_space<vmem>>) dst(%dma_wait3A_114 : memref<10240xf32, #tpu.memory_space<vmem_shared>>)
        } else {
        }
        %dma_start3A = arith.constant 0 : i32
        %dma_start3A_62 = tpu.memref_slice %arg4[%add3A_57, %dma_start3A] : memref<128x160xi32, #tpu.memory_space<vmem>> -> memref<1x160xi32, #tpu.memory_space<vmem>>
        %dma_start3A_63 = tpu.memref_squeeze %dma_start3A_62 : memref<1x160xi32, #tpu.memory_space<vmem>> -> memref<160xi32, #tpu.memory_space<vmem>>
        %dma_start3A_64 = arith.constant 0 : i32
        %dma_start3A_65 = tpu.memref_slice %arg7[%dma_start3A_64] : memref<10240xf32, #tpu.memory_space<vmem_shared>> -> memref<10240xf32, #tpu.memory_space<vmem_shared>>
        tpu.enqueue_indirect_dma source(%arg5 : memref<160xf32, #tpu.memory_space<vmem>>) target(%dma_start3A_65 : memref<10240xf32, #tpu.memory_space<vmem_shared>>) offsets(%dma_start3A_63 : memref<160xi32, #tpu.memory_space<vmem>>) semaphore(%arg8 : memref<!tpu.dma_semaphore, #tpu.memory_space<semaphore_mem>>) {add = true}
        %mul3A_66 = arith.constant 4 : i32
        %mul3A_67 = arith.muli %scan3A_53, %mul3A_66 : i32
        %add3A_68 = arith.constant 1 : i32
        %add3A_69 = arith.addi %mul3A_67, %add3A_68 : i32
        %ge3A_70 = arith.constant 4 : i32
        %ge3A_71 = arith.cmpi sge, %add3A_69, %ge3A_70 : i32
        %convert_element_type3A_72 = arith.extui %ge3A_71 : i1 to i32
        %cond3A_73 = arith.constant 0 : i32
        %cond3A_74 = arith.cmpi ne, %convert_element_type3A_72, %cond3A_73 : i32
        scf.if %cond3A_74 {
          %sub3A = arith.constant 4 : i32
          %sub3A_109 = arith.subi %add3A_69, %sub3A : i32
          %dma_wait3A_110 = arith.constant 0 : i32
          %dma_wait3A_111 = tpu.memref_slice %arg4[%sub3A_109, %dma_wait3A_110] : memref<128x160xi32, #tpu.memory_space<vmem>> -> memref<1x160xi32, #tpu.memory_space<vmem>>
          %dma_wait3A_112 = tpu.memref_squeeze %dma_wait3A_111 : memref<1x160xi32, #tpu.memory_space<vmem>> -> memref<160xi32, #tpu.memory_space<vmem>>
          %dma_wait3A_113 = arith.constant 0 : i32
          %dma_wait3A_114 = tpu.memref_slice %arg7[%dma_wait3A_113] : memref<10240xf32, #tpu.memory_space<vmem_shared>> -> memref<10240xf32, #tpu.memory_space<vmem_shared>>
          tpu.wait_indirect_dma semaphore(%arg9 : memref<!tpu.dma_semaphore, #tpu.memory_space<semaphore_mem>>) src(%arg5 : memref<160xf32, #tpu.memory_space<vmem>>) dst(%dma_wait3A_114 : memref<10240xf32, #tpu.memory_space<vmem_shared>>)
        } else {
        }
        %dma_start3A_75 = arith.constant 0 : i32
        %dma_start3A_76 = tpu.memref_slice %arg4[%add3A_69, %dma_start3A_75] : memref<128x160xi32, #tpu.memory_space<vmem>> -> memref<1x160xi32, #tpu.memory_space<vmem>>
        %dma_start3A_77 = tpu.memref_squeeze %dma_start3A_76 : memref<1x160xi32, #tpu.memory_space<vmem>> -> memref<160xi32, #tpu.memory_space<vmem>>
        %dma_start3A_78 = arith.constant 0 : i32
        %dma_start3A_79 = tpu.memref_slice %arg7[%dma_start3A_78] : memref<10240xf32, #tpu.memory_space<vmem_shared>> -> memref<10240xf32, #tpu.memory_space<vmem_shared>>
        tpu.enqueue_indirect_dma source(%arg5 : memref<160xf32, #tpu.memory_space<vmem>>) target(%dma_start3A_79 : memref<10240xf32, #tpu.memory_space<vmem_shared>>) offsets(%dma_start3A_77 : memref<160xi32, #tpu.memory_space<vmem>>) semaphore(%arg9 : memref<!tpu.dma_semaphore, #tpu.memory_space<semaphore_mem>>) {add = true}
        %mul3A_80 = arith.constant 4 : i32
        %mul3A_81 = arith.muli %scan3A_53, %mul3A_80 : i32
        %add3A_82 = arith.constant 2 : i32
        %add3A_83 = arith.addi %mul3A_81, %add3A_82 : i32
        %ge3A_84 = arith.constant 4 : i32
        %ge3A_85 = arith.cmpi sge, %add3A_83, %ge3A_84 : i32
        %convert_element_type3A_86 = arith.extui %ge3A_85 : i1 to i32
        %cond3A_87 = arith.constant 0 : i32
        %cond3A_88 = arith.cmpi ne, %convert_element_type3A_86, %cond3A_87 : i32
        scf.if %cond3A_88 {
          %sub3A = arith.constant 4 : i32
          %sub3A_109 = arith.subi %add3A_83, %sub3A : i32
          %dma_wait3A_110 = arith.constant 0 : i32
          %dma_wait3A_111 = tpu.memref_slice %arg4[%sub3A_109, %dma_wait3A_110] : memref<128x160xi32, #tpu.memory_space<vmem>> -> memref<1x160xi32, #tpu.memory_space<vmem>>
          %dma_wait3A_112 = tpu.memref_squeeze %dma_wait3A_111 : memref<1x160xi32, #tpu.memory_space<vmem>> -> memref<160xi32, #tpu.memory_space<vmem>>
          %dma_wait3A_113 = arith.constant 0 : i32
          %dma_wait3A_114 = tpu.memref_slice %arg7[%dma_wait3A_113] : memref<10240xf32, #tpu.memory_space<vmem_shared>> -> memref<10240xf32, #tpu.memory_space<vmem_shared>>
          tpu.wait_indirect_dma semaphore(%arg10 : memref<!tpu.dma_semaphore, #tpu.memory_space<semaphore_mem>>) src(%arg5 : memref<160xf32, #tpu.memory_space<vmem>>) dst(%dma_wait3A_114 : memref<10240xf32, #tpu.memory_space<vmem_shared>>)
        } else {
        }
        %dma_start3A_89 = arith.constant 0 : i32
        %dma_start3A_90 = tpu.memref_slice %arg4[%add3A_83, %dma_start3A_89] : memref<128x160xi32, #tpu.memory_space<vmem>> -> memref<1x160xi32, #tpu.memory_space<vmem>>
        %dma_start3A_91 = tpu.memref_squeeze %dma_start3A_90 : memref<1x160xi32, #tpu.memory_space<vmem>> -> memref<160xi32, #tpu.memory_space<vmem>>
        %dma_start3A_92 = arith.constant 0 : i32
        %dma_start3A_93 = tpu.memref_slice %arg7[%dma_start3A_92] : memref<10240xf32, #tpu.memory_space<vmem_shared>> -> memref<10240xf32, #tpu.memory_space<vmem_shared>>
        tpu.enqueue_indirect_dma source(%arg5 : memref<160xf32, #tpu.memory_space<vmem>>) target(%dma_start3A_93 : memref<10240xf32, #tpu.memory_space<vmem_shared>>) offsets(%dma_start3A_91 : memref<160xi32, #tpu.memory_space<vmem>>) semaphore(%arg10 : memref<!tpu.dma_semaphore, #tpu.memory_space<semaphore_mem>>) {add = true}
        %mul3A_94 = arith.constant 4 : i32
        %mul3A_95 = arith.muli %scan3A_53, %mul3A_94 : i32
        %add3A_96 = arith.constant 3 : i32
        %add3A_97 = arith.addi %mul3A_95, %add3A_96 : i32
        %ge3A_98 = arith.constant 4 : i32
        %ge3A_99 = arith.cmpi sge, %add3A_97, %ge3A_98 : i32
        %convert_element_type3A_100 = arith.extui %ge3A_99 : i1 to i32
        %cond3A_101 = arith.constant 0 : i32
        %cond3A_102 = arith.cmpi ne, %convert_element_type3A_100, %cond3A_101 : i32
        scf.if %cond3A_102 {
          %sub3A = arith.constant 4 : i32
          %sub3A_109 = arith.subi %add3A_97, %sub3A : i32
          %dma_wait3A_110 = arith.constant 0 : i32
          %dma_wait3A_111 = tpu.memref_slice %arg4[%sub3A_109, %dma_wait3A_110] : memref<128x160xi32, #tpu.memory_space<vmem>> -> memref<1x160xi32, #tpu.memory_space<vmem>>
          %dma_wait3A_112 = tpu.memref_squeeze %dma_wait3A_111 : memref<1x160xi32, #tpu.memory_space<vmem>> -> memref<160xi32, #tpu.memory_space<vmem>>
          %dma_wait3A_113 = arith.constant 0 : i32
          %dma_wait3A_114 = tpu.memref_slice %arg7[%dma_wait3A_113] : memref<10240xf32, #tpu.memory_space<vmem_shared>> -> memref<10240xf32, #tpu.memory_space<vmem_shared>>
          tpu.wait_indirect_dma semaphore(%arg11 : memref<!tpu.dma_semaphore, #tpu.memory_space<semaphore_mem>>) src(%arg5 : memref<160xf32, #tpu.memory_space<vmem>>) dst(%dma_wait3A_114 : memref<10240xf32, #tpu.memory_space<vmem_shared>>)
        } else {
        }
        %dma_start3A_103 = arith.constant 0 : i32
        %dma_start3A_104 = tpu.memref_slice %arg4[%add3A_97, %dma_start3A_103] : memref<128x160xi32, #tpu.memory_space<vmem>> -> memref<1x160xi32, #tpu.memory_space<vmem>>
        %dma_start3A_105 = tpu.memref_squeeze %dma_start3A_104 : memref<1x160xi32, #tpu.memory_space<vmem>> -> memref<160xi32, #tpu.memory_space<vmem>>
        %dma_start3A_106 = arith.constant 0 : i32
        %dma_start3A_107 = tpu.memref_slice %arg7[%dma_start3A_106] : memref<10240xf32, #tpu.memory_space<vmem_shared>> -> memref<10240xf32, #tpu.memory_space<vmem_shared>>
        tpu.enqueue_indirect_dma source(%arg5 : memref<160xf32, #tpu.memory_space<vmem>>) target(%dma_start3A_107 : memref<10240xf32, #tpu.memory_space<vmem_shared>>) offsets(%dma_start3A_105 : memref<160xi32, #tpu.memory_space<vmem>>) semaphore(%arg11 : memref<!tpu.dma_semaphore, #tpu.memory_space<semaphore_mem>>) {add = true}
        %scan3A_108 = arith.constant 0 : i32
        scf.yield %scan3A_108 : i32
      }
      %scan3A_24 = arith.constant 32 : i32
      %dma_wait3A = arith.constant 124 : i32
      %dma_wait3A_25 = arith.constant 0 : i32
      %dma_wait3A_26 = tpu.memref_slice %arg4[%dma_wait3A, %dma_wait3A_25] : memref<128x160xi32, #tpu.memory_space<vmem>> -> memref<1x160xi32, #tpu.memory_space<vmem>>
      %dma_wait3A_27 = tpu.memref_squeeze %dma_wait3A_26 : memref<1x160xi32, #tpu.memory_space<vmem>> -> memref<160xi32, #tpu.memory_space<vmem>>
      %dma_wait3A_28 = arith.constant 0 : i32
      %dma_wait3A_29 = tpu.memref_slice %arg7[%dma_wait3A_28] : memref<10240xf32, #tpu.memory_space<vmem_shared>> -> memref<10240xf32, #tpu.memory_space<vmem_shared>>
      tpu.wait_indirect_dma semaphore(%arg8 : memref<!tpu.dma_semaphore, #tpu.memory_space<semaphore_mem>>) src(%arg5 : memref<160xf32, #tpu.memory_space<vmem>>) dst(%dma_wait3A_29 : memref<10240xf32, #tpu.memory_space<vmem_shared>>)
      %dma_wait3A_30 = arith.constant 125 : i32
      %dma_wait3A_31 = arith.constant 0 : i32
      %dma_wait3A_32 = tpu.memref_slice %arg4[%dma_wait3A_30, %dma_wait3A_31] : memref<128x160xi32, #tpu.memory_space<vmem>> -> memref<1x160xi32, #tpu.memory_space<vmem>>
      %dma_wait3A_33 = tpu.memref_squeeze %dma_wait3A_32 : memref<1x160xi32, #tpu.memory_space<vmem>> -> memref<160xi32, #tpu.memory_space<vmem>>
      %dma_wait3A_34 = arith.constant 0 : i32
      %dma_wait3A_35 = tpu.memref_slice %arg7[%dma_wait3A_34] : memref<10240xf32, #tpu.memory_space<vmem_shared>> -> memref<10240xf32, #tpu.memory_space<vmem_shared>>
      tpu.wait_indirect_dma semaphore(%arg9 : memref<!tpu.dma_semaphore, #tpu.memory_space<semaphore_mem>>) src(%arg5 : memref<160xf32, #tpu.memory_space<vmem>>) dst(%dma_wait3A_35 : memref<10240xf32, #tpu.memory_space<vmem_shared>>)
      %dma_wait3A_36 = arith.constant 126 : i32
      %dma_wait3A_37 = arith.constant 0 : i32
      %dma_wait3A_38 = tpu.memref_slice %arg4[%dma_wait3A_36, %dma_wait3A_37] : memref<128x160xi32, #tpu.memory_space<vmem>> -> memref<1x160xi32, #tpu.memory_space<vmem>>
      %dma_wait3A_39 = tpu.memref_squeeze %dma_wait3A_38 : memref<1x160xi32, #tpu.memory_space<vmem>> -> memref<160xi32, #tpu.memory_space<vmem>>
      %dma_wait3A_40 = arith.constant 0 : i32
      %dma_wait3A_41 = tpu.memref_slice %arg7[%dma_wait3A_40] : memref<10240xf32, #tpu.memory_space<vmem_shared>> -> memref<10240xf32, #tpu.memory_space<vmem_shared>>
      tpu.wait_indirect_dma semaphore(%arg10 : memref<!tpu.dma_semaphore, #tpu.memory_space<semaphore_mem>>) src(%arg5 : memref<160xf32, #tpu.memory_space<vmem>>) dst(%dma_wait3A_41 : memref<10240xf32, #tpu.memory_space<vmem_shared>>)
      %dma_wait3A_42 = arith.constant 127 : i32
      %dma_wait3A_43 = arith.constant 0 : i32
      %dma_wait3A_44 = tpu.memref_slice %arg4[%dma_wait3A_42, %dma_wait3A_43] : memref<128x160xi32, #tpu.memory_space<vmem>> -> memref<1x160xi32, #tpu.memory_space<vmem>>
      %dma_wait3A_45 = tpu.memref_squeeze %dma_wait3A_44 : memref<1x160xi32, #tpu.memory_space<vmem>> -> memref<160xi32, #tpu.memory_space<vmem>>
      %dma_wait3A_46 = arith.constant 0 : i32
      %dma_wait3A_47 = tpu.memref_slice %arg7[%dma_wait3A_46] : memref<10240xf32, #tpu.memory_space<vmem_shared>> -> memref<10240xf32, #tpu.memory_space<vmem_shared>>
      tpu.wait_indirect_dma semaphore(%arg11 : memref<!tpu.dma_semaphore, #tpu.memory_space<semaphore_mem>>) src(%arg5 : memref<160xf32, #tpu.memory_space<vmem>>) dst(%dma_wait3A_47 : memref<10240xf32, #tpu.memory_space<vmem_shared>>)
      %barrier3A_48 = arith.constant 0 : index
      tpu.barrier barrier_id(%barrier3A_48)
      %mul3A_49 = arith.constant 640 : i32
      %mul3A_50 = arith.muli %arg1, %mul3A_49 : i32
      %mul3A_51 = arith.constant 640 : i32
      %mul3A_52 = arith.muli %arg1, %mul3A_51 : i32
      "tpu.region"() ({
        %run_scoped3A_53 = tpu.sem_alloc : memref<!tpu.dma_semaphore, #tpu.memory_space<semaphore_mem>>
        %dma_start3A = tpu.memref_slice %arg3[%mul3A_52] : memref<10240xf32, #tpu.memory_space<hbm>> -> memref<640xf32, #tpu.memory_space<hbm>>
        %dma_start3A_54 = tpu.memref_slice %arg7[%mul3A_50] : memref<10240xf32, #tpu.memory_space<vmem_shared>> -> memref<640xf32, #tpu.memory_space<vmem_shared>>
        tpu.enqueue_dma source(%dma_start3A_54 : memref<640xf32, #tpu.memory_space<vmem_shared>>) target(%dma_start3A : memref<640xf32, #tpu.memory_space<hbm>>) target_semaphore(%run_scoped3A_53 : memref<!tpu.dma_semaphore, #tpu.memory_space<semaphore_mem>>)
        %dma_wait3A_55 = tpu.memref_slice %arg3[%mul3A_52] : memref<10240xf32, #tpu.memory_space<hbm>> -> memref<640xf32, #tpu.memory_space<hbm>>
        %dma_wait3A_56 = tpu.memref_slice %arg7[%mul3A_50] : memref<10240xf32, #tpu.memory_space<vmem_shared>> -> memref<640xf32, #tpu.memory_space<vmem_shared>>
        tpu.wait_dma2 semaphore(%run_scoped3A_53 : memref<!tpu.dma_semaphore, #tpu.memory_space<semaphore_mem>>) src(%dma_wait3A_56 : memref<640xf32, #tpu.memory_space<vmem_shared>>) dst(%dma_wait3A_55 : memref<640xf32, #tpu.memory_space<hbm>>)
        tpu.yield
      }) : () -> ()
    } else {
    }
    return
  }
}

#map = affine_map<(d0, d1) -> (0, 0)>
#map1 = affine_map<(d0, d1) -> (0, 0, 0)>
module attributes {stable_mosaic.version = 14 : i64} {
  func.func @_sc_agg(%arg0: i32, %arg1: i32, %arg2: memref<10240x32xf32, #tpu.memory_space<hbm>>, %arg3: memref<2x2048x160xi32, #tpu.memory_space<hbm>>, %arg4: memref<10240x32xf32, #tpu.memory_space<hbm>>, %arg5: memref<128x160xi32, #tpu.memory_space<vmem>>, %arg6: memref<128x160xi32, #tpu.memory_space<vmem>>, %arg7: memref<160x32xf32, #tpu.memory_space<vmem>>, %arg8: memref<160x32xf32, #tpu.memory_space<vmem>>, %arg9: memref<160x32xf32, #tpu.memory_space<vmem>>, %arg10: memref<160x32xf32, #tpu.memory_space<vmem>>, %arg11: memref<160x32xf32, #tpu.memory_space<vmem>>, %arg12: memref<160x32xf32, #tpu.memory_space<vmem>>, %arg13: memref<160x32xf32, #tpu.memory_space<vmem>>, %arg14: memref<160x32xf32, #tpu.memory_space<vmem>>, %arg15: memref<64x32xf32, #tpu.memory_space<vmem>>, %arg16: memref<10240x32xf32, #tpu.memory_space<vmem_shared>>, %arg17: memref<!tpu.dma_semaphore, #tpu.memory_space<semaphore_mem>>, %arg18: memref<!tpu.dma_semaphore, #tpu.memory_space<semaphore_mem>>, %arg19: memref<!tpu.dma_semaphore, #tpu.memory_space<semaphore_mem>>, %arg20: memref<!tpu.dma_semaphore, #tpu.memory_space<semaphore_mem>>, %arg21: memref<!tpu.dma_semaphore, #tpu.memory_space<semaphore_mem>>, %arg22: memref<!tpu.dma_semaphore, #tpu.memory_space<semaphore_mem>>, %arg23: memref<!tpu.dma_semaphore, #tpu.memory_space<semaphore_mem>>, %arg24: memref<!tpu.dma_semaphore, #tpu.memory_space<semaphore_mem>>, %arg25: memref<!tpu.dma_semaphore, #tpu.memory_space<semaphore_mem>>, %arg26: memref<!tpu.dma_semaphore, #tpu.memory_space<semaphore_mem>>, %arg27: memref<!tpu.dma_semaphore, #tpu.memory_space<semaphore_mem>>, %arg28: memref<!tpu.dma_semaphore, #tpu.memory_space<semaphore_mem>>, %arg29: memref<!tpu.dma_semaphore, #tpu.memory_space<semaphore_mem>>, %arg30: memref<!tpu.dma_semaphore, #tpu.memory_space<semaphore_mem>>, %arg31: memref<!tpu.dma_semaphore, #tpu.memory_space<semaphore_mem>>, %arg32: memref<!tpu.dma_semaphore, #tpu.memory_space<semaphore_mem>>) attributes {dimension_semantics = [#tpu.dimension_semantics<core_parallel>, #tpu.dimension_semantics<subcore_parallel>], iteration_bounds = array<i64: 2, 16>, scalar_prefetch = 0 : i64, scratch_operands = 28 : i64, tpu.core_type = #tpu.core_type<sc_vector_subcore>, window_params = [{transform_indices = #map}, {transform_indices = #map1}, {transform_indices = #map}]} {
    %eq3A = arith.constant 0 : i32
    %eq3A_0 = arith.cmpi eq, %arg0, %eq3A : i32
    %convert_element_type3A = arith.extui %eq3A_0 : i1 to i32
    %cond3A = arith.constant 0 : i32
    %cond3A_1 = arith.cmpi ne, %convert_element_type3A, %cond3A : i32
    scf.if %cond3A_1 {
      %mul3A = arith.constant 128 : i32
      %mul3A_2 = arith.muli %arg1, %mul3A : i32
      %run_scoped3A = arith.constant 0 : i32
      "tpu.region"() ({
        %run_scoped3A_83 = tpu.sem_alloc : memref<!tpu.dma_semaphore, #tpu.memory_space<semaphore_mem>>
        %dma_start3A_84 = arith.constant 0 : i32
        %dma_start3A_85 = tpu.memref_slice %arg3[%run_scoped3A, %mul3A_2, %dma_start3A_84] : memref<2x2048x160xi32, #tpu.memory_space<hbm>> -> memref<1x128x160xi32, #tpu.memory_space<hbm>>
        %dma_start3A_86 = tpu.memref_squeeze %dma_start3A_85 : memref<1x128x160xi32, #tpu.memory_space<hbm>> -> memref<128x160xi32, #tpu.memory_space<hbm>>
        %dma_start3A_87 = arith.constant 0 : i32
        %dma_start3A_88 = tpu.memref_slice %arg3[%run_scoped3A, %mul3A_2, %dma_start3A_87] : memref<2x2048x160xi32, #tpu.memory_space<hbm>> -> memref<1x128x160xi32, #tpu.memory_space<hbm>>
        %dma_start3A_89 = tpu.memref_squeeze %dma_start3A_88 : memref<1x128x160xi32, #tpu.memory_space<hbm>> -> memref<128x160xi32, #tpu.memory_space<hbm>>
        tpu.enqueue_dma source(%dma_start3A_89 : memref<128x160xi32, #tpu.memory_space<hbm>>) target(%arg5 : memref<128x160xi32, #tpu.memory_space<vmem>>) target_semaphore(%run_scoped3A_83 : memref<!tpu.dma_semaphore, #tpu.memory_space<semaphore_mem>>)
        %dma_wait3A_90 = arith.constant 0 : i32
        %dma_wait3A_91 = tpu.memref_slice %arg3[%run_scoped3A, %mul3A_2, %dma_wait3A_90] : memref<2x2048x160xi32, #tpu.memory_space<hbm>> -> memref<1x128x160xi32, #tpu.memory_space<hbm>>
        %dma_wait3A_92 = tpu.memref_squeeze %dma_wait3A_91 : memref<1x128x160xi32, #tpu.memory_space<hbm>> -> memref<128x160xi32, #tpu.memory_space<hbm>>
        %dma_wait3A_93 = arith.constant 0 : i32
        %dma_wait3A_94 = tpu.memref_slice %arg3[%run_scoped3A, %mul3A_2, %dma_wait3A_93] : memref<2x2048x160xi32, #tpu.memory_space<hbm>> -> memref<1x128x160xi32, #tpu.memory_space<hbm>>
        %dma_wait3A_95 = tpu.memref_squeeze %dma_wait3A_94 : memref<1x128x160xi32, #tpu.memory_space<hbm>> -> memref<128x160xi32, #tpu.memory_space<hbm>>
        tpu.wait_dma2 semaphore(%run_scoped3A_83 : memref<!tpu.dma_semaphore, #tpu.memory_space<semaphore_mem>>) src(%dma_wait3A_95 : memref<128x160xi32, #tpu.memory_space<hbm>>) dst(%arg5 : memref<128x160xi32, #tpu.memory_space<vmem>>)
        tpu.yield
      }) : () -> ()
      %run_scoped3A_3 = arith.constant 1 : i32
      "tpu.region"() ({
        %run_scoped3A_83 = tpu.sem_alloc : memref<!tpu.dma_semaphore, #tpu.memory_space<semaphore_mem>>
        %dma_start3A_84 = arith.constant 0 : i32
        %dma_start3A_85 = tpu.memref_slice %arg3[%run_scoped3A_3, %mul3A_2, %dma_start3A_84] : memref<2x2048x160xi32, #tpu.memory_space<hbm>> -> memref<1x128x160xi32, #tpu.memory_space<hbm>>
        %dma_start3A_86 = tpu.memref_squeeze %dma_start3A_85 : memref<1x128x160xi32, #tpu.memory_space<hbm>> -> memref<128x160xi32, #tpu.memory_space<hbm>>
        %dma_start3A_87 = arith.constant 0 : i32
        %dma_start3A_88 = tpu.memref_slice %arg3[%run_scoped3A_3, %mul3A_2, %dma_start3A_87] : memref<2x2048x160xi32, #tpu.memory_space<hbm>> -> memref<1x128x160xi32, #tpu.memory_space<hbm>>
        %dma_start3A_89 = tpu.memref_squeeze %dma_start3A_88 : memref<1x128x160xi32, #tpu.memory_space<hbm>> -> memref<128x160xi32, #tpu.memory_space<hbm>>
        tpu.enqueue_dma source(%dma_start3A_89 : memref<128x160xi32, #tpu.memory_space<hbm>>) target(%arg6 : memref<128x160xi32, #tpu.memory_space<vmem>>) target_semaphore(%run_scoped3A_83 : memref<!tpu.dma_semaphore, #tpu.memory_space<semaphore_mem>>)
        %dma_wait3A_90 = arith.constant 0 : i32
        %dma_wait3A_91 = tpu.memref_slice %arg3[%run_scoped3A_3, %mul3A_2, %dma_wait3A_90] : memref<2x2048x160xi32, #tpu.memory_space<hbm>> -> memref<1x128x160xi32, #tpu.memory_space<hbm>>
        %dma_wait3A_92 = tpu.memref_squeeze %dma_wait3A_91 : memref<1x128x160xi32, #tpu.memory_space<hbm>> -> memref<128x160xi32, #tpu.memory_space<hbm>>
        %dma_wait3A_93 = arith.constant 0 : i32
        %dma_wait3A_94 = tpu.memref_slice %arg3[%run_scoped3A_3, %mul3A_2, %dma_wait3A_93] : memref<2x2048x160xi32, #tpu.memory_space<hbm>> -> memref<1x128x160xi32, #tpu.memory_space<hbm>>
        %dma_wait3A_95 = tpu.memref_squeeze %dma_wait3A_94 : memref<1x128x160xi32, #tpu.memory_space<hbm>> -> memref<128x160xi32, #tpu.memory_space<hbm>>
        tpu.wait_dma2 semaphore(%run_scoped3A_83 : memref<!tpu.dma_semaphore, #tpu.memory_space<semaphore_mem>>) src(%dma_wait3A_95 : memref<128x160xi32, #tpu.memory_space<hbm>>) dst(%arg6 : memref<128x160xi32, #tpu.memory_space<vmem>>)
        tpu.yield
      }) : () -> ()
      %dma_start3A = arith.constant 0 : i32
      %dma_start3A_4 = arith.constant 0 : i32
      %dma_start3A_5 = tpu.memref_slice %arg5[%dma_start3A, %dma_start3A_4] : memref<128x160xi32, #tpu.memory_space<vmem>> -> memref<1x160xi32, #tpu.memory_space<vmem>>
      %dma_start3A_6 = tpu.memref_squeeze %dma_start3A_5 : memref<1x160xi32, #tpu.memory_space<vmem>> -> memref<160xi32, #tpu.memory_space<vmem>>
      %dma_start3A_7 = arith.constant 0 : i32
      %dma_start3A_8 = arith.constant 0 : i32
      %dma_start3A_9 = tpu.memref_slice %arg2[%dma_start3A_7, %dma_start3A_8] : memref<10240x32xf32, #tpu.memory_space<hbm>> -> memref<10240x32xf32, #tpu.memory_space<hbm>>
      tpu.enqueue_indirect_dma source(%dma_start3A_9 : memref<10240x32xf32, #tpu.memory_space<hbm>>) target(%arg7 : memref<160x32xf32, #tpu.memory_space<vmem>>) offsets(%dma_start3A_6 : memref<160xi32, #tpu.memory_space<vmem>>) semaphore(%arg17 : memref<!tpu.dma_semaphore, #tpu.memory_space<semaphore_mem>>)
      %dma_start3A_10 = arith.constant 1 : i32
      %dma_start3A_11 = arith.constant 0 : i32
      %dma_start3A_12 = tpu.memref_slice %arg5[%dma_start3A_10, %dma_start3A_11] : memref<128x160xi32, #tpu.memory_space<vmem>> -> memref<1x160xi32, #tpu.memory_space<vmem>>
      %dma_start3A_13 = tpu.memref_squeeze %dma_start3A_12 : memref<1x160xi32, #tpu.memory_space<vmem>> -> memref<160xi32, #tpu.memory_space<vmem>>
      %dma_start3A_14 = arith.constant 0 : i32
      %dma_start3A_15 = arith.constant 0 : i32
      %dma_start3A_16 = tpu.memref_slice %arg2[%dma_start3A_14, %dma_start3A_15] : memref<10240x32xf32, #tpu.memory_space<hbm>> -> memref<10240x32xf32, #tpu.memory_space<hbm>>
      tpu.enqueue_indirect_dma source(%dma_start3A_16 : memref<10240x32xf32, #tpu.memory_space<hbm>>) target(%arg8 : memref<160x32xf32, #tpu.memory_space<vmem>>) offsets(%dma_start3A_13 : memref<160xi32, #tpu.memory_space<vmem>>) semaphore(%arg18 : memref<!tpu.dma_semaphore, #tpu.memory_space<semaphore_mem>>)
      %dma_start3A_17 = arith.constant 2 : i32
      %dma_start3A_18 = arith.constant 0 : i32
      %dma_start3A_19 = tpu.memref_slice %arg5[%dma_start3A_17, %dma_start3A_18] : memref<128x160xi32, #tpu.memory_space<vmem>> -> memref<1x160xi32, #tpu.memory_space<vmem>>
      %dma_start3A_20 = tpu.memref_squeeze %dma_start3A_19 : memref<1x160xi32, #tpu.memory_space<vmem>> -> memref<160xi32, #tpu.memory_space<vmem>>
      %dma_start3A_21 = arith.constant 0 : i32
      %dma_start3A_22 = arith.constant 0 : i32
      %dma_start3A_23 = tpu.memref_slice %arg2[%dma_start3A_21, %dma_start3A_22] : memref<10240x32xf32, #tpu.memory_space<hbm>> -> memref<10240x32xf32, #tpu.memory_space<hbm>>
      tpu.enqueue_indirect_dma source(%dma_start3A_23 : memref<10240x32xf32, #tpu.memory_space<hbm>>) target(%arg9 : memref<160x32xf32, #tpu.memory_space<vmem>>) offsets(%dma_start3A_20 : memref<160xi32, #tpu.memory_space<vmem>>) semaphore(%arg19 : memref<!tpu.dma_semaphore, #tpu.memory_space<semaphore_mem>>)
      %dma_start3A_24 = arith.constant 3 : i32
      %dma_start3A_25 = arith.constant 0 : i32
      %dma_start3A_26 = tpu.memref_slice %arg5[%dma_start3A_24, %dma_start3A_25] : memref<128x160xi32, #tpu.memory_space<vmem>> -> memref<1x160xi32, #tpu.memory_space<vmem>>
      %dma_start3A_27 = tpu.memref_squeeze %dma_start3A_26 : memref<1x160xi32, #tpu.memory_space<vmem>> -> memref<160xi32, #tpu.memory_space<vmem>>
      %dma_start3A_28 = arith.constant 0 : i32
      %dma_start3A_29 = arith.constant 0 : i32
      %dma_start3A_30 = tpu.memref_slice %arg2[%dma_start3A_28, %dma_start3A_29] : memref<10240x32xf32, #tpu.memory_space<hbm>> -> memref<10240x32xf32, #tpu.memory_space<hbm>>
      tpu.enqueue_indirect_dma source(%dma_start3A_30 : memref<10240x32xf32, #tpu.memory_space<hbm>>) target(%arg10 : memref<160x32xf32, #tpu.memory_space<vmem>>) offsets(%dma_start3A_27 : memref<160xi32, #tpu.memory_space<vmem>>) semaphore(%arg20 : memref<!tpu.dma_semaphore, #tpu.memory_space<semaphore_mem>>)
      %scan3A = arith.constant 0 : i32
      %scan3A_31 = arith.constant 0 : i32
      %scan3A_32 = arith.constant 64 : i32
      %scan3A_33 = arith.addi %scan3A_31, %scan3A_32 : i32
      %scan3A_34 = arith.constant 1 : i32
      %scan3A_35 = scf.for %scan3A_83 = %scan3A_31 to %scan3A_33 step %scan3A_34 iter_args(%scan3A_84 = %scan3A) -> (i32)  : i32 {
        %broadcast_in_dim3A = arith.constant 0.000000e+00 : f32
        %broadcast_in_dim3A_85 = vector.broadcast %broadcast_in_dim3A : f32 to vector<16xf32>
        %swap3A = arith.index_cast %scan3A_83 : i32 to index
        %swap3A_86 = arith.constant 0 : index
        %swap3A_87 = tpu.vector_load %arg15[%swap3A, %swap3A_86] {strides = array<i32>} : memref<64x32xf32, #tpu.memory_space<vmem>>, vector<1x16xf32>,
        %swap3A_88 = vector.shape_cast %swap3A_87 : vector<1x16xf32> to vector<16xf32>
        %swap3A_89 = vector.shape_cast %broadcast_in_dim3A_85 : vector<16xf32> to vector<1x16xf32>
        tpu.vector_store %arg15[%swap3A, %swap3A_86], %swap3A_89 {strides = array<i32>} : memref<64x32xf32, #tpu.memory_space<vmem>>, vector<1x16xf32>,
        %broadcast_in_dim3A_90 = arith.constant 0.000000e+00 : f32
        %broadcast_in_dim3A_91 = vector.broadcast %broadcast_in_dim3A_90 : f32 to vector<16xf32>
        %swap3A_92 = arith.index_cast %scan3A_83 : i32 to index
        %swap3A_93 = arith.constant 16 : index
        %swap3A_94 = tpu.vector_load %arg15[%swap3A_92, %swap3A_93] {strides = array<i32>} : memref<64x32xf32, #tpu.memory_space<vmem>>, vector<1x16xf32>,
        %swap3A_95 = vector.shape_cast %swap3A_94 : vector<1x16xf32> to vector<16xf32>
        %swap3A_96 = vector.shape_cast %broadcast_in_dim3A_91 : vector<16xf32> to vector<1x16xf32>
        tpu.vector_store %arg15[%swap3A_92, %swap3A_93], %swap3A_96 {strides = array<i32>} : memref<64x32xf32, #tpu.memory_space<vmem>>, vector<1x16xf32>,
        %scan3A_97 = arith.constant 0 : i32
        scf.yield %scan3A_97 : i32
      }
      %scan3A_36 = arith.constant 64 : i32
      %scan3A_37 = arith.constant 0 : i32
      %scan3A_38 = arith.constant 0 : i32
      %scan3A_39 = arith.constant 10 : i32
      %scan3A_40 = arith.addi %scan3A_38, %scan3A_39 : i32
      %scan3A_41 = arith.constant 1 : i32
      %scan3A_42 = scf.for %scan3A_83 = %scan3A_38 to %scan3A_40 step %scan3A_41 iter_args(%scan3A_84 = %scan3A_37) -> (i32)  : i32 {
        %mul3A_85 = arith.constant 640 : i32
        %mul3A_86 = arith.muli %arg1, %mul3A_85 : i32
        %mul3A_87 = arith.constant 64 : i32
        %mul3A_88 = arith.muli %scan3A_83, %mul3A_87 : i32
        %add3A = arith.addi %mul3A_86, %mul3A_88 : i32
        "tpu.region"() ({
          %run_scoped3A_90 = tpu.sem_alloc : memref<!tpu.dma_semaphore, #tpu.memory_space<semaphore_mem>>
          %dma_start3A_91 = arith.constant 0 : i32
          %dma_start3A_92 = tpu.memref_slice %arg16[%add3A, %dma_start3A_91] : memref<10240x32xf32, #tpu.memory_space<vmem_shared>> -> memref<64x32xf32, #tpu.memory_space<vmem_shared>>
          %dma_start3A_93 = arith.constant 0 : i32
          %dma_start3A_94 = tpu.memref_slice %arg16[%add3A, %dma_start3A_93] : memref<10240x32xf32, #tpu.memory_space<vmem_shared>> -> memref<64x32xf32, #tpu.memory_space<vmem_shared>>
          tpu.enqueue_dma source(%arg15 : memref<64x32xf32, #tpu.memory_space<vmem>>) target(%dma_start3A_94 : memref<64x32xf32, #tpu.memory_space<vmem_shared>>) target_semaphore(%run_scoped3A_90 : memref<!tpu.dma_semaphore, #tpu.memory_space<semaphore_mem>>)
          %dma_wait3A_95 = arith.constant 0 : i32
          %dma_wait3A_96 = tpu.memref_slice %arg16[%add3A, %dma_wait3A_95] : memref<10240x32xf32, #tpu.memory_space<vmem_shared>> -> memref<64x32xf32, #tpu.memory_space<vmem_shared>>
          %dma_wait3A_97 = arith.constant 0 : i32
          %dma_wait3A_98 = tpu.memref_slice %arg16[%add3A, %dma_wait3A_97] : memref<10240x32xf32, #tpu.memory_space<vmem_shared>> -> memref<64x32xf32, #tpu.memory_space<vmem_shared>>
          tpu.wait_dma2 semaphore(%run_scoped3A_90 : memref<!tpu.dma_semaphore, #tpu.memory_space<semaphore_mem>>) src(%arg15 : memref<64x32xf32, #tpu.memory_space<vmem>>) dst(%dma_wait3A_98 : memref<64x32xf32, #tpu.memory_space<vmem_shared>>)
          tpu.yield
        }) : () -> ()
        %scan3A_89 = arith.constant 0 : i32
        scf.yield %scan3A_89 : i32
      }
      %scan3A_43 = arith.constant 10 : i32
      %barrier3A = arith.constant 0 : index
      tpu.barrier barrier_id(%barrier3A)
      %scan3A_44 = arith.constant 0 : i32
      %scan3A_45 = arith.constant 0 : i32
      %scan3A_46 = arith.constant 16 : i32
      %scan3A_47 = arith.addi %scan3A_45, %scan3A_46 : i32
      %scan3A_48 = arith.constant 1 : i32
      %scan3A_49 = scf.for %scan3A_83 = %scan3A_45 to %scan3A_47 step %scan3A_48 iter_args(%scan3A_84 = %scan3A_44) -> (i32)  : i32 {
        %mul3A_85 = arith.constant 8 : i32
        %mul3A_86 = arith.muli %scan3A_83, %mul3A_85 : i32
        %add3A = arith.constant 0 : i32
        %add3A_87 = arith.addi %mul3A_86, %add3A : i32
        %ge3A = arith.constant 4 : i32
        %ge3A_88 = arith.cmpi sge, %add3A_87, %ge3A : i32
        %convert_element_type3A_89 = arith.extui %ge3A_88 : i1 to i32
        %cond3A_90 = arith.constant 0 : i32
        %cond3A_91 = arith.cmpi ne, %convert_element_type3A_89, %cond3A_90 : i32
        scf.if %cond3A_91 {
          %sub3A = arith.constant 4 : i32
          %sub3A_307 = arith.subi %add3A_87, %sub3A : i32
          %dma_wait3A_308 = arith.constant 0 : i32
          %dma_wait3A_309 = tpu.memref_slice %arg6[%sub3A_307, %dma_wait3A_308] : memref<128x160xi32, #tpu.memory_space<vmem>> -> memref<1x160xi32, #tpu.memory_space<vmem>>
          %dma_wait3A_310 = tpu.memref_squeeze %dma_wait3A_309 : memref<1x160xi32, #tpu.memory_space<vmem>> -> memref<160xi32, #tpu.memory_space<vmem>>
          %dma_wait3A_311 = arith.constant 0 : i32
          %dma_wait3A_312 = arith.constant 0 : i32
          %dma_wait3A_313 = tpu.memref_slice %arg16[%dma_wait3A_311, %dma_wait3A_312] : memref<10240x32xf32, #tpu.memory_space<vmem_shared>> -> memref<10240x32xf32, #tpu.memory_space<vmem_shared>>
          tpu.wait_indirect_dma semaphore(%arg29 : memref<!tpu.dma_semaphore, #tpu.memory_space<semaphore_mem>>) src(%arg11 : memref<160x32xf32, #tpu.memory_space<vmem>>) dst(%dma_wait3A_313 : memref<10240x32xf32, #tpu.memory_space<vmem_shared>>)
        } else {
        }
        %add3A_92 = arith.constant 4 : i32
        %add3A_93 = arith.addi %add3A_87, %add3A_92 : i32
        %lt3A = arith.constant 128 : i32
        %lt3A_94 = arith.cmpi slt, %add3A_93, %lt3A : i32
        %convert_element_type3A_95 = arith.extui %lt3A_94 : i1 to i32
        %cond3A_96 = arith.constant 0 : i32
        %cond3A_97 = arith.cmpi ne, %convert_element_type3A_95, %cond3A_96 : i32
        scf.if %cond3A_97 {
          %add3A_307 = arith.constant 4 : i32
          %add3A_308 = arith.addi %add3A_87, %add3A_307 : i32
          %dma_start3A_309 = arith.constant 0 : i32
          %dma_start3A_310 = tpu.memref_slice %arg5[%add3A_308, %dma_start3A_309] : memref<128x160xi32, #tpu.memory_space<vmem>> -> memref<1x160xi32, #tpu.memory_space<vmem>>
          %dma_start3A_311 = tpu.memref_squeeze %dma_start3A_310 : memref<1x160xi32, #tpu.memory_space<vmem>> -> memref<160xi32, #tpu.memory_space<vmem>>
          %dma_start3A_312 = arith.constant 0 : i32
          %dma_start3A_313 = arith.constant 0 : i32
          %dma_start3A_314 = tpu.memref_slice %arg2[%dma_start3A_312, %dma_start3A_313] : memref<10240x32xf32, #tpu.memory_space<hbm>> -> memref<10240x32xf32, #tpu.memory_space<hbm>>
          tpu.enqueue_indirect_dma source(%dma_start3A_314 : memref<10240x32xf32, #tpu.memory_space<hbm>>) target(%arg11 : memref<160x32xf32, #tpu.memory_space<vmem>>) offsets(%dma_start3A_311 : memref<160xi32, #tpu.memory_space<vmem>>) semaphore(%arg21 : memref<!tpu.dma_semaphore, #tpu.memory_space<semaphore_mem>>)
        } else {
        }
        %dma_wait3A_98 = arith.constant 0 : i32
        %dma_wait3A_99 = tpu.memref_slice %arg5[%add3A_87, %dma_wait3A_98] : memref<128x160xi32, #tpu.memory_space<vmem>> -> memref<1x160xi32, #tpu.memory_space<vmem>>
        %dma_wait3A_100 = tpu.memref_squeeze %dma_wait3A_99 : memref<1x160xi32, #tpu.memory_space<vmem>> -> memref<160xi32, #tpu.memory_space<vmem>>
        %dma_wait3A_101 = arith.constant 0 : i32
        %dma_wait3A_102 = arith.constant 0 : i32
        %dma_wait3A_103 = tpu.memref_slice %arg2[%dma_wait3A_101, %dma_wait3A_102] : memref<10240x32xf32, #tpu.memory_space<hbm>> -> memref<10240x32xf32, #tpu.memory_space<hbm>>
        tpu.wait_indirect_dma semaphore(%arg17 : memref<!tpu.dma_semaphore, #tpu.memory_space<semaphore_mem>>) src(%dma_wait3A_103 : memref<10240x32xf32, #tpu.memory_space<hbm>>) dst(%arg7 : memref<160x32xf32, #tpu.memory_space<vmem>>)
        %dma_start3A_104 = arith.constant 0 : i32
        %dma_start3A_105 = tpu.memref_slice %arg6[%add3A_87, %dma_start3A_104] : memref<128x160xi32, #tpu.memory_space<vmem>> -> memref<1x160xi32, #tpu.memory_space<vmem>>
        %dma_start3A_106 = tpu.memref_squeeze %dma_start3A_105 : memref<1x160xi32, #tpu.memory_space<vmem>> -> memref<160xi32, #tpu.memory_space<vmem>>
        %dma_start3A_107 = arith.constant 0 : i32
        %dma_start3A_108 = arith.constant 0 : i32
        %dma_start3A_109 = tpu.memref_slice %arg16[%dma_start3A_107, %dma_start3A_108] : memref<10240x32xf32, #tpu.memory_space<vmem_shared>> -> memref<10240x32xf32, #tpu.memory_space<vmem_shared>>
        tpu.enqueue_indirect_dma source(%arg7 : memref<160x32xf32, #tpu.memory_space<vmem>>) target(%dma_start3A_109 : memref<10240x32xf32, #tpu.memory_space<vmem_shared>>) offsets(%dma_start3A_106 : memref<160xi32, #tpu.memory_space<vmem>>) semaphore(%arg25 : memref<!tpu.dma_semaphore, #tpu.memory_space<semaphore_mem>>) {add = true}
        %mul3A_110 = arith.constant 8 : i32
        %mul3A_111 = arith.muli %scan3A_83, %mul3A_110 : i32
        %add3A_112 = arith.constant 1 : i32
        %add3A_113 = arith.addi %mul3A_111, %add3A_112 : i32
        %ge3A_114 = arith.constant 4 : i32
        %ge3A_115 = arith.cmpi sge, %add3A_113, %ge3A_114 : i32
        %convert_element_type3A_116 = arith.extui %ge3A_115 : i1 to i32
        %cond3A_117 = arith.constant 0 : i32
        %cond3A_118 = arith.cmpi ne, %convert_element_type3A_116, %cond3A_117 : i32
        scf.if %cond3A_118 {
          %sub3A = arith.constant 4 : i32
          %sub3A_307 = arith.subi %add3A_113, %sub3A : i32
          %dma_wait3A_308 = arith.constant 0 : i32
          %dma_wait3A_309 = tpu.memref_slice %arg6[%sub3A_307, %dma_wait3A_308] : memref<128x160xi32, #tpu.memory_space<vmem>> -> memref<1x160xi32, #tpu.memory_space<vmem>>
          %dma_wait3A_310 = tpu.memref_squeeze %dma_wait3A_309 : memref<1x160xi32, #tpu.memory_space<vmem>> -> memref<160xi32, #tpu.memory_space<vmem>>
          %dma_wait3A_311 = arith.constant 0 : i32
          %dma_wait3A_312 = arith.constant 0 : i32
          %dma_wait3A_313 = tpu.memref_slice %arg16[%dma_wait3A_311, %dma_wait3A_312] : memref<10240x32xf32, #tpu.memory_space<vmem_shared>> -> memref<10240x32xf32, #tpu.memory_space<vmem_shared>>
          tpu.wait_indirect_dma semaphore(%arg30 : memref<!tpu.dma_semaphore, #tpu.memory_space<semaphore_mem>>) src(%arg12 : memref<160x32xf32, #tpu.memory_space<vmem>>) dst(%dma_wait3A_313 : memref<10240x32xf32, #tpu.memory_space<vmem_shared>>)
        } else {
        }
        %add3A_119 = arith.constant 4 : i32
        %add3A_120 = arith.addi %add3A_113, %add3A_119 : i32
        %lt3A_121 = arith.constant 128 : i32
        %lt3A_122 = arith.cmpi slt, %add3A_120, %lt3A_121 : i32
        %convert_element_type3A_123 = arith.extui %lt3A_122 : i1 to i32
        %cond3A_124 = arith.constant 0 : i32
        %cond3A_125 = arith.cmpi ne, %convert_element_type3A_123, %cond3A_124 : i32
        scf.if %cond3A_125 {
          %add3A_307 = arith.constant 4 : i32
          %add3A_308 = arith.addi %add3A_113, %add3A_307 : i32
          %dma_start3A_309 = arith.constant 0 : i32
          %dma_start3A_310 = tpu.memref_slice %arg5[%add3A_308, %dma_start3A_309] : memref<128x160xi32, #tpu.memory_space<vmem>> -> memref<1x160xi32, #tpu.memory_space<vmem>>
          %dma_start3A_311 = tpu.memref_squeeze %dma_start3A_310 : memref<1x160xi32, #tpu.memory_space<vmem>> -> memref<160xi32, #tpu.memory_space<vmem>>
          %dma_start3A_312 = arith.constant 0 : i32
          %dma_start3A_313 = arith.constant 0 : i32
          %dma_start3A_314 = tpu.memref_slice %arg2[%dma_start3A_312, %dma_start3A_313] : memref<10240x32xf32, #tpu.memory_space<hbm>> -> memref<10240x32xf32, #tpu.memory_space<hbm>>
          tpu.enqueue_indirect_dma source(%dma_start3A_314 : memref<10240x32xf32, #tpu.memory_space<hbm>>) target(%arg12 : memref<160x32xf32, #tpu.memory_space<vmem>>) offsets(%dma_start3A_311 : memref<160xi32, #tpu.memory_space<vmem>>) semaphore(%arg22 : memref<!tpu.dma_semaphore, #tpu.memory_space<semaphore_mem>>)
        } else {
        }
        %dma_wait3A_126 = arith.constant 0 : i32
        %dma_wait3A_127 = tpu.memref_slice %arg5[%add3A_113, %dma_wait3A_126] : memref<128x160xi32, #tpu.memory_space<vmem>> -> memref<1x160xi32, #tpu.memory_space<vmem>>
        %dma_wait3A_128 = tpu.memref_squeeze %dma_wait3A_127 : memref<1x160xi32, #tpu.memory_space<vmem>> -> memref<160xi32, #tpu.memory_space<vmem>>
        %dma_wait3A_129 = arith.constant 0 : i32
        %dma_wait3A_130 = arith.constant 0 : i32
        %dma_wait3A_131 = tpu.memref_slice %arg2[%dma_wait3A_129, %dma_wait3A_130] : memref<10240x32xf32, #tpu.memory_space<hbm>> -> memref<10240x32xf32, #tpu.memory_space<hbm>>
        tpu.wait_indirect_dma semaphore(%arg18 : memref<!tpu.dma_semaphore, #tpu.memory_space<semaphore_mem>>) src(%dma_wait3A_131 : memref<10240x32xf32, #tpu.memory_space<hbm>>) dst(%arg8 : memref<160x32xf32, #tpu.memory_space<vmem>>)
        %dma_start3A_132 = arith.constant 0 : i32
        %dma_start3A_133 = tpu.memref_slice %arg6[%add3A_113, %dma_start3A_132] : memref<128x160xi32, #tpu.memory_space<vmem>> -> memref<1x160xi32, #tpu.memory_space<vmem>>
        %dma_start3A_134 = tpu.memref_squeeze %dma_start3A_133 : memref<1x160xi32, #tpu.memory_space<vmem>> -> memref<160xi32, #tpu.memory_space<vmem>>
        %dma_start3A_135 = arith.constant 0 : i32
        %dma_start3A_136 = arith.constant 0 : i32
        %dma_start3A_137 = tpu.memref_slice %arg16[%dma_start3A_135, %dma_start3A_136] : memref<10240x32xf32, #tpu.memory_space<vmem_shared>> -> memref<10240x32xf32, #tpu.memory_space<vmem_shared>>
        tpu.enqueue_indirect_dma source(%arg8 : memref<160x32xf32, #tpu.memory_space<vmem>>) target(%dma_start3A_137 : memref<10240x32xf32, #tpu.memory_space<vmem_shared>>) offsets(%dma_start3A_134 : memref<160xi32, #tpu.memory_space<vmem>>) semaphore(%arg26 : memref<!tpu.dma_semaphore, #tpu.memory_space<semaphore_mem>>) {add = true}
        %mul3A_138 = arith.constant 8 : i32
        %mul3A_139 = arith.muli %scan3A_83, %mul3A_138 : i32
        %add3A_140 = arith.constant 2 : i32
        %add3A_141 = arith.addi %mul3A_139, %add3A_140 : i32
        %ge3A_142 = arith.constant 4 : i32
        %ge3A_143 = arith.cmpi sge, %add3A_141, %ge3A_142 : i32
        %convert_element_type3A_144 = arith.extui %ge3A_143 : i1 to i32
        %cond3A_145 = arith.constant 0 : i32
        %cond3A_146 = arith.cmpi ne, %convert_element_type3A_144, %cond3A_145 : i32
        scf.if %cond3A_146 {
          %sub3A = arith.constant 4 : i32
          %sub3A_307 = arith.subi %add3A_141, %sub3A : i32
          %dma_wait3A_308 = arith.constant 0 : i32
          %dma_wait3A_309 = tpu.memref_slice %arg6[%sub3A_307, %dma_wait3A_308] : memref<128x160xi32, #tpu.memory_space<vmem>> -> memref<1x160xi32, #tpu.memory_space<vmem>>
          %dma_wait3A_310 = tpu.memref_squeeze %dma_wait3A_309 : memref<1x160xi32, #tpu.memory_space<vmem>> -> memref<160xi32, #tpu.memory_space<vmem>>
          %dma_wait3A_311 = arith.constant 0 : i32
          %dma_wait3A_312 = arith.constant 0 : i32
          %dma_wait3A_313 = tpu.memref_slice %arg16[%dma_wait3A_311, %dma_wait3A_312] : memref<10240x32xf32, #tpu.memory_space<vmem_shared>> -> memref<10240x32xf32, #tpu.memory_space<vmem_shared>>
          tpu.wait_indirect_dma semaphore(%arg31 : memref<!tpu.dma_semaphore, #tpu.memory_space<semaphore_mem>>) src(%arg13 : memref<160x32xf32, #tpu.memory_space<vmem>>) dst(%dma_wait3A_313 : memref<10240x32xf32, #tpu.memory_space<vmem_shared>>)
        } else {
        }
        %add3A_147 = arith.constant 4 : i32
        %add3A_148 = arith.addi %add3A_141, %add3A_147 : i32
        %lt3A_149 = arith.constant 128 : i32
        %lt3A_150 = arith.cmpi slt, %add3A_148, %lt3A_149 : i32
        %convert_element_type3A_151 = arith.extui %lt3A_150 : i1 to i32
        %cond3A_152 = arith.constant 0 : i32
        %cond3A_153 = arith.cmpi ne, %convert_element_type3A_151, %cond3A_152 : i32
        scf.if %cond3A_153 {
          %add3A_307 = arith.constant 4 : i32
          %add3A_308 = arith.addi %add3A_141, %add3A_307 : i32
          %dma_start3A_309 = arith.constant 0 : i32
          %dma_start3A_310 = tpu.memref_slice %arg5[%add3A_308, %dma_start3A_309] : memref<128x160xi32, #tpu.memory_space<vmem>> -> memref<1x160xi32, #tpu.memory_space<vmem>>
          %dma_start3A_311 = tpu.memref_squeeze %dma_start3A_310 : memref<1x160xi32, #tpu.memory_space<vmem>> -> memref<160xi32, #tpu.memory_space<vmem>>
          %dma_start3A_312 = arith.constant 0 : i32
          %dma_start3A_313 = arith.constant 0 : i32
          %dma_start3A_314 = tpu.memref_slice %arg2[%dma_start3A_312, %dma_start3A_313] : memref<10240x32xf32, #tpu.memory_space<hbm>> -> memref<10240x32xf32, #tpu.memory_space<hbm>>
          tpu.enqueue_indirect_dma source(%dma_start3A_314 : memref<10240x32xf32, #tpu.memory_space<hbm>>) target(%arg13 : memref<160x32xf32, #tpu.memory_space<vmem>>) offsets(%dma_start3A_311 : memref<160xi32, #tpu.memory_space<vmem>>) semaphore(%arg23 : memref<!tpu.dma_semaphore, #tpu.memory_space<semaphore_mem>>)
        } else {
        }
        %dma_wait3A_154 = arith.constant 0 : i32
        %dma_wait3A_155 = tpu.memref_slice %arg5[%add3A_141, %dma_wait3A_154] : memref<128x160xi32, #tpu.memory_space<vmem>> -> memref<1x160xi32, #tpu.memory_space<vmem>>
        %dma_wait3A_156 = tpu.memref_squeeze %dma_wait3A_155 : memref<1x160xi32, #tpu.memory_space<vmem>> -> memref<160xi32, #tpu.memory_space<vmem>>
        %dma_wait3A_157 = arith.constant 0 : i32
        %dma_wait3A_158 = arith.constant 0 : i32
        %dma_wait3A_159 = tpu.memref_slice %arg2[%dma_wait3A_157, %dma_wait3A_158] : memref<10240x32xf32, #tpu.memory_space<hbm>> -> memref<10240x32xf32, #tpu.memory_space<hbm>>
        tpu.wait_indirect_dma semaphore(%arg19 : memref<!tpu.dma_semaphore, #tpu.memory_space<semaphore_mem>>) src(%dma_wait3A_159 : memref<10240x32xf32, #tpu.memory_space<hbm>>) dst(%arg9 : memref<160x32xf32, #tpu.memory_space<vmem>>)
        %dma_start3A_160 = arith.constant 0 : i32
        %dma_start3A_161 = tpu.memref_slice %arg6[%add3A_141, %dma_start3A_160] : memref<128x160xi32, #tpu.memory_space<vmem>> -> memref<1x160xi32, #tpu.memory_space<vmem>>
        %dma_start3A_162 = tpu.memref_squeeze %dma_start3A_161 : memref<1x160xi32, #tpu.memory_space<vmem>> -> memref<160xi32, #tpu.memory_space<vmem>>
        %dma_start3A_163 = arith.constant 0 : i32
        %dma_start3A_164 = arith.constant 0 : i32
        %dma_start3A_165 = tpu.memref_slice %arg16[%dma_start3A_163, %dma_start3A_164] : memref<10240x32xf32, #tpu.memory_space<vmem_shared>> -> memref<10240x32xf32, #tpu.memory_space<vmem_shared>>
        tpu.enqueue_indirect_dma source(%arg9 : memref<160x32xf32, #tpu.memory_space<vmem>>) target(%dma_start3A_165 : memref<10240x32xf32, #tpu.memory_space<vmem_shared>>) offsets(%dma_start3A_162 : memref<160xi32, #tpu.memory_space<vmem>>) semaphore(%arg27 : memref<!tpu.dma_semaphore, #tpu.memory_space<semaphore_mem>>) {add = true}
        %mul3A_166 = arith.constant 8 : i32
        %mul3A_167 = arith.muli %scan3A_83, %mul3A_166 : i32
        %add3A_168 = arith.constant 3 : i32
        %add3A_169 = arith.addi %mul3A_167, %add3A_168 : i32
        %ge3A_170 = arith.constant 4 : i32
        %ge3A_171 = arith.cmpi sge, %add3A_169, %ge3A_170 : i32
        %convert_element_type3A_172 = arith.extui %ge3A_171 : i1 to i32
        %cond3A_173 = arith.constant 0 : i32
        %cond3A_174 = arith.cmpi ne, %convert_element_type3A_172, %cond3A_173 : i32
        scf.if %cond3A_174 {
          %sub3A = arith.constant 4 : i32
          %sub3A_307 = arith.subi %add3A_169, %sub3A : i32
          %dma_wait3A_308 = arith.constant 0 : i32
          %dma_wait3A_309 = tpu.memref_slice %arg6[%sub3A_307, %dma_wait3A_308] : memref<128x160xi32, #tpu.memory_space<vmem>> -> memref<1x160xi32, #tpu.memory_space<vmem>>
          %dma_wait3A_310 = tpu.memref_squeeze %dma_wait3A_309 : memref<1x160xi32, #tpu.memory_space<vmem>> -> memref<160xi32, #tpu.memory_space<vmem>>
          %dma_wait3A_311 = arith.constant 0 : i32
          %dma_wait3A_312 = arith.constant 0 : i32
          %dma_wait3A_313 = tpu.memref_slice %arg16[%dma_wait3A_311, %dma_wait3A_312] : memref<10240x32xf32, #tpu.memory_space<vmem_shared>> -> memref<10240x32xf32, #tpu.memory_space<vmem_shared>>
          tpu.wait_indirect_dma semaphore(%arg32 : memref<!tpu.dma_semaphore, #tpu.memory_space<semaphore_mem>>) src(%arg14 : memref<160x32xf32, #tpu.memory_space<vmem>>) dst(%dma_wait3A_313 : memref<10240x32xf32, #tpu.memory_space<vmem_shared>>)
        } else {
        }
        %add3A_175 = arith.constant 4 : i32
        %add3A_176 = arith.addi %add3A_169, %add3A_175 : i32
        %lt3A_177 = arith.constant 128 : i32
        %lt3A_178 = arith.cmpi slt, %add3A_176, %lt3A_177 : i32
        %convert_element_type3A_179 = arith.extui %lt3A_178 : i1 to i32
        %cond3A_180 = arith.constant 0 : i32
        %cond3A_181 = arith.cmpi ne, %convert_element_type3A_179, %cond3A_180 : i32
        scf.if %cond3A_181 {
          %add3A_307 = arith.constant 4 : i32
          %add3A_308 = arith.addi %add3A_169, %add3A_307 : i32
          %dma_start3A_309 = arith.constant 0 : i32
          %dma_start3A_310 = tpu.memref_slice %arg5[%add3A_308, %dma_start3A_309] : memref<128x160xi32, #tpu.memory_space<vmem>> -> memref<1x160xi32, #tpu.memory_space<vmem>>
          %dma_start3A_311 = tpu.memref_squeeze %dma_start3A_310 : memref<1x160xi32, #tpu.memory_space<vmem>> -> memref<160xi32, #tpu.memory_space<vmem>>
          %dma_start3A_312 = arith.constant 0 : i32
          %dma_start3A_313 = arith.constant 0 : i32
          %dma_start3A_314 = tpu.memref_slice %arg2[%dma_start3A_312, %dma_start3A_313] : memref<10240x32xf32, #tpu.memory_space<hbm>> -> memref<10240x32xf32, #tpu.memory_space<hbm>>
          tpu.enqueue_indirect_dma source(%dma_start3A_314 : memref<10240x32xf32, #tpu.memory_space<hbm>>) target(%arg14 : memref<160x32xf32, #tpu.memory_space<vmem>>) offsets(%dma_start3A_311 : memref<160xi32, #tpu.memory_space<vmem>>) semaphore(%arg24 : memref<!tpu.dma_semaphore, #tpu.memory_space<semaphore_mem>>)
        } else {
        }
        %dma_wait3A_182 = arith.constant 0 : i32
        %dma_wait3A_183 = tpu.memref_slice %arg5[%add3A_169, %dma_wait3A_182] : memref<128x160xi32, #tpu.memory_space<vmem>> -> memref<1x160xi32, #tpu.memory_space<vmem>>
        %dma_wait3A_184 = tpu.memref_squeeze %dma_wait3A_183 : memref<1x160xi32, #tpu.memory_space<vmem>> -> memref<160xi32, #tpu.memory_space<vmem>>
        %dma_wait3A_185 = arith.constant 0 : i32
        %dma_wait3A_186 = arith.constant 0 : i32
        %dma_wait3A_187 = tpu.memref_slice %arg2[%dma_wait3A_185, %dma_wait3A_186] : memref<10240x32xf32, #tpu.memory_space<hbm>> -> memref<10240x32xf32, #tpu.memory_space<hbm>>
        tpu.wait_indirect_dma semaphore(%arg20 : memref<!tpu.dma_semaphore, #tpu.memory_space<semaphore_mem>>) src(%dma_wait3A_187 : memref<10240x32xf32, #tpu.memory_space<hbm>>) dst(%arg10 : memref<160x32xf32, #tpu.memory_space<vmem>>)
        %dma_start3A_188 = arith.constant 0 : i32
        %dma_start3A_189 = tpu.memref_slice %arg6[%add3A_169, %dma_start3A_188] : memref<128x160xi32, #tpu.memory_space<vmem>> -> memref<1x160xi32, #tpu.memory_space<vmem>>
        %dma_start3A_190 = tpu.memref_squeeze %dma_start3A_189 : memref<1x160xi32, #tpu.memory_space<vmem>> -> memref<160xi32, #tpu.memory_space<vmem>>
        %dma_start3A_191 = arith.constant 0 : i32
        %dma_start3A_192 = arith.constant 0 : i32
        %dma_start3A_193 = tpu.memref_slice %arg16[%dma_start3A_191, %dma_start3A_192] : memref<10240x32xf32, #tpu.memory_space<vmem_shared>> -> memref<10240x32xf32, #tpu.memory_space<vmem_shared>>
        tpu.enqueue_indirect_dma source(%arg10 : memref<160x32xf32, #tpu.memory_space<vmem>>) target(%dma_start3A_193 : memref<10240x32xf32, #tpu.memory_space<vmem_shared>>) offsets(%dma_start3A_190 : memref<160xi32, #tpu.memory_space<vmem>>) semaphore(%arg28 : memref<!tpu.dma_semaphore, #tpu.memory_space<semaphore_mem>>) {add = true}
        %mul3A_194 = arith.constant 8 : i32
        %mul3A_195 = arith.muli %scan3A_83, %mul3A_194 : i32
        %add3A_196 = arith.constant 4 : i32
        %add3A_197 = arith.addi %mul3A_195, %add3A_196 : i32
        %ge3A_198 = arith.constant 4 : i32
        %ge3A_199 = arith.cmpi sge, %add3A_197, %ge3A_198 : i32
        %convert_element_type3A_200 = arith.extui %ge3A_199 : i1 to i32
        %cond3A_201 = arith.constant 0 : i32
        %cond3A_202 = arith.cmpi ne, %convert_element_type3A_200, %cond3A_201 : i32
        scf.if %cond3A_202 {
          %sub3A = arith.constant 4 : i32
          %sub3A_307 = arith.subi %add3A_197, %sub3A : i32
          %dma_wait3A_308 = arith.constant 0 : i32
          %dma_wait3A_309 = tpu.memref_slice %arg6[%sub3A_307, %dma_wait3A_308] : memref<128x160xi32, #tpu.memory_space<vmem>> -> memref<1x160xi32, #tpu.memory_space<vmem>>
          %dma_wait3A_310 = tpu.memref_squeeze %dma_wait3A_309 : memref<1x160xi32, #tpu.memory_space<vmem>> -> memref<160xi32, #tpu.memory_space<vmem>>
          %dma_wait3A_311 = arith.constant 0 : i32
          %dma_wait3A_312 = arith.constant 0 : i32
          %dma_wait3A_313 = tpu.memref_slice %arg16[%dma_wait3A_311, %dma_wait3A_312] : memref<10240x32xf32, #tpu.memory_space<vmem_shared>> -> memref<10240x32xf32, #tpu.memory_space<vmem_shared>>
          tpu.wait_indirect_dma semaphore(%arg25 : memref<!tpu.dma_semaphore, #tpu.memory_space<semaphore_mem>>) src(%arg7 : memref<160x32xf32, #tpu.memory_space<vmem>>) dst(%dma_wait3A_313 : memref<10240x32xf32, #tpu.memory_space<vmem_shared>>)
        } else {
        }
        %add3A_203 = arith.constant 4 : i32
        %add3A_204 = arith.addi %add3A_197, %add3A_203 : i32
        %lt3A_205 = arith.constant 128 : i32
        %lt3A_206 = arith.cmpi slt, %add3A_204, %lt3A_205 : i32
        %convert_element_type3A_207 = arith.extui %lt3A_206 : i1 to i32
        %cond3A_208 = arith.constant 0 : i32
        %cond3A_209 = arith.cmpi ne, %convert_element_type3A_207, %cond3A_208 : i32
        scf.if %cond3A_209 {
          %add3A_307 = arith.constant 4 : i32
          %add3A_308 = arith.addi %add3A_197, %add3A_307 : i32
          %dma_start3A_309 = arith.constant 0 : i32
          %dma_start3A_310 = tpu.memref_slice %arg5[%add3A_308, %dma_start3A_309] : memref<128x160xi32, #tpu.memory_space<vmem>> -> memref<1x160xi32, #tpu.memory_space<vmem>>
          %dma_start3A_311 = tpu.memref_squeeze %dma_start3A_310 : memref<1x160xi32, #tpu.memory_space<vmem>> -> memref<160xi32, #tpu.memory_space<vmem>>
          %dma_start3A_312 = arith.constant 0 : i32
          %dma_start3A_313 = arith.constant 0 : i32
          %dma_start3A_314 = tpu.memref_slice %arg2[%dma_start3A_312, %dma_start3A_313] : memref<10240x32xf32, #tpu.memory_space<hbm>> -> memref<10240x32xf32, #tpu.memory_space<hbm>>
          tpu.enqueue_indirect_dma source(%dma_start3A_314 : memref<10240x32xf32, #tpu.memory_space<hbm>>) target(%arg7 : memref<160x32xf32, #tpu.memory_space<vmem>>) offsets(%dma_start3A_311 : memref<160xi32, #tpu.memory_space<vmem>>) semaphore(%arg17 : memref<!tpu.dma_semaphore, #tpu.memory_space<semaphore_mem>>)
        } else {
        }
        %dma_wait3A_210 = arith.constant 0 : i32
        %dma_wait3A_211 = tpu.memref_slice %arg5[%add3A_197, %dma_wait3A_210] : memref<128x160xi32, #tpu.memory_space<vmem>> -> memref<1x160xi32, #tpu.memory_space<vmem>>
        %dma_wait3A_212 = tpu.memref_squeeze %dma_wait3A_211 : memref<1x160xi32, #tpu.memory_space<vmem>> -> memref<160xi32, #tpu.memory_space<vmem>>
        %dma_wait3A_213 = arith.constant 0 : i32
        %dma_wait3A_214 = arith.constant 0 : i32
        %dma_wait3A_215 = tpu.memref_slice %arg2[%dma_wait3A_213, %dma_wait3A_214] : memref<10240x32xf32, #tpu.memory_space<hbm>> -> memref<10240x32xf32, #tpu.memory_space<hbm>>
        tpu.wait_indirect_dma semaphore(%arg21 : memref<!tpu.dma_semaphore, #tpu.memory_space<semaphore_mem>>) src(%dma_wait3A_215 : memref<10240x32xf32, #tpu.memory_space<hbm>>) dst(%arg11 : memref<160x32xf32, #tpu.memory_space<vmem>>)
        %dma_start3A_216 = arith.constant 0 : i32
        %dma_start3A_217 = tpu.memref_slice %arg6[%add3A_197, %dma_start3A_216] : memref<128x160xi32, #tpu.memory_space<vmem>> -> memref<1x160xi32, #tpu.memory_space<vmem>>
        %dma_start3A_218 = tpu.memref_squeeze %dma_start3A_217 : memref<1x160xi32, #tpu.memory_space<vmem>> -> memref<160xi32, #tpu.memory_space<vmem>>
        %dma_start3A_219 = arith.constant 0 : i32
        %dma_start3A_220 = arith.constant 0 : i32
        %dma_start3A_221 = tpu.memref_slice %arg16[%dma_start3A_219, %dma_start3A_220] : memref<10240x32xf32, #tpu.memory_space<vmem_shared>> -> memref<10240x32xf32, #tpu.memory_space<vmem_shared>>
        tpu.enqueue_indirect_dma source(%arg11 : memref<160x32xf32, #tpu.memory_space<vmem>>) target(%dma_start3A_221 : memref<10240x32xf32, #tpu.memory_space<vmem_shared>>) offsets(%dma_start3A_218 : memref<160xi32, #tpu.memory_space<vmem>>) semaphore(%arg29 : memref<!tpu.dma_semaphore, #tpu.memory_space<semaphore_mem>>) {add = true}
        %mul3A_222 = arith.constant 8 : i32
        %mul3A_223 = arith.muli %scan3A_83, %mul3A_222 : i32
        %add3A_224 = arith.constant 5 : i32
        %add3A_225 = arith.addi %mul3A_223, %add3A_224 : i32
        %ge3A_226 = arith.constant 4 : i32
        %ge3A_227 = arith.cmpi sge, %add3A_225, %ge3A_226 : i32
        %convert_element_type3A_228 = arith.extui %ge3A_227 : i1 to i32
        %cond3A_229 = arith.constant 0 : i32
        %cond3A_230 = arith.cmpi ne, %convert_element_type3A_228, %cond3A_229 : i32
        scf.if %cond3A_230 {
          %sub3A = arith.constant 4 : i32
          %sub3A_307 = arith.subi %add3A_225, %sub3A : i32
          %dma_wait3A_308 = arith.constant 0 : i32
          %dma_wait3A_309 = tpu.memref_slice %arg6[%sub3A_307, %dma_wait3A_308] : memref<128x160xi32, #tpu.memory_space<vmem>> -> memref<1x160xi32, #tpu.memory_space<vmem>>
          %dma_wait3A_310 = tpu.memref_squeeze %dma_wait3A_309 : memref<1x160xi32, #tpu.memory_space<vmem>> -> memref<160xi32, #tpu.memory_space<vmem>>
          %dma_wait3A_311 = arith.constant 0 : i32
          %dma_wait3A_312 = arith.constant 0 : i32
          %dma_wait3A_313 = tpu.memref_slice %arg16[%dma_wait3A_311, %dma_wait3A_312] : memref<10240x32xf32, #tpu.memory_space<vmem_shared>> -> memref<10240x32xf32, #tpu.memory_space<vmem_shared>>
          tpu.wait_indirect_dma semaphore(%arg26 : memref<!tpu.dma_semaphore, #tpu.memory_space<semaphore_mem>>) src(%arg8 : memref<160x32xf32, #tpu.memory_space<vmem>>) dst(%dma_wait3A_313 : memref<10240x32xf32, #tpu.memory_space<vmem_shared>>)
        } else {
        }
        %add3A_231 = arith.constant 4 : i32
        %add3A_232 = arith.addi %add3A_225, %add3A_231 : i32
        %lt3A_233 = arith.constant 128 : i32
        %lt3A_234 = arith.cmpi slt, %add3A_232, %lt3A_233 : i32
        %convert_element_type3A_235 = arith.extui %lt3A_234 : i1 to i32
        %cond3A_236 = arith.constant 0 : i32
        %cond3A_237 = arith.cmpi ne, %convert_element_type3A_235, %cond3A_236 : i32
        scf.if %cond3A_237 {
          %add3A_307 = arith.constant 4 : i32
          %add3A_308 = arith.addi %add3A_225, %add3A_307 : i32
          %dma_start3A_309 = arith.constant 0 : i32
          %dma_start3A_310 = tpu.memref_slice %arg5[%add3A_308, %dma_start3A_309] : memref<128x160xi32, #tpu.memory_space<vmem>> -> memref<1x160xi32, #tpu.memory_space<vmem>>
          %dma_start3A_311 = tpu.memref_squeeze %dma_start3A_310 : memref<1x160xi32, #tpu.memory_space<vmem>> -> memref<160xi32, #tpu.memory_space<vmem>>
          %dma_start3A_312 = arith.constant 0 : i32
          %dma_start3A_313 = arith.constant 0 : i32
          %dma_start3A_314 = tpu.memref_slice %arg2[%dma_start3A_312, %dma_start3A_313] : memref<10240x32xf32, #tpu.memory_space<hbm>> -> memref<10240x32xf32, #tpu.memory_space<hbm>>
          tpu.enqueue_indirect_dma source(%dma_start3A_314 : memref<10240x32xf32, #tpu.memory_space<hbm>>) target(%arg8 : memref<160x32xf32, #tpu.memory_space<vmem>>) offsets(%dma_start3A_311 : memref<160xi32, #tpu.memory_space<vmem>>) semaphore(%arg18 : memref<!tpu.dma_semaphore, #tpu.memory_space<semaphore_mem>>)
        } else {
        }
        %dma_wait3A_238 = arith.constant 0 : i32
        %dma_wait3A_239 = tpu.memref_slice %arg5[%add3A_225, %dma_wait3A_238] : memref<128x160xi32, #tpu.memory_space<vmem>> -> memref<1x160xi32, #tpu.memory_space<vmem>>
        %dma_wait3A_240 = tpu.memref_squeeze %dma_wait3A_239 : memref<1x160xi32, #tpu.memory_space<vmem>> -> memref<160xi32, #tpu.memory_space<vmem>>
        %dma_wait3A_241 = arith.constant 0 : i32
        %dma_wait3A_242 = arith.constant 0 : i32
        %dma_wait3A_243 = tpu.memref_slice %arg2[%dma_wait3A_241, %dma_wait3A_242] : memref<10240x32xf32, #tpu.memory_space<hbm>> -> memref<10240x32xf32, #tpu.memory_space<hbm>>
        tpu.wait_indirect_dma semaphore(%arg22 : memref<!tpu.dma_semaphore, #tpu.memory_space<semaphore_mem>>) src(%dma_wait3A_243 : memref<10240x32xf32, #tpu.memory_space<hbm>>) dst(%arg12 : memref<160x32xf32, #tpu.memory_space<vmem>>)
        %dma_start3A_244 = arith.constant 0 : i32
        %dma_start3A_245 = tpu.memref_slice %arg6[%add3A_225, %dma_start3A_244] : memref<128x160xi32, #tpu.memory_space<vmem>> -> memref<1x160xi32, #tpu.memory_space<vmem>>
        %dma_start3A_246 = tpu.memref_squeeze %dma_start3A_245 : memref<1x160xi32, #tpu.memory_space<vmem>> -> memref<160xi32, #tpu.memory_space<vmem>>
        %dma_start3A_247 = arith.constant 0 : i32
        %dma_start3A_248 = arith.constant 0 : i32
        %dma_start3A_249 = tpu.memref_slice %arg16[%dma_start3A_247, %dma_start3A_248] : memref<10240x32xf32, #tpu.memory_space<vmem_shared>> -> memref<10240x32xf32, #tpu.memory_space<vmem_shared>>
        tpu.enqueue_indirect_dma source(%arg12 : memref<160x32xf32, #tpu.memory_space<vmem>>) target(%dma_start3A_249 : memref<10240x32xf32, #tpu.memory_space<vmem_shared>>) offsets(%dma_start3A_246 : memref<160xi32, #tpu.memory_space<vmem>>) semaphore(%arg30 : memref<!tpu.dma_semaphore, #tpu.memory_space<semaphore_mem>>) {add = true}
        %mul3A_250 = arith.constant 8 : i32
        %mul3A_251 = arith.muli %scan3A_83, %mul3A_250 : i32
        %add3A_252 = arith.constant 6 : i32
        %add3A_253 = arith.addi %mul3A_251, %add3A_252 : i32
        %ge3A_254 = arith.constant 4 : i32
        %ge3A_255 = arith.cmpi sge, %add3A_253, %ge3A_254 : i32
        %convert_element_type3A_256 = arith.extui %ge3A_255 : i1 to i32
        %cond3A_257 = arith.constant 0 : i32
        %cond3A_258 = arith.cmpi ne, %convert_element_type3A_256, %cond3A_257 : i32
        scf.if %cond3A_258 {
          %sub3A = arith.constant 4 : i32
          %sub3A_307 = arith.subi %add3A_253, %sub3A : i32
          %dma_wait3A_308 = arith.constant 0 : i32
          %dma_wait3A_309 = tpu.memref_slice %arg6[%sub3A_307, %dma_wait3A_308] : memref<128x160xi32, #tpu.memory_space<vmem>> -> memref<1x160xi32, #tpu.memory_space<vmem>>
          %dma_wait3A_310 = tpu.memref_squeeze %dma_wait3A_309 : memref<1x160xi32, #tpu.memory_space<vmem>> -> memref<160xi32, #tpu.memory_space<vmem>>
          %dma_wait3A_311 = arith.constant 0 : i32
          %dma_wait3A_312 = arith.constant 0 : i32
          %dma_wait3A_313 = tpu.memref_slice %arg16[%dma_wait3A_311, %dma_wait3A_312] : memref<10240x32xf32, #tpu.memory_space<vmem_shared>> -> memref<10240x32xf32, #tpu.memory_space<vmem_shared>>
          tpu.wait_indirect_dma semaphore(%arg27 : memref<!tpu.dma_semaphore, #tpu.memory_space<semaphore_mem>>) src(%arg9 : memref<160x32xf32, #tpu.memory_space<vmem>>) dst(%dma_wait3A_313 : memref<10240x32xf32, #tpu.memory_space<vmem_shared>>)
        } else {
        }
        %add3A_259 = arith.constant 4 : i32
        %add3A_260 = arith.addi %add3A_253, %add3A_259 : i32
        %lt3A_261 = arith.constant 128 : i32
        %lt3A_262 = arith.cmpi slt, %add3A_260, %lt3A_261 : i32
        %convert_element_type3A_263 = arith.extui %lt3A_262 : i1 to i32
        %cond3A_264 = arith.constant 0 : i32
        %cond3A_265 = arith.cmpi ne, %convert_element_type3A_263, %cond3A_264 : i32
        scf.if %cond3A_265 {
          %add3A_307 = arith.constant 4 : i32
          %add3A_308 = arith.addi %add3A_253, %add3A_307 : i32
          %dma_start3A_309 = arith.constant 0 : i32
          %dma_start3A_310 = tpu.memref_slice %arg5[%add3A_308, %dma_start3A_309] : memref<128x160xi32, #tpu.memory_space<vmem>> -> memref<1x160xi32, #tpu.memory_space<vmem>>
          %dma_start3A_311 = tpu.memref_squeeze %dma_start3A_310 : memref<1x160xi32, #tpu.memory_space<vmem>> -> memref<160xi32, #tpu.memory_space<vmem>>
          %dma_start3A_312 = arith.constant 0 : i32
          %dma_start3A_313 = arith.constant 0 : i32
          %dma_start3A_314 = tpu.memref_slice %arg2[%dma_start3A_312, %dma_start3A_313] : memref<10240x32xf32, #tpu.memory_space<hbm>> -> memref<10240x32xf32, #tpu.memory_space<hbm>>
          tpu.enqueue_indirect_dma source(%dma_start3A_314 : memref<10240x32xf32, #tpu.memory_space<hbm>>) target(%arg9 : memref<160x32xf32, #tpu.memory_space<vmem>>) offsets(%dma_start3A_311 : memref<160xi32, #tpu.memory_space<vmem>>) semaphore(%arg19 : memref<!tpu.dma_semaphore, #tpu.memory_space<semaphore_mem>>)
        } else {
        }
        %dma_wait3A_266 = arith.constant 0 : i32
        %dma_wait3A_267 = tpu.memref_slice %arg5[%add3A_253, %dma_wait3A_266] : memref<128x160xi32, #tpu.memory_space<vmem>> -> memref<1x160xi32, #tpu.memory_space<vmem>>
        %dma_wait3A_268 = tpu.memref_squeeze %dma_wait3A_267 : memref<1x160xi32, #tpu.memory_space<vmem>> -> memref<160xi32, #tpu.memory_space<vmem>>
        %dma_wait3A_269 = arith.constant 0 : i32
        %dma_wait3A_270 = arith.constant 0 : i32
        %dma_wait3A_271 = tpu.memref_slice %arg2[%dma_wait3A_269, %dma_wait3A_270] : memref<10240x32xf32, #tpu.memory_space<hbm>> -> memref<10240x32xf32, #tpu.memory_space<hbm>>
        tpu.wait_indirect_dma semaphore(%arg23 : memref<!tpu.dma_semaphore, #tpu.memory_space<semaphore_mem>>) src(%dma_wait3A_271 : memref<10240x32xf32, #tpu.memory_space<hbm>>) dst(%arg13 : memref<160x32xf32, #tpu.memory_space<vmem>>)
        %dma_start3A_272 = arith.constant 0 : i32
        %dma_start3A_273 = tpu.memref_slice %arg6[%add3A_253, %dma_start3A_272] : memref<128x160xi32, #tpu.memory_space<vmem>> -> memref<1x160xi32, #tpu.memory_space<vmem>>
        %dma_start3A_274 = tpu.memref_squeeze %dma_start3A_273 : memref<1x160xi32, #tpu.memory_space<vmem>> -> memref<160xi32, #tpu.memory_space<vmem>>
        %dma_start3A_275 = arith.constant 0 : i32
        %dma_start3A_276 = arith.constant 0 : i32
        %dma_start3A_277 = tpu.memref_slice %arg16[%dma_start3A_275, %dma_start3A_276] : memref<10240x32xf32, #tpu.memory_space<vmem_shared>> -> memref<10240x32xf32, #tpu.memory_space<vmem_shared>>
        tpu.enqueue_indirect_dma source(%arg13 : memref<160x32xf32, #tpu.memory_space<vmem>>) target(%dma_start3A_277 : memref<10240x32xf32, #tpu.memory_space<vmem_shared>>) offsets(%dma_start3A_274 : memref<160xi32, #tpu.memory_space<vmem>>) semaphore(%arg31 : memref<!tpu.dma_semaphore, #tpu.memory_space<semaphore_mem>>) {add = true}
        %mul3A_278 = arith.constant 8 : i32
        %mul3A_279 = arith.muli %scan3A_83, %mul3A_278 : i32
        %add3A_280 = arith.constant 7 : i32
        %add3A_281 = arith.addi %mul3A_279, %add3A_280 : i32
        %ge3A_282 = arith.constant 4 : i32
        %ge3A_283 = arith.cmpi sge, %add3A_281, %ge3A_282 : i32
        %convert_element_type3A_284 = arith.extui %ge3A_283 : i1 to i32
        %cond3A_285 = arith.constant 0 : i32
        %cond3A_286 = arith.cmpi ne, %convert_element_type3A_284, %cond3A_285 : i32
        scf.if %cond3A_286 {
          %sub3A = arith.constant 4 : i32
          %sub3A_307 = arith.subi %add3A_281, %sub3A : i32
          %dma_wait3A_308 = arith.constant 0 : i32
          %dma_wait3A_309 = tpu.memref_slice %arg6[%sub3A_307, %dma_wait3A_308] : memref<128x160xi32, #tpu.memory_space<vmem>> -> memref<1x160xi32, #tpu.memory_space<vmem>>
          %dma_wait3A_310 = tpu.memref_squeeze %dma_wait3A_309 : memref<1x160xi32, #tpu.memory_space<vmem>> -> memref<160xi32, #tpu.memory_space<vmem>>
          %dma_wait3A_311 = arith.constant 0 : i32
          %dma_wait3A_312 = arith.constant 0 : i32
          %dma_wait3A_313 = tpu.memref_slice %arg16[%dma_wait3A_311, %dma_wait3A_312] : memref<10240x32xf32, #tpu.memory_space<vmem_shared>> -> memref<10240x32xf32, #tpu.memory_space<vmem_shared>>
          tpu.wait_indirect_dma semaphore(%arg28 : memref<!tpu.dma_semaphore, #tpu.memory_space<semaphore_mem>>) src(%arg10 : memref<160x32xf32, #tpu.memory_space<vmem>>) dst(%dma_wait3A_313 : memref<10240x32xf32, #tpu.memory_space<vmem_shared>>)
        } else {
        }
        %add3A_287 = arith.constant 4 : i32
        %add3A_288 = arith.addi %add3A_281, %add3A_287 : i32
        %lt3A_289 = arith.constant 128 : i32
        %lt3A_290 = arith.cmpi slt, %add3A_288, %lt3A_289 : i32
        %convert_element_type3A_291 = arith.extui %lt3A_290 : i1 to i32
        %cond3A_292 = arith.constant 0 : i32
        %cond3A_293 = arith.cmpi ne, %convert_element_type3A_291, %cond3A_292 : i32
        scf.if %cond3A_293 {
          %add3A_307 = arith.constant 4 : i32
          %add3A_308 = arith.addi %add3A_281, %add3A_307 : i32
          %dma_start3A_309 = arith.constant 0 : i32
          %dma_start3A_310 = tpu.memref_slice %arg5[%add3A_308, %dma_start3A_309] : memref<128x160xi32, #tpu.memory_space<vmem>> -> memref<1x160xi32, #tpu.memory_space<vmem>>
          %dma_start3A_311 = tpu.memref_squeeze %dma_start3A_310 : memref<1x160xi32, #tpu.memory_space<vmem>> -> memref<160xi32, #tpu.memory_space<vmem>>
          %dma_start3A_312 = arith.constant 0 : i32
          %dma_start3A_313 = arith.constant 0 : i32
          %dma_start3A_314 = tpu.memref_slice %arg2[%dma_start3A_312, %dma_start3A_313] : memref<10240x32xf32, #tpu.memory_space<hbm>> -> memref<10240x32xf32, #tpu.memory_space<hbm>>
          tpu.enqueue_indirect_dma source(%dma_start3A_314 : memref<10240x32xf32, #tpu.memory_space<hbm>>) target(%arg10 : memref<160x32xf32, #tpu.memory_space<vmem>>) offsets(%dma_start3A_311 : memref<160xi32, #tpu.memory_space<vmem>>) semaphore(%arg20 : memref<!tpu.dma_semaphore, #tpu.memory_space<semaphore_mem>>)
        } else {
        }
        %dma_wait3A_294 = arith.constant 0 : i32
        %dma_wait3A_295 = tpu.memref_slice %arg5[%add3A_281, %dma_wait3A_294] : memref<128x160xi32, #tpu.memory_space<vmem>> -> memref<1x160xi32, #tpu.memory_space<vmem>>
        %dma_wait3A_296 = tpu.memref_squeeze %dma_wait3A_295 : memref<1x160xi32, #tpu.memory_space<vmem>> -> memref<160xi32, #tpu.memory_space<vmem>>
        %dma_wait3A_297 = arith.constant 0 : i32
        %dma_wait3A_298 = arith.constant 0 : i32
        %dma_wait3A_299 = tpu.memref_slice %arg2[%dma_wait3A_297, %dma_wait3A_298] : memref<10240x32xf32, #tpu.memory_space<hbm>> -> memref<10240x32xf32, #tpu.memory_space<hbm>>
        tpu.wait_indirect_dma semaphore(%arg24 : memref<!tpu.dma_semaphore, #tpu.memory_space<semaphore_mem>>) src(%dma_wait3A_299 : memref<10240x32xf32, #tpu.memory_space<hbm>>) dst(%arg14 : memref<160x32xf32, #tpu.memory_space<vmem>>)
        %dma_start3A_300 = arith.constant 0 : i32
        %dma_start3A_301 = tpu.memref_slice %arg6[%add3A_281, %dma_start3A_300] : memref<128x160xi32, #tpu.memory_space<vmem>> -> memref<1x160xi32, #tpu.memory_space<vmem>>
        %dma_start3A_302 = tpu.memref_squeeze %dma_start3A_301 : memref<1x160xi32, #tpu.memory_space<vmem>> -> memref<160xi32, #tpu.memory_space<vmem>>
        %dma_start3A_303 = arith.constant 0 : i32
        %dma_start3A_304 = arith.constant 0 : i32
        %dma_start3A_305 = tpu.memref_slice %arg16[%dma_start3A_303, %dma_start3A_304] : memref<10240x32xf32, #tpu.memory_space<vmem_shared>> -> memref<10240x32xf32, #tpu.memory_space<vmem_shared>>
        tpu.enqueue_indirect_dma source(%arg14 : memref<160x32xf32, #tpu.memory_space<vmem>>) target(%dma_start3A_305 : memref<10240x32xf32, #tpu.memory_space<vmem_shared>>) offsets(%dma_start3A_302 : memref<160xi32, #tpu.memory_space<vmem>>) semaphore(%arg32 : memref<!tpu.dma_semaphore, #tpu.memory_space<semaphore_mem>>) {add = true}
        %scan3A_306 = arith.constant 0 : i32
        scf.yield %scan3A_306 : i32
      }
      %scan3A_50 = arith.constant 16 : i32
      %dma_wait3A = arith.constant 124 : i32
      %dma_wait3A_51 = arith.constant 0 : i32
      %dma_wait3A_52 = tpu.memref_slice %arg6[%dma_wait3A, %dma_wait3A_51] : memref<128x160xi32, #tpu.memory_space<vmem>> -> memref<1x160xi32, #tpu.memory_space<vmem>>
      %dma_wait3A_53 = tpu.memref_squeeze %dma_wait3A_52 : memref<1x160xi32, #tpu.memory_space<vmem>> -> memref<160xi32, #tpu.memory_space<vmem>>
      %dma_wait3A_54 = arith.constant 0 : i32
      %dma_wait3A_55 = arith.constant 0 : i32
      %dma_wait3A_56 = tpu.memref_slice %arg16[%dma_wait3A_54, %dma_wait3A_55] : memref<10240x32xf32, #tpu.memory_space<vmem_shared>> -> memref<10240x32xf32, #tpu.memory_space<vmem_shared>>
      tpu.wait_indirect_dma semaphore(%arg29 : memref<!tpu.dma_semaphore, #tpu.memory_space<semaphore_mem>>) src(%arg11 : memref<160x32xf32, #tpu.memory_space<vmem>>) dst(%dma_wait3A_56 : memref<10240x32xf32, #tpu.memory_space<vmem_shared>>)
      %dma_wait3A_57 = arith.constant 125 : i32
      %dma_wait3A_58 = arith.constant 0 : i32
      %dma_wait3A_59 = tpu.memref_slice %arg6[%dma_wait3A_57, %dma_wait3A_58] : memref<128x160xi32, #tpu.memory_space<vmem>> -> memref<1x160xi32, #tpu.memory_space<vmem>>
      %dma_wait3A_60 = tpu.memref_squeeze %dma_wait3A_59 : memref<1x160xi32, #tpu.memory_space<vmem>> -> memref<160xi32, #tpu.memory_space<vmem>>
      %dma_wait3A_61 = arith.constant 0 : i32
      %dma_wait3A_62 = arith.constant 0 : i32
      %dma_wait3A_63 = tpu.memref_slice %arg16[%dma_wait3A_61, %dma_wait3A_62] : memref<10240x32xf32, #tpu.memory_space<vmem_shared>> -> memref<10240x32xf32, #tpu.memory_space<vmem_shared>>
      tpu.wait_indirect_dma semaphore(%arg30 : memref<!tpu.dma_semaphore, #tpu.memory_space<semaphore_mem>>) src(%arg12 : memref<160x32xf32, #tpu.memory_space<vmem>>) dst(%dma_wait3A_63 : memref<10240x32xf32, #tpu.memory_space<vmem_shared>>)
      %dma_wait3A_64 = arith.constant 126 : i32
      %dma_wait3A_65 = arith.constant 0 : i32
      %dma_wait3A_66 = tpu.memref_slice %arg6[%dma_wait3A_64, %dma_wait3A_65] : memref<128x160xi32, #tpu.memory_space<vmem>> -> memref<1x160xi32, #tpu.memory_space<vmem>>
      %dma_wait3A_67 = tpu.memref_squeeze %dma_wait3A_66 : memref<1x160xi32, #tpu.memory_space<vmem>> -> memref<160xi32, #tpu.memory_space<vmem>>
      %dma_wait3A_68 = arith.constant 0 : i32
      %dma_wait3A_69 = arith.constant 0 : i32
      %dma_wait3A_70 = tpu.memref_slice %arg16[%dma_wait3A_68, %dma_wait3A_69] : memref<10240x32xf32, #tpu.memory_space<vmem_shared>> -> memref<10240x32xf32, #tpu.memory_space<vmem_shared>>
      tpu.wait_indirect_dma semaphore(%arg31 : memref<!tpu.dma_semaphore, #tpu.memory_space<semaphore_mem>>) src(%arg13 : memref<160x32xf32, #tpu.memory_space<vmem>>) dst(%dma_wait3A_70 : memref<10240x32xf32, #tpu.memory_space<vmem_shared>>)
      %dma_wait3A_71 = arith.constant 127 : i32
      %dma_wait3A_72 = arith.constant 0 : i32
      %dma_wait3A_73 = tpu.memref_slice %arg6[%dma_wait3A_71, %dma_wait3A_72] : memref<128x160xi32, #tpu.memory_space<vmem>> -> memref<1x160xi32, #tpu.memory_space<vmem>>
      %dma_wait3A_74 = tpu.memref_squeeze %dma_wait3A_73 : memref<1x160xi32, #tpu.memory_space<vmem>> -> memref<160xi32, #tpu.memory_space<vmem>>
      %dma_wait3A_75 = arith.constant 0 : i32
      %dma_wait3A_76 = arith.constant 0 : i32
      %dma_wait3A_77 = tpu.memref_slice %arg16[%dma_wait3A_75, %dma_wait3A_76] : memref<10240x32xf32, #tpu.memory_space<vmem_shared>> -> memref<10240x32xf32, #tpu.memory_space<vmem_shared>>
      tpu.wait_indirect_dma semaphore(%arg32 : memref<!tpu.dma_semaphore, #tpu.memory_space<semaphore_mem>>) src(%arg14 : memref<160x32xf32, #tpu.memory_space<vmem>>) dst(%dma_wait3A_77 : memref<10240x32xf32, #tpu.memory_space<vmem_shared>>)
      %barrier3A_78 = arith.constant 0 : index
      tpu.barrier barrier_id(%barrier3A_78)
      %mul3A_79 = arith.constant 640 : i32
      %mul3A_80 = arith.muli %arg1, %mul3A_79 : i32
      %mul3A_81 = arith.constant 640 : i32
      %mul3A_82 = arith.muli %arg1, %mul3A_81 : i32
      "tpu.region"() ({
        %run_scoped3A_83 = tpu.sem_alloc : memref<!tpu.dma_semaphore, #tpu.memory_space<semaphore_mem>>
        %dma_start3A_84 = arith.constant 0 : i32
        %dma_start3A_85 = tpu.memref_slice %arg4[%mul3A_82, %dma_start3A_84] : memref<10240x32xf32, #tpu.memory_space<hbm>> -> memref<640x32xf32, #tpu.memory_space<hbm>>
        %dma_start3A_86 = arith.constant 0 : i32
        %dma_start3A_87 = tpu.memref_slice %arg16[%mul3A_80, %dma_start3A_86] : memref<10240x32xf32, #tpu.memory_space<vmem_shared>> -> memref<640x32xf32, #tpu.memory_space<vmem_shared>>
        tpu.enqueue_dma source(%dma_start3A_87 : memref<640x32xf32, #tpu.memory_space<vmem_shared>>) target(%dma_start3A_85 : memref<640x32xf32, #tpu.memory_space<hbm>>) target_semaphore(%run_scoped3A_83 : memref<!tpu.dma_semaphore, #tpu.memory_space<semaphore_mem>>)
        %dma_wait3A_88 = arith.constant 0 : i32
        %dma_wait3A_89 = tpu.memref_slice %arg4[%mul3A_82, %dma_wait3A_88] : memref<10240x32xf32, #tpu.memory_space<hbm>> -> memref<640x32xf32, #tpu.memory_space<hbm>>
        %dma_wait3A_90 = arith.constant 0 : i32
        %dma_wait3A_91 = tpu.memref_slice %arg16[%mul3A_80, %dma_wait3A_90] : memref<10240x32xf32, #tpu.memory_space<vmem_shared>> -> memref<640x32xf32, #tpu.memory_space<vmem_shared>>
        tpu.wait_dma2 semaphore(%run_scoped3A_83 : memref<!tpu.dma_semaphore, #tpu.memory_space<semaphore_mem>>) src(%dma_wait3A_91 : memref<640x32xf32, #tpu.memory_space<vmem_shared>>) dst(%dma_wait3A_89 : memref<640x32xf32, #tpu.memory_space<hbm>>)
        tpu.yield
      }) : () -> ()
    } else {
    }
    return
  }
}

#map = affine_map<(d0, d1) -> (0, 0)>
#map1 = affine_map<(d0, d1) -> (0, 0, 0)>
module attributes {stable_mosaic.version = 14 : i64} {
  func.func @_sc_agg(%arg0: i32, %arg1: i32, %arg2: memref<10240x32xf32, #tpu.memory_space<hbm>>, %arg3: memref<2x2048x160xi32, #tpu.memory_space<hbm>>, %arg4: memref<10240x32xf32, #tpu.memory_space<hbm>>, %arg5: memref<128x160xi32, #tpu.memory_space<vmem>>, %arg6: memref<128x160xi32, #tpu.memory_space<vmem>>, %arg7: memref<160x32xf32, #tpu.memory_space<vmem>>, %arg8: memref<160x32xf32, #tpu.memory_space<vmem>>, %arg9: memref<160x32xf32, #tpu.memory_space<vmem>>, %arg10: memref<160x32xf32, #tpu.memory_space<vmem>>, %arg11: memref<160x32xf32, #tpu.memory_space<vmem>>, %arg12: memref<160x32xf32, #tpu.memory_space<vmem>>, %arg13: memref<160x32xf32, #tpu.memory_space<vmem>>, %arg14: memref<160x32xf32, #tpu.memory_space<vmem>>, %arg15: memref<64x32xf32, #tpu.memory_space<vmem>>, %arg16: memref<10240x32xf32, #tpu.memory_space<vmem_shared>>, %arg17: memref<!tpu.dma_semaphore, #tpu.memory_space<semaphore_mem>>, %arg18: memref<!tpu.dma_semaphore, #tpu.memory_space<semaphore_mem>>, %arg19: memref<!tpu.dma_semaphore, #tpu.memory_space<semaphore_mem>>, %arg20: memref<!tpu.dma_semaphore, #tpu.memory_space<semaphore_mem>>, %arg21: memref<!tpu.dma_semaphore, #tpu.memory_space<semaphore_mem>>, %arg22: memref<!tpu.dma_semaphore, #tpu.memory_space<semaphore_mem>>, %arg23: memref<!tpu.dma_semaphore, #tpu.memory_space<semaphore_mem>>, %arg24: memref<!tpu.dma_semaphore, #tpu.memory_space<semaphore_mem>>, %arg25: memref<!tpu.dma_semaphore, #tpu.memory_space<semaphore_mem>>, %arg26: memref<!tpu.dma_semaphore, #tpu.memory_space<semaphore_mem>>, %arg27: memref<!tpu.dma_semaphore, #tpu.memory_space<semaphore_mem>>, %arg28: memref<!tpu.dma_semaphore, #tpu.memory_space<semaphore_mem>>, %arg29: memref<!tpu.dma_semaphore, #tpu.memory_space<semaphore_mem>>, %arg30: memref<!tpu.dma_semaphore, #tpu.memory_space<semaphore_mem>>, %arg31: memref<!tpu.dma_semaphore, #tpu.memory_space<semaphore_mem>>, %arg32: memref<!tpu.dma_semaphore, #tpu.memory_space<semaphore_mem>>) attributes {dimension_semantics = [#tpu.dimension_semantics<core_parallel>, #tpu.dimension_semantics<subcore_parallel>], iteration_bounds = array<i64: 2, 16>, scalar_prefetch = 0 : i64, scratch_operands = 28 : i64, tpu.core_type = #tpu.core_type<sc_vector_subcore>, window_params = [{transform_indices = #map}, {transform_indices = #map1}, {transform_indices = #map}]} {
    %eq3A = arith.constant 0 : i32
    %eq3A_0 = arith.cmpi eq, %arg0, %eq3A : i32
    %convert_element_type3A = arith.extui %eq3A_0 : i1 to i32
    %cond3A = arith.constant 0 : i32
    %cond3A_1 = arith.cmpi ne, %convert_element_type3A, %cond3A : i32
    scf.if %cond3A_1 {
      %mul3A = arith.constant 128 : i32
      %mul3A_2 = arith.muli %arg1, %mul3A : i32
      %run_scoped3A = arith.constant 0 : i32
      "tpu.region"() ({
        %run_scoped3A_83 = tpu.sem_alloc : memref<!tpu.dma_semaphore, #tpu.memory_space<semaphore_mem>>
        %dma_start3A_84 = arith.constant 0 : i32
        %dma_start3A_85 = tpu.memref_slice %arg3[%run_scoped3A, %mul3A_2, %dma_start3A_84] : memref<2x2048x160xi32, #tpu.memory_space<hbm>> -> memref<1x128x160xi32, #tpu.memory_space<hbm>>
        %dma_start3A_86 = tpu.memref_squeeze %dma_start3A_85 : memref<1x128x160xi32, #tpu.memory_space<hbm>> -> memref<128x160xi32, #tpu.memory_space<hbm>>
        %dma_start3A_87 = arith.constant 0 : i32
        %dma_start3A_88 = tpu.memref_slice %arg3[%run_scoped3A, %mul3A_2, %dma_start3A_87] : memref<2x2048x160xi32, #tpu.memory_space<hbm>> -> memref<1x128x160xi32, #tpu.memory_space<hbm>>
        %dma_start3A_89 = tpu.memref_squeeze %dma_start3A_88 : memref<1x128x160xi32, #tpu.memory_space<hbm>> -> memref<128x160xi32, #tpu.memory_space<hbm>>
        tpu.enqueue_dma source(%dma_start3A_89 : memref<128x160xi32, #tpu.memory_space<hbm>>) target(%arg5 : memref<128x160xi32, #tpu.memory_space<vmem>>) target_semaphore(%run_scoped3A_83 : memref<!tpu.dma_semaphore, #tpu.memory_space<semaphore_mem>>)
        %dma_wait3A_90 = arith.constant 0 : i32
        %dma_wait3A_91 = tpu.memref_slice %arg3[%run_scoped3A, %mul3A_2, %dma_wait3A_90] : memref<2x2048x160xi32, #tpu.memory_space<hbm>> -> memref<1x128x160xi32, #tpu.memory_space<hbm>>
        %dma_wait3A_92 = tpu.memref_squeeze %dma_wait3A_91 : memref<1x128x160xi32, #tpu.memory_space<hbm>> -> memref<128x160xi32, #tpu.memory_space<hbm>>
        %dma_wait3A_93 = arith.constant 0 : i32
        %dma_wait3A_94 = tpu.memref_slice %arg3[%run_scoped3A, %mul3A_2, %dma_wait3A_93] : memref<2x2048x160xi32, #tpu.memory_space<hbm>> -> memref<1x128x160xi32, #tpu.memory_space<hbm>>
        %dma_wait3A_95 = tpu.memref_squeeze %dma_wait3A_94 : memref<1x128x160xi32, #tpu.memory_space<hbm>> -> memref<128x160xi32, #tpu.memory_space<hbm>>
        tpu.wait_dma2 semaphore(%run_scoped3A_83 : memref<!tpu.dma_semaphore, #tpu.memory_space<semaphore_mem>>) src(%dma_wait3A_95 : memref<128x160xi32, #tpu.memory_space<hbm>>) dst(%arg5 : memref<128x160xi32, #tpu.memory_space<vmem>>)
        tpu.yield
      }) : () -> ()
      %run_scoped3A_3 = arith.constant 1 : i32
      "tpu.region"() ({
        %run_scoped3A_83 = tpu.sem_alloc : memref<!tpu.dma_semaphore, #tpu.memory_space<semaphore_mem>>
        %dma_start3A_84 = arith.constant 0 : i32
        %dma_start3A_85 = tpu.memref_slice %arg3[%run_scoped3A_3, %mul3A_2, %dma_start3A_84] : memref<2x2048x160xi32, #tpu.memory_space<hbm>> -> memref<1x128x160xi32, #tpu.memory_space<hbm>>
        %dma_start3A_86 = tpu.memref_squeeze %dma_start3A_85 : memref<1x128x160xi32, #tpu.memory_space<hbm>> -> memref<128x160xi32, #tpu.memory_space<hbm>>
        %dma_start3A_87 = arith.constant 0 : i32
        %dma_start3A_88 = tpu.memref_slice %arg3[%run_scoped3A_3, %mul3A_2, %dma_start3A_87] : memref<2x2048x160xi32, #tpu.memory_space<hbm>> -> memref<1x128x160xi32, #tpu.memory_space<hbm>>
        %dma_start3A_89 = tpu.memref_squeeze %dma_start3A_88 : memref<1x128x160xi32, #tpu.memory_space<hbm>> -> memref<128x160xi32, #tpu.memory_space<hbm>>
        tpu.enqueue_dma source(%dma_start3A_89 : memref<128x160xi32, #tpu.memory_space<hbm>>) target(%arg6 : memref<128x160xi32, #tpu.memory_space<vmem>>) target_semaphore(%run_scoped3A_83 : memref<!tpu.dma_semaphore, #tpu.memory_space<semaphore_mem>>)
        %dma_wait3A_90 = arith.constant 0 : i32
        %dma_wait3A_91 = tpu.memref_slice %arg3[%run_scoped3A_3, %mul3A_2, %dma_wait3A_90] : memref<2x2048x160xi32, #tpu.memory_space<hbm>> -> memref<1x128x160xi32, #tpu.memory_space<hbm>>
        %dma_wait3A_92 = tpu.memref_squeeze %dma_wait3A_91 : memref<1x128x160xi32, #tpu.memory_space<hbm>> -> memref<128x160xi32, #tpu.memory_space<hbm>>
        %dma_wait3A_93 = arith.constant 0 : i32
        %dma_wait3A_94 = tpu.memref_slice %arg3[%run_scoped3A_3, %mul3A_2, %dma_wait3A_93] : memref<2x2048x160xi32, #tpu.memory_space<hbm>> -> memref<1x128x160xi32, #tpu.memory_space<hbm>>
        %dma_wait3A_95 = tpu.memref_squeeze %dma_wait3A_94 : memref<1x128x160xi32, #tpu.memory_space<hbm>> -> memref<128x160xi32, #tpu.memory_space<hbm>>
        tpu.wait_dma2 semaphore(%run_scoped3A_83 : memref<!tpu.dma_semaphore, #tpu.memory_space<semaphore_mem>>) src(%dma_wait3A_95 : memref<128x160xi32, #tpu.memory_space<hbm>>) dst(%arg6 : memref<128x160xi32, #tpu.memory_space<vmem>>)
        tpu.yield
      }) : () -> ()
      %dma_start3A = arith.constant 0 : i32
      %dma_start3A_4 = arith.constant 0 : i32
      %dma_start3A_5 = tpu.memref_slice %arg5[%dma_start3A, %dma_start3A_4] : memref<128x160xi32, #tpu.memory_space<vmem>> -> memref<1x160xi32, #tpu.memory_space<vmem>>
      %dma_start3A_6 = tpu.memref_squeeze %dma_start3A_5 : memref<1x160xi32, #tpu.memory_space<vmem>> -> memref<160xi32, #tpu.memory_space<vmem>>
      %dma_start3A_7 = arith.constant 0 : i32
      %dma_start3A_8 = arith.constant 0 : i32
      %dma_start3A_9 = tpu.memref_slice %arg2[%dma_start3A_7, %dma_start3A_8] : memref<10240x32xf32, #tpu.memory_space<hbm>> -> memref<10240x32xf32, #tpu.memory_space<hbm>>
      tpu.enqueue_indirect_dma source(%dma_start3A_9 : memref<10240x32xf32, #tpu.memory_space<hbm>>) target(%arg7 : memref<160x32xf32, #tpu.memory_space<vmem>>) offsets(%dma_start3A_6 : memref<160xi32, #tpu.memory_space<vmem>>) semaphore(%arg17 : memref<!tpu.dma_semaphore, #tpu.memory_space<semaphore_mem>>)
      %dma_start3A_10 = arith.constant 1 : i32
      %dma_start3A_11 = arith.constant 0 : i32
      %dma_start3A_12 = tpu.memref_slice %arg5[%dma_start3A_10, %dma_start3A_11] : memref<128x160xi32, #tpu.memory_space<vmem>> -> memref<1x160xi32, #tpu.memory_space<vmem>>
      %dma_start3A_13 = tpu.memref_squeeze %dma_start3A_12 : memref<1x160xi32, #tpu.memory_space<vmem>> -> memref<160xi32, #tpu.memory_space<vmem>>
      %dma_start3A_14 = arith.constant 0 : i32
      %dma_start3A_15 = arith.constant 0 : i32
      %dma_start3A_16 = tpu.memref_slice %arg2[%dma_start3A_14, %dma_start3A_15] : memref<10240x32xf32, #tpu.memory_space<hbm>> -> memref<10240x32xf32, #tpu.memory_space<hbm>>
      tpu.enqueue_indirect_dma source(%dma_start3A_16 : memref<10240x32xf32, #tpu.memory_space<hbm>>) target(%arg8 : memref<160x32xf32, #tpu.memory_space<vmem>>) offsets(%dma_start3A_13 : memref<160xi32, #tpu.memory_space<vmem>>) semaphore(%arg18 : memref<!tpu.dma_semaphore, #tpu.memory_space<semaphore_mem>>)
      %dma_start3A_17 = arith.constant 2 : i32
      %dma_start3A_18 = arith.constant 0 : i32
      %dma_start3A_19 = tpu.memref_slice %arg5[%dma_start3A_17, %dma_start3A_18] : memref<128x160xi32, #tpu.memory_space<vmem>> -> memref<1x160xi32, #tpu.memory_space<vmem>>
      %dma_start3A_20 = tpu.memref_squeeze %dma_start3A_19 : memref<1x160xi32, #tpu.memory_space<vmem>> -> memref<160xi32, #tpu.memory_space<vmem>>
      %dma_start3A_21 = arith.constant 0 : i32
      %dma_start3A_22 = arith.constant 0 : i32
      %dma_start3A_23 = tpu.memref_slice %arg2[%dma_start3A_21, %dma_start3A_22] : memref<10240x32xf32, #tpu.memory_space<hbm>> -> memref<10240x32xf32, #tpu.memory_space<hbm>>
      tpu.enqueue_indirect_dma source(%dma_start3A_23 : memref<10240x32xf32, #tpu.memory_space<hbm>>) target(%arg9 : memref<160x32xf32, #tpu.memory_space<vmem>>) offsets(%dma_start3A_20 : memref<160xi32, #tpu.memory_space<vmem>>) semaphore(%arg19 : memref<!tpu.dma_semaphore, #tpu.memory_space<semaphore_mem>>)
      %dma_start3A_24 = arith.constant 3 : i32
      %dma_start3A_25 = arith.constant 0 : i32
      %dma_start3A_26 = tpu.memref_slice %arg5[%dma_start3A_24, %dma_start3A_25] : memref<128x160xi32, #tpu.memory_space<vmem>> -> memref<1x160xi32, #tpu.memory_space<vmem>>
      %dma_start3A_27 = tpu.memref_squeeze %dma_start3A_26 : memref<1x160xi32, #tpu.memory_space<vmem>> -> memref<160xi32, #tpu.memory_space<vmem>>
      %dma_start3A_28 = arith.constant 0 : i32
      %dma_start3A_29 = arith.constant 0 : i32
      %dma_start3A_30 = tpu.memref_slice %arg2[%dma_start3A_28, %dma_start3A_29] : memref<10240x32xf32, #tpu.memory_space<hbm>> -> memref<10240x32xf32, #tpu.memory_space<hbm>>
      tpu.enqueue_indirect_dma source(%dma_start3A_30 : memref<10240x32xf32, #tpu.memory_space<hbm>>) target(%arg10 : memref<160x32xf32, #tpu.memory_space<vmem>>) offsets(%dma_start3A_27 : memref<160xi32, #tpu.memory_space<vmem>>) semaphore(%arg20 : memref<!tpu.dma_semaphore, #tpu.memory_space<semaphore_mem>>)
      %scan3A = arith.constant 0 : i32
      %scan3A_31 = arith.constant 0 : i32
      %scan3A_32 = arith.constant 64 : i32
      %scan3A_33 = arith.addi %scan3A_31, %scan3A_32 : i32
      %scan3A_34 = arith.constant 1 : i32
      %scan3A_35 = scf.for %scan3A_83 = %scan3A_31 to %scan3A_33 step %scan3A_34 iter_args(%scan3A_84 = %scan3A) -> (i32)  : i32 {
        %broadcast_in_dim3A = arith.constant 0.000000e+00 : f32
        %broadcast_in_dim3A_85 = vector.broadcast %broadcast_in_dim3A : f32 to vector<16xf32>
        %swap3A = arith.index_cast %scan3A_83 : i32 to index
        %swap3A_86 = arith.constant 0 : index
        %swap3A_87 = tpu.vector_load %arg15[%swap3A, %swap3A_86] {strides = array<i32>} : memref<64x32xf32, #tpu.memory_space<vmem>>, vector<1x16xf32>,
        %swap3A_88 = vector.shape_cast %swap3A_87 : vector<1x16xf32> to vector<16xf32>
        %swap3A_89 = vector.shape_cast %broadcast_in_dim3A_85 : vector<16xf32> to vector<1x16xf32>
        tpu.vector_store %arg15[%swap3A, %swap3A_86], %swap3A_89 {strides = array<i32>} : memref<64x32xf32, #tpu.memory_space<vmem>>, vector<1x16xf32>,
        %broadcast_in_dim3A_90 = arith.constant 0.000000e+00 : f32
        %broadcast_in_dim3A_91 = vector.broadcast %broadcast_in_dim3A_90 : f32 to vector<16xf32>
        %swap3A_92 = arith.index_cast %scan3A_83 : i32 to index
        %swap3A_93 = arith.constant 16 : index
        %swap3A_94 = tpu.vector_load %arg15[%swap3A_92, %swap3A_93] {strides = array<i32>} : memref<64x32xf32, #tpu.memory_space<vmem>>, vector<1x16xf32>,
        %swap3A_95 = vector.shape_cast %swap3A_94 : vector<1x16xf32> to vector<16xf32>
        %swap3A_96 = vector.shape_cast %broadcast_in_dim3A_91 : vector<16xf32> to vector<1x16xf32>
        tpu.vector_store %arg15[%swap3A_92, %swap3A_93], %swap3A_96 {strides = array<i32>} : memref<64x32xf32, #tpu.memory_space<vmem>>, vector<1x16xf32>,
        %scan3A_97 = arith.constant 0 : i32
        scf.yield %scan3A_97 : i32
      }
      %scan3A_36 = arith.constant 64 : i32
      %scan3A_37 = arith.constant 0 : i32
      %scan3A_38 = arith.constant 0 : i32
      %scan3A_39 = arith.constant 10 : i32
      %scan3A_40 = arith.addi %scan3A_38, %scan3A_39 : i32
      %scan3A_41 = arith.constant 1 : i32
      %scan3A_42 = scf.for %scan3A_83 = %scan3A_38 to %scan3A_40 step %scan3A_41 iter_args(%scan3A_84 = %scan3A_37) -> (i32)  : i32 {
        %mul3A_85 = arith.constant 640 : i32
        %mul3A_86 = arith.muli %arg1, %mul3A_85 : i32
        %mul3A_87 = arith.constant 64 : i32
        %mul3A_88 = arith.muli %scan3A_83, %mul3A_87 : i32
        %add3A = arith.addi %mul3A_86, %mul3A_88 : i32
        "tpu.region"() ({
          %run_scoped3A_90 = tpu.sem_alloc : memref<!tpu.dma_semaphore, #tpu.memory_space<semaphore_mem>>
          %dma_start3A_91 = arith.constant 0 : i32
          %dma_start3A_92 = tpu.memref_slice %arg16[%add3A, %dma_start3A_91] : memref<10240x32xf32, #tpu.memory_space<vmem_shared>> -> memref<64x32xf32, #tpu.memory_space<vmem_shared>>
          %dma_start3A_93 = arith.constant 0 : i32
          %dma_start3A_94 = tpu.memref_slice %arg16[%add3A, %dma_start3A_93] : memref<10240x32xf32, #tpu.memory_space<vmem_shared>> -> memref<64x32xf32, #tpu.memory_space<vmem_shared>>
          tpu.enqueue_dma source(%arg15 : memref<64x32xf32, #tpu.memory_space<vmem>>) target(%dma_start3A_94 : memref<64x32xf32, #tpu.memory_space<vmem_shared>>) target_semaphore(%run_scoped3A_90 : memref<!tpu.dma_semaphore, #tpu.memory_space<semaphore_mem>>)
          %dma_wait3A_95 = arith.constant 0 : i32
          %dma_wait3A_96 = tpu.memref_slice %arg16[%add3A, %dma_wait3A_95] : memref<10240x32xf32, #tpu.memory_space<vmem_shared>> -> memref<64x32xf32, #tpu.memory_space<vmem_shared>>
          %dma_wait3A_97 = arith.constant 0 : i32
          %dma_wait3A_98 = tpu.memref_slice %arg16[%add3A, %dma_wait3A_97] : memref<10240x32xf32, #tpu.memory_space<vmem_shared>> -> memref<64x32xf32, #tpu.memory_space<vmem_shared>>
          tpu.wait_dma2 semaphore(%run_scoped3A_90 : memref<!tpu.dma_semaphore, #tpu.memory_space<semaphore_mem>>) src(%arg15 : memref<64x32xf32, #tpu.memory_space<vmem>>) dst(%dma_wait3A_98 : memref<64x32xf32, #tpu.memory_space<vmem_shared>>)
          tpu.yield
        }) : () -> ()
        %scan3A_89 = arith.constant 0 : i32
        scf.yield %scan3A_89 : i32
      }
      %scan3A_43 = arith.constant 10 : i32
      %barrier3A = arith.constant 0 : index
      tpu.barrier barrier_id(%barrier3A)
      %scan3A_44 = arith.constant 0 : i32
      %scan3A_45 = arith.constant 0 : i32
      %scan3A_46 = arith.constant 16 : i32
      %scan3A_47 = arith.addi %scan3A_45, %scan3A_46 : i32
      %scan3A_48 = arith.constant 1 : i32
      %scan3A_49 = scf.for %scan3A_83 = %scan3A_45 to %scan3A_47 step %scan3A_48 iter_args(%scan3A_84 = %scan3A_44) -> (i32)  : i32 {
        %mul3A_85 = arith.constant 8 : i32
        %mul3A_86 = arith.muli %scan3A_83, %mul3A_85 : i32
        %add3A = arith.constant 0 : i32
        %add3A_87 = arith.addi %mul3A_86, %add3A : i32
        %ge3A = arith.constant 4 : i32
        %ge3A_88 = arith.cmpi sge, %add3A_87, %ge3A : i32
        %convert_element_type3A_89 = arith.extui %ge3A_88 : i1 to i32
        %cond3A_90 = arith.constant 0 : i32
        %cond3A_91 = arith.cmpi ne, %convert_element_type3A_89, %cond3A_90 : i32
        scf.if %cond3A_91 {
          %sub3A = arith.constant 4 : i32
          %sub3A_307 = arith.subi %add3A_87, %sub3A : i32
          %dma_wait3A_308 = arith.constant 0 : i32
          %dma_wait3A_309 = tpu.memref_slice %arg6[%sub3A_307, %dma_wait3A_308] : memref<128x160xi32, #tpu.memory_space<vmem>> -> memref<1x160xi32, #tpu.memory_space<vmem>>
          %dma_wait3A_310 = tpu.memref_squeeze %dma_wait3A_309 : memref<1x160xi32, #tpu.memory_space<vmem>> -> memref<160xi32, #tpu.memory_space<vmem>>
          %dma_wait3A_311 = arith.constant 0 : i32
          %dma_wait3A_312 = arith.constant 0 : i32
          %dma_wait3A_313 = tpu.memref_slice %arg16[%dma_wait3A_311, %dma_wait3A_312] : memref<10240x32xf32, #tpu.memory_space<vmem_shared>> -> memref<10240x32xf32, #tpu.memory_space<vmem_shared>>
          tpu.wait_indirect_dma semaphore(%arg29 : memref<!tpu.dma_semaphore, #tpu.memory_space<semaphore_mem>>) src(%arg11 : memref<160x32xf32, #tpu.memory_space<vmem>>) dst(%dma_wait3A_313 : memref<10240x32xf32, #tpu.memory_space<vmem_shared>>)
        } else {
        }
        %add3A_92 = arith.constant 4 : i32
        %add3A_93 = arith.addi %add3A_87, %add3A_92 : i32
        %lt3A = arith.constant 128 : i32
        %lt3A_94 = arith.cmpi slt, %add3A_93, %lt3A : i32
        %convert_element_type3A_95 = arith.extui %lt3A_94 : i1 to i32
        %cond3A_96 = arith.constant 0 : i32
        %cond3A_97 = arith.cmpi ne, %convert_element_type3A_95, %cond3A_96 : i32
        scf.if %cond3A_97 {
          %add3A_307 = arith.constant 4 : i32
          %add3A_308 = arith.addi %add3A_87, %add3A_307 : i32
          %dma_start3A_309 = arith.constant 0 : i32
          %dma_start3A_310 = tpu.memref_slice %arg5[%add3A_308, %dma_start3A_309] : memref<128x160xi32, #tpu.memory_space<vmem>> -> memref<1x160xi32, #tpu.memory_space<vmem>>
          %dma_start3A_311 = tpu.memref_squeeze %dma_start3A_310 : memref<1x160xi32, #tpu.memory_space<vmem>> -> memref<160xi32, #tpu.memory_space<vmem>>
          %dma_start3A_312 = arith.constant 0 : i32
          %dma_start3A_313 = arith.constant 0 : i32
          %dma_start3A_314 = tpu.memref_slice %arg2[%dma_start3A_312, %dma_start3A_313] : memref<10240x32xf32, #tpu.memory_space<hbm>> -> memref<10240x32xf32, #tpu.memory_space<hbm>>
          tpu.enqueue_indirect_dma source(%dma_start3A_314 : memref<10240x32xf32, #tpu.memory_space<hbm>>) target(%arg11 : memref<160x32xf32, #tpu.memory_space<vmem>>) offsets(%dma_start3A_311 : memref<160xi32, #tpu.memory_space<vmem>>) semaphore(%arg21 : memref<!tpu.dma_semaphore, #tpu.memory_space<semaphore_mem>>)
        } else {
        }
        %dma_wait3A_98 = arith.constant 0 : i32
        %dma_wait3A_99 = tpu.memref_slice %arg5[%add3A_87, %dma_wait3A_98] : memref<128x160xi32, #tpu.memory_space<vmem>> -> memref<1x160xi32, #tpu.memory_space<vmem>>
        %dma_wait3A_100 = tpu.memref_squeeze %dma_wait3A_99 : memref<1x160xi32, #tpu.memory_space<vmem>> -> memref<160xi32, #tpu.memory_space<vmem>>
        %dma_wait3A_101 = arith.constant 0 : i32
        %dma_wait3A_102 = arith.constant 0 : i32
        %dma_wait3A_103 = tpu.memref_slice %arg2[%dma_wait3A_101, %dma_wait3A_102] : memref<10240x32xf32, #tpu.memory_space<hbm>> -> memref<10240x32xf32, #tpu.memory_space<hbm>>
        tpu.wait_indirect_dma semaphore(%arg17 : memref<!tpu.dma_semaphore, #tpu.memory_space<semaphore_mem>>) src(%dma_wait3A_103 : memref<10240x32xf32, #tpu.memory_space<hbm>>) dst(%arg7 : memref<160x32xf32, #tpu.memory_space<vmem>>)
        %dma_start3A_104 = arith.constant 0 : i32
        %dma_start3A_105 = tpu.memref_slice %arg6[%add3A_87, %dma_start3A_104] : memref<128x160xi32, #tpu.memory_space<vmem>> -> memref<1x160xi32, #tpu.memory_space<vmem>>
        %dma_start3A_106 = tpu.memref_squeeze %dma_start3A_105 : memref<1x160xi32, #tpu.memory_space<vmem>> -> memref<160xi32, #tpu.memory_space<vmem>>
        %dma_start3A_107 = arith.constant 0 : i32
        %dma_start3A_108 = arith.constant 0 : i32
        %dma_start3A_109 = tpu.memref_slice %arg16[%dma_start3A_107, %dma_start3A_108] : memref<10240x32xf32, #tpu.memory_space<vmem_shared>> -> memref<10240x32xf32, #tpu.memory_space<vmem_shared>>
        tpu.enqueue_indirect_dma source(%arg7 : memref<160x32xf32, #tpu.memory_space<vmem>>) target(%dma_start3A_109 : memref<10240x32xf32, #tpu.memory_space<vmem_shared>>) offsets(%dma_start3A_106 : memref<160xi32, #tpu.memory_space<vmem>>) semaphore(%arg25 : memref<!tpu.dma_semaphore, #tpu.memory_space<semaphore_mem>>) {add = true}
        %mul3A_110 = arith.constant 8 : i32
        %mul3A_111 = arith.muli %scan3A_83, %mul3A_110 : i32
        %add3A_112 = arith.constant 1 : i32
        %add3A_113 = arith.addi %mul3A_111, %add3A_112 : i32
        %ge3A_114 = arith.constant 4 : i32
        %ge3A_115 = arith.cmpi sge, %add3A_113, %ge3A_114 : i32
        %convert_element_type3A_116 = arith.extui %ge3A_115 : i1 to i32
        %cond3A_117 = arith.constant 0 : i32
        %cond3A_118 = arith.cmpi ne, %convert_element_type3A_116, %cond3A_117 : i32
        scf.if %cond3A_118 {
          %sub3A = arith.constant 4 : i32
          %sub3A_307 = arith.subi %add3A_113, %sub3A : i32
          %dma_wait3A_308 = arith.constant 0 : i32
          %dma_wait3A_309 = tpu.memref_slice %arg6[%sub3A_307, %dma_wait3A_308] : memref<128x160xi32, #tpu.memory_space<vmem>> -> memref<1x160xi32, #tpu.memory_space<vmem>>
          %dma_wait3A_310 = tpu.memref_squeeze %dma_wait3A_309 : memref<1x160xi32, #tpu.memory_space<vmem>> -> memref<160xi32, #tpu.memory_space<vmem>>
          %dma_wait3A_311 = arith.constant 0 : i32
          %dma_wait3A_312 = arith.constant 0 : i32
          %dma_wait3A_313 = tpu.memref_slice %arg16[%dma_wait3A_311, %dma_wait3A_312] : memref<10240x32xf32, #tpu.memory_space<vmem_shared>> -> memref<10240x32xf32, #tpu.memory_space<vmem_shared>>
          tpu.wait_indirect_dma semaphore(%arg30 : memref<!tpu.dma_semaphore, #tpu.memory_space<semaphore_mem>>) src(%arg12 : memref<160x32xf32, #tpu.memory_space<vmem>>) dst(%dma_wait3A_313 : memref<10240x32xf32, #tpu.memory_space<vmem_shared>>)
        } else {
        }
        %add3A_119 = arith.constant 4 : i32
        %add3A_120 = arith.addi %add3A_113, %add3A_119 : i32
        %lt3A_121 = arith.constant 128 : i32
        %lt3A_122 = arith.cmpi slt, %add3A_120, %lt3A_121 : i32
        %convert_element_type3A_123 = arith.extui %lt3A_122 : i1 to i32
        %cond3A_124 = arith.constant 0 : i32
        %cond3A_125 = arith.cmpi ne, %convert_element_type3A_123, %cond3A_124 : i32
        scf.if %cond3A_125 {
          %add3A_307 = arith.constant 4 : i32
          %add3A_308 = arith.addi %add3A_113, %add3A_307 : i32
          %dma_start3A_309 = arith.constant 0 : i32
          %dma_start3A_310 = tpu.memref_slice %arg5[%add3A_308, %dma_start3A_309] : memref<128x160xi32, #tpu.memory_space<vmem>> -> memref<1x160xi32, #tpu.memory_space<vmem>>
          %dma_start3A_311 = tpu.memref_squeeze %dma_start3A_310 : memref<1x160xi32, #tpu.memory_space<vmem>> -> memref<160xi32, #tpu.memory_space<vmem>>
          %dma_start3A_312 = arith.constant 0 : i32
          %dma_start3A_313 = arith.constant 0 : i32
          %dma_start3A_314 = tpu.memref_slice %arg2[%dma_start3A_312, %dma_start3A_313] : memref<10240x32xf32, #tpu.memory_space<hbm>> -> memref<10240x32xf32, #tpu.memory_space<hbm>>
          tpu.enqueue_indirect_dma source(%dma_start3A_314 : memref<10240x32xf32, #tpu.memory_space<hbm>>) target(%arg12 : memref<160x32xf32, #tpu.memory_space<vmem>>) offsets(%dma_start3A_311 : memref<160xi32, #tpu.memory_space<vmem>>) semaphore(%arg22 : memref<!tpu.dma_semaphore, #tpu.memory_space<semaphore_mem>>)
        } else {
        }
        %dma_wait3A_126 = arith.constant 0 : i32
        %dma_wait3A_127 = tpu.memref_slice %arg5[%add3A_113, %dma_wait3A_126] : memref<128x160xi32, #tpu.memory_space<vmem>> -> memref<1x160xi32, #tpu.memory_space<vmem>>
        %dma_wait3A_128 = tpu.memref_squeeze %dma_wait3A_127 : memref<1x160xi32, #tpu.memory_space<vmem>> -> memref<160xi32, #tpu.memory_space<vmem>>
        %dma_wait3A_129 = arith.constant 0 : i32
        %dma_wait3A_130 = arith.constant 0 : i32
        %dma_wait3A_131 = tpu.memref_slice %arg2[%dma_wait3A_129, %dma_wait3A_130] : memref<10240x32xf32, #tpu.memory_space<hbm>> -> memref<10240x32xf32, #tpu.memory_space<hbm>>
        tpu.wait_indirect_dma semaphore(%arg18 : memref<!tpu.dma_semaphore, #tpu.memory_space<semaphore_mem>>) src(%dma_wait3A_131 : memref<10240x32xf32, #tpu.memory_space<hbm>>) dst(%arg8 : memref<160x32xf32, #tpu.memory_space<vmem>>)
        %dma_start3A_132 = arith.constant 0 : i32
        %dma_start3A_133 = tpu.memref_slice %arg6[%add3A_113, %dma_start3A_132] : memref<128x160xi32, #tpu.memory_space<vmem>> -> memref<1x160xi32, #tpu.memory_space<vmem>>
        %dma_start3A_134 = tpu.memref_squeeze %dma_start3A_133 : memref<1x160xi32, #tpu.memory_space<vmem>> -> memref<160xi32, #tpu.memory_space<vmem>>
        %dma_start3A_135 = arith.constant 0 : i32
        %dma_start3A_136 = arith.constant 0 : i32
        %dma_start3A_137 = tpu.memref_slice %arg16[%dma_start3A_135, %dma_start3A_136] : memref<10240x32xf32, #tpu.memory_space<vmem_shared>> -> memref<10240x32xf32, #tpu.memory_space<vmem_shared>>
        tpu.enqueue_indirect_dma source(%arg8 : memref<160x32xf32, #tpu.memory_space<vmem>>) target(%dma_start3A_137 : memref<10240x32xf32, #tpu.memory_space<vmem_shared>>) offsets(%dma_start3A_134 : memref<160xi32, #tpu.memory_space<vmem>>) semaphore(%arg26 : memref<!tpu.dma_semaphore, #tpu.memory_space<semaphore_mem>>) {add = true}
        %mul3A_138 = arith.constant 8 : i32
        %mul3A_139 = arith.muli %scan3A_83, %mul3A_138 : i32
        %add3A_140 = arith.constant 2 : i32
        %add3A_141 = arith.addi %mul3A_139, %add3A_140 : i32
        %ge3A_142 = arith.constant 4 : i32
        %ge3A_143 = arith.cmpi sge, %add3A_141, %ge3A_142 : i32
        %convert_element_type3A_144 = arith.extui %ge3A_143 : i1 to i32
        %cond3A_145 = arith.constant 0 : i32
        %cond3A_146 = arith.cmpi ne, %convert_element_type3A_144, %cond3A_145 : i32
        scf.if %cond3A_146 {
          %sub3A = arith.constant 4 : i32
          %sub3A_307 = arith.subi %add3A_141, %sub3A : i32
          %dma_wait3A_308 = arith.constant 0 : i32
          %dma_wait3A_309 = tpu.memref_slice %arg6[%sub3A_307, %dma_wait3A_308] : memref<128x160xi32, #tpu.memory_space<vmem>> -> memref<1x160xi32, #tpu.memory_space<vmem>>
          %dma_wait3A_310 = tpu.memref_squeeze %dma_wait3A_309 : memref<1x160xi32, #tpu.memory_space<vmem>> -> memref<160xi32, #tpu.memory_space<vmem>>
          %dma_wait3A_311 = arith.constant 0 : i32
          %dma_wait3A_312 = arith.constant 0 : i32
          %dma_wait3A_313 = tpu.memref_slice %arg16[%dma_wait3A_311, %dma_wait3A_312] : memref<10240x32xf32, #tpu.memory_space<vmem_shared>> -> memref<10240x32xf32, #tpu.memory_space<vmem_shared>>
          tpu.wait_indirect_dma semaphore(%arg31 : memref<!tpu.dma_semaphore, #tpu.memory_space<semaphore_mem>>) src(%arg13 : memref<160x32xf32, #tpu.memory_space<vmem>>) dst(%dma_wait3A_313 : memref<10240x32xf32, #tpu.memory_space<vmem_shared>>)
        } else {
        }
        %add3A_147 = arith.constant 4 : i32
        %add3A_148 = arith.addi %add3A_141, %add3A_147 : i32
        %lt3A_149 = arith.constant 128 : i32
        %lt3A_150 = arith.cmpi slt, %add3A_148, %lt3A_149 : i32
        %convert_element_type3A_151 = arith.extui %lt3A_150 : i1 to i32
        %cond3A_152 = arith.constant 0 : i32
        %cond3A_153 = arith.cmpi ne, %convert_element_type3A_151, %cond3A_152 : i32
        scf.if %cond3A_153 {
          %add3A_307 = arith.constant 4 : i32
          %add3A_308 = arith.addi %add3A_141, %add3A_307 : i32
          %dma_start3A_309 = arith.constant 0 : i32
          %dma_start3A_310 = tpu.memref_slice %arg5[%add3A_308, %dma_start3A_309] : memref<128x160xi32, #tpu.memory_space<vmem>> -> memref<1x160xi32, #tpu.memory_space<vmem>>
          %dma_start3A_311 = tpu.memref_squeeze %dma_start3A_310 : memref<1x160xi32, #tpu.memory_space<vmem>> -> memref<160xi32, #tpu.memory_space<vmem>>
          %dma_start3A_312 = arith.constant 0 : i32
          %dma_start3A_313 = arith.constant 0 : i32
          %dma_start3A_314 = tpu.memref_slice %arg2[%dma_start3A_312, %dma_start3A_313] : memref<10240x32xf32, #tpu.memory_space<hbm>> -> memref<10240x32xf32, #tpu.memory_space<hbm>>
          tpu.enqueue_indirect_dma source(%dma_start3A_314 : memref<10240x32xf32, #tpu.memory_space<hbm>>) target(%arg13 : memref<160x32xf32, #tpu.memory_space<vmem>>) offsets(%dma_start3A_311 : memref<160xi32, #tpu.memory_space<vmem>>) semaphore(%arg23 : memref<!tpu.dma_semaphore, #tpu.memory_space<semaphore_mem>>)
        } else {
        }
        %dma_wait3A_154 = arith.constant 0 : i32
        %dma_wait3A_155 = tpu.memref_slice %arg5[%add3A_141, %dma_wait3A_154] : memref<128x160xi32, #tpu.memory_space<vmem>> -> memref<1x160xi32, #tpu.memory_space<vmem>>
        %dma_wait3A_156 = tpu.memref_squeeze %dma_wait3A_155 : memref<1x160xi32, #tpu.memory_space<vmem>> -> memref<160xi32, #tpu.memory_space<vmem>>
        %dma_wait3A_157 = arith.constant 0 : i32
        %dma_wait3A_158 = arith.constant 0 : i32
        %dma_wait3A_159 = tpu.memref_slice %arg2[%dma_wait3A_157, %dma_wait3A_158] : memref<10240x32xf32, #tpu.memory_space<hbm>> -> memref<10240x32xf32, #tpu.memory_space<hbm>>
        tpu.wait_indirect_dma semaphore(%arg19 : memref<!tpu.dma_semaphore, #tpu.memory_space<semaphore_mem>>) src(%dma_wait3A_159 : memref<10240x32xf32, #tpu.memory_space<hbm>>) dst(%arg9 : memref<160x32xf32, #tpu.memory_space<vmem>>)
        %dma_start3A_160 = arith.constant 0 : i32
        %dma_start3A_161 = tpu.memref_slice %arg6[%add3A_141, %dma_start3A_160] : memref<128x160xi32, #tpu.memory_space<vmem>> -> memref<1x160xi32, #tpu.memory_space<vmem>>
        %dma_start3A_162 = tpu.memref_squeeze %dma_start3A_161 : memref<1x160xi32, #tpu.memory_space<vmem>> -> memref<160xi32, #tpu.memory_space<vmem>>
        %dma_start3A_163 = arith.constant 0 : i32
        %dma_start3A_164 = arith.constant 0 : i32
        %dma_start3A_165 = tpu.memref_slice %arg16[%dma_start3A_163, %dma_start3A_164] : memref<10240x32xf32, #tpu.memory_space<vmem_shared>> -> memref<10240x32xf32, #tpu.memory_space<vmem_shared>>
        tpu.enqueue_indirect_dma source(%arg9 : memref<160x32xf32, #tpu.memory_space<vmem>>) target(%dma_start3A_165 : memref<10240x32xf32, #tpu.memory_space<vmem_shared>>) offsets(%dma_start3A_162 : memref<160xi32, #tpu.memory_space<vmem>>) semaphore(%arg27 : memref<!tpu.dma_semaphore, #tpu.memory_space<semaphore_mem>>) {add = true}
        %mul3A_166 = arith.constant 8 : i32
        %mul3A_167 = arith.muli %scan3A_83, %mul3A_166 : i32
        %add3A_168 = arith.constant 3 : i32
        %add3A_169 = arith.addi %mul3A_167, %add3A_168 : i32
        %ge3A_170 = arith.constant 4 : i32
        %ge3A_171 = arith.cmpi sge, %add3A_169, %ge3A_170 : i32
        %convert_element_type3A_172 = arith.extui %ge3A_171 : i1 to i32
        %cond3A_173 = arith.constant 0 : i32
        %cond3A_174 = arith.cmpi ne, %convert_element_type3A_172, %cond3A_173 : i32
        scf.if %cond3A_174 {
          %sub3A = arith.constant 4 : i32
          %sub3A_307 = arith.subi %add3A_169, %sub3A : i32
          %dma_wait3A_308 = arith.constant 0 : i32
          %dma_wait3A_309 = tpu.memref_slice %arg6[%sub3A_307, %dma_wait3A_308] : memref<128x160xi32, #tpu.memory_space<vmem>> -> memref<1x160xi32, #tpu.memory_space<vmem>>
          %dma_wait3A_310 = tpu.memref_squeeze %dma_wait3A_309 : memref<1x160xi32, #tpu.memory_space<vmem>> -> memref<160xi32, #tpu.memory_space<vmem>>
          %dma_wait3A_311 = arith.constant 0 : i32
          %dma_wait3A_312 = arith.constant 0 : i32
          %dma_wait3A_313 = tpu.memref_slice %arg16[%dma_wait3A_311, %dma_wait3A_312] : memref<10240x32xf32, #tpu.memory_space<vmem_shared>> -> memref<10240x32xf32, #tpu.memory_space<vmem_shared>>
          tpu.wait_indirect_dma semaphore(%arg32 : memref<!tpu.dma_semaphore, #tpu.memory_space<semaphore_mem>>) src(%arg14 : memref<160x32xf32, #tpu.memory_space<vmem>>) dst(%dma_wait3A_313 : memref<10240x32xf32, #tpu.memory_space<vmem_shared>>)
        } else {
        }
        %add3A_175 = arith.constant 4 : i32
        %add3A_176 = arith.addi %add3A_169, %add3A_175 : i32
        %lt3A_177 = arith.constant 128 : i32
        %lt3A_178 = arith.cmpi slt, %add3A_176, %lt3A_177 : i32
        %convert_element_type3A_179 = arith.extui %lt3A_178 : i1 to i32
        %cond3A_180 = arith.constant 0 : i32
        %cond3A_181 = arith.cmpi ne, %convert_element_type3A_179, %cond3A_180 : i32
        scf.if %cond3A_181 {
          %add3A_307 = arith.constant 4 : i32
          %add3A_308 = arith.addi %add3A_169, %add3A_307 : i32
          %dma_start3A_309 = arith.constant 0 : i32
          %dma_start3A_310 = tpu.memref_slice %arg5[%add3A_308, %dma_start3A_309] : memref<128x160xi32, #tpu.memory_space<vmem>> -> memref<1x160xi32, #tpu.memory_space<vmem>>
          %dma_start3A_311 = tpu.memref_squeeze %dma_start3A_310 : memref<1x160xi32, #tpu.memory_space<vmem>> -> memref<160xi32, #tpu.memory_space<vmem>>
          %dma_start3A_312 = arith.constant 0 : i32
          %dma_start3A_313 = arith.constant 0 : i32
          %dma_start3A_314 = tpu.memref_slice %arg2[%dma_start3A_312, %dma_start3A_313] : memref<10240x32xf32, #tpu.memory_space<hbm>> -> memref<10240x32xf32, #tpu.memory_space<hbm>>
          tpu.enqueue_indirect_dma source(%dma_start3A_314 : memref<10240x32xf32, #tpu.memory_space<hbm>>) target(%arg14 : memref<160x32xf32, #tpu.memory_space<vmem>>) offsets(%dma_start3A_311 : memref<160xi32, #tpu.memory_space<vmem>>) semaphore(%arg24 : memref<!tpu.dma_semaphore, #tpu.memory_space<semaphore_mem>>)
        } else {
        }
        %dma_wait3A_182 = arith.constant 0 : i32
        %dma_wait3A_183 = tpu.memref_slice %arg5[%add3A_169, %dma_wait3A_182] : memref<128x160xi32, #tpu.memory_space<vmem>> -> memref<1x160xi32, #tpu.memory_space<vmem>>
        %dma_wait3A_184 = tpu.memref_squeeze %dma_wait3A_183 : memref<1x160xi32, #tpu.memory_space<vmem>> -> memref<160xi32, #tpu.memory_space<vmem>>
        %dma_wait3A_185 = arith.constant 0 : i32
        %dma_wait3A_186 = arith.constant 0 : i32
        %dma_wait3A_187 = tpu.memref_slice %arg2[%dma_wait3A_185, %dma_wait3A_186] : memref<10240x32xf32, #tpu.memory_space<hbm>> -> memref<10240x32xf32, #tpu.memory_space<hbm>>
        tpu.wait_indirect_dma semaphore(%arg20 : memref<!tpu.dma_semaphore, #tpu.memory_space<semaphore_mem>>) src(%dma_wait3A_187 : memref<10240x32xf32, #tpu.memory_space<hbm>>) dst(%arg10 : memref<160x32xf32, #tpu.memory_space<vmem>>)
        %dma_start3A_188 = arith.constant 0 : i32
        %dma_start3A_189 = tpu.memref_slice %arg6[%add3A_169, %dma_start3A_188] : memref<128x160xi32, #tpu.memory_space<vmem>> -> memref<1x160xi32, #tpu.memory_space<vmem>>
        %dma_start3A_190 = tpu.memref_squeeze %dma_start3A_189 : memref<1x160xi32, #tpu.memory_space<vmem>> -> memref<160xi32, #tpu.memory_space<vmem>>
        %dma_start3A_191 = arith.constant 0 : i32
        %dma_start3A_192 = arith.constant 0 : i32
        %dma_start3A_193 = tpu.memref_slice %arg16[%dma_start3A_191, %dma_start3A_192] : memref<10240x32xf32, #tpu.memory_space<vmem_shared>> -> memref<10240x32xf32, #tpu.memory_space<vmem_shared>>
        tpu.enqueue_indirect_dma source(%arg10 : memref<160x32xf32, #tpu.memory_space<vmem>>) target(%dma_start3A_193 : memref<10240x32xf32, #tpu.memory_space<vmem_shared>>) offsets(%dma_start3A_190 : memref<160xi32, #tpu.memory_space<vmem>>) semaphore(%arg28 : memref<!tpu.dma_semaphore, #tpu.memory_space<semaphore_mem>>) {add = true}
        %mul3A_194 = arith.constant 8 : i32
        %mul3A_195 = arith.muli %scan3A_83, %mul3A_194 : i32
        %add3A_196 = arith.constant 4 : i32
        %add3A_197 = arith.addi %mul3A_195, %add3A_196 : i32
        %ge3A_198 = arith.constant 4 : i32
        %ge3A_199 = arith.cmpi sge, %add3A_197, %ge3A_198 : i32
        %convert_element_type3A_200 = arith.extui %ge3A_199 : i1 to i32
        %cond3A_201 = arith.constant 0 : i32
        %cond3A_202 = arith.cmpi ne, %convert_element_type3A_200, %cond3A_201 : i32
        scf.if %cond3A_202 {
          %sub3A = arith.constant 4 : i32
          %sub3A_307 = arith.subi %add3A_197, %sub3A : i32
          %dma_wait3A_308 = arith.constant 0 : i32
          %dma_wait3A_309 = tpu.memref_slice %arg6[%sub3A_307, %dma_wait3A_308] : memref<128x160xi32, #tpu.memory_space<vmem>> -> memref<1x160xi32, #tpu.memory_space<vmem>>
          %dma_wait3A_310 = tpu.memref_squeeze %dma_wait3A_309 : memref<1x160xi32, #tpu.memory_space<vmem>> -> memref<160xi32, #tpu.memory_space<vmem>>
          %dma_wait3A_311 = arith.constant 0 : i32
          %dma_wait3A_312 = arith.constant 0 : i32
          %dma_wait3A_313 = tpu.memref_slice %arg16[%dma_wait3A_311, %dma_wait3A_312] : memref<10240x32xf32, #tpu.memory_space<vmem_shared>> -> memref<10240x32xf32, #tpu.memory_space<vmem_shared>>
          tpu.wait_indirect_dma semaphore(%arg25 : memref<!tpu.dma_semaphore, #tpu.memory_space<semaphore_mem>>) src(%arg7 : memref<160x32xf32, #tpu.memory_space<vmem>>) dst(%dma_wait3A_313 : memref<10240x32xf32, #tpu.memory_space<vmem_shared>>)
        } else {
        }
        %add3A_203 = arith.constant 4 : i32
        %add3A_204 = arith.addi %add3A_197, %add3A_203 : i32
        %lt3A_205 = arith.constant 128 : i32
        %lt3A_206 = arith.cmpi slt, %add3A_204, %lt3A_205 : i32
        %convert_element_type3A_207 = arith.extui %lt3A_206 : i1 to i32
        %cond3A_208 = arith.constant 0 : i32
        %cond3A_209 = arith.cmpi ne, %convert_element_type3A_207, %cond3A_208 : i32
        scf.if %cond3A_209 {
          %add3A_307 = arith.constant 4 : i32
          %add3A_308 = arith.addi %add3A_197, %add3A_307 : i32
          %dma_start3A_309 = arith.constant 0 : i32
          %dma_start3A_310 = tpu.memref_slice %arg5[%add3A_308, %dma_start3A_309] : memref<128x160xi32, #tpu.memory_space<vmem>> -> memref<1x160xi32, #tpu.memory_space<vmem>>
          %dma_start3A_311 = tpu.memref_squeeze %dma_start3A_310 : memref<1x160xi32, #tpu.memory_space<vmem>> -> memref<160xi32, #tpu.memory_space<vmem>>
          %dma_start3A_312 = arith.constant 0 : i32
          %dma_start3A_313 = arith.constant 0 : i32
          %dma_start3A_314 = tpu.memref_slice %arg2[%dma_start3A_312, %dma_start3A_313] : memref<10240x32xf32, #tpu.memory_space<hbm>> -> memref<10240x32xf32, #tpu.memory_space<hbm>>
          tpu.enqueue_indirect_dma source(%dma_start3A_314 : memref<10240x32xf32, #tpu.memory_space<hbm>>) target(%arg7 : memref<160x32xf32, #tpu.memory_space<vmem>>) offsets(%dma_start3A_311 : memref<160xi32, #tpu.memory_space<vmem>>) semaphore(%arg17 : memref<!tpu.dma_semaphore, #tpu.memory_space<semaphore_mem>>)
        } else {
        }
        %dma_wait3A_210 = arith.constant 0 : i32
        %dma_wait3A_211 = tpu.memref_slice %arg5[%add3A_197, %dma_wait3A_210] : memref<128x160xi32, #tpu.memory_space<vmem>> -> memref<1x160xi32, #tpu.memory_space<vmem>>
        %dma_wait3A_212 = tpu.memref_squeeze %dma_wait3A_211 : memref<1x160xi32, #tpu.memory_space<vmem>> -> memref<160xi32, #tpu.memory_space<vmem>>
        %dma_wait3A_213 = arith.constant 0 : i32
        %dma_wait3A_214 = arith.constant 0 : i32
        %dma_wait3A_215 = tpu.memref_slice %arg2[%dma_wait3A_213, %dma_wait3A_214] : memref<10240x32xf32, #tpu.memory_space<hbm>> -> memref<10240x32xf32, #tpu.memory_space<hbm>>
        tpu.wait_indirect_dma semaphore(%arg21 : memref<!tpu.dma_semaphore, #tpu.memory_space<semaphore_mem>>) src(%dma_wait3A_215 : memref<10240x32xf32, #tpu.memory_space<hbm>>) dst(%arg11 : memref<160x32xf32, #tpu.memory_space<vmem>>)
        %dma_start3A_216 = arith.constant 0 : i32
        %dma_start3A_217 = tpu.memref_slice %arg6[%add3A_197, %dma_start3A_216] : memref<128x160xi32, #tpu.memory_space<vmem>> -> memref<1x160xi32, #tpu.memory_space<vmem>>
        %dma_start3A_218 = tpu.memref_squeeze %dma_start3A_217 : memref<1x160xi32, #tpu.memory_space<vmem>> -> memref<160xi32, #tpu.memory_space<vmem>>
        %dma_start3A_219 = arith.constant 0 : i32
        %dma_start3A_220 = arith.constant 0 : i32
        %dma_start3A_221 = tpu.memref_slice %arg16[%dma_start3A_219, %dma_start3A_220] : memref<10240x32xf32, #tpu.memory_space<vmem_shared>> -> memref<10240x32xf32, #tpu.memory_space<vmem_shared>>
        tpu.enqueue_indirect_dma source(%arg11 : memref<160x32xf32, #tpu.memory_space<vmem>>) target(%dma_start3A_221 : memref<10240x32xf32, #tpu.memory_space<vmem_shared>>) offsets(%dma_start3A_218 : memref<160xi32, #tpu.memory_space<vmem>>) semaphore(%arg29 : memref<!tpu.dma_semaphore, #tpu.memory_space<semaphore_mem>>) {add = true}
        %mul3A_222 = arith.constant 8 : i32
        %mul3A_223 = arith.muli %scan3A_83, %mul3A_222 : i32
        %add3A_224 = arith.constant 5 : i32
        %add3A_225 = arith.addi %mul3A_223, %add3A_224 : i32
        %ge3A_226 = arith.constant 4 : i32
        %ge3A_227 = arith.cmpi sge, %add3A_225, %ge3A_226 : i32
        %convert_element_type3A_228 = arith.extui %ge3A_227 : i1 to i32
        %cond3A_229 = arith.constant 0 : i32
        %cond3A_230 = arith.cmpi ne, %convert_element_type3A_228, %cond3A_229 : i32
        scf.if %cond3A_230 {
          %sub3A = arith.constant 4 : i32
          %sub3A_307 = arith.subi %add3A_225, %sub3A : i32
          %dma_wait3A_308 = arith.constant 0 : i32
          %dma_wait3A_309 = tpu.memref_slice %arg6[%sub3A_307, %dma_wait3A_308] : memref<128x160xi32, #tpu.memory_space<vmem>> -> memref<1x160xi32, #tpu.memory_space<vmem>>
          %dma_wait3A_310 = tpu.memref_squeeze %dma_wait3A_309 : memref<1x160xi32, #tpu.memory_space<vmem>> -> memref<160xi32, #tpu.memory_space<vmem>>
          %dma_wait3A_311 = arith.constant 0 : i32
          %dma_wait3A_312 = arith.constant 0 : i32
          %dma_wait3A_313 = tpu.memref_slice %arg16[%dma_wait3A_311, %dma_wait3A_312] : memref<10240x32xf32, #tpu.memory_space<vmem_shared>> -> memref<10240x32xf32, #tpu.memory_space<vmem_shared>>
          tpu.wait_indirect_dma semaphore(%arg26 : memref<!tpu.dma_semaphore, #tpu.memory_space<semaphore_mem>>) src(%arg8 : memref<160x32xf32, #tpu.memory_space<vmem>>) dst(%dma_wait3A_313 : memref<10240x32xf32, #tpu.memory_space<vmem_shared>>)
        } else {
        }
        %add3A_231 = arith.constant 4 : i32
        %add3A_232 = arith.addi %add3A_225, %add3A_231 : i32
        %lt3A_233 = arith.constant 128 : i32
        %lt3A_234 = arith.cmpi slt, %add3A_232, %lt3A_233 : i32
        %convert_element_type3A_235 = arith.extui %lt3A_234 : i1 to i32
        %cond3A_236 = arith.constant 0 : i32
        %cond3A_237 = arith.cmpi ne, %convert_element_type3A_235, %cond3A_236 : i32
        scf.if %cond3A_237 {
          %add3A_307 = arith.constant 4 : i32
          %add3A_308 = arith.addi %add3A_225, %add3A_307 : i32
          %dma_start3A_309 = arith.constant 0 : i32
          %dma_start3A_310 = tpu.memref_slice %arg5[%add3A_308, %dma_start3A_309] : memref<128x160xi32, #tpu.memory_space<vmem>> -> memref<1x160xi32, #tpu.memory_space<vmem>>
          %dma_start3A_311 = tpu.memref_squeeze %dma_start3A_310 : memref<1x160xi32, #tpu.memory_space<vmem>> -> memref<160xi32, #tpu.memory_space<vmem>>
          %dma_start3A_312 = arith.constant 0 : i32
          %dma_start3A_313 = arith.constant 0 : i32
          %dma_start3A_314 = tpu.memref_slice %arg2[%dma_start3A_312, %dma_start3A_313] : memref<10240x32xf32, #tpu.memory_space<hbm>> -> memref<10240x32xf32, #tpu.memory_space<hbm>>
          tpu.enqueue_indirect_dma source(%dma_start3A_314 : memref<10240x32xf32, #tpu.memory_space<hbm>>) target(%arg8 : memref<160x32xf32, #tpu.memory_space<vmem>>) offsets(%dma_start3A_311 : memref<160xi32, #tpu.memory_space<vmem>>) semaphore(%arg18 : memref<!tpu.dma_semaphore, #tpu.memory_space<semaphore_mem>>)
        } else {
        }
        %dma_wait3A_238 = arith.constant 0 : i32
        %dma_wait3A_239 = tpu.memref_slice %arg5[%add3A_225, %dma_wait3A_238] : memref<128x160xi32, #tpu.memory_space<vmem>> -> memref<1x160xi32, #tpu.memory_space<vmem>>
        %dma_wait3A_240 = tpu.memref_squeeze %dma_wait3A_239 : memref<1x160xi32, #tpu.memory_space<vmem>> -> memref<160xi32, #tpu.memory_space<vmem>>
        %dma_wait3A_241 = arith.constant 0 : i32
        %dma_wait3A_242 = arith.constant 0 : i32
        %dma_wait3A_243 = tpu.memref_slice %arg2[%dma_wait3A_241, %dma_wait3A_242] : memref<10240x32xf32, #tpu.memory_space<hbm>> -> memref<10240x32xf32, #tpu.memory_space<hbm>>
        tpu.wait_indirect_dma semaphore(%arg22 : memref<!tpu.dma_semaphore, #tpu.memory_space<semaphore_mem>>) src(%dma_wait3A_243 : memref<10240x32xf32, #tpu.memory_space<hbm>>) dst(%arg12 : memref<160x32xf32, #tpu.memory_space<vmem>>)
        %dma_start3A_244 = arith.constant 0 : i32
        %dma_start3A_245 = tpu.memref_slice %arg6[%add3A_225, %dma_start3A_244] : memref<128x160xi32, #tpu.memory_space<vmem>> -> memref<1x160xi32, #tpu.memory_space<vmem>>
        %dma_start3A_246 = tpu.memref_squeeze %dma_start3A_245 : memref<1x160xi32, #tpu.memory_space<vmem>> -> memref<160xi32, #tpu.memory_space<vmem>>
        %dma_start3A_247 = arith.constant 0 : i32
        %dma_start3A_248 = arith.constant 0 : i32
        %dma_start3A_249 = tpu.memref_slice %arg16[%dma_start3A_247, %dma_start3A_248] : memref<10240x32xf32, #tpu.memory_space<vmem_shared>> -> memref<10240x32xf32, #tpu.memory_space<vmem_shared>>
        tpu.enqueue_indirect_dma source(%arg12 : memref<160x32xf32, #tpu.memory_space<vmem>>) target(%dma_start3A_249 : memref<10240x32xf32, #tpu.memory_space<vmem_shared>>) offsets(%dma_start3A_246 : memref<160xi32, #tpu.memory_space<vmem>>) semaphore(%arg30 : memref<!tpu.dma_semaphore, #tpu.memory_space<semaphore_mem>>) {add = true}
        %mul3A_250 = arith.constant 8 : i32
        %mul3A_251 = arith.muli %scan3A_83, %mul3A_250 : i32
        %add3A_252 = arith.constant 6 : i32
        %add3A_253 = arith.addi %mul3A_251, %add3A_252 : i32
        %ge3A_254 = arith.constant 4 : i32
        %ge3A_255 = arith.cmpi sge, %add3A_253, %ge3A_254 : i32
        %convert_element_type3A_256 = arith.extui %ge3A_255 : i1 to i32
        %cond3A_257 = arith.constant 0 : i32
        %cond3A_258 = arith.cmpi ne, %convert_element_type3A_256, %cond3A_257 : i32
        scf.if %cond3A_258 {
          %sub3A = arith.constant 4 : i32
          %sub3A_307 = arith.subi %add3A_253, %sub3A : i32
          %dma_wait3A_308 = arith.constant 0 : i32
          %dma_wait3A_309 = tpu.memref_slice %arg6[%sub3A_307, %dma_wait3A_308] : memref<128x160xi32, #tpu.memory_space<vmem>> -> memref<1x160xi32, #tpu.memory_space<vmem>>
          %dma_wait3A_310 = tpu.memref_squeeze %dma_wait3A_309 : memref<1x160xi32, #tpu.memory_space<vmem>> -> memref<160xi32, #tpu.memory_space<vmem>>
          %dma_wait3A_311 = arith.constant 0 : i32
          %dma_wait3A_312 = arith.constant 0 : i32
          %dma_wait3A_313 = tpu.memref_slice %arg16[%dma_wait3A_311, %dma_wait3A_312] : memref<10240x32xf32, #tpu.memory_space<vmem_shared>> -> memref<10240x32xf32, #tpu.memory_space<vmem_shared>>
          tpu.wait_indirect_dma semaphore(%arg27 : memref<!tpu.dma_semaphore, #tpu.memory_space<semaphore_mem>>) src(%arg9 : memref<160x32xf32, #tpu.memory_space<vmem>>) dst(%dma_wait3A_313 : memref<10240x32xf32, #tpu.memory_space<vmem_shared>>)
        } else {
        }
        %add3A_259 = arith.constant 4 : i32
        %add3A_260 = arith.addi %add3A_253, %add3A_259 : i32
        %lt3A_261 = arith.constant 128 : i32
        %lt3A_262 = arith.cmpi slt, %add3A_260, %lt3A_261 : i32
        %convert_element_type3A_263 = arith.extui %lt3A_262 : i1 to i32
        %cond3A_264 = arith.constant 0 : i32
        %cond3A_265 = arith.cmpi ne, %convert_element_type3A_263, %cond3A_264 : i32
        scf.if %cond3A_265 {
          %add3A_307 = arith.constant 4 : i32
          %add3A_308 = arith.addi %add3A_253, %add3A_307 : i32
          %dma_start3A_309 = arith.constant 0 : i32
          %dma_start3A_310 = tpu.memref_slice %arg5[%add3A_308, %dma_start3A_309] : memref<128x160xi32, #tpu.memory_space<vmem>> -> memref<1x160xi32, #tpu.memory_space<vmem>>
          %dma_start3A_311 = tpu.memref_squeeze %dma_start3A_310 : memref<1x160xi32, #tpu.memory_space<vmem>> -> memref<160xi32, #tpu.memory_space<vmem>>
          %dma_start3A_312 = arith.constant 0 : i32
          %dma_start3A_313 = arith.constant 0 : i32
          %dma_start3A_314 = tpu.memref_slice %arg2[%dma_start3A_312, %dma_start3A_313] : memref<10240x32xf32, #tpu.memory_space<hbm>> -> memref<10240x32xf32, #tpu.memory_space<hbm>>
          tpu.enqueue_indirect_dma source(%dma_start3A_314 : memref<10240x32xf32, #tpu.memory_space<hbm>>) target(%arg9 : memref<160x32xf32, #tpu.memory_space<vmem>>) offsets(%dma_start3A_311 : memref<160xi32, #tpu.memory_space<vmem>>) semaphore(%arg19 : memref<!tpu.dma_semaphore, #tpu.memory_space<semaphore_mem>>)
        } else {
        }
        %dma_wait3A_266 = arith.constant 0 : i32
        %dma_wait3A_267 = tpu.memref_slice %arg5[%add3A_253, %dma_wait3A_266] : memref<128x160xi32, #tpu.memory_space<vmem>> -> memref<1x160xi32, #tpu.memory_space<vmem>>
        %dma_wait3A_268 = tpu.memref_squeeze %dma_wait3A_267 : memref<1x160xi32, #tpu.memory_space<vmem>> -> memref<160xi32, #tpu.memory_space<vmem>>
        %dma_wait3A_269 = arith.constant 0 : i32
        %dma_wait3A_270 = arith.constant 0 : i32
        %dma_wait3A_271 = tpu.memref_slice %arg2[%dma_wait3A_269, %dma_wait3A_270] : memref<10240x32xf32, #tpu.memory_space<hbm>> -> memref<10240x32xf32, #tpu.memory_space<hbm>>
        tpu.wait_indirect_dma semaphore(%arg23 : memref<!tpu.dma_semaphore, #tpu.memory_space<semaphore_mem>>) src(%dma_wait3A_271 : memref<10240x32xf32, #tpu.memory_space<hbm>>) dst(%arg13 : memref<160x32xf32, #tpu.memory_space<vmem>>)
        %dma_start3A_272 = arith.constant 0 : i32
        %dma_start3A_273 = tpu.memref_slice %arg6[%add3A_253, %dma_start3A_272] : memref<128x160xi32, #tpu.memory_space<vmem>> -> memref<1x160xi32, #tpu.memory_space<vmem>>
        %dma_start3A_274 = tpu.memref_squeeze %dma_start3A_273 : memref<1x160xi32, #tpu.memory_space<vmem>> -> memref<160xi32, #tpu.memory_space<vmem>>
        %dma_start3A_275 = arith.constant 0 : i32
        %dma_start3A_276 = arith.constant 0 : i32
        %dma_start3A_277 = tpu.memref_slice %arg16[%dma_start3A_275, %dma_start3A_276] : memref<10240x32xf32, #tpu.memory_space<vmem_shared>> -> memref<10240x32xf32, #tpu.memory_space<vmem_shared>>
        tpu.enqueue_indirect_dma source(%arg13 : memref<160x32xf32, #tpu.memory_space<vmem>>) target(%dma_start3A_277 : memref<10240x32xf32, #tpu.memory_space<vmem_shared>>) offsets(%dma_start3A_274 : memref<160xi32, #tpu.memory_space<vmem>>) semaphore(%arg31 : memref<!tpu.dma_semaphore, #tpu.memory_space<semaphore_mem>>) {add = true}
        %mul3A_278 = arith.constant 8 : i32
        %mul3A_279 = arith.muli %scan3A_83, %mul3A_278 : i32
        %add3A_280 = arith.constant 7 : i32
        %add3A_281 = arith.addi %mul3A_279, %add3A_280 : i32
        %ge3A_282 = arith.constant 4 : i32
        %ge3A_283 = arith.cmpi sge, %add3A_281, %ge3A_282 : i32
        %convert_element_type3A_284 = arith.extui %ge3A_283 : i1 to i32
        %cond3A_285 = arith.constant 0 : i32
        %cond3A_286 = arith.cmpi ne, %convert_element_type3A_284, %cond3A_285 : i32
        scf.if %cond3A_286 {
          %sub3A = arith.constant 4 : i32
          %sub3A_307 = arith.subi %add3A_281, %sub3A : i32
          %dma_wait3A_308 = arith.constant 0 : i32
          %dma_wait3A_309 = tpu.memref_slice %arg6[%sub3A_307, %dma_wait3A_308] : memref<128x160xi32, #tpu.memory_space<vmem>> -> memref<1x160xi32, #tpu.memory_space<vmem>>
          %dma_wait3A_310 = tpu.memref_squeeze %dma_wait3A_309 : memref<1x160xi32, #tpu.memory_space<vmem>> -> memref<160xi32, #tpu.memory_space<vmem>>
          %dma_wait3A_311 = arith.constant 0 : i32
          %dma_wait3A_312 = arith.constant 0 : i32
          %dma_wait3A_313 = tpu.memref_slice %arg16[%dma_wait3A_311, %dma_wait3A_312] : memref<10240x32xf32, #tpu.memory_space<vmem_shared>> -> memref<10240x32xf32, #tpu.memory_space<vmem_shared>>
          tpu.wait_indirect_dma semaphore(%arg28 : memref<!tpu.dma_semaphore, #tpu.memory_space<semaphore_mem>>) src(%arg10 : memref<160x32xf32, #tpu.memory_space<vmem>>) dst(%dma_wait3A_313 : memref<10240x32xf32, #tpu.memory_space<vmem_shared>>)
        } else {
        }
        %add3A_287 = arith.constant 4 : i32
        %add3A_288 = arith.addi %add3A_281, %add3A_287 : i32
        %lt3A_289 = arith.constant 128 : i32
        %lt3A_290 = arith.cmpi slt, %add3A_288, %lt3A_289 : i32
        %convert_element_type3A_291 = arith.extui %lt3A_290 : i1 to i32
        %cond3A_292 = arith.constant 0 : i32
        %cond3A_293 = arith.cmpi ne, %convert_element_type3A_291, %cond3A_292 : i32
        scf.if %cond3A_293 {
          %add3A_307 = arith.constant 4 : i32
          %add3A_308 = arith.addi %add3A_281, %add3A_307 : i32
          %dma_start3A_309 = arith.constant 0 : i32
          %dma_start3A_310 = tpu.memref_slice %arg5[%add3A_308, %dma_start3A_309] : memref<128x160xi32, #tpu.memory_space<vmem>> -> memref<1x160xi32, #tpu.memory_space<vmem>>
          %dma_start3A_311 = tpu.memref_squeeze %dma_start3A_310 : memref<1x160xi32, #tpu.memory_space<vmem>> -> memref<160xi32, #tpu.memory_space<vmem>>
          %dma_start3A_312 = arith.constant 0 : i32
          %dma_start3A_313 = arith.constant 0 : i32
          %dma_start3A_314 = tpu.memref_slice %arg2[%dma_start3A_312, %dma_start3A_313] : memref<10240x32xf32, #tpu.memory_space<hbm>> -> memref<10240x32xf32, #tpu.memory_space<hbm>>
          tpu.enqueue_indirect_dma source(%dma_start3A_314 : memref<10240x32xf32, #tpu.memory_space<hbm>>) target(%arg10 : memref<160x32xf32, #tpu.memory_space<vmem>>) offsets(%dma_start3A_311 : memref<160xi32, #tpu.memory_space<vmem>>) semaphore(%arg20 : memref<!tpu.dma_semaphore, #tpu.memory_space<semaphore_mem>>)
        } else {
        }
        %dma_wait3A_294 = arith.constant 0 : i32
        %dma_wait3A_295 = tpu.memref_slice %arg5[%add3A_281, %dma_wait3A_294] : memref<128x160xi32, #tpu.memory_space<vmem>> -> memref<1x160xi32, #tpu.memory_space<vmem>>
        %dma_wait3A_296 = tpu.memref_squeeze %dma_wait3A_295 : memref<1x160xi32, #tpu.memory_space<vmem>> -> memref<160xi32, #tpu.memory_space<vmem>>
        %dma_wait3A_297 = arith.constant 0 : i32
        %dma_wait3A_298 = arith.constant 0 : i32
        %dma_wait3A_299 = tpu.memref_slice %arg2[%dma_wait3A_297, %dma_wait3A_298] : memref<10240x32xf32, #tpu.memory_space<hbm>> -> memref<10240x32xf32, #tpu.memory_space<hbm>>
        tpu.wait_indirect_dma semaphore(%arg24 : memref<!tpu.dma_semaphore, #tpu.memory_space<semaphore_mem>>) src(%dma_wait3A_299 : memref<10240x32xf32, #tpu.memory_space<hbm>>) dst(%arg14 : memref<160x32xf32, #tpu.memory_space<vmem>>)
        %dma_start3A_300 = arith.constant 0 : i32
        %dma_start3A_301 = tpu.memref_slice %arg6[%add3A_281, %dma_start3A_300] : memref<128x160xi32, #tpu.memory_space<vmem>> -> memref<1x160xi32, #tpu.memory_space<vmem>>
        %dma_start3A_302 = tpu.memref_squeeze %dma_start3A_301 : memref<1x160xi32, #tpu.memory_space<vmem>> -> memref<160xi32, #tpu.memory_space<vmem>>
        %dma_start3A_303 = arith.constant 0 : i32
        %dma_start3A_304 = arith.constant 0 : i32
        %dma_start3A_305 = tpu.memref_slice %arg16[%dma_start3A_303, %dma_start3A_304] : memref<10240x32xf32, #tpu.memory_space<vmem_shared>> -> memref<10240x32xf32, #tpu.memory_space<vmem_shared>>
        tpu.enqueue_indirect_dma source(%arg14 : memref<160x32xf32, #tpu.memory_space<vmem>>) target(%dma_start3A_305 : memref<10240x32xf32, #tpu.memory_space<vmem_shared>>) offsets(%dma_start3A_302 : memref<160xi32, #tpu.memory_space<vmem>>) semaphore(%arg32 : memref<!tpu.dma_semaphore, #tpu.memory_space<semaphore_mem>>) {add = true}
        %scan3A_306 = arith.constant 0 : i32
        scf.yield %scan3A_306 : i32
      }
      %scan3A_50 = arith.constant 16 : i32
      %dma_wait3A = arith.constant 124 : i32
      %dma_wait3A_51 = arith.constant 0 : i32
      %dma_wait3A_52 = tpu.memref_slice %arg6[%dma_wait3A, %dma_wait3A_51] : memref<128x160xi32, #tpu.memory_space<vmem>> -> memref<1x160xi32, #tpu.memory_space<vmem>>
      %dma_wait3A_53 = tpu.memref_squeeze %dma_wait3A_52 : memref<1x160xi32, #tpu.memory_space<vmem>> -> memref<160xi32, #tpu.memory_space<vmem>>
      %dma_wait3A_54 = arith.constant 0 : i32
      %dma_wait3A_55 = arith.constant 0 : i32
      %dma_wait3A_56 = tpu.memref_slice %arg16[%dma_wait3A_54, %dma_wait3A_55] : memref<10240x32xf32, #tpu.memory_space<vmem_shared>> -> memref<10240x32xf32, #tpu.memory_space<vmem_shared>>
      tpu.wait_indirect_dma semaphore(%arg29 : memref<!tpu.dma_semaphore, #tpu.memory_space<semaphore_mem>>) src(%arg11 : memref<160x32xf32, #tpu.memory_space<vmem>>) dst(%dma_wait3A_56 : memref<10240x32xf32, #tpu.memory_space<vmem_shared>>)
      %dma_wait3A_57 = arith.constant 125 : i32
      %dma_wait3A_58 = arith.constant 0 : i32
      %dma_wait3A_59 = tpu.memref_slice %arg6[%dma_wait3A_57, %dma_wait3A_58] : memref<128x160xi32, #tpu.memory_space<vmem>> -> memref<1x160xi32, #tpu.memory_space<vmem>>
      %dma_wait3A_60 = tpu.memref_squeeze %dma_wait3A_59 : memref<1x160xi32, #tpu.memory_space<vmem>> -> memref<160xi32, #tpu.memory_space<vmem>>
      %dma_wait3A_61 = arith.constant 0 : i32
      %dma_wait3A_62 = arith.constant 0 : i32
      %dma_wait3A_63 = tpu.memref_slice %arg16[%dma_wait3A_61, %dma_wait3A_62] : memref<10240x32xf32, #tpu.memory_space<vmem_shared>> -> memref<10240x32xf32, #tpu.memory_space<vmem_shared>>
      tpu.wait_indirect_dma semaphore(%arg30 : memref<!tpu.dma_semaphore, #tpu.memory_space<semaphore_mem>>) src(%arg12 : memref<160x32xf32, #tpu.memory_space<vmem>>) dst(%dma_wait3A_63 : memref<10240x32xf32, #tpu.memory_space<vmem_shared>>)
      %dma_wait3A_64 = arith.constant 126 : i32
      %dma_wait3A_65 = arith.constant 0 : i32
      %dma_wait3A_66 = tpu.memref_slice %arg6[%dma_wait3A_64, %dma_wait3A_65] : memref<128x160xi32, #tpu.memory_space<vmem>> -> memref<1x160xi32, #tpu.memory_space<vmem>>
      %dma_wait3A_67 = tpu.memref_squeeze %dma_wait3A_66 : memref<1x160xi32, #tpu.memory_space<vmem>> -> memref<160xi32, #tpu.memory_space<vmem>>
      %dma_wait3A_68 = arith.constant 0 : i32
      %dma_wait3A_69 = arith.constant 0 : i32
      %dma_wait3A_70 = tpu.memref_slice %arg16[%dma_wait3A_68, %dma_wait3A_69] : memref<10240x32xf32, #tpu.memory_space<vmem_shared>> -> memref<10240x32xf32, #tpu.memory_space<vmem_shared>>
      tpu.wait_indirect_dma semaphore(%arg31 : memref<!tpu.dma_semaphore, #tpu.memory_space<semaphore_mem>>) src(%arg13 : memref<160x32xf32, #tpu.memory_space<vmem>>) dst(%dma_wait3A_70 : memref<10240x32xf32, #tpu.memory_space<vmem_shared>>)
      %dma_wait3A_71 = arith.constant 127 : i32
      %dma_wait3A_72 = arith.constant 0 : i32
      %dma_wait3A_73 = tpu.memref_slice %arg6[%dma_wait3A_71, %dma_wait3A_72] : memref<128x160xi32, #tpu.memory_space<vmem>> -> memref<1x160xi32, #tpu.memory_space<vmem>>
      %dma_wait3A_74 = tpu.memref_squeeze %dma_wait3A_73 : memref<1x160xi32, #tpu.memory_space<vmem>> -> memref<160xi32, #tpu.memory_space<vmem>>
      %dma_wait3A_75 = arith.constant 0 : i32
      %dma_wait3A_76 = arith.constant 0 : i32
      %dma_wait3A_77 = tpu.memref_slice %arg16[%dma_wait3A_75, %dma_wait3A_76] : memref<10240x32xf32, #tpu.memory_space<vmem_shared>> -> memref<10240x32xf32, #tpu.memory_space<vmem_shared>>
      tpu.wait_indirect_dma semaphore(%arg32 : memref<!tpu.dma_semaphore, #tpu.memory_space<semaphore_mem>>) src(%arg14 : memref<160x32xf32, #tpu.memory_space<vmem>>) dst(%dma_wait3A_77 : memref<10240x32xf32, #tpu.memory_space<vmem_shared>>)
      %barrier3A_78 = arith.constant 0 : index
      tpu.barrier barrier_id(%barrier3A_78)
      %mul3A_79 = arith.constant 640 : i32
      %mul3A_80 = arith.muli %arg1, %mul3A_79 : i32
      %mul3A_81 = arith.constant 640 : i32
      %mul3A_82 = arith.muli %arg1, %mul3A_81 : i32
      "tpu.region"() ({
        %run_scoped3A_83 = tpu.sem_alloc : memref<!tpu.dma_semaphore, #tpu.memory_space<semaphore_mem>>
        %dma_start3A_84 = arith.constant 0 : i32
        %dma_start3A_85 = tpu.memref_slice %arg4[%mul3A_82, %dma_start3A_84] : memref<10240x32xf32, #tpu.memory_space<hbm>> -> memref<640x32xf32, #tpu.memory_space<hbm>>
        %dma_start3A_86 = arith.constant 0 : i32
        %dma_start3A_87 = tpu.memref_slice %arg16[%mul3A_80, %dma_start3A_86] : memref<10240x32xf32, #tpu.memory_space<vmem_shared>> -> memref<640x32xf32, #tpu.memory_space<vmem_shared>>
        tpu.enqueue_dma source(%dma_start3A_87 : memref<640x32xf32, #tpu.memory_space<vmem_shared>>) target(%dma_start3A_85 : memref<640x32xf32, #tpu.memory_space<hbm>>) target_semaphore(%run_scoped3A_83 : memref<!tpu.dma_semaphore, #tpu.memory_space<semaphore_mem>>)
        %dma_wait3A_88 = arith.constant 0 : i32
        %dma_wait3A_89 = tpu.memref_slice %arg4[%mul3A_82, %dma_wait3A_88] : memref<10240x32xf32, #tpu.memory_space<hbm>> -> memref<640x32xf32, #tpu.memory_space<hbm>>
        %dma_wait3A_90 = arith.constant 0 : i32
        %dma_wait3A_91 = tpu.memref_slice %arg16[%mul3A_80, %dma_wait3A_90] : memref<10240x32xf32, #tpu.memory_space<vmem_shared>> -> memref<640x32xf32, #tpu.memory_space<vmem_shared>>
        tpu.wait_dma2 semaphore(%run_scoped3A_83 : memref<!tpu.dma_semaphore, #tpu.memory_space<semaphore_mem>>) src(%dma_wait3A_91 : memref<640x32xf32, #tpu.memory_space<vmem_shared>>) dst(%dma_wait3A_89 : memref<640x32xf32, #tpu.memory_space<hbm>>)
        tpu.yield
      }) : () -> ()
    } else {
    }
    return
  }
}

module attributes {stable_mosaic.version = 14 : i64} {
  func.func @_tc1_body(%arg0: i32, %arg1: memref<2048x128xf32, #tpu.memory_space<vmem>>, %arg2: memref<2048x1xf32, #tpu.memory_space<vmem>>, %arg3: memref<128x32xf32, #tpu.memory_space<vmem>>, %arg4: memref<2048x32xf32, #tpu.memory_space<vmem>>, %arg5: memref<2048x1xf32, #tpu.memory_space<vmem>>) attributes {dimension_semantics = [#tpu.dimension_semantics<arbitrary>], iteration_bounds = array<i64: 5>, scalar_prefetch = 0 : i64, scratch_operands = 0 : i64, tpu.core_type = #tpu.core_type<tc>, window_params = [{transform_indices = @transform_0, window_bounds = array<i64: 2048, 128>}, {transform_indices = @transform_1, window_bounds = array<i64: 2048, 1>}, {pipeline_mode = #tpu.pipeline_mode<synchronous>, transform_indices = @transform_2, window_bounds = array<i64: 128, 32>}, {transform_indices = @transform_3, window_bounds = array<i64: 2048, 32>}, {transform_indices = @transform_4, window_bounds = array<i64: 2048, 1>}]} {
    %get3A = arith.constant 0 : index
    %get3A_0 = arith.constant 0 : index
    %get3A_1 = vector.load %arg2[%get3A, %get3A_0] : memref<2048x1xf32, #tpu.memory_space<vmem>>, vector<2048x1xf32>
    %add3A = arith.constant 1.000000e+00 : f32
    %add3A_2 = vector.broadcast %add3A : f32 to vector<2048x1xf32>
    %add3A_3 = arith.addf %get3A_1, %add3A_2 : vector<2048x1xf32>
    %rsqrt3A = math.rsqrt %add3A_3 : vector<2048x1xf32>
    %get3A_4 = arith.constant 0 : index
    %get3A_5 = arith.constant 0 : index
    %get3A_6 = vector.load %arg1[%get3A_4, %get3A_5] : memref<2048x128xf32, #tpu.memory_space<vmem>>, vector<2048x128xf32>
    %get3A_7 = arith.constant 0 : index
    %get3A_8 = arith.constant 0 : index
    %get3A_9 = vector.load %arg3[%get3A_7, %get3A_8] : memref<128x32xf32, #tpu.memory_space<vmem>>, vector<128x32xf32>
    %dot_general3A = arith.constant dense<0.000000e+00> : vector<2048x32xf32>
    %dot_general3A_10 = tpu.matmul %get3A_6, %get3A_9, %dot_general3A {dimension_numbers = #tpu.dot_dimension_numbers<[1], [0], [0], [1], [0, 0, 1, 1], [], []>, transpose_lhs_hint = false} : vector<2048x128xf32>, vector<128x32xf32>, vector<2048x32xf32> -> vector<2048x32xf32>
    %mul3A = vector.broadcast %rsqrt3A : vector<2048x1xf32> to vector<2048x32xf32>
    %mul3A_11 = arith.mulf %dot_general3A_10, %mul3A : vector<2048x32xf32>
    %swap3A = arith.constant 0 : index
    %swap3A_12 = arith.constant 0 : index
    %swap3A_13 = vector.load %arg4[%swap3A, %swap3A_12] : memref<2048x32xf32, #tpu.memory_space<vmem>>, vector<2048x32xf32>
    tpu.vector_store %arg4[%swap3A, %swap3A_12], %mul3A_11 {strides = array<i32>} : memref<2048x32xf32, #tpu.memory_space<vmem>>, vector<2048x32xf32>,
    %swap3A_14 = arith.constant 0 : index
    %swap3A_15 = arith.constant 0 : index
    %swap3A_16 = vector.load %arg5[%swap3A_14, %swap3A_15] : memref<2048x1xf32, #tpu.memory_space<vmem>>, vector<2048x1xf32>
    tpu.vector_store %arg5[%swap3A_14, %swap3A_15], %rsqrt3A {strides = array<i32>} : memref<2048x1xf32, #tpu.memory_space<vmem>>, vector<2048x1xf32>,
    return
  }
  func.func @transform_0(%arg0: i32) -> (i32, i32) {
    %c0_i32 = arith.constant 0 : i32
    %c0_i32_0 = arith.constant 0 : i32
    return %arg0, %c0_i32 : i32, i32
  }
  func.func @transform_1(%arg0: i32) -> (i32, i32) {
    %c0_i32 = arith.constant 0 : i32
    %c0_i32_0 = arith.constant 0 : i32
    return %arg0, %c0_i32 : i32, i32
  }
  func.func @transform_2(%arg0: i32) -> (i32, i32) {
    %c0_i32 = arith.constant 0 : i32
    %c0_i32_0 = arith.constant 0 : i32
    %c0_i32_1 = arith.constant 0 : i32
    return %c0_i32, %c0_i32_0 : i32, i32
  }
  func.func @transform_3(%arg0: i32) -> (i32, i32) {
    %c0_i32 = arith.constant 0 : i32
    %c0_i32_0 = arith.constant 0 : i32
    return %arg0, %c0_i32 : i32, i32
  }
  func.func @transform_4(%arg0: i32) -> (i32, i32) {
    %c0_i32 = arith.constant 0 : i32
    %c0_i32_0 = arith.constant 0 : i32
    return %arg0, %c0_i32 : i32, i32
  }
}

module attributes {stable_mosaic.version = 14 : i64} {
  func.func @_tc_mid_body(%arg0: i32, %arg1: memref<2048x32xf32, #tpu.memory_space<vmem>>, %arg2: memref<2048x32xf32, #tpu.memory_space<vmem>>, %arg3: memref<2048x1xf32, #tpu.memory_space<vmem>>, %arg4: memref<1x32xf32, #tpu.memory_space<vmem>>, %arg5: memref<32x32xf32, #tpu.memory_space<vmem>>, %arg6: memref<2048x32xf32, #tpu.memory_space<vmem>>, %arg7: memref<2048x32xf32, #tpu.memory_space<vmem>>) attributes {dimension_semantics = [#tpu.dimension_semantics<arbitrary>], iteration_bounds = array<i64: 5>, scalar_prefetch = 0 : i64, scratch_operands = 0 : i64, tpu.core_type = #tpu.core_type<tc>, window_params = [{transform_indices = @transform_0, window_bounds = array<i64: 2048, 32>}, {transform_indices = @transform_1, window_bounds = array<i64: 2048, 32>}, {transform_indices = @transform_2, window_bounds = array<i64: 2048, 1>}, {pipeline_mode = #tpu.pipeline_mode<synchronous>, transform_indices = @transform_3, window_bounds = array<i64: 1, 32>}, {pipeline_mode = #tpu.pipeline_mode<synchronous>, transform_indices = @transform_4, window_bounds = array<i64: 32, 32>}, {transform_indices = @transform_5, window_bounds = array<i64: 2048, 32>}, {transform_indices = @transform_6, window_bounds = array<i64: 2048, 32>}]} {
    %get3A = arith.constant 0 : index
    %get3A_0 = arith.constant 0 : index
    %get3A_1 = vector.load %arg1[%get3A, %get3A_0] : memref<2048x32xf32, #tpu.memory_space<vmem>>, vector<2048x32xf32>
    %get3A_2 = arith.constant 0 : index
    %get3A_3 = arith.constant 0 : index
    %get3A_4 = vector.load %arg2[%get3A_2, %get3A_3] : memref<2048x32xf32, #tpu.memory_space<vmem>>, vector<2048x32xf32>
    %add3A = arith.addf %get3A_1, %get3A_4 : vector<2048x32xf32>
    %get3A_5 = arith.constant 0 : index
    %get3A_6 = arith.constant 0 : index
    %get3A_7 = vector.load %arg3[%get3A_5, %get3A_6] : memref<2048x1xf32, #tpu.memory_space<vmem>>, vector<2048x1xf32>
    %mul3A = vector.broadcast %get3A_7 : vector<2048x1xf32> to vector<2048x32xf32>
    %mul3A_8 = arith.mulf %add3A, %mul3A : vector<2048x32xf32>
    %get3A_9 = arith.constant 0 : index
    %get3A_10 = arith.constant 0 : index
    %get3A_11 = vector.load %arg4[%get3A_9, %get3A_10] : memref<1x32xf32, #tpu.memory_space<vmem>>, vector<1x32xf32>
    %add3A_12 = vector.broadcast %get3A_11 : vector<1x32xf32> to vector<2048x32xf32>
    %add3A_13 = arith.addf %mul3A_8, %add3A_12 : vector<2048x32xf32>
    %max3A = arith.constant 0.000000e+00 : f32
    %max3A_14 = vector.broadcast %max3A : f32 to vector<2048x32xf32>
    %max3A_15 = arith.maximumf %add3A_13, %max3A_14 : vector<2048x32xf32>
    %swap3A = arith.constant 0 : index
    %swap3A_16 = arith.constant 0 : index
    %swap3A_17 = vector.load %arg6[%swap3A, %swap3A_16] : memref<2048x32xf32, #tpu.memory_space<vmem>>, vector<2048x32xf32>
    tpu.vector_store %arg6[%swap3A, %swap3A_16], %max3A_15 {strides = array<i32>} : memref<2048x32xf32, #tpu.memory_space<vmem>>, vector<2048x32xf32>,
    %get3A_18 = arith.constant 0 : index
    %get3A_19 = arith.constant 0 : index
    %get3A_20 = vector.load %arg5[%get3A_18, %get3A_19] : memref<32x32xf32, #tpu.memory_space<vmem>>, vector<32x32xf32>
    %dot_general3A = arith.constant dense<0.000000e+00> : vector<2048x32xf32>
    %dot_general3A_21 = tpu.matmul %max3A_15, %get3A_20, %dot_general3A {dimension_numbers = #tpu.dot_dimension_numbers<[1], [0], [0], [1], [0, 0, 1, 1], [], []>, transpose_lhs_hint = false} : vector<2048x32xf32>, vector<32x32xf32>, vector<2048x32xf32> -> vector<2048x32xf32>
    %mul3A_22 = vector.broadcast %get3A_7 : vector<2048x1xf32> to vector<2048x32xf32>
    %mul3A_23 = arith.mulf %dot_general3A_21, %mul3A_22 : vector<2048x32xf32>
    %swap3A_24 = arith.constant 0 : index
    %swap3A_25 = arith.constant 0 : index
    %swap3A_26 = vector.load %arg7[%swap3A_24, %swap3A_25] : memref<2048x32xf32, #tpu.memory_space<vmem>>, vector<2048x32xf32>
    tpu.vector_store %arg7[%swap3A_24, %swap3A_25], %mul3A_23 {strides = array<i32>} : memref<2048x32xf32, #tpu.memory_space<vmem>>, vector<2048x32xf32>,
    return
  }
  func.func @transform_0(%arg0: i32) -> (i32, i32) {
    %c0_i32 = arith.constant 0 : i32
    %c0_i32_0 = arith.constant 0 : i32
    return %arg0, %c0_i32 : i32, i32
  }
  func.func @transform_1(%arg0: i32) -> (i32, i32) {
    %c0_i32 = arith.constant 0 : i32
    %c0_i32_0 = arith.constant 0 : i32
    return %arg0, %c0_i32 : i32, i32
  }
  func.func @transform_2(%arg0: i32) -> (i32, i32) {
    %c0_i32 = arith.constant 0 : i32
    %c0_i32_0 = arith.constant 0 : i32
    return %arg0, %c0_i32 : i32, i32
  }
  func.func @transform_3(%arg0: i32) -> (i32, i32) {
    %c0_i32 = arith.constant 0 : i32
    %c0_i32_0 = arith.constant 0 : i32
    %c0_i32_1 = arith.constant 0 : i32
    return %c0_i32, %c0_i32_0 : i32, i32
  }
  func.func @transform_4(%arg0: i32) -> (i32, i32) {
    %c0_i32 = arith.constant 0 : i32
    %c0_i32_0 = arith.constant 0 : i32
    %c0_i32_1 = arith.constant 0 : i32
    return %c0_i32, %c0_i32_0 : i32, i32
  }
  func.func @transform_5(%arg0: i32) -> (i32, i32) {
    %c0_i32 = arith.constant 0 : i32
    %c0_i32_0 = arith.constant 0 : i32
    return %arg0, %c0_i32 : i32, i32
  }
  func.func @transform_6(%arg0: i32) -> (i32, i32) {
    %c0_i32 = arith.constant 0 : i32
    %c0_i32_0 = arith.constant 0 : i32
    return %arg0, %c0_i32 : i32, i32
  }
}

module attributes {stable_mosaic.version = 14 : i64} {
  func.func @_tc_final_body(%arg0: i32, %arg1: memref<2048x32xf32, #tpu.memory_space<vmem>>, %arg2: memref<2048x32xf32, #tpu.memory_space<vmem>>, %arg3: memref<2048x1xf32, #tpu.memory_space<vmem>>, %arg4: memref<1x32xf32, #tpu.memory_space<vmem>>, %arg5: memref<2048x32xf32, #tpu.memory_space<vmem>>, %arg6: memref<2048x32xf32, #tpu.memory_space<vmem>>, %arg7: memref<96x32xf32, #tpu.memory_space<vmem>>, %arg8: memref<1x32xf32, #tpu.memory_space<vmem>>, %arg9: memref<32x1xf32, #tpu.memory_space<vmem>>, %arg10: memref<1x1xf32, #tpu.memory_space<vmem>>, %arg11: memref<2048x32xf32, #tpu.memory_space<vmem>>, %arg12: memref<2048x1xf32, #tpu.memory_space<vmem>>) attributes {dimension_semantics = [#tpu.dimension_semantics<arbitrary>], iteration_bounds = array<i64: 5>, scalar_prefetch = 0 : i64, scratch_operands = 0 : i64, tpu.core_type = #tpu.core_type<tc>, window_params = [{transform_indices = @transform_0, window_bounds = array<i64: 2048, 32>}, {transform_indices = @transform_1, window_bounds = array<i64: 2048, 32>}, {transform_indices = @transform_2, window_bounds = array<i64: 2048, 1>}, {pipeline_mode = #tpu.pipeline_mode<synchronous>, transform_indices = @transform_3, window_bounds = array<i64: 1, 32>}, {transform_indices = @transform_4, window_bounds = array<i64: 2048, 32>}, {transform_indices = @transform_5, window_bounds = array<i64: 2048, 32>}, {pipeline_mode = #tpu.pipeline_mode<synchronous>, transform_indices = @transform_6, window_bounds = array<i64: 96, 32>}, {pipeline_mode = #tpu.pipeline_mode<synchronous>, transform_indices = @transform_7, window_bounds = array<i64: 1, 32>}, {pipeline_mode = #tpu.pipeline_mode<synchronous>, transform_indices = @transform_8, window_bounds = array<i64: 32, 1>}, {pipeline_mode = #tpu.pipeline_mode<synchronous>, transform_indices = @transform_9, window_bounds = array<i64: 1, 1>}, {transform_indices = @transform_10, window_bounds = array<i64: 2048, 32>}, {transform_indices = @transform_11, window_bounds = array<i64: 2048, 1>}]} {
    %get3A = arith.constant 0 : index
    %get3A_0 = arith.constant 0 : index
    %get3A_1 = vector.load %arg1[%get3A, %get3A_0] : memref<2048x32xf32, #tpu.memory_space<vmem>>, vector<2048x32xf32>
    %get3A_2 = arith.constant 0 : index
    %get3A_3 = arith.constant 0 : index
    %get3A_4 = vector.load %arg2[%get3A_2, %get3A_3] : memref<2048x32xf32, #tpu.memory_space<vmem>>, vector<2048x32xf32>
    %add3A = arith.addf %get3A_1, %get3A_4 : vector<2048x32xf32>
    %get3A_5 = arith.constant 0 : index
    %get3A_6 = arith.constant 0 : index
    %get3A_7 = vector.load %arg3[%get3A_5, %get3A_6] : memref<2048x1xf32, #tpu.memory_space<vmem>>, vector<2048x1xf32>
    %mul3A = vector.broadcast %get3A_7 : vector<2048x1xf32> to vector<2048x32xf32>
    %mul3A_8 = arith.mulf %add3A, %mul3A : vector<2048x32xf32>
    %get3A_9 = arith.constant 0 : index
    %get3A_10 = arith.constant 0 : index
    %get3A_11 = vector.load %arg4[%get3A_9, %get3A_10] : memref<1x32xf32, #tpu.memory_space<vmem>>, vector<1x32xf32>
    %add3A_12 = vector.broadcast %get3A_11 : vector<1x32xf32> to vector<2048x32xf32>
    %add3A_13 = arith.addf %mul3A_8, %add3A_12 : vector<2048x32xf32>
    %max3A = arith.constant 0.000000e+00 : f32
    %max3A_14 = vector.broadcast %max3A : f32 to vector<2048x32xf32>
    %max3A_15 = arith.maximumf %add3A_13, %max3A_14 : vector<2048x32xf32>
    %get3A_16 = arith.constant 0 : index
    %get3A_17 = arith.constant 0 : index
    %get3A_18 = vector.load %arg5[%get3A_16, %get3A_17] : memref<2048x32xf32, #tpu.memory_space<vmem>>, vector<2048x32xf32>
    %get3A_19 = arith.constant 0 : index
    %get3A_20 = arith.constant 0 : index
    %get3A_21 = vector.load %arg6[%get3A_19, %get3A_20] : memref<2048x32xf32, #tpu.memory_space<vmem>>, vector<2048x32xf32>
    %concatenate3A = tpu.concatenate %get3A_18, %get3A_21, %max3A_15 in 1 : vector<2048x32xf32>, vector<2048x32xf32>, vector<2048x32xf32> -> vector<2048x96xf32>
    %get3A_22 = arith.constant 0 : index
    %get3A_23 = arith.constant 0 : index
    %get3A_24 = vector.load %arg7[%get3A_22, %get3A_23] : memref<96x32xf32, #tpu.memory_space<vmem>>, vector<96x32xf32>
    %dot_general3A = arith.constant dense<0.000000e+00> : vector<2048x32xf32>
    %dot_general3A_25 = tpu.matmul %concatenate3A, %get3A_24, %dot_general3A {dimension_numbers = #tpu.dot_dimension_numbers<[1], [0], [0], [1], [0, 0, 1, 1], [], []>, transpose_lhs_hint = false} : vector<2048x96xf32>, vector<96x32xf32>, vector<2048x32xf32> -> vector<2048x32xf32>
    %get3A_26 = arith.constant 0 : index
    %get3A_27 = arith.constant 0 : index
    %get3A_28 = vector.load %arg8[%get3A_26, %get3A_27] : memref<1x32xf32, #tpu.memory_space<vmem>>, vector<1x32xf32>
    %add3A_29 = vector.broadcast %get3A_28 : vector<1x32xf32> to vector<2048x32xf32>
    %add3A_30 = arith.addf %dot_general3A_25, %add3A_29 : vector<2048x32xf32>
    %max3A_31 = arith.constant 0.000000e+00 : f32
    %max3A_32 = vector.broadcast %max3A_31 : f32 to vector<2048x32xf32>
    %max3A_33 = arith.maximumf %add3A_30, %max3A_32 : vector<2048x32xf32>
    %swap3A = arith.constant 0 : index
    %swap3A_34 = arith.constant 0 : index
    %swap3A_35 = vector.load %arg11[%swap3A, %swap3A_34] : memref<2048x32xf32, #tpu.memory_space<vmem>>, vector<2048x32xf32>
    tpu.vector_store %arg11[%swap3A, %swap3A_34], %max3A_33 {strides = array<i32>} : memref<2048x32xf32, #tpu.memory_space<vmem>>, vector<2048x32xf32>,
    %get3A_36 = arith.constant 0 : index
    %get3A_37 = arith.constant 0 : index
    %get3A_38 = vector.load %arg9[%get3A_36, %get3A_37] : memref<32x1xf32, #tpu.memory_space<vmem>>, vector<32x1xf32>
    %dot_general3A_39 = arith.constant dense<0.000000e+00> : vector<2048x1xf32>
    %dot_general3A_40 = tpu.matmul %max3A_33, %get3A_38, %dot_general3A_39 {dimension_numbers = #tpu.dot_dimension_numbers<[1], [0], [0], [1], [0, 0, 1, 1], [], []>, transpose_lhs_hint = false} : vector<2048x32xf32>, vector<32x1xf32>, vector<2048x1xf32> -> vector<2048x1xf32>
    %get3A_41 = arith.constant 0 : index
    %get3A_42 = arith.constant 0 : index
    %get3A_43 = vector.load %arg10[%get3A_41, %get3A_42] : memref<1x1xf32, #tpu.memory_space<vmem>>, vector<1x1xf32>
    %add3A_44 = vector.broadcast %get3A_43 : vector<1x1xf32> to vector<2048x1xf32>
    %add3A_45 = arith.addf %dot_general3A_40, %add3A_44 : vector<2048x1xf32>
    %swap3A_46 = arith.constant 0 : index
    %swap3A_47 = arith.constant 0 : index
    %swap3A_48 = vector.load %arg12[%swap3A_46, %swap3A_47] : memref<2048x1xf32, #tpu.memory_space<vmem>>, vector<2048x1xf32>
    tpu.vector_store %arg12[%swap3A_46, %swap3A_47], %add3A_45 {strides = array<i32>} : memref<2048x1xf32, #tpu.memory_space<vmem>>, vector<2048x1xf32>,
    return
  }
  func.func @transform_0(%arg0: i32) -> (i32, i32) {
    %c0_i32 = arith.constant 0 : i32
    %c0_i32_0 = arith.constant 0 : i32
    return %arg0, %c0_i32 : i32, i32
  }
  func.func @transform_1(%arg0: i32) -> (i32, i32) {
    %c0_i32 = arith.constant 0 : i32
    %c0_i32_0 = arith.constant 0 : i32
    return %arg0, %c0_i32 : i32, i32
  }
  func.func @transform_2(%arg0: i32) -> (i32, i32) {
    %c0_i32 = arith.constant 0 : i32
    %c0_i32_0 = arith.constant 0 : i32
    return %arg0, %c0_i32 : i32, i32
  }
  func.func @transform_3(%arg0: i32) -> (i32, i32) {
    %c0_i32 = arith.constant 0 : i32
    %c0_i32_0 = arith.constant 0 : i32
    %c0_i32_1 = arith.constant 0 : i32
    return %c0_i32, %c0_i32_0 : i32, i32
  }
  func.func @transform_4(%arg0: i32) -> (i32, i32) {
    %c0_i32 = arith.constant 0 : i32
    %c0_i32_0 = arith.constant 0 : i32
    return %arg0, %c0_i32 : i32, i32
  }
  func.func @transform_5(%arg0: i32) -> (i32, i32) {
    %c0_i32 = arith.constant 0 : i32
    %c0_i32_0 = arith.constant 0 : i32
    return %arg0, %c0_i32 : i32, i32
  }
  func.func @transform_6(%arg0: i32) -> (i32, i32) {
    %c0_i32 = arith.constant 0 : i32
    %c0_i32_0 = arith.constant 0 : i32
    %c0_i32_1 = arith.constant 0 : i32
    return %c0_i32, %c0_i32_0 : i32, i32
  }
  func.func @transform_7(%arg0: i32) -> (i32, i32) {
    %c0_i32 = arith.constant 0 : i32
    %c0_i32_0 = arith.constant 0 : i32
    %c0_i32_1 = arith.constant 0 : i32
    return %c0_i32, %c0_i32_0 : i32, i32
  }
  func.func @transform_8(%arg0: i32) -> (i32, i32) {
    %c0_i32 = arith.constant 0 : i32
    %c0_i32_0 = arith.constant 0 : i32
    %c0_i32_1 = arith.constant 0 : i32
    return %c0_i32, %c0_i32_0 : i32, i32
  }
  func.func @transform_9(%arg0: i32) -> (i32, i32) {
    %c0_i32 = arith.constant 0 : i32
    %c0_i32_0 = arith.constant 0 : i32
    %c0_i32_1 = arith.constant 0 : i32
    return %c0_i32, %c0_i32_0 : i32, i32
  }
  func.func @transform_10(%arg0: i32) -> (i32, i32) {
    %c0_i32 = arith.constant 0 : i32
    %c0_i32_0 = arith.constant 0 : i32
    return %arg0, %c0_i32 : i32, i32
  }
  func.func @transform_11(%arg0: i32) -> (i32, i32) {
    %c0_i32 = arith.constant 0 : i32
    %c0_i32_0 = arith.constant 0 : i32
    return %arg0, %c0_i32 : i32, i32
  }
}

module attributes {stable_mosaic.version = 14 : i64} {
  func.func @_tc_pool_body(%arg0: memref<10240x32xf32, #tpu.memory_space<vmem>>, %arg1: memref<10240x1xf32, #tpu.memory_space<vmem>>, %arg2: memref<1x10240xi32, #tpu.memory_space<vmem>>, %arg3: memref<128x32xf32, #tpu.memory_space<vmem>>) attributes {dimension_semantics = [], scalar_prefetch = 0 : i64, scratch_operands = 0 : i64, tpu.core_type = #tpu.core_type<tc>} {
    %get3A = arith.constant 0 : index
    %get3A_0 = arith.constant 0 : index
    %get3A_1 = vector.load %arg1[%get3A, %get3A_0] : memref<10240x1xf32, #tpu.memory_space<vmem>>, vector<10240x1xf32>
    %iota3A = tpu.iota {dimensions = array<i32: 0>} : vector<10240x1xi32>
    %lt3A = arith.constant 10000 : i32
    %lt3A_2 = vector.broadcast %lt3A : i32 to vector<10240x1xi32>
    %lt3A_3 = arith.cmpi slt, %iota3A, %lt3A_2 : vector<10240x1xi32>
    %jit3A = arith.constant 0xFF800000 : f32
    %broadcast_in_dim3A = vector.broadcast %jit3A : f32 to vector<10240x1xf32>
    %select_n3A = arith.select %lt3A_3, %get3A_1, %broadcast_in_dim3A : vector<10240x1xi1>, vector<10240x1xf32>
    %reduce_max3A = vector.shape_cast %select_n3A : vector<10240x1xf32> to vector<1x10240x1xf32>
    %reduce_max3A_4 = arith.constant dense<0xFF800000> : vector<1xf32>
    %reduce_max3A_5 = vector.multi_reduction <maximumf>, %reduce_max3A, %reduce_max3A_4 [1, 2] : vector<1x10240x1xf32> to vector<1xf32>
    %reduce_max3A_6 = vector.shape_cast %reduce_max3A_5 : vector<1xf32> to vector<1x1x1xf32>
    %reduce_max3A_7 = vector.extract %reduce_max3A_6[0, 0, 0] : f32 from vector<1x1x1xf32>
    %sub3A = vector.broadcast %reduce_max3A_7 : f32 to vector<10240x1xf32>
    %sub3A_8 = arith.subf %get3A_1, %sub3A : vector<10240x1xf32>
    %exp3A = math.exp %sub3A_8 : vector<10240x1xf32>
    %jit3A_9 = arith.constant 0.000000e+00 : f32
    %broadcast_in_dim3A_10 = vector.broadcast %jit3A_9 : f32 to vector<10240x1xf32>
    %select_n3A_11 = arith.select %lt3A_3, %exp3A, %broadcast_in_dim3A_10 : vector<10240x1xi1>, vector<10240x1xf32>
    %get3A_12 = arith.constant 0 : index
    %get3A_13 = arith.constant 0 : index
    %get3A_14 = vector.load %arg2[%get3A_12, %get3A_13] : memref<1x10240xi32, #tpu.memory_space<vmem>>, vector<1x10240xi32>
    %iota3A_15 = tpu.iota {dimensions = array<i32: 0>} : vector<128x10240xi32>
    %eq3A = vector.broadcast %get3A_14 : vector<1x10240xi32> to vector<128x10240xi32>
    %eq3A_16 = arith.cmpi eq, %eq3A, %iota3A_15 : vector<128x10240xi32>
    %jit3A_17 = arith.constant 1.000000e+00 : f32
    %jit3A_18 = arith.constant 0.000000e+00 : f32
    %broadcast_in_dim3A_19 = vector.broadcast %jit3A_17 : f32 to vector<128x10240xf32>
    %broadcast_in_dim3A_20 = vector.broadcast %jit3A_18 : f32 to vector<128x10240xf32>
    %select_n3A_21 = arith.select %eq3A_16, %broadcast_in_dim3A_19, %broadcast_in_dim3A_20 : vector<128x10240xi1>, vector<128x10240xf32>
    %get3A_22 = arith.constant 0 : index
    %get3A_23 = arith.constant 0 : index
    %get3A_24 = vector.load %arg0[%get3A_22, %get3A_23] : memref<10240x32xf32, #tpu.memory_space<vmem>>, vector<10240x32xf32>
    %mul3A = vector.broadcast %select_n3A_11 : vector<10240x1xf32> to vector<10240x32xf32>
    %mul3A_25 = arith.mulf %mul3A, %get3A_24 : vector<10240x32xf32>
    %dot_general3A = arith.constant dense<0.000000e+00> : vector<128x32xf32>
    %dot_general3A_26 = tpu.matmul %select_n3A_21, %mul3A_25, %dot_general3A {dimension_numbers = #tpu.dot_dimension_numbers<[1], [0], [0], [1], [0, 0, 1, 1], [], []>, transpose_lhs_hint = false} : vector<128x10240xf32>, vector<10240x32xf32>, vector<128x32xf32> -> vector<128x32xf32>
    %dot_general3A_27 = arith.constant dense<0.000000e+00> : vector<128x1xf32>
    %dot_general3A_28 = tpu.matmul %select_n3A_21, %select_n3A_11, %dot_general3A_27 {dimension_numbers = #tpu.dot_dimension_numbers<[1], [0], [0], [1], [0, 0, 1, 1], [], []>, transpose_lhs_hint = false} : vector<128x10240xf32>, vector<10240x1xf32>, vector<128x1xf32> -> vector<128x1xf32>
    %max3A = arith.constant 1.000000e-16 : f32
    %max3A_29 = vector.broadcast %max3A : f32 to vector<128x1xf32>
    %max3A_30 = arith.maximumf %dot_general3A_28, %max3A_29 : vector<128x1xf32>
    %div3A = vector.broadcast %max3A_30 : vector<128x1xf32> to vector<128x32xf32>
    %div3A_31 = arith.divf %dot_general3A_26, %div3A : vector<128x32xf32>
    %swap3A = arith.constant 0 : index
    %swap3A_32 = arith.constant 0 : index
    %swap3A_33 = vector.load %arg3[%swap3A, %swap3A_32] : memref<128x32xf32, #tpu.memory_space<vmem>>, vector<128x32xf32>
    tpu.vector_store %arg3[%swap3A, %swap3A_32], %div3A_31 {strides = array<i32>} : memref<128x32xf32, #tpu.memory_space<vmem>>, vector<128x32xf32>,
    return
  }
}

</mosaic_0001>

<sc_bundles>
// kernel: kernel.11.cloned.1.call-start
scs
__scs_entry_jumppad:
0x0: {  	(pc) =	sbr.rel $0x88, $3  }
0x1: {  	(tag) =	ssettag $0x0;
	lr =	simm.s32 $0x1  }
0x2: {  	[smem:$0x3F94] =	sst lr;
	_ =	strace $0xD0000000  }
0x3: {  	_ = 	snop  }
0x4: {  	_ = 	snop  }
0x5: {  	_ = 	snop  }
0x6: {  	_ = 	snop  }
0x7: {  	_ = 	snop  }
__scs_overlays_trampoline_lowered:
0x8: {  	[smem:$0x3FA3] =	sst s0  }
0x9: {  	[smem:$0x3FA4] =	sst s1  }
0xa: {  	[smem:$0x3FA5] =	sst s2  }
0xb: {  	[smem:$0x3FA6] =	sst s3  }
0xc: {  	[smem:$0x3FA7] =	sst s4  }
0xd: {  	[smem:$0x3FA8] =	sst s5  }
0xe: {  	[smem:$0x3FA9] =	sst s6  }
0xf: {  	[smem:$0x3FAA] =	sst s7  }
0x10: {  	[smem:$0x3FAB] =	sst s8  }
0x11: {  	[smem:$0x3FAC] =	sst s9;
	s0 =	simm.s32 @!p0 $0x0  }
0x12: {  	s1 =	sld [smem:$0x3F92];
	s0 =	simm.s32 @p0 $0x1  }
0x13: {  	[smem:$0x3FAD] =	sst s0;
	s0 =	simm.s32 @!p1 $0x0  }
0x14: {  	s2 =	sld [smem:$0x3F91];
	s0 =	simm.s32 @p1 $0x1  }
0x15: {  	[smem:$0x3FAE] =	sst s0;
	s0 =	simm.s32 @!p2 $0x0  }
0x16: {  	s3 =	sld [smem:$0x3FDB];
	s0 =	simm.s32 @p2 $0x1  }
0x17: {  	s4 =	simm.s32 $0x1BF5;
	[smem:$0x3FB0] =	sst s0  }
0x18: {  	s0 =	sld [smem:$0x3F93];
	_ =	swait.ge [sflag:s4], $0x0  }
0x19: {  	s7 =	sld [smem:$0x3F94]  }
0x1a: {  	s8 =	sadd.s32 $0xFFFFE003, lr  }
0x1b: {  	s9 =	sadd.s32 $0xFFFFFEF7, lr;
	s5 =	simm.s32 $0xFFFFFFFF;
	p2 =	slt.u32 s8, $0xFFFFF086  }
0x1c: {  	p1 =	slt.u32 s9, $0xF7A;
	s5 =	simm.s32 @!p2 $0x0  }
0x1d: {  	s5 =	simm.s32 @p1 $0x1;
	p0 =	seq.s32 s7, s2  }
0x1e: {  	s7 =	smul.u32 @!p0 $0xF7A, s2;
	p2 =	seq.s32 @!p0 s5, $0x0  }
0x1f: {  	s9 =	smul.u32 $0xF7A, s1;
	s8 =	simm.s32 @!p0 $0x1BF5;
	p2 =	por !p2, p0  }
0x20: {  	[sflag:s8] =	ssyncset.s32 @!p0 $0xFFFFF086;
	s6 =	sadd.s32 @!p0 s3, s7;
	s7 =	simm.s32 @!p0 $0x108  }
0x21: {  	s3 =	sadd.s32 s3, s9;
	s6 =	sadd.s32 @!p0 $0x88, s6;
	s7 =	simm.s32 @p2 $0x1082  }
0x22: {  	[simem:s7], [sflag:s8] =	dma.local @!p0 [hbm:s6], $0xF7A  }
0x23: {  	s9 =	sor.u32 $0xD0000000, s2;
	s6 =	simm.s32 $0x108;
	_ =	swait.ge @!p0 [sflag:s8], $0x0  }
0x24: {  	s3 =	sadd.s32 $0x88, s3;
	s6 =	simm.s32 @!p1 $0x1082;
	[sflag:s4] =	ssyncset.s32 $0xFFFFF086  }
0x25: {  	[simem:s6], [sflag:s4] =	dma.local [hbm:s3], $0xF7A  }
0x26: {  	[smem:$0x3F94] =	sst s1;
	(tag) =	ssettag s2;
	_ =	strace s9  }
0x27: {  	s1 =	sld [smem:$0x3FA4]  }
0x28: {  	s2 =	sld [smem:$0x3FA5]  }
0x29: {  	s4 =	sld [smem:$0x3FA7]  }
0x2a: {  	p0 =	seq.s32 s5, $0x0;
	s5 =	sld [smem:$0x3FA8]  }
0x2b: {  	s6 =	sld [smem:$0x3FA9]  }
0x2c: {  	s7 =	sld [smem:$0x3FAA]  }
0x2d: {  	s3 =	simm.s32 $0x108;
	s8 =	sld [smem:$0x3FAB]  }
0x2e: {  	s3 =	simm.s32 @!p0 $0x1082;
	s9 =	sld [smem:$0x3FAC]  }
0x2f: {  	lr =	sadd.s32 s0, s3;
	s0 =	sld [smem:$0x3FA3]  }
0x30: {  	s3 =	sld [smem:$0x3FA6]  }
0x31: {  	[smem:$0x3FAF] =	sst s10  }
0x32: {  	s10 =	sld [smem:$0x3FAD];
	_ =	sdelay $0x3  }
0x33: {  	p0 =	seq.s32 s10, $0x1;
	s10 =	sld [smem:$0x3FAF];
	_ =	sdelay $0x3  }
0x34: {  	[smem:$0x3FAF] =	sst s10  }
0x35: {  	s10 =	sld [smem:$0x3FAE];
	_ =	sdelay $0x3  }
0x36: {  	p1 =	seq.s32 s10, $0x1;
	s10 =	sld [smem:$0x3FAF];
	_ =	sdelay $0x3  }
0x37: {  	[smem:$0x3FAF] =	sst s10  }
0x38: {  	s10 =	sld [smem:$0x3FB0]  }
0x39: {  	_ = 	snop;
	(pc) =	sbr.ind lr, $3  }
0x3a: {  	_ = 	snop  }
0x3b: {  	_ = 	snop  }
0x3c: {  	p2 =	seq.s32 s10, $0x1;
	s10 =	sld [smem:$0x3FAF]  }
0x3d: {  	_ =	shalt  }
0x3e: {  	_ =	shalt  }
0x3f: {  	_ =	shalt  }
0x40: {  	_ =	shalt  }
0x41: {  	_ =	shalt  }
0x42: {  	_ =	shalt  }
0x43: {  	_ =	shalt  }
0x44: {  	_ =	shalt  }
0x45: {  	_ =	shalt  }
0x46: {  	_ =	shalt  }
0x47: {  	_ =	shalt  }
0x48: {  	_ =	shalt  }
0x49: {  	_ =	shalt  }
0x4a: {  	_ =	shalt  }
0x4b: {  	_ =	shalt  }
0x4c: {  	_ =	shalt  }
0x4d: {  	_ =	shalt  }
0x4e: {  	_ =	shalt  }
0x4f: {  	_ =	shalt  }
0x50: {  	_ =	shalt  }
0x51: {  	_ =	shalt  }
0x52: {  	_ =	shalt  }
0x53: {  	_ =	shalt  }
0x54: {  	_ =	shalt  }
0x55: {  	_ =	shalt  }
0x56: {  	_ =	shalt  }
0x57: {  	_ =	shalt  }
0x58: {  	_ =	shalt  }
0x59: {  	_ =	shalt  }
0x5a: {  	_ =	shalt  }
0x5b: {  	_ =	shalt  }
0x5c: {  	_ =	shalt  }
0x5d: {  	_ =	shalt  }
0x5e: {  	_ =	shalt  }
0x5f: {  	_ =	shalt  }
0x60: {  	_ =	shalt  }
0x61: {  	_ =	shalt  }
0x62: {  	_ =	shalt  }
0x63: {  	_ =	shalt  }
0x64: {  	_ =	shalt  }
0x65: {  	_ =	shalt  }
0x66: {  	_ =	shalt  }
0x67: {  	_ =	shalt  }
0x68: {  	_ =	shalt  }
0x69: {  	_ =	shalt  }
0x6a: {  	_ =	shalt  }
0x6b: {  	_ =	shalt  }
0x6c: {  	_ =	shalt  }
0x6d: {  	_ =	shalt  }
0x6e: {  	_ =	shalt  }
0x6f: {  	_ =	shalt  }
0x70: {  	_ =	shalt  }
0x71: {  	_ =	shalt  }
0x72: {  	_ =	shalt  }
0x73: {  	_ =	shalt  }
0x74: {  	_ =	shalt  }
0x75: {  	_ =	shalt  }
0x76: {  	_ =	shalt  }
0x77: {  	_ =	shalt  }
0x78: {  	_ =	shalt  }
0x79: {  	_ =	shalt  }
0x7a: {  	_ =	shalt  }
0x7b: {  	_ =	shalt  }
0x7c: {  	_ =	shalt  }
0x7d: {  	_ =	shalt  }
0x7e: {  	_ =	shalt  }
0x7f: {  	_ =	shalt  }
0x80: {  	_ =	shalt  }
0x81: {  	_ =	shalt  }
0x82: {  	_ =	shalt  }
0x83: {  	_ =	shalt  }
0x84: {  	_ =	shalt  }
0x85: {  	_ =	shalt  }
0x86: {  	_ =	shalt  }
0x87: {  	_ =	shalt  }
.Lfunc_end0:
.L_simem_size_0:
called_computation_lowered:
.L_overlay_start_0:
0x88: {  	s2 =	sld [smem:$0x3FD9]  }
0x89: {  	s3 =	sld [smem:$0x3FFE];
	_ =	sdelay $0x1  }
0x8a: {  	s1 =	srdreg.scid  }
0x8b: {  	s0 =	sand.u32 $0x1, s1  }
0x8c: {  	s14 =	sshll.u32 s0, $0xA;
	s2 =	sadd.s32 s3, s2  }
0x8d: {  	s2 =	sadd.s32 s2, s14  }
0x8e: {  	[smem:$0x3FBB] =	sst s2  }
0x8f: {  	_ = 	snop  }
0x90: {  	s2 =	sld [smem:$0x3FD0];
	_ =	sdelay $0x2  }
0x91: {  	s15 =	simm.s32 $0xA;
	s4 =	simm.s32 $0x10  }
0x92: {  	[smem:s4], [sflag:s15] =	dma.local [hbm:s2], $0x1  }
0x93: {  	_ =	swait.eq [sflag:s15], $0x1  }
0x94: {  	[sflag:s15] =	ssyncset.done $0x0  }
0x95: {  	[sflag:s15] =	ssyncadd.s32 $0xFFFFFFFF  }
0x96: {  	s16 =	sld [smem:$0x10];
	(tm) =	ssettm $0x1  }
0x97: {  	s17 =	sld [smem:$0x3FFB];
	_ =	sdelay $0x3  }
0x98: {  	_ =	strace s17  }
0x99: {  	s3 =	sld [smem:$0x3FFC];
	_ =	sdelay $0x3  }
0x9a: {  	_ =	strace s3  }
0x9b: {  	s3 =	sld [smem:$0x3FFD];
	_ =	sdelay $0x3  }
0x9c: {  	_ =	strace s3  }
0x9d: {  	_ =	strace $0x8FFFFFFF  }
0x9e: {  	s18 =	sld [smem:$0x3FDB];
	_ =	sdelay $0x1  }
0x9f: {  	s19 =	simm.s32 $_scs_section_size  }
0xa0: {  	s5 =	simm.s32 $_size__tile_overlayer_lowered;
	s6 =	simm.s32 $_tile_overlayer_lowered  }
0xa1: {  	s22 =	simm.s32 $0x1BFF;
	s21 =	sshll.u32 s6, $0x1;
	s3 =	sadd.s32 s19, s18  }
0xa2: {  	s7 =	simm.s32 $0x0;
	s20 =	sshll.u32 s5, $0x1;
	s5 =	sadd.s32 s21, s3  }
0xa3: {  	[timem:s7], [sflag:s22] =	dma.local [hbm:s5], s20  }
0xa4: {  	_ =	swait.ge [sflag:s22], s20  }
0xa5: {  	s4 =	ssub.s32 $0x0, s20;
	[sflag:s22] =	ssyncset.done $0x0  }
0xa6: {  	[sflag:s22] =	ssyncadd.s32 s4;
	_ =	sdelay $0x1  }
0xa7: {  	s23 =	simm.s32 $0x1B8B  }
0xa8: {  	_ =	swait.ge [sflag:s23], $0x1  }
0xa9: {  	[sflag:s23] =	ssyncset.done $0x0  }
0xaa: {  	s25 =	simm.s32 $0x1B8E;
	s24 =	sld [smem:$0x3FFE];
	[sflag:s23] =	ssyncadd.s32 $0xFFFFFFFF  }
0xab: {  	s26 =	simm.s32 $execute0_lowered;
	[smem:$0x3FD2] =	sst s25  }
0xac: {  	s5 =	sshll.u32 s26, $0x1;
	_ =	strace $0x80000046;
	[dreg:$0x1] =	wrdreg $0xFFFFFFFF  }
0xad: {  	s28 =	simm.s32 $_size_execute0_lowered;
	s3 =	sadd.s32 s3, s5;
	[dreg:$0x0] =	wrdreg $0x0  }
0xae: {  	s5 =	sshll.u32 s28, $0x1;
	[dreg:$0x2] =	wrdreg s3  }
0xaf: {  	[dreg:$0x3] =	wrdreg s5  }
0xb0: {  	[dreg:$0x4] =	wrdreg $0xC0  }
0xb1: {  	_ =	task [dreg:s7], $0x5FFFF  }
0xb2: {  	[dreg:$0x1] =	wrdreg $0xFFFFFFFF  }
0xb3: {  	[dreg:$0x0] =	wrdreg $0x60  }
0xb4: {  	[dreg:$0x2] =	wrdreg s24  }
0xb5: {  	[dreg:$0x3] =	wrdreg s16  }
0xb6: {  	[dreg:$0x4] =	wrdreg $0x53200  }
0xb7: {  	[dreg:$0x5] =	wrdreg $0x9  }
0xb8: {  	_ =	task.clear_ibuf [dreg:s7], $0x6FFFF;
	_ =	strace $0x90000046  }
0xb9: {  	s29 =	simm.s32 $0x9;
	_ =	strace $0x80000048  }
0xba: {  	_ =	swait.ge [sflag:s29], $0x1  }
0xbb: {  	[sflag:s29] =	ssyncadd.s32 $0xFFFFFFFF  }
0xbc: {  	_ =	strace $0x90000048  }
0xbd: {  	_ =	sfence  }
0xbe: {  	s30 =	sld [smem:$0x0];
	_ =	sdelay $0x2  }
0xbf: {  	s31 =	sshll.u32 s1, $0xD;
	s1 =	sshrl.u32 s1, $0x2  }
0xc0: {  	s3 =	sand.u32 $0x4000, s31;
	s1 =	sadd.s32 s1, s30  }
0xc1: {  	s0 =	sor.u32 s3, s0;
	s1 =	sshll.u32 s1, $0x11  }
0xc2: {  	s0 =	sor.u32 s1, s0  }
0xc3: {  	s0 =	sadd.s32 $0x8F2B, s0  }
0xc4: {  	[sflag:s0] =	ssyncadd.remote.s32 $0x1  }
0xc5: {  	_ =	sfence.sel $0xFFFF  }
0xc6: {  	[dreg:$0x0] =	wrdreg $0xFFFFFFFF;
	(pc) =	sbr.abs _section_cstart, $3  }
0xc7: {  	[dreg:$0x1] =	wrdreg $0xFFFFFFFF  }
0xc8: {  	_ =	task.clear_ibuf [dreg:s7], $0x2FFFF;
	_ =	strace $0x9FFFFFFF  }
0xc9: {  	(tm) =	ssettm $0x7FFFFFFF  }
tec
execute0_lowered:
.L_overlay_start_1:
0x0: {  	(tag) =	ssettag $0x1  }
0x1: {  	s1 =	srdreg.scid  }
0x2: {  	s1 =	sand.u32 $0x1, s1  }
0x3: {  	p0 =	seq.s32 s1, $0x1  }
.Ltmp0:
0x4: {  	s4 =	rddreg [dreg:$0x0];
	(pc) =	sbr.rel @p0 .LBB2_4-.Ltmp0, $4  }
0x5: {  	s3 =	rddreg [dreg:$0x1]  }
0x6: {  	s2 =	rddreg [dreg:$0x2];
	s5 =	simm.s32 $0x0  }
0x7: {  	[smem:$0x7FF] =	sst s5  }
0x8: {  	s0 =	rddreg [dreg:$0x3];
	_ =	strace $0x80000047;
	s1 =	stileid.u32  }
0x9: {  	v0 =	vimm.f32 $0.0e+00  }
0xa: {  	[tilespmem:$0x50A0] =	vst v0  }
0xb: {  	[tilespmem:$0x50B0] =	vst v0  }
0xc: {  	[tilespmem:$0x50C0] =	vst v0  }
0xd: {  	[tilespmem:$0x50D0] =	vst v0  }
0xe: {  	[tilespmem:$0x50E0] =	vst v0  }
0xf: {  	[tilespmem:$0x50F0] =	vst v0  }
0x10: {  	[tilespmem:$0x5100] =	vst v0  }
0x11: {  	[tilespmem:$0x5110] =	vst v0  }
0x12: {  	[tilespmem:$0x5120] =	vst v0  }
0x13: {  	[tilespmem:$0x5130] =	vst v0  }
0x14: {  	[tilespmem:$0x5140] =	vst v0  }
0x15: {  	[tilespmem:$0x5150] =	vst v0  }
0x16: {  	[tilespmem:$0x5160] =	vst v0  }
0x17: {  	[tilespmem:$0x5170] =	vst v0  }
0x18: {  	[tilespmem:$0x5180] =	vst v0  }
0x19: {  	[tilespmem:$0x5190] =	vst v0  }
0x1a: {  	[tilespmem:$0x51A0] =	vst v0  }
0x1b: {  	[tilespmem:$0x51B0] =	vst v0  }
0x1c: {  	[tilespmem:$0x51C0] =	vst v0  }
0x1d: {  	[tilespmem:$0x51D0] =	vst v0  }
0x1e: {  	[tilespmem:$0x51E0] =	vst v0  }
0x1f: {  	[tilespmem:$0x51F0] =	vst v0  }
0x20: {  	[tilespmem:$0x5200] =	vst v0  }
0x21: {  	[tilespmem:$0x5210] =	vst v0  }
0x22: {  	[tilespmem:$0x5220] =	vst v0  }
0x23: {  	[tilespmem:$0x5230] =	vst v0  }
0x24: {  	[tilespmem:$0x5240] =	vst v0  }
0x25: {  	[tilespmem:$0x5250] =	vst v0  }
0x26: {  	[tilespmem:$0x5260] =	vst v0  }
0x27: {  	[tilespmem:$0x5270] =	vst v0  }
0x28: {  	[tilespmem:$0x5280] =	vst v0  }
0x29: {  	[tilespmem:$0x5290] =	vst v0  }
0x2a: {  	[tilespmem:$0x52A0] =	vst v0  }
0x2b: {  	[tilespmem:$0x52B0] =	vst v0  }
0x2c: {  	[tilespmem:$0x52C0] =	vst v0  }
0x2d: {  	[tilespmem:$0x52D0] =	vst v0  }
0x2e: {  	[tilespmem:$0x52E0] =	vst v0  }
0x2f: {  	[tilespmem:$0x52F0] =	vst v0  }
0x30: {  	[tilespmem:$0x5300] =	vst v0  }
0x31: {  	v63 =	vimm.f32 $1.000000000e+00;
	[tilespmem:$0x5310] =	vst v0  }
0x32: {  	[tilespmem:$0x5000] =	vst v63  }
0x33: {  	[tilespmem:$0x5010] =	vst v63  }
0x34: {  	[tilespmem:$0x5020] =	vst v63  }
0x35: {  	[tilespmem:$0x5030] =	vst v63  }
0x36: {  	[tilespmem:$0x5040] =	vst v63  }
0x37: {  	s6 =	smul.u32 $0x5000, s1;
	[tilespmem:$0x5050] =	vst v63  }
0x38: {  	[tilespmem:$0x5060] =	vst v63  }
0x39: {  	s4 =	sadd.s32 $0x3400, s4;
	[tilespmem:$0x5070] =	vst v63;
	s6 =	sshrl.u32 s6, $0x3  }
0x3a: {  	[tilespmem:$0x5080] =	vst v63;
	s4 =	sadd.s32 s4, s6  }
0x3b: {  	s29 =	simm.s32 $0x5;
	[tilespmem:$0x5090] =	vst v63;
	s4 =	sadd.s32 $0xA000, s4  }
0x3c: {  	[tilespmem:s5], [sflag:$0x5] =	stream.linear.gather [hbm4b:s4+s5], $0x5000, $0x38;
	[tilespmem:$0x55A0] =	vst v63  }
0x3d: {  	s11 =	smul.u32 $0x280, s1;
	_ =	swait.ge [sflag:s29], $0x5000  }
0x3e: {  	[sflag:s29] =	ssyncset.done $0x0  }
0x3f: {  	s7 =	simm.s32 $0x50A0;
	s4 =	sadd.s32 s11, s2;
	[sflag:s29] =	ssyncadd.s32 $0xFFFFB000  }
0x40: {  	[spmem:s4] =	stream.linear.scatter [tilespmem:s7], [sflag:$0x5], $0x280, $0x38;
	[tilespmem:$0x55A0] =	vst v63  }
0x41: {  	_ =	swait.ge [sflag:s29], $0x280  }
0x42: {  	[sflag:s29] =	ssyncset.done $0x0  }
0x43: {  	[sflag:s29] =	ssyncadd.s32 $0xFFFFFD80  }
0x44: {  	s6 =	simm.s32 $0xA0;
	s7 =	simm.s32 $0x5000;
	[bflag:$0x0] =	sbarrier.arrive $0xFFFF  }
0x45: {  	[spmem:s2] =	stream.indirect.scatter.add.f32 [tilespmem:s7], [sflag:$0x1], $0x1, s5, s6, $0xb8;
	[tilespmem:$0x55A0] =	vst v63  }
0x46: {  	_ = 	snop  }
0x47: {  	[spmem:s2] =	stream.indirect.scatter.add.f32 [tilespmem:s7], [sflag:$0x2], $0x1, s6, s6, $0xb8;
	[tilespmem:$0x55A0] =	vst v63  }
0x48: {  	s30 =	simm.s32 $0x140  }
0x49: {  	[spmem:s2] =	stream.indirect.scatter.add.f32 [tilespmem:s7], [sflag:$0x3], $0x1, s30, s6, $0xb8;
	[tilespmem:$0x55A0] =	vst v63  }
0x4a: {  	s31 =	simm.s32 $0x1E0;
	s5 =	simm.s32 $0x1  }
0x4b: {  	[spmem:s2] =	stream.indirect.scatter.add.f32 [tilespmem:s7], [sflag:$0x4], $0x1, s31, s6, $0xb8;
	[tilespmem:$0x55A0] =	vst v63  }
0x4c: {  	_ =	swait.ge [sflag:s5], $0xA0  }
0x4d: {  	[sflag:s5] =	ssyncset.done $0x0  }
0x4e: {  	s8 =	simm.s32 $0x2;
	s9 =	simm.s32 $0x280;
	[sflag:s5] =	ssyncadd.s32 $0xFFFFFF60  }
0x4f: {  	[spmem:s2] =	stream.indirect.scatter.add.f32 [tilespmem:s7], [sflag:$0x1], $0x1, s9, s6, $0xb8;
	[tilespmem:$0x55A0] =	vst v63  }
0x50: {  	_ =	swait.ge [sflag:s8], $0xA0  }
0x51: {  	[sflag:s8] =	ssyncset.done $0x0  }
0x52: {  	s10 =	simm.s32 $0x320;
	s9 =	simm.s32 $0x3;
	[sflag:s8] =	ssyncadd.s32 $0xFFFFFF60  }
0x53: {  	[spmem:s2] =	stream.indirect.scatter.add.f32 [tilespmem:s7], [sflag:$0x2], $0x1, s10, s6, $0xb8;
	[tilespmem:$0x55A0] =	vst v63  }
0x54: {  	_ =	swait.ge [sflag:s9], $0xA0  }
0x55: {  	[sflag:s9] =	ssyncset.done $0x0  }
0x56: {  	s12 =	simm.s32 $0x3C0;
	s10 =	simm.s32 $0x4;
	[sflag:s9] =	ssyncadd.s32 $0xFFFFFF60  }
0x57: {  	[spmem:s2] =	stream.indirect.scatter.add.f32 [tilespmem:s7], [sflag:$0x3], $0x1, s12, s6, $0xb8;
	[tilespmem:$0x55A0] =	vst v63  }
0x58: {  	s11 =	sshrl.u32 s11, $0x3;
	_ =	swait.ge [sflag:s10], $0xA0  }
0x59: {  	s3 =	sadd.s32 s3, s11;
	[sflag:s10] =	ssyncset.done $0x0  }
0x5a: {  	s11 =	simm.s32 $0xFFFED400;
	s12 =	simm.s32 $0x460;
	[sflag:s10] =	ssyncadd.s32 $0xFFFFFF60  }
.LBB2_2:
0x5b: {  	[spmem:s2] =	stream.indirect.scatter.add.f32 [tilespmem:s7], [sflag:$0x4], $0x1, s12, s6, $0xb8;
	[tilespmem:$0x55A0] =	vst v63  }
0x5c: {  	s12 =	smov.u32 s11  }
0x5d: {  	p0 =	sne.s32 s11, $0xFFFFF600;
	s11 =	sadd.s32 $0xA00, s11;
	_ =	swait.ge [sflag:s5], $0xA0  }
0x5e: {  	s12 =	sshra.s32 s12, $0x2;
	[sflag:s5] =	ssyncset.done $0x0  }
0x5f: {  	s13 =	sadd.s32 $0x5000, s12;
	[sflag:s5] =	ssyncadd.s32 $0xFFFFFF60  }
0x60: {  	[spmem:s2] =	stream.indirect.scatter.add.f32 [tilespmem:s7], [sflag:$0x1], $0x1, s13, s6, $0xb8;
	[tilespmem:$0x55A0] =	vst v63  }
0x61: {  	_ =	swait.ge [sflag:s8], $0xA0  }
0x62: {  	[sflag:s8] =	ssyncset.done $0x0  }
0x63: {  	s13 =	sadd.s32 $0x50A0, s12;
	[sflag:s8] =	ssyncadd.s32 $0xFFFFFF60  }
0x64: {  	[spmem:s2] =	stream.indirect.scatter.add.f32 [tilespmem:s7], [sflag:$0x2], $0x1, s13, s6, $0xb8;
	[tilespmem:$0x55A0] =	vst v63  }
0x65: {  	_ =	swait.ge [sflag:s9], $0xA0  }
0x66: {  	[sflag:s9] =	ssyncset.done $0x0  }
.Ltmp1:
0x67: {  	s13 =	sadd.s32 $0x5140, s12;
	[sflag:s9] =	ssyncadd.s32 $0xFFFFFF60;
	(pc) =	sbr.rel @p0 .LBB2_2-.Ltmp1, $4  }
0x68: {  	[spmem:s2] =	stream.indirect.scatter.add.f32 [tilespmem:s7], [sflag:$0x3], $0x1, s13, s6, $0xb8;
	[tilespmem:$0x55A0] =	vst v63  }
0x69: {  	_ =	swait.ge [sflag:s10], $0xA0  }
0x6a: {  	[sflag:s10] =	ssyncset.done $0x0  }
0x6b: {  	s12 =	sadd.s32 $0x51E0, s12;
	[sflag:s10] =	ssyncadd.s32 $0xFFFFFF60  }
0x6c: {  	[spmem:s2] =	stream.indirect.scatter.add.f32 [tilespmem:s7], [sflag:$0x4], $0x1, s12, s6, $0xb8;
	[tilespmem:$0x55A0] =	vst v63  }
0x6d: {  	s25 =	simm.s32 $0x1  }
0x6e: {  	_ =	swait.ge [sflag:s25], $0xA0  }
0x6f: {  	[sflag:s25] =	ssyncset.done $0x0  }
0x70: {  	s26 =	simm.s32 $0x2;
	[sflag:s25] =	ssyncadd.s32 $0xFFFFFF60  }
0x71: {  	_ =	swait.ge [sflag:s26], $0xA0  }
0x72: {  	[sflag:s26] =	ssyncset.done $0x0  }
0x73: {  	s28 =	simm.s32 $0x3;
	[sflag:s26] =	ssyncadd.s32 $0xFFFFFF60  }
0x74: {  	_ =	swait.ge [sflag:s28], $0xA0  }
0x75: {  	[sflag:s28] =	ssyncset.done $0x0  }
0x76: {  	s29 =	simm.s32 $0x4;
	[sflag:s28] =	ssyncadd.s32 $0xFFFFFF60  }
0x77: {  	_ =	swait.ge [sflag:s29], $0xA0  }
0x78: {  	[sflag:s29] =	ssyncset.done $0x0  }
0x79: {  	s30 =	sshll.u32 s1, $0x6;
	s4 =	sshrl.u32 s4, $0x3;
	[sflag:s29] =	ssyncadd.s32 $0xFFFFFF60  }
0x7a: {  	s31 =	simm.s32 $0x5;
	s2 =	sor.u32 $0x1C05, s30;
	[bflag:$0x0] =	sbarrier.arrive $0xFFFF  }
0x7b: {  	[hbm:s3], [sflag:s2] =	dma.local [spmem:s4], $0x50  }
0x7c: {  	_ =	swait.ge [sflag:s31], $0x50  }
0x7d: {  	[sflag:s31] =	ssyncset.done $0x0  }
0x7e: {  	[sflag:s31] =	ssyncadd.s32 $0xFFFFFFB0  }
.LBB2_4:
0x7f: {  	_ =	sfence.sel $0x180000  }
0x80: {  	[bflag:$0x0] =	sbarrier.arrive $0xFFFF  }
0x81: {  	p0 =	sne.s32 s1, $0x0;
	_ =	strace $0x90000047  }
0x82: {  	s0 =	sadd.s32 @!p0 $0x100000, s0;
	[bflag:$0x2] =	sbarrier.arrive $0xFFFF  }
0x83: {  	[sflag:s0] =	ssyncadd.tile.s32 @!p0 $0x1;
	_ =	shalt  }
.Lfunc_end2:
_tile_overlayer_lowered:
.L_overlay_start_2:
0x84: {  	(tag) =	ssettag $0x2  }
0x85: {  	s0 =	rddreg [dreg:$0x0];
	s2 =	stileid.u32  }
0x86: {  	s1 =	rddreg [dreg:$0x1];
	p0 =	sne.s32 s2, $0x0  }
0x87: {  	s3 =	rddreg [dreg:$0x2];
	[bflag:$0x3] =	sbarrier.arrive $0xFFFF;
	s2 =	simm.s32 @!p0 $0x1C05  }
0x88: {  	[timem:s3], [sflag:s2] =	dma.local @!p0 [hbm:s0], s1  }
0x89: {  	s0 =	simm.s32 @!p0 $0x5  }
0x8a: {  	_ =	swait.ge @!p0 [sflag:s0], s1  }
0x8b: {  	s1 =	ssub.s32 @!p0 $0x0, s1;
	[sflag:s0] =	ssyncset.done @!p0 $0x0  }
0x8c: {  	[sflag:s0] =	ssyncadd.s32 @!p0 s1  }
0x8d: {  	[bflag:$0x3] =	sbarrier.arrive $0xFFFF  }
0x8e: {  	_ =	shalt  }

// kernel: kernel.14.cloned.1.call-start
scs
__scs_entry_jumppad:
0x0: {  	(pc) =	sbr.rel $0x88, $3  }
0x1: {  	(tag) =	ssettag $0x0;
	lr =	simm.s32 $0x1  }
0x2: {  	[smem:$0x3F94] =	sst lr;
	_ =	strace $0xD0000000  }
0x3: {  	_ = 	snop  }
0x4: {  	_ = 	snop  }
0x5: {  	_ = 	snop  }
0x6: {  	_ = 	snop  }
0x7: {  	_ = 	snop  }
__scs_overlays_trampoline_lowered:
0x8: {  	[smem:$0x3FA3] =	sst s0  }
0x9: {  	[smem:$0x3FA4] =	sst s1  }
0xa: {  	[smem:$0x3FA5] =	sst s2  }
0xb: {  	[smem:$0x3FA6] =	sst s3  }
0xc: {  	[smem:$0x3FA7] =	sst s4  }
0xd: {  	[smem:$0x3FA8] =	sst s5  }
0xe: {  	[smem:$0x3FA9] =	sst s6  }
0xf: {  	[smem:$0x3FAA] =	sst s7  }
0x10: {  	[smem:$0x3FAB] =	sst s8  }
0x11: {  	[smem:$0x3FAC] =	sst s9;
	s0 =	simm.s32 @!p0 $0x0  }
0x12: {  	s1 =	sld [smem:$0x3F92];
	s0 =	simm.s32 @p0 $0x1  }
0x13: {  	[smem:$0x3FAD] =	sst s0;
	s0 =	simm.s32 @!p1 $0x0  }
0x14: {  	s2 =	sld [smem:$0x3F91];
	s0 =	simm.s32 @p1 $0x1  }
0x15: {  	[smem:$0x3FAE] =	sst s0;
	s0 =	simm.s32 @!p2 $0x0  }
0x16: {  	s3 =	sld [smem:$0x3FDB];
	s0 =	simm.s32 @p2 $0x1  }
0x17: {  	s4 =	simm.s32 $0x1BF5;
	[smem:$0x3FB0] =	sst s0  }
0x18: {  	s0 =	sld [smem:$0x3F93];
	_ =	swait.ge [sflag:s4], $0x0  }
0x19: {  	s7 =	sld [smem:$0x3F94]  }
0x1a: {  	s8 =	sadd.s32 $0xFFFFE003, lr  }
0x1b: {  	s9 =	sadd.s32 $0xFFFFFEF7, lr;
	s5 =	simm.s32 $0xFFFFFFFF;
	p2 =	slt.u32 s8, $0xFFFFF086  }
0x1c: {  	p1 =	slt.u32 s9, $0xF7A;
	s5 =	simm.s32 @!p2 $0x0  }
0x1d: {  	s5 =	simm.s32 @p1 $0x1;
	p0 =	seq.s32 s7, s2  }
0x1e: {  	s7 =	smul.u32 @!p0 $0xF7A, s2;
	p2 =	seq.s32 @!p0 s5, $0x0  }
0x1f: {  	s9 =	smul.u32 $0xF7A, s1;
	s8 =	simm.s32 @!p0 $0x1BF5;
	p2 =	por !p2, p0  }
0x20: {  	[sflag:s8] =	ssyncset.s32 @!p0 $0xFFFFF086;
	s6 =	sadd.s32 @!p0 s3, s7;
	s7 =	simm.s32 @!p0 $0x108  }
0x21: {  	s3 =	sadd.s32 s3, s9;
	s6 =	sadd.s32 @!p0 $0x88, s6;
	s7 =	simm.s32 @p2 $0x1082  }
0x22: {  	[simem:s7], [sflag:s8] =	dma.local @!p0 [hbm:s6], $0xF7A  }
0x23: {  	s9 =	sor.u32 $0xD0000000, s2;
	s6 =	simm.s32 $0x108;
	_ =	swait.ge @!p0 [sflag:s8], $0x0  }
0x24: {  	s3 =	sadd.s32 $0x88, s3;
	s6 =	simm.s32 @!p1 $0x1082;
	[sflag:s4] =	ssyncset.s32 $0xFFFFF086  }
0x25: {  	[simem:s6], [sflag:s4] =	dma.local [hbm:s3], $0xF7A  }
0x26: {  	[smem:$0x3F94] =	sst s1;
	(tag) =	ssettag s2;
	_ =	strace s9  }
0x27: {  	s1 =	sld [smem:$0x3FA4]  }
0x28: {  	s2 =	sld [smem:$0x3FA5]  }
0x29: {  	s4 =	sld [smem:$0x3FA7]  }
0x2a: {  	p0 =	seq.s32 s5, $0x0;
	s5 =	sld [smem:$0x3FA8]  }
0x2b: {  	s6 =	sld [smem:$0x3FA9]  }
0x2c: {  	s7 =	sld [smem:$0x3FAA]  }
0x2d: {  	s3 =	simm.s32 $0x108;
	s8 =	sld [smem:$0x3FAB]  }
0x2e: {  	s3 =	simm.s32 @!p0 $0x1082;
	s9 =	sld [smem:$0x3FAC]  }
0x2f: {  	lr =	sadd.s32 s0, s3;
	s0 =	sld [smem:$0x3FA3]  }
0x30: {  	s3 =	sld [smem:$0x3FA6]  }
0x31: {  	[smem:$0x3FAF] =	sst s10  }
0x32: {  	s10 =	sld [smem:$0x3FAD];
	_ =	sdelay $0x3  }
0x33: {  	p0 =	seq.s32 s10, $0x1;
	s10 =	sld [smem:$0x3FAF];
	_ =	sdelay $0x3  }
0x34: {  	[smem:$0x3FAF] =	sst s10  }
0x35: {  	s10 =	sld [smem:$0x3FAE];
	_ =	sdelay $0x3  }
0x36: {  	p1 =	seq.s32 s10, $0x1;
	s10 =	sld [smem:$0x3FAF];
	_ =	sdelay $0x3  }
0x37: {  	[smem:$0x3FAF] =	sst s10  }
0x38: {  	s10 =	sld [smem:$0x3FB0]  }
0x39: {  	_ = 	snop;
	(pc) =	sbr.ind lr, $3  }
0x3a: {  	_ = 	snop  }
0x3b: {  	_ = 	snop  }
0x3c: {  	p2 =	seq.s32 s10, $0x1;
	s10 =	sld [smem:$0x3FAF]  }
0x3d: {  	_ =	shalt  }
0x3e: {  	_ =	shalt  }
0x3f: {  	_ =	shalt  }
0x40: {  	_ =	shalt  }
0x41: {  	_ =	shalt  }
0x42: {  	_ =	shalt  }
0x43: {  	_ =	shalt  }
0x44: {  	_ =	shalt  }
0x45: {  	_ =	shalt  }
0x46: {  	_ =	shalt  }
0x47: {  	_ =	shalt  }
0x48: {  	_ =	shalt  }
0x49: {  	_ =	shalt  }
0x4a: {  	_ =	shalt  }
0x4b: {  	_ =	shalt  }
0x4c: {  	_ =	shalt  }
0x4d: {  	_ =	shalt  }
0x4e: {  	_ =	shalt  }
0x4f: {  	_ =	shalt  }
0x50: {  	_ =	shalt  }
0x51: {  	_ =	shalt  }
0x52: {  	_ =	shalt  }
0x53: {  	_ =	shalt  }
0x54: {  	_ =	shalt  }
0x55: {  	_ =	shalt  }
0x56: {  	_ =	shalt  }
0x57: {  	_ =	shalt  }
0x58: {  	_ =	shalt  }
0x59: {  	_ =	shalt  }
0x5a: {  	_ =	shalt  }
0x5b: {  	_ =	shalt  }
0x5c: {  	_ =	shalt  }
0x5d: {  	_ =	shalt  }
0x5e: {  	_ =	shalt  }
0x5f: {  	_ =	shalt  }
0x60: {  	_ =	shalt  }
0x61: {  	_ =	shalt  }
0x62: {  	_ =	shalt  }
0x63: {  	_ =	shalt  }
0x64: {  	_ =	shalt  }
0x65: {  	_ =	shalt  }
0x66: {  	_ =	shalt  }
0x67: {  	_ =	shalt  }
0x68: {  	_ =	shalt  }
0x69: {  	_ =	shalt  }
0x6a: {  	_ =	shalt  }
0x6b: {  	_ =	shalt  }
0x6c: {  	_ =	shalt  }
0x6d: {  	_ =	shalt  }
0x6e: {  	_ =	shalt  }
0x6f: {  	_ =	shalt  }
0x70: {  	_ =	shalt  }
0x71: {  	_ =	shalt  }
0x72: {  	_ =	shalt  }
0x73: {  	_ =	shalt  }
0x74: {  	_ =	shalt  }
0x75: {  	_ =	shalt  }
0x76: {  	_ =	shalt  }
0x77: {  	_ =	shalt  }
0x78: {  	_ =	shalt  }
0x79: {  	_ =	shalt  }
0x7a: {  	_ =	shalt  }
0x7b: {  	_ =	shalt  }
0x7c: {  	_ =	shalt  }
0x7d: {  	_ =	shalt  }
0x7e: {  	_ =	shalt  }
0x7f: {  	_ =	shalt  }
0x80: {  	_ =	shalt  }
0x81: {  	_ =	shalt  }
0x82: {  	_ =	shalt  }
0x83: {  	_ =	shalt  }
0x84: {  	_ =	shalt  }
0x85: {  	_ =	shalt  }
0x86: {  	_ =	shalt  }
0x87: {  	_ =	shalt  }
.Lfunc_end0:
.L_simem_size_0:
called_computation.1_lowered:
.L_overlay_start_0:
0x88: {  	s2 =	sld [smem:$0x3FD9]  }
0x89: {  	s3 =	sld [smem:$0x3FFE];
	_ =	sdelay $0x1  }
0x8a: {  	s1 =	srdreg.scid  }
0x8b: {  	s0 =	sand.u32 $0x1, s1  }
0x8c: {  	s16 =	sshll.u32 s0, $0xA;
	s2 =	sadd.s32 s3, s2  }
0x8d: {  	s2 =	sadd.s32 s2, s16  }
0x8e: {  	[smem:$0x3FBB] =	sst s2  }
0x8f: {  	_ = 	snop  }
0x90: {  	(tm) =	ssettm $0x1  }
0x91: {  	s17 =	sld [smem:$0x3FFB];
	_ =	sdelay $0x3  }
0x92: {  	_ =	strace s17  }
0x93: {  	s2 =	sld [smem:$0x3FFC];
	_ =	sdelay $0x3  }
0x94: {  	_ =	strace s2  }
0x95: {  	s2 =	sld [smem:$0x3FFD];
	_ =	sdelay $0x3  }
0x96: {  	_ =	strace s2  }
0x97: {  	_ =	strace $0x8FFFFFFF  }
0x98: {  	s18 =	sld [smem:$0x3FDB];
	_ =	sdelay $0x1  }
0x99: {  	s19 =	simm.s32 $_scs_section_size  }
0x9a: {  	s4 =	simm.s32 $_size__tile_overlayer_lowered;
	s5 =	simm.s32 $_tile_overlayer_lowered  }
0x9b: {  	s22 =	simm.s32 $0x1BFF;
	s21 =	sshll.u32 s5, $0x1;
	s2 =	sadd.s32 s19, s18  }
0x9c: {  	s6 =	simm.s32 $0x0;
	s20 =	sshll.u32 s4, $0x1;
	s4 =	sadd.s32 s21, s2  }
0x9d: {  	[timem:s6], [sflag:s22] =	dma.local [hbm:s4], s20  }
0x9e: {  	_ =	swait.ge [sflag:s22], s20  }
0x9f: {  	s3 =	ssub.s32 $0x0, s20;
	[sflag:s22] =	ssyncset.done $0x0  }
0xa0: {  	[sflag:s22] =	ssyncadd.s32 s3;
	_ =	sdelay $0x1  }
0xa1: {  	s23 =	simm.s32 $0x1B8B  }
0xa2: {  	_ =	swait.ge [sflag:s23], $0x1  }
0xa3: {  	[sflag:s23] =	ssyncset.done $0x0  }
0xa4: {  	s25 =	simm.s32 $0x1B8E;
	s24 =	sld [smem:$0x3FFE];
	[sflag:s23] =	ssyncadd.s32 $0xFFFFFFFF  }
0xa5: {  	s26 =	simm.s32 $execute0_lowered;
	[smem:$0x3FD2] =	sst s25  }
0xa6: {  	s4 =	sshll.u32 s26, $0x1;
	_ =	strace $0x80000049;
	[dreg:$0x1] =	wrdreg $0xFFFFFFFF  }
0xa7: {  	s28 =	simm.s32 $_size_execute0_lowered;
	s2 =	sadd.s32 s2, s4;
	[dreg:$0x0] =	wrdreg $0x0  }
0xa8: {  	s4 =	sshll.u32 s28, $0x1;
	[dreg:$0x2] =	wrdreg s2  }
0xa9: {  	[dreg:$0x3] =	wrdreg s4  }
0xaa: {  	[dreg:$0x4] =	wrdreg $0xC0  }
0xab: {  	_ =	task [dreg:s6], $0x5FFFF  }
0xac: {  	[dreg:$0x1] =	wrdreg $0xFFFFFFFF  }
0xad: {  	[dreg:$0x0] =	wrdreg $0x60  }
0xae: {  	[dreg:$0x2] =	wrdreg s24  }
0xaf: {  	[dreg:$0x3] =	wrdreg $0x148000  }
0xb0: {  	[dreg:$0x4] =	wrdreg $0x9  }
0xb1: {  	_ =	task.clear_ibuf [dreg:s6], $0x5FFFF;
	_ =	strace $0x90000049  }
0xb2: {  	s29 =	simm.s32 $0x9;
	_ =	strace $0x8000004B  }
0xb3: {  	_ =	swait.ge [sflag:s29], $0x1  }
0xb4: {  	[sflag:s29] =	ssyncadd.s32 $0xFFFFFFFF  }
0xb5: {  	_ =	strace $0x9000004B  }
0xb6: {  	_ =	sfence  }
0xb7: {  	s30 =	sld [smem:$0x0];
	_ =	sdelay $0x2  }
0xb8: {  	s31 =	sshll.u32 s1, $0xD;
	s1 =	sshrl.u32 s1, $0x2  }
0xb9: {  	s3 =	sand.u32 $0x4000, s31;
	s1 =	sadd.s32 s1, s30  }
0xba: {  	s0 =	sor.u32 s3, s0;
	s1 =	sshll.u32 s1, $0x11  }
0xbb: {  	s0 =	sor.u32 s1, s0  }
0xbc: {  	s0 =	sadd.s32 $0x8F2B, s0  }
0xbd: {  	[sflag:s0] =	ssyncadd.remote.s32 $0x1  }
0xbe: {  	_ =	sfence.sel $0xFFFF  }
0xbf: {  	[dreg:$0x0] =	wrdreg $0xFFFFFFFF;
	(pc) =	sbr.abs _section_cstart, $3  }
0xc0: {  	[dreg:$0x1] =	wrdreg $0xFFFFFFFF  }
0xc1: {  	_ =	task.clear_ibuf [dreg:s6], $0x2FFFF;
	_ =	strace $0x9FFFFFFF  }
0xc2: {  	(tm) =	ssettm $0x7FFFFFFF  }
0xc3: {  	_ =	shalt  }
tec
execute0_lowered:
.L_overlay_start_1:
0x0: {  	(tag) =	ssettag $0x1  }
0x1: {  	s1 =	srdreg.scid  }
0x2: {  	s1 =	sand.u32 $0x1, s1  }
0x3: {  	p0 =	seq.s32 s1, $0x1  }
.Ltmp0:
0x4: {  	_ = 	snop;
	(pc) =	sbr.rel @p0 .LBB2_6-.Ltmp0, $4  }
0x5: {  	s3 =	rddreg [dreg:$0x0]  }
0x6: {  	s2 =	rddreg [dreg:$0x1];
	s6 =	simm.s32 $0x0  }
0x7: {  	[smem:$0x7FF] =	sst s6  }
0x8: {  	s0 =	rddreg [dreg:$0x2];
	_ =	strace $0x8000004A;
	s1 =	stileid.u32  }
0x9: {  	s4 =	smul.u32 $0x5000, s1;
	s5 =	sadd.s32 $0x3400, s3  }
0xa: {  	s9 =	smul.u32 $0x14000, s1;
	s10 =	simm.s32 $0x11;
	s23 =	simm.s32 $0x5000  }
0xb: {  	s24 =	simm.s32 $0xA0;
	s25 =	simm.s32 $0xA000;
	s7 =	sshrl.u32 s4, $0x3  }
0xc: {  	s26 =	simm.s32 $0xB400;
	s28 =	simm.s32 $0x140;
	s8 =	sadd.s32 s5, s7  }
0xd: {  	[tilespmem:s6], [sflag:$0x11] =	stream.linear.gather [hbm4b:s8+s6], $0x5000, $0x38;
	[tilespmem:$0x19800] =	vst v63  }
0xe: {  	s29 =	simm.s32 $0xC800;
	s30 =	simm.s32 $0x1E0;
	_ =	swait.ge [sflag:s10], $0x5000  }
0xf: {  	s31 =	simm.s32 $0xDC00;
	s16 =	simm.s32 $0x80;
	[sflag:s10] =	ssyncset.done $0x0  }
0x10: {  	s17 =	simm.s32 $0x0;
	s8 =	sadd.s32 $0xA000, s8;
	[sflag:s10] =	ssyncadd.s32 $0xFFFFB000  }
0x11: {  	[tilespmem:s23], [sflag:$0x11] =	stream.linear.gather [hbm4b:s8+s6], $0x5000, $0x38;
	[tilespmem:$0x19800] =	vst v63  }
0x12: {  	s22 =	sshrl.u32 s9, $0x2;
	s4 =	sadd.s32 s4, s2;
	_ =	swait.ge [sflag:s10], $0x5000  }
0x13: {  	s5 =	sadd.s32 $0x3F400, s3;
	s21 =	sadd.s32 s7, s3;
	[sflag:s10] =	ssyncset.done $0x0  }
0x14: {  	s14 =	sadd.s32 s22, s2;
	s3 =	sadd.s32 $0x49400, s21;
	[sflag:s10] =	ssyncadd.s32 $0xFFFFB000  }
0x15: {  	[tilespmem:s25], [sflag:$0x1] =	stream.indirect.gather [hbm4b:s5+s24], $0x20, s6, s24, $0xb8;
	[tilespmem:$0x19800] =	vst v63  }
0x16: {  	s13 =	sadd.s32 $0x800, s14;
	s15 =	sadd.s32 $0x1000, s14;
	s12 =	sadd.s32 $0x1800, s14  }
0x17: {  	[tilespmem:s26], [sflag:$0x2] =	stream.indirect.gather [hbm4b:s5+s24], $0x20, s24, s24, $0xb8;
	[tilespmem:$0x19800] =	vst v63  }
0x18: {  	s9 =	sadd.s32 $0x2000, s14;
	s11 =	sadd.s32 $0x3000, s14;
	s7 =	sadd.s32 $0x4000, s14  }
0x19: {  	[tilespmem:s29], [sflag:$0x3] =	stream.indirect.gather [hbm4b:s5+s24], $0x20, s28, s24, $0xb8;
	[tilespmem:$0x19800] =	vst v63  }
0x1a: {  	s8 =	sadd.s32 $0x3800, s14;
	s10 =	sadd.s32 $0x2800, s14;
	s6 =	sadd.s32 $0x4800, s14  }
0x1b: {  	v0 =	vimm.f32 $0.0e+00;
	[tilespmem:s31], [sflag:$0x4] =	stream.indirect.gather [hbm4b:s5+s24], $0x20, s30, s24, $0xb8;
	[tilespmem:$0x19800] =	vst v63  }
.LBB2_2:
0x1c: {  	p0 =	sne.s32 s16, $0x1F80;
	[tilespmem:s17+$0x14000] =	vst v0;
	s18 =	smov.u32 s16;
	s16 =	sadd.s32 $0x80, s16  }
.Ltmp1:
0x1d: {  	[tilespmem:s17+$0x14010] =	vst v0;
	(pc) =	sbr.rel @p0 .LBB2_2-.Ltmp1, $2  }
0x1e: {  	_ =	sdelay $0x2  }
0x1f: {  	s17 =	sshra.s32 s18, $0x2  }
0x20: {  	[tilespmem:s17+$0x14000] =	vst v0  }
0x21: {  	[tilespmem:s17+$0x14010] =	vst v0;
	s16 =	simm.s32 $0x14000;
	s31 =	simm.s32 $0x11  }
0x22: {  	[spmem:s14] =	stream.linear.scatter [tilespmem:s16], [sflag:$0x11], $0x800, $0x38;
	[tilespmem:$0x19800] =	vst v63  }
0x23: {  	_ =	swait.ge [sflag:s31], $0x800  }
0x24: {  	[sflag:s31] =	ssyncset.done $0x0  }
0x25: {  	[sflag:s31] =	ssyncadd.s32 $0xFFFFF800  }
0x26: {  	[spmem:s13] =	stream.linear.scatter [tilespmem:s16], [sflag:$0x11], $0x800, $0x38;
	[tilespmem:$0x19800] =	vst v63  }
0x27: {  	_ =	swait.ge [sflag:s31], $0x800  }
0x28: {  	[sflag:s31] =	ssyncset.done $0x0  }
0x29: {  	[sflag:s31] =	ssyncadd.s32 $0xFFFFF800  }
0x2a: {  	[spmem:s15] =	stream.linear.scatter [tilespmem:s16], [sflag:$0x11], $0x800, $0x38;
	[tilespmem:$0x19800] =	vst v63  }
0x2b: {  	_ =	swait.ge [sflag:s31], $0x800  }
0x2c: {  	[sflag:s31] =	ssyncset.done $0x0  }
0x2d: {  	[sflag:s31] =	ssyncadd.s32 $0xFFFFF800  }
0x2e: {  	[spmem:s12] =	stream.linear.scatter [tilespmem:s16], [sflag:$0x11], $0x800, $0x38;
	[tilespmem:$0x19800] =	vst v63  }
0x2f: {  	_ =	swait.ge [sflag:s31], $0x800  }
0x30: {  	[sflag:s31] =	ssyncset.done $0x0  }
0x31: {  	[sflag:s31] =	ssyncadd.s32 $0xFFFFF800  }
0x32: {  	[spmem:s9] =	stream.linear.scatter [tilespmem:s16], [sflag:$0x11], $0x800, $0x38;
	[tilespmem:$0x19800] =	vst v63  }
0x33: {  	_ =	swait.ge [sflag:s31], $0x800  }
0x34: {  	[sflag:s31] =	ssyncset.done $0x0  }
0x35: {  	[sflag:s31] =	ssyncadd.s32 $0xFFFFF800  }
0x36: {  	[spmem:s10] =	stream.linear.scatter [tilespmem:s16], [sflag:$0x11], $0x800, $0x38;
	[tilespmem:$0x19800] =	vst v63  }
0x37: {  	_ =	swait.ge [sflag:s31], $0x800  }
0x38: {  	[sflag:s31] =	ssyncset.done $0x0  }
0x39: {  	[sflag:s31] =	ssyncadd.s32 $0xFFFFF800  }
0x3a: {  	[spmem:s11] =	stream.linear.scatter [tilespmem:s16], [sflag:$0x11], $0x800, $0x38;
	[tilespmem:$0x19800] =	vst v63  }
0x3b: {  	_ =	swait.ge [sflag:s31], $0x800  }
0x3c: {  	[sflag:s31] =	ssyncset.done $0x0  }
0x3d: {  	[sflag:s31] =	ssyncadd.s32 $0xFFFFF800  }
0x3e: {  	[spmem:s8] =	stream.linear.scatter [tilespmem:s16], [sflag:$0x11], $0x800, $0x38;
	[tilespmem:$0x19800] =	vst v63  }
0x3f: {  	_ =	swait.ge [sflag:s31], $0x800  }
0x40: {  	[sflag:s31] =	ssyncset.done $0x0  }
0x41: {  	[sflag:s31] =	ssyncadd.s32 $0xFFFFF800  }
0x42: {  	[spmem:s7] =	stream.linear.scatter [tilespmem:s16], [sflag:$0x11], $0x800, $0x38;
	[tilespmem:$0x19800] =	vst v63  }
0x43: {  	_ =	swait.ge [sflag:s31], $0x800  }
0x44: {  	[sflag:s31] =	ssyncset.done $0x0  }
0x45: {  	[sflag:s31] =	ssyncadd.s32 $0xFFFFF800  }
0x46: {  	[spmem:s6] =	stream.linear.scatter [tilespmem:s16], [sflag:$0x11], $0x800, $0x38;
	[tilespmem:$0x19800] =	vst v63  }
0x47: {  	_ =	swait.ge [sflag:s31], $0x800  }
0x48: {  	[sflag:s31] =	ssyncset.done $0x0  }
0x49: {  	[sflag:s31] =	ssyncadd.s32 $0xFFFFF800  }
0x4a: {  	s10 =	simm.s32 $0xF000;
	[bflag:$0x0] =	sbarrier.arrive $0xFFFF  }
0x4b: {  	s11 =	simm.s32 $0xA000;
	[dreg:$0x3] =	wrdreg s10  }
0x4c: {  	s12 =	simm.s32 $0xB400;
	[dreg:$0x4] =	wrdreg s11  }
0x4d: {  	s13 =	simm.s32 $0x11800;
	[dreg:$0x5] =	wrdreg s12  }
0x4e: {  	s14 =	simm.s32 $0xC800;
	[dreg:$0x6] =	wrdreg s13  }
0x4f: {  	p0 =	por $0x1, $0x1;
	s15 =	simm.s32 $0xDC00;
	[dreg:$0x7] =	wrdreg s14  }
0x50: {  	s7 =	simm.s32 @!p0 $0xD;
	[dreg:$0x8] =	wrdreg s15  }
0x51: {  	_ =	swait.ge @!p0 [sflag:s7], $0x1400  }
0x52: {  	s17 =	simm.s32 $0x280;
	s9 =	simm.s32 $0x1;
	[sflag:s7] =	ssyncset.done @!p0 $0x0  }
0x53: {  	s6 =	simm.s32 $0xA0;
	s16 =	rddreg [dreg:$0x3];
	[sflag:s7] =	ssyncadd.s32 @!p0 $0xFFFFEC00  }
0x54: {  	[tilespmem:s16], [sflag:$0x5] =	stream.indirect.gather [hbm4b:s5+s6], $0x20, s17, s6, $0xb8;
	[tilespmem:$0x19800] =	vst v63  }
0x55: {  	_ =	swait.ge [sflag:s9], $0x1400  }
0x56: {  	s19 =	simm.s32 $0x5000;
	[sflag:s9] =	ssyncset.done $0x0  }
0x57: {  	s11 =	simm.s32 @!p0 $0xE;
	s18 =	rddreg [dreg:$0x4];
	[sflag:s9] =	ssyncadd.s32 $0xFFFFEC00  }
0x58: {  	[spmem:s2] =	stream.indirect.scatter.add.f32 [tilespmem:s18], [sflag:$0x9], $0x20, s19, s6, $0xb8;
	[tilespmem:$0x19800] =	vst v63  }
0x59: {  	_ =	swait.ge @!p0 [sflag:s11], $0x1400  }
0x5a: {  	s20 =	simm.s32 $0x320;
	[sflag:s11] =	ssyncset.done @!p0 $0x0  }
0x5b: {  	s8 =	simm.s32 $0x10400;
	s10 =	simm.s32 $0x2;
	[sflag:s11] =	ssyncadd.s32 @!p0 $0xFFFFEC00  }
0x5c: {  	[tilespmem:s8], [sflag:$0x6] =	stream.indirect.gather [hbm4b:s5+s6], $0x20, s20, s6, $0xb8;
	[tilespmem:$0x19800] =	vst v63  }
0x5d: {  	_ =	swait.ge [sflag:s10], $0x1400  }
0x5e: {  	s22 =	simm.s32 $0x50A0;
	[sflag:s10] =	ssyncset.done $0x0  }
0x5f: {  	s12 =	simm.s32 @!p0 $0xF;
	s21 =	rddreg [dreg:$0x5];
	[sflag:s10] =	ssyncadd.s32 $0xFFFFEC00  }
0x60: {  	[spmem:s2] =	stream.indirect.scatter.add.f32 [tilespmem:s21], [sflag:$0xA], $0x20, s22, s6, $0xb8;
	[tilespmem:$0x19800] =	vst v63  }
0x61: {  	_ =	swait.ge @!p0 [sflag:s12], $0x1400  }
0x62: {  	s24 =	simm.s32 $0x3C0;
	[sflag:s12] =	ssyncset.done @!p0 $0x0  }
0x63: {  	s11 =	simm.s32 $0x3;
	s23 =	rddreg [dreg:$0x6];
	[sflag:s12] =	ssyncadd.s32 @!p0 $0xFFFFEC00  }
0x64: {  	[tilespmem:s23], [sflag:$0x7] =	stream.indirect.gather [hbm4b:s5+s6], $0x20, s24, s6, $0xb8;
	[tilespmem:$0x19800] =	vst v63  }
0x65: {  	_ =	swait.ge [sflag:s11], $0x1400  }
0x66: {  	s26 =	simm.s32 $0x5140;
	[sflag:s11] =	ssyncset.done $0x0  }
0x67: {  	s14 =	simm.s32 @!p0 $0x10;
	s25 =	rddreg [dreg:$0x7];
	[sflag:s11] =	ssyncadd.s32 $0xFFFFEC00  }
0x68: {  	[spmem:s2] =	stream.indirect.scatter.add.f32 [tilespmem:s25], [sflag:$0xB], $0x20, s26, s6, $0xb8;
	[tilespmem:$0x19800] =	vst v63  }
0x69: {  	_ =	swait.ge @!p0 [sflag:s14], $0x1400  }
0x6a: {  	s28 =	simm.s32 $0x460;
	[sflag:s14] =	ssyncset.done @!p0 $0x0  }
0x6b: {  	s13 =	simm.s32 $0x4;
	s7 =	simm.s32 $0x12C00;
	[sflag:s14] =	ssyncadd.s32 @!p0 $0xFFFFEC00  }
0x6c: {  	[tilespmem:s7], [sflag:$0x8] =	stream.indirect.gather [hbm4b:s5+s6], $0x20, s28, s6, $0xb8;
	[tilespmem:$0x19800] =	vst v63  }
0x6d: {  	_ =	swait.ge [sflag:s13], $0x1400  }
0x6e: {  	s30 =	simm.s32 $0x51E0;
	[sflag:s13] =	ssyncset.done $0x0  }
0x6f: {  	s15 =	simm.s32 $0x9;
	s29 =	rddreg [dreg:$0x8];
	[sflag:s13] =	ssyncadd.s32 $0xFFFFEC00  }
0x70: {  	[spmem:s2] =	stream.indirect.scatter.add.f32 [tilespmem:s29], [sflag:$0xC], $0x20, s30, s6, $0xb8;
	[tilespmem:$0x19800] =	vst v63  }
0x71: {  	_ =	swait.ge [sflag:s15], $0x1400  }
0x72: {  	p0 =	por $0x0, $0x0;
	[sflag:s15] =	ssyncset.done $0x0  }
0x73: {  	s12 =	simm.s32 @p0 $0x5;
	[sflag:s15] =	ssyncadd.s32 $0xFFFFEC00  }
0x74: {  	_ =	swait.ge @p0 [sflag:s12], $0x1400  }
0x75: {  	s14 =	simm.s32 @p0 $0x5280;
	s16 =	simm.s32 @p0 $0xA;
	[sflag:s12] =	ssyncset.done @p0 $0x0  }
0x76: {  	s17 =	simm.s32 @p0 $0xA0;
	[sflag:s12] =	ssyncadd.s32 @p0 $0xFFFFEC00;
	s12 =	simm.s32 @p0 $0xF000  }
0x77: {  	[spmem:s2] =	stream.indirect.scatter.add.f32 @p0 [tilespmem:s12], [sflag:$0xD], $0x20, s14, s17, $0xb8;
	[tilespmem:$0x19800] =	vst v63  }
0x78: {  	_ =	swait.ge @p0 [sflag:s16], $0x1400  }
0x79: {  	s18 =	simm.s32 @!p0 $0xA0;
	s12 =	simm.s32 @!p0 $0x500;
	[sflag:s16] =	ssyncset.done @p0 $0x0  }
0x7a: {  	s14 =	simm.s32 @!p0 $0x5;
	[sflag:s16] =	ssyncadd.s32 @p0 $0xFFFFEC00;
	s16 =	simm.s32 @!p0 $0xA000  }
0x7b: {  	[tilespmem:s16], [sflag:$0x1] =	stream.indirect.gather @!p0 [hbm4b:s5+s18], $0x20, s12, s18, $0xb8;
	[tilespmem:$0x19800] =	vst v63  }
0x7c: {  	_ =	swait.ge @!p0 [sflag:s14], $0x1400  }
0x7d: {  	s12 =	simm.s32 @!p0 $0x5280;
	[sflag:s14] =	ssyncset.done @!p0 $0x0  }
0x7e: {  	s16 =	simm.s32 @!p0 $0xA;
	[sflag:s14] =	ssyncadd.s32 @!p0 $0xFFFFEC00;
	s14 =	simm.s32 @!p0 $0xF000  }
0x7f: {  	[spmem:s2] =	stream.indirect.scatter.add.f32 @!p0 [tilespmem:s14], [sflag:$0xD], $0x20, s12, s18, $0xb8;
	[tilespmem:$0x19800] =	vst v63  }
0x80: {  	_ =	swait.ge @!p0 [sflag:s16], $0x1400  }
0x81: {  	s12 =	simm.s32 $0x6;
	[sflag:s16] =	ssyncset.done @!p0 $0x0  }
0x82: {  	s14 =	simm.s32 @!p0 $0x5A0;
	[sflag:s16] =	ssyncadd.s32 @!p0 $0xFFFFEC00;
	s16 =	simm.s32 @!p0 $0xB400  }
0x83: {  	[tilespmem:s16], [sflag:$0x2] =	stream.indirect.gather @!p0 [hbm4b:s5+s18], $0x20, s14, s18, $0xb8;
	[tilespmem:$0x19800] =	vst v63  }
0x84: {  	_ =	swait.ge [sflag:s12], $0x1400  }
0x85: {  	[sflag:s12] =	ssyncset.done $0x0  }
0x86: {  	s31 =	simm.s32 $0x5320;
	s16 =	simm.s32 $0xB;
	[sflag:s12] =	ssyncadd.s32 $0xFFFFEC00  }
0x87: {  	[spmem:s2] =	stream.indirect.scatter.add.f32 [tilespmem:s8], [sflag:$0xE], $0x20, s31, s6, $0xb8;
	[tilespmem:$0x19800] =	vst v63  }
0x88: {  	_ =	swait.ge [sflag:s16], $0x1400  }
0x89: {  	[sflag:s16] =	ssyncset.done $0x0  }
0x8a: {  	s14 =	simm.s32 @p0 $0x7;
	[sflag:s16] =	ssyncadd.s32 $0xFFFFEC00  }
0x8b: {  	_ =	swait.ge @p0 [sflag:s14], $0x1400  }
0x8c: {  	s19 =	simm.s32 @p0 $0x53C0;
	[sflag:s14] =	ssyncset.done @p0 $0x0  }
0x8d: {  	s20 =	simm.s32 @p0 $0xC;
	[sflag:s14] =	ssyncadd.s32 @p0 $0xFFFFEC00;
	s14 =	simm.s32 @p0 $0x11800  }
0x8e: {  	[spmem:s2] =	stream.indirect.scatter.add.f32 @p0 [tilespmem:s14], [sflag:$0xF], $0x20, s19, s17, $0xb8;
	[tilespmem:$0x19800] =	vst v63  }
0x8f: {  	_ =	swait.ge @p0 [sflag:s20], $0x1400  }
0x90: {  	s14 =	simm.s32 @!p0 $0x640;
	[sflag:s20] =	ssyncset.done @p0 $0x0  }
0x91: {  	s17 =	simm.s32 @!p0 $0xC800;
	s19 =	simm.s32 @!p0 $0x7;
	[sflag:s20] =	ssyncadd.s32 @p0 $0xFFFFEC00  }
0x92: {  	[tilespmem:s17], [sflag:$0x3] =	stream.indirect.gather @!p0 [hbm4b:s5+s18], $0x20, s14, s18, $0xb8;
	[tilespmem:$0x19800] =	vst v63  }
0x93: {  	_ =	swait.ge @!p0 [sflag:s19], $0x1400  }
0x94: {  	s14 =	simm.s32 @!p0 $0x53C0;
	[sflag:s19] =	ssyncset.done @!p0 $0x0  }
0x95: {  	s17 =	simm.s32 @!p0 $0x11800;
	[sflag:s19] =	ssyncadd.s32 @!p0 $0xFFFFEC00;
	s19 =	simm.s32 @!p0 $0xC  }
0x96: {  	[spmem:s2] =	stream.indirect.scatter.add.f32 @!p0 [tilespmem:s17], [sflag:$0xF], $0x20, s14, s18, $0xb8;
	[tilespmem:$0x19800] =	vst v63  }
0x97: {  	_ =	swait.ge @!p0 [sflag:s19], $0x1400  }
0x98: {  	s14 =	simm.s32 $0x8;
	[sflag:s19] =	ssyncset.done @!p0 $0x0  }
0x99: {  	s17 =	simm.s32 @!p0 $0x6E0;
	[sflag:s19] =	ssyncadd.s32 @!p0 $0xFFFFEC00;
	s19 =	simm.s32 @!p0 $0xDC00  }
0x9a: {  	[tilespmem:s19], [sflag:$0x4] =	stream.indirect.gather @!p0 [hbm4b:s5+s18], $0x20, s17, s18, $0xb8;
	[tilespmem:$0x19800] =	vst v63  }
0x9b: {  	p1 =	por $0x0, $0x0;
	s17 =	simm.s32 $0x1400;
	_ =	swait.ge [sflag:s14], $0x1400  }
0x9c: {  	s18 =	simm.s32 $0x2800;
	s19 =	simm.s32 $0x5460;
	[sflag:s14] =	ssyncset.done $0x0  }
.LBB2_4:
0x9d: {  	s21 =	simm.s32 @!p1 $0xD;
	[sflag:s14] =	ssyncadd.s32 $0xFFFFEC00  }
0x9e: {  	[spmem:s2] =	stream.indirect.scatter.add.f32 [tilespmem:s7], [sflag:$0x10], $0x20, s19, s6, $0xb8;
	[tilespmem:$0x19800] =	vst v63  }
0x9f: {  	_ =	swait.ge @!p1 [sflag:s21], $0x1400  }
0xa0: {  	s19 =	sshra.s32 s17, $0x2;
	[sflag:s21] =	ssyncset.done @!p1 $0x0  }
0xa1: {  	s25 =	sadd.s32 $0x280, s19;
	s22 =	rddreg [dreg:$0x3];
	[sflag:s21] =	ssyncadd.s32 @!p1 $0xFFFFEC00  }
0xa2: {  	[tilespmem:s22], [sflag:$0x5] =	stream.indirect.gather [hbm4b:s5+s6], $0x20, s25, s6, $0xb8;
	[tilespmem:$0x19800] =	vst v63  }
0xa3: {  	_ =	swait.ge [sflag:s9], $0x1400  }
0xa4: {  	s23 =	simm.s32 @!p1 $0xE;
	[sflag:s9] =	ssyncset.done $0x0  }
0xa5: {  	s28 =	sadd.s32 $0x5000, s19;
	s26 =	rddreg [dreg:$0x4];
	[sflag:s9] =	ssyncadd.s32 $0xFFFFEC00  }
0xa6: {  	[spmem:s2] =	stream.indirect.scatter.add.f32 [tilespmem:s26], [sflag:$0x9], $0x20, s28, s6, $0xb8;
	[tilespmem:$0x19800] =	vst v63  }
0xa7: {  	_ =	swait.ge @!p1 [sflag:s23], $0x1400  }
0xa8: {  	[sflag:s23] =	ssyncset.done @!p1 $0x0  }
0xa9: {  	s29 =	sadd.s32 $0x320, s19;
	[sflag:s23] =	ssyncadd.s32 @!p1 $0xFFFFEC00  }
0xaa: {  	[tilespmem:s8], [sflag:$0x6] =	stream.indirect.gather [hbm4b:s5+s6], $0x20, s29, s6, $0xb8;
	[tilespmem:$0x19800] =	vst v63  }
0xab: {  	_ =	swait.ge [sflag:s10], $0x1400  }
0xac: {  	s31 =	sadd.s32 $0x50A0, s19;
	[sflag:s10] =	ssyncset.done $0x0  }
0xad: {  	s23 =	simm.s32 @!p1 $0xF;
	s30 =	rddreg [dreg:$0x5];
	[sflag:s10] =	ssyncadd.s32 $0xFFFFEC00  }
0xae: {  	[spmem:s2] =	stream.indirect.scatter.add.f32 [tilespmem:s30], [sflag:$0xA], $0x20, s31, s6, $0xb8;
	[tilespmem:$0x19800] =	vst v63  }
0xaf: {  	_ =	swait.ge @!p1 [sflag:s23], $0x1400  }
0xb0: {  	[sflag:s23] =	ssyncset.done @!p1 $0x0  }
0xb1: {  	s22 =	rddreg [dreg:$0x6];
	[sflag:s23] =	ssyncadd.s32 @!p1 $0xFFFFEC00;
	s23 =	sadd.s32 $0x3C0, s19  }
0xb2: {  	[tilespmem:s22], [sflag:$0x7] =	stream.indirect.gather [hbm4b:s5+s6], $0x20, s23, s6, $0xb8;
	[tilespmem:$0x19800] =	vst v63  }
0xb3: {  	_ =	swait.ge [sflag:s11], $0x1400  }
0xb4: {  	s25 =	sadd.s32 $0x5140, s19;
	[sflag:s11] =	ssyncset.done $0x0  }
0xb5: {  	s23 =	simm.s32 @!p1 $0x10;
	s24 =	rddreg [dreg:$0x7];
	[sflag:s11] =	ssyncadd.s32 $0xFFFFEC00  }
0xb6: {  	[spmem:s2] =	stream.indirect.scatter.add.f32 [tilespmem:s24], [sflag:$0xB], $0x20, s25, s6, $0xb8;
	[tilespmem:$0x19800] =	vst v63  }
0xb7: {  	_ =	swait.ge @!p1 [sflag:s23], $0x1400  }
0xb8: {  	[sflag:s23] =	ssyncset.done @!p1 $0x0  }
0xb9: {  	s26 =	sadd.s32 $0x460, s19;
	[sflag:s23] =	ssyncadd.s32 @!p1 $0xFFFFEC00  }
0xba: {  	[tilespmem:s7], [sflag:$0x8] =	stream.indirect.gather [hbm4b:s5+s6], $0x20, s26, s6, $0xb8;
	[tilespmem:$0x19800] =	vst v63  }
0xbb: {  	_ =	swait.ge [sflag:s13], $0x1400  }
0xbc: {  	[sflag:s13] =	ssyncset.done $0x0  }
0xbd: {  	s29 =	sadd.s32 $0x51E0, s19;
	s28 =	rddreg [dreg:$0x8];
	[sflag:s13] =	ssyncadd.s32 $0xFFFFEC00  }
0xbe: {  	[spmem:s2] =	stream.indirect.scatter.add.f32 [tilespmem:s28], [sflag:$0xC], $0x20, s29, s6, $0xb8;
	[tilespmem:$0x19800] =	vst v63  }
0xbf: {  	_ =	swait.ge [sflag:s15], $0x1400  }
0xc0: {  	s20 =	smov.u32 s18;
	p1 =	seq.s32 s17, $0x12C00;
	[sflag:s15] =	ssyncset.done $0x0  }
0xc1: {  	s21 =	simm.s32 @p1 $0x5;
	s22 =	sshra.s32 @p1 s17, $0x2;
	[sflag:s15] =	ssyncadd.s32 $0xFFFFEC00  }
0xc2: {  	s17 =	sshra.s32 @!p1 s17, $0x2;
	s25 =	simm.s32 @p1 $0xA;
	_ =	swait.ge @p1 [sflag:s21], $0x1400  }
0xc3: {  	s23 =	simm.s32 @p1 $0xA0;
	s30 =	simm.s32 @!p1 $0x5;
	[sflag:s21] =	ssyncset.done @p1 $0x0  }
0xc4: {  	s24 =	sadd.s32 @p1 $0x5280, s22;
	[sflag:s21] =	ssyncadd.s32 @p1 $0xFFFFEC00;
	s21 =	simm.s32 @p1 $0xF000  }
0xc5: {  	[spmem:s2] =	stream.indirect.scatter.add.f32 @p1 [tilespmem:s21], [sflag:$0xD], $0x20, s24, s23, $0xb8;
	[tilespmem:$0x19800] =	vst v63  }
0xc6: {  	s26 =	sadd.s32 @!p1 $0x500, s17;
	s31 =	sadd.s32 @p1 $0x53C0, s22;
	_ =	swait.ge @p1 [sflag:s25], $0x1400  }
0xc7: {  	s22 =	simm.s32 @!p1 $0xA000;
	s28 =	sadd.s32 @!p1 $0x5280, s17;
	[sflag:s25] =	ssyncset.done @p1 $0x0  }
0xc8: {  	s29 =	sadd.s32 @!p1 $0x5A0, s17;
	s21 =	simm.s32 @!p1 $0xA0;
	[sflag:s25] =	ssyncadd.s32 @p1 $0xFFFFEC00  }
0xc9: {  	[tilespmem:s22], [sflag:$0x1] =	stream.indirect.gather @!p1 [hbm4b:s5+s21], $0x20, s26, s21, $0xb8;
	[tilespmem:$0x19800] =	vst v63  }
0xca: {  	s24 =	sadd.s32 @!p1 $0x53C0, s17;
	s25 =	sadd.s32 @!p1 $0x640, s17;
	_ =	swait.ge @!p1 [sflag:s30], $0x1400  }
0xcb: {  	s22 =	sadd.s32 @!p1 $0x6E0, s17;
	s17 =	smov.u32 s20;
	[sflag:s30] =	ssyncset.done @!p1 $0x0  }
0xcc: {  	s20 =	simm.s32 @!p1 $0xF000;
	s26 =	simm.s32 @!p1 $0xA;
	[sflag:s30] =	ssyncadd.s32 @!p1 $0xFFFFEC00  }
0xcd: {  	[spmem:s2] =	stream.indirect.scatter.add.f32 @!p1 [tilespmem:s20], [sflag:$0xD], $0x20, s28, s21, $0xb8;
	[tilespmem:$0x19800] =	vst v63  }
0xce: {  	_ =	swait.ge @!p1 [sflag:s26], $0x1400  }
0xcf: {  	[sflag:s26] =	ssyncset.done @!p1 $0x0  }
0xd0: {  	s20 =	simm.s32 @!p1 $0xB400;
	[sflag:s26] =	ssyncadd.s32 @!p1 $0xFFFFEC00  }
0xd1: {  	[tilespmem:s20], [sflag:$0x2] =	stream.indirect.gather @!p1 [hbm4b:s5+s21], $0x20, s29, s21, $0xb8;
	[tilespmem:$0x19800] =	vst v63  }
0xd2: {  	_ =	swait.ge [sflag:s12], $0x1400  }
0xd3: {  	[sflag:s12] =	ssyncset.done $0x0  }
0xd4: {  	s30 =	sadd.s32 $0x5320, s19;
	[sflag:s12] =	ssyncadd.s32 $0xFFFFEC00  }
0xd5: {  	[spmem:s2] =	stream.indirect.scatter.add.f32 [tilespmem:s8], [sflag:$0xE], $0x20, s30, s6, $0xb8;
	[tilespmem:$0x19800] =	vst v63  }
0xd6: {  	_ =	swait.ge [sflag:s16], $0x1400  }
0xd7: {  	[sflag:s16] =	ssyncset.done $0x0  }
0xd8: {  	s20 =	simm.s32 @p1 $0x7;
	[sflag:s16] =	ssyncadd.s32 $0xFFFFEC00  }
0xd9: {  	_ =	swait.ge @p1 [sflag:s20], $0x1400  }
0xda: {  	[sflag:s20] =	ssyncset.done @p1 $0x0  }
0xdb: {  	s26 =	simm.s32 @p1 $0xC;
	[sflag:s20] =	ssyncadd.s32 @p1 $0xFFFFEC00;
	s20 =	simm.s32 @p1 $0x11800  }
0xdc: {  	[spmem:s2] =	stream.indirect.scatter.add.f32 @p1 [tilespmem:s20], [sflag:$0xF], $0x20, s31, s23, $0xb8;
	[tilespmem:$0x19800] =	vst v63  }
0xdd: {  	_ =	swait.ge @p1 [sflag:s26], $0x1400  }
0xde: {  	[sflag:s26] =	ssyncset.done @p1 $0x0  }
0xdf: {  	s20 =	simm.s32 @!p1 $0xC800;
	s23 =	simm.s32 @!p1 $0x7;
	[sflag:s26] =	ssyncadd.s32 @p1 $0xFFFFEC00  }
0xe0: {  	[tilespmem:s20], [sflag:$0x3] =	stream.indirect.gather @!p1 [hbm4b:s5+s21], $0x20, s25, s21, $0xb8;
	[tilespmem:$0x19800] =	vst v63  }
0xe1: {  	_ =	swait.ge @!p1 [sflag:s23], $0x1400  }
0xe2: {  	s18 =	sadd.s32 $0x1400, s18;
	[sflag:s23] =	ssyncset.done @!p1 $0x0  }
0xe3: {  	s20 =	simm.s32 @!p1 $0x11800;
	[sflag:s23] =	ssyncadd.s32 @!p1 $0xFFFFEC00;
	s23 =	simm.s32 @!p1 $0xC  }
0xe4: {  	[spmem:s2] =	stream.indirect.scatter.add.f32 @!p1 [tilespmem:s20], [sflag:$0xF], $0x20, s24, s21, $0xb8;
	[tilespmem:$0x19800] =	vst v63  }
0xe5: {  	p0 =	sne.s32 s18, $0x14000;
	_ =	swait.ge @!p1 [sflag:s23], $0x1400  }
.Ltmp2:
0xe6: {  	[sflag:s23] =	ssyncset.done @!p1 $0x0;
	(pc) =	sbr.rel @p0 .LBB2_4-.Ltmp2, $4  }
0xe7: {  	s20 =	simm.s32 @!p1 $0xDC00;
	[sflag:s23] =	ssyncadd.s32 @!p1 $0xFFFFEC00  }
0xe8: {  	[tilespmem:s20], [sflag:$0x4] =	stream.indirect.gather @!p1 [hbm4b:s5+s21], $0x20, s22, s21, $0xb8;
	[tilespmem:$0x19800] =	vst v63  }
0xe9: {  	_ =	swait.ge [sflag:s14], $0x1400  }
0xea: {  	s19 =	sadd.s32 $0x5460, s19;
	p1 =	seq.s32 s17, $0x0;
	[sflag:s14] =	ssyncset.done $0x0  }
0xeb: {  	s20 =	simm.s32 @!p1 $0xD;
	[sflag:s14] =	ssyncadd.s32 $0xFFFFEC00  }
0xec: {  	[spmem:s2] =	stream.indirect.scatter.add.f32 [tilespmem:s7], [sflag:$0x10], $0x20, s19, s6, $0xb8;
	[tilespmem:$0x19800] =	vst v63  }
0xed: {  	_ =	swait.ge @!p1 [sflag:s20], $0x1400  }
0xee: {  	s18 =	sshra.s32 s17, $0x2;
	[sflag:s20] =	ssyncset.done @!p1 $0x0  }
0xef: {  	s23 =	sadd.s32 $0x280, s18;
	s22 =	rddreg [dreg:$0x3];
	[sflag:s20] =	ssyncadd.s32 @!p1 $0xFFFFEC00  }
0xf0: {  	[tilespmem:s22], [sflag:$0x5] =	stream.indirect.gather [hbm4b:s5+s6], $0x20, s23, s6, $0xb8;
	[tilespmem:$0x19800] =	vst v63  }
0xf1: {  	_ =	swait.ge [sflag:s9], $0x1400  }
0xf2: {  	s25 =	sadd.s32 $0x5000, s18;
	[sflag:s9] =	ssyncset.done $0x0  }
0xf3: {  	s20 =	simm.s32 @!p1 $0xE;
	s24 =	rddreg [dreg:$0x4];
	[sflag:s9] =	ssyncadd.s32 $0xFFFFEC00  }
0xf4: {  	[spmem:s2] =	stream.indirect.scatter.add.f32 [tilespmem:s24], [sflag:$0x9], $0x20, s25, s6, $0xb8;
	[tilespmem:$0x19800] =	vst v63  }
0xf5: {  	_ =	swait.ge @!p1 [sflag:s20], $0x1400  }
0xf6: {  	[sflag:s20] =	ssyncset.done @!p1 $0x0  }
0xf7: {  	s26 =	sadd.s32 $0x320, s18;
	[sflag:s20] =	ssyncadd.s32 @!p1 $0xFFFFEC00  }
0xf8: {  	[tilespmem:s8], [sflag:$0x6] =	stream.indirect.gather [hbm4b:s5+s6], $0x20, s26, s6, $0xb8;
	[tilespmem:$0x19800] =	vst v63  }
0xf9: {  	_ =	swait.ge [sflag:s10], $0x1400  }
0xfa: {  	s29 =	sadd.s32 $0x50A0, s18;
	[sflag:s10] =	ssyncset.done $0x0  }
0xfb: {  	s19 =	simm.s32 @!p1 $0xF;
	s28 =	rddreg [dreg:$0x5];
	[sflag:s10] =	ssyncadd.s32 $0xFFFFEC00  }
0xfc: {  	[spmem:s2] =	stream.indirect.scatter.add.f32 [tilespmem:s28], [sflag:$0xA], $0x20, s29, s6, $0xb8;
	[tilespmem:$0x19800] =	vst v63  }
0xfd: {  	_ =	swait.ge @!p1 [sflag:s19], $0x1400  }
0xfe: {  	[sflag:s19] =	ssyncset.done @!p1 $0x0  }
0xff: {  	s31 =	sadd.s32 $0x3C0, s18;
	s30 =	rddreg [dreg:$0x6];
	[sflag:s19] =	ssyncadd.s32 @!p1 $0xFFFFEC00  }
0x100: {  	[tilespmem:s30], [sflag:$0x7] =	stream.indirect.gather [hbm4b:s5+s6], $0x20, s31, s6, $0xb8;
	[tilespmem:$0x19800] =	vst v63  }
0x101: {  	_ =	swait.ge [sflag:s11], $0x1400  }
0x102: {  	s19 =	sadd.s32 $0x5140, s18;
	[sflag:s11] =	ssyncset.done $0x0  }
0x103: {  	s10 =	rddreg [dreg:$0x7];
	[sflag:s11] =	ssyncadd.s32 $0xFFFFEC00;
	s11 =	simm.s32 @!p1 $0x10  }
0x104: {  	[spmem:s2] =	stream.indirect.scatter.add.f32 [tilespmem:s10], [sflag:$0xB], $0x20, s19, s6, $0xb8;
	[tilespmem:$0x19800] =	vst v63  }
0x105: {  	_ =	swait.ge @!p1 [sflag:s11], $0x1400  }
0x106: {  	[sflag:s11] =	ssyncset.done @!p1 $0x0  }
0x107: {  	s20 =	sadd.s32 $0x460, s18;
	[sflag:s11] =	ssyncadd.s32 @!p1 $0xFFFFEC00  }
0x108: {  	[tilespmem:s7], [sflag:$0x8] =	stream.indirect.gather [hbm4b:s5+s6], $0x20, s20, s6, $0xb8;
	[tilespmem:$0x19800] =	vst v63  }
0x109: {  	_ =	swait.ge [sflag:s13], $0x1400  }
0x10a: {  	[sflag:s13] =	ssyncset.done $0x0  }
0x10b: {  	s22 =	sadd.s32 $0x51E0, s18;
	s21 =	rddreg [dreg:$0x8];
	[sflag:s13] =	ssyncadd.s32 $0xFFFFEC00  }
0x10c: {  	[spmem:s2] =	stream.indirect.scatter.add.f32 [tilespmem:s21], [sflag:$0xC], $0x20, s22, s6, $0xb8;
	[tilespmem:$0x19800] =	vst v63  }
0x10d: {  	_ =	swait.ge [sflag:s15], $0x1400  }
0x10e: {  	p0 =	seq.s32 s17, $0x12C00;
	[sflag:s15] =	ssyncset.done $0x0  }
0x10f: {  	s9 =	simm.s32 @p0 $0x5;
	[sflag:s15] =	ssyncadd.s32 $0xFFFFEC00  }
0x110: {  	s10 =	sshra.s32 @p0 s17, $0x2;
	_ =	swait.ge @p0 [sflag:s9], $0x1400  }
0x111: {  	s11 =	sadd.s32 @p0 $0x5280, s10;
	s13 =	simm.s32 @p0 $0xA;
	[sflag:s9] =	ssyncset.done @p0 $0x0  }
0x112: {  	s15 =	simm.s32 @p0 $0xF000;
	[sflag:s9] =	ssyncadd.s32 @p0 $0xFFFFEC00;
	s9 =	simm.s32 @p0 $0xA0  }
0x113: {  	[spmem:s2] =	stream.indirect.scatter.add.f32 @p0 [tilespmem:s15], [sflag:$0xD], $0x20, s11, s9, $0xb8;
	[tilespmem:$0x19800] =	vst v63  }
0x114: {  	s19 =	simm.s32 @!p0 $0xA000;
	_ =	swait.ge @p0 [sflag:s13], $0x1400  }
0x115: {  	s11 =	sshra.s32 @!p0 s17, $0x2;
	s17 =	simm.s32 @!p0 $0x5;
	[sflag:s13] =	ssyncset.done @p0 $0x0  }
0x116: {  	s15 =	sadd.s32 @!p0 $0x500, s11;
	[sflag:s13] =	ssyncadd.s32 @p0 $0xFFFFEC00;
	s13 =	simm.s32 @!p0 $0xA0  }
0x117: {  	[tilespmem:s19], [sflag:$0x1] =	stream.indirect.gather @!p0 [hbm4b:s5+s13], $0x20, s15, s13, $0xb8;
	[tilespmem:$0x19800] =	vst v63  }
0x118: {  	_ =	swait.ge @!p0 [sflag:s17], $0x1400  }
0x119: {  	s15 =	sadd.s32 @!p0 $0x5280, s11;
	[sflag:s17] =	ssyncset.done @!p0 $0x0  }
0x11a: {  	s19 =	simm.s32 @!p0 $0xA;
	[sflag:s17] =	ssyncadd.s32 @!p0 $0xFFFFEC00;
	s17 =	simm.s32 @!p0 $0xF000  }
0x11b: {  	[spmem:s2] =	stream.indirect.scatter.add.f32 @!p0 [tilespmem:s17], [sflag:$0xD], $0x20, s15, s13, $0xb8;
	[tilespmem:$0x19800] =	vst v63  }
0x11c: {  	_ =	swait.ge @!p0 [sflag:s19], $0x1400  }
0x11d: {  	[sflag:s19] =	ssyncset.done @!p0 $0x0  }
0x11e: {  	s15 =	sadd.s32 @!p0 $0x5A0, s11;
	s17 =	simm.s32 @!p0 $0xB400;
	[sflag:s19] =	ssyncadd.s32 @!p0 $0xFFFFEC00  }
0x11f: {  	[tilespmem:s17], [sflag:$0x2] =	stream.indirect.gather @!p0 [hbm4b:s5+s13], $0x20, s15, s13, $0xb8;
	[tilespmem:$0x19800] =	vst v63  }
0x120: {  	_ =	swait.ge [sflag:s12], $0x1400  }
0x121: {  	[sflag:s12] =	ssyncset.done $0x0  }
0x122: {  	s23 =	sadd.s32 $0x5320, s18;
	[sflag:s12] =	ssyncadd.s32 $0xFFFFEC00  }
0x123: {  	[spmem:s2] =	stream.indirect.scatter.add.f32 [tilespmem:s8], [sflag:$0xE], $0x20, s23, s6, $0xb8;
	[tilespmem:$0x19800] =	vst v63  }
0x124: {  	_ =	swait.ge [sflag:s16], $0x1400  }
0x125: {  	[sflag:s16] =	ssyncset.done $0x0  }
0x126: {  	s8 =	simm.s32 @p0 $0x7;
	[sflag:s16] =	ssyncadd.s32 $0xFFFFEC00  }
0x127: {  	_ =	swait.ge @p0 [sflag:s8], $0x1400  }
0x128: {  	s10 =	sadd.s32 @p0 $0x53C0, s10;
	[sflag:s8] =	ssyncset.done @p0 $0x0  }
0x129: {  	s12 =	simm.s32 @p0 $0xC;
	[sflag:s8] =	ssyncadd.s32 @p0 $0xFFFFEC00;
	s8 =	simm.s32 @p0 $0x11800  }
0x12a: {  	[spmem:s2] =	stream.indirect.scatter.add.f32 @p0 [tilespmem:s8], [sflag:$0xF], $0x20, s10, s9, $0xb8;
	[tilespmem:$0x19800] =	vst v63  }
0x12b: {  	_ =	swait.ge @p0 [sflag:s12], $0x1400  }
0x12c: {  	s8 =	sadd.s32 @!p0 $0x640, s11;
	[sflag:s12] =	ssyncset.done @p0 $0x0  }
0x12d: {  	s9 =	simm.s32 @!p0 $0xC800;
	s10 =	simm.s32 @!p0 $0x7;
	[sflag:s12] =	ssyncadd.s32 @p0 $0xFFFFEC00  }
0x12e: {  	[tilespmem:s9], [sflag:$0x3] =	stream.indirect.gather @!p0 [hbm4b:s5+s13], $0x20, s8, s13, $0xb8;
	[tilespmem:$0x19800] =	vst v63  }
0x12f: {  	_ =	swait.ge @!p0 [sflag:s10], $0x1400  }
0x130: {  	s8 =	sadd.s32 @!p0 $0x53C0, s11;
	[sflag:s10] =	ssyncset.done @!p0 $0x0  }
0x131: {  	s9 =	simm.s32 @!p0 $0x11800;
	[sflag:s10] =	ssyncadd.s32 @!p0 $0xFFFFEC00;
	s10 =	simm.s32 @!p0 $0xC  }
0x132: {  	[spmem:s2] =	stream.indirect.scatter.add.f32 @!p0 [tilespmem:s9], [sflag:$0xF], $0x20, s8, s13, $0xb8;
	[tilespmem:$0x19800] =	vst v63  }
0x133: {  	_ =	swait.ge @!p0 [sflag:s10], $0x1400  }
0x134: {  	[sflag:s10] =	ssyncset.done @!p0 $0x0  }
0x135: {  	s8 =	sadd.s32 @!p0 $0x6E0, s11;
	s9 =	simm.s32 @!p0 $0xDC00;
	[sflag:s10] =	ssyncadd.s32 @!p0 $0xFFFFEC00  }
0x136: {  	[tilespmem:s9], [sflag:$0x4] =	stream.indirect.gather @!p0 [hbm4b:s5+s13], $0x20, s8, s13, $0xb8;
	[tilespmem:$0x19800] =	vst v63  }
0x137: {  	_ =	swait.ge [sflag:s14], $0x1400  }
0x138: {  	[sflag:s14] =	ssyncset.done $0x0  }
0x139: {  	s24 =	sadd.s32 $0x5460, s18;
	s25 =	simm.s32 $0xD;
	[sflag:s14] =	ssyncadd.s32 $0xFFFFEC00  }
0x13a: {  	[spmem:s2] =	stream.indirect.scatter.add.f32 [tilespmem:s7], [sflag:$0x10], $0x20, s24, s6, $0xb8;
	[tilespmem:$0x19800] =	vst v63  }
0x13b: {  	_ =	swait.ge [sflag:s25], $0x1400  }
0x13c: {  	[sflag:s25] =	ssyncset.done $0x0  }
0x13d: {  	s26 =	simm.s32 $0xE;
	[sflag:s25] =	ssyncadd.s32 $0xFFFFEC00  }
0x13e: {  	_ =	swait.ge [sflag:s26], $0x1400  }
0x13f: {  	[sflag:s26] =	ssyncset.done $0x0  }
0x140: {  	s28 =	simm.s32 $0xF;
	[sflag:s26] =	ssyncadd.s32 $0xFFFFEC00  }
0x141: {  	_ =	swait.ge [sflag:s28], $0x1400  }
0x142: {  	[sflag:s28] =	ssyncset.done $0x0  }
0x143: {  	s29 =	simm.s32 $0x10;
	[sflag:s28] =	ssyncadd.s32 $0xFFFFEC00  }
0x144: {  	_ =	swait.ge [sflag:s29], $0x1400  }
0x145: {  	[sflag:s29] =	ssyncset.done $0x0  }
0x146: {  	s4 =	sshrl.u32 s4, $0x3;
	s30 =	sshll.u32 s1, $0x6;
	[sflag:s29] =	ssyncadd.s32 $0xFFFFEC00  }
0x147: {  	s31 =	simm.s32 $0x11;
	s2 =	sor.u32 $0x1C11, s30;
	[bflag:$0x0] =	sbarrier.arrive $0xFFFF  }
0x148: {  	[hbm:s3], [sflag:s2] =	dma.local [spmem:s4], $0xA00  }
0x149: {  	_ =	swait.ge [sflag:s31], $0xA00  }
0x14a: {  	[sflag:s31] =	ssyncset.done $0x0  }
0x14b: {  	[sflag:s31] =	ssyncadd.s32 $0xFFFFF600  }
.LBB2_6:
0x14c: {  	_ =	sfence.sel $0x180000  }
0x14d: {  	[bflag:$0x0] =	sbarrier.arrive $0xFFFF  }
0x14e: {  	p0 =	sne.s32 s1, $0x0;
	_ =	strace $0x9000004A  }
0x14f: {  	s0 =	sadd.s32 @!p0 $0x100000, s0;
	[bflag:$0x2] =	sbarrier.arrive $0xFFFF  }
0x150: {  	[sflag:s0] =	ssyncadd.tile.s32 @!p0 $0x1;
	_ =	shalt  }
.Lfunc_end2:
_tile_overlayer_lowered:
.L_overlay_start_2:
0x151: {  	(tag) =	ssettag $0x2  }
0x152: {  	s0 =	rddreg [dreg:$0x0];
	s2 =	stileid.u32  }
0x153: {  	s1 =	rddreg [dreg:$0x1];
	p0 =	sne.s32 s2, $0x0  }
0x154: {  	s3 =	rddreg [dreg:$0x2];
	[bflag:$0x3] =	sbarrier.arrive $0xFFFF;
	s2 =	simm.s32 @!p0 $0x1C11  }
0x155: {  	[timem:s3], [sflag:s2] =	dma.local @!p0 [hbm:s0], s1  }
0x156: {  	s0 =	simm.s32 @!p0 $0x11  }
0x157: {  	_ =	swait.ge @!p0 [sflag:s0], s1  }
0x158: {  	s1 =	ssub.s32 @!p0 $0x0, s1;
	[sflag:s0] =	ssyncset.done @!p0 $0x0  }
0x159: {  	[sflag:s0] =	ssyncadd.s32 @!p0 s1  }
0x15a: {  	[bflag:$0x3] =	sbarrier.arrive $0xFFFF  }
0x15b: {  	_ =	shalt  }

// kernel: kernel.17.cloned.1.call-start
scs
__scs_entry_jumppad:
0x0: {  	(pc) =	sbr.rel $0x88, $3  }
0x1: {  	(tag) =	ssettag $0x0;
	lr =	simm.s32 $0x1  }
0x2: {  	[smem:$0x3F94] =	sst lr;
	_ =	strace $0xD0000000  }
0x3: {  	_ = 	snop  }
0x4: {  	_ = 	snop  }
0x5: {  	_ = 	snop  }
0x6: {  	_ = 	snop  }
0x7: {  	_ = 	snop  }
__scs_overlays_trampoline_lowered:
0x8: {  	[smem:$0x3FA3] =	sst s0  }
0x9: {  	[smem:$0x3FA4] =	sst s1  }
0xa: {  	[smem:$0x3FA5] =	sst s2  }
0xb: {  	[smem:$0x3FA6] =	sst s3  }
0xc: {  	[smem:$0x3FA7] =	sst s4  }
0xd: {  	[smem:$0x3FA8] =	sst s5  }
0xe: {  	[smem:$0x3FA9] =	sst s6  }
0xf: {  	[smem:$0x3FAA] =	sst s7  }
0x10: {  	[smem:$0x3FAB] =	sst s8  }
0x11: {  	[smem:$0x3FAC] =	sst s9;
	s0 =	simm.s32 @!p0 $0x0  }
0x12: {  	s1 =	sld [smem:$0x3F92];
	s0 =	simm.s32 @p0 $0x1  }
0x13: {  	[smem:$0x3FAD] =	sst s0;
	s0 =	simm.s32 @!p1 $0x0  }
0x14: {  	s2 =	sld [smem:$0x3F91];
	s0 =	simm.s32 @p1 $0x1  }
0x15: {  	[smem:$0x3FAE] =	sst s0;
	s0 =	simm.s32 @!p2 $0x0  }
0x16: {  	s3 =	sld [smem:$0x3FDB];
	s0 =	simm.s32 @p2 $0x1  }
0x17: {  	s4 =	simm.s32 $0x1BF5;
	[smem:$0x3FB0] =	sst s0  }
0x18: {  	s0 =	sld [smem:$0x3F93];
	_ =	swait.ge [sflag:s4], $0x0  }
0x19: {  	s7 =	sld [smem:$0x3F94]  }
0x1a: {  	s8 =	sadd.s32 $0xFFFFE003, lr  }
0x1b: {  	s9 =	sadd.s32 $0xFFFFFEF7, lr;
	s5 =	simm.s32 $0xFFFFFFFF;
	p2 =	slt.u32 s8, $0xFFFFF086  }
0x1c: {  	p1 =	slt.u32 s9, $0xF7A;
	s5 =	simm.s32 @!p2 $0x0  }
0x1d: {  	s5 =	simm.s32 @p1 $0x1;
	p0 =	seq.s32 s7, s2  }
0x1e: {  	s7 =	smul.u32 @!p0 $0xF7A, s2;
	p2 =	seq.s32 @!p0 s5, $0x0  }
0x1f: {  	s9 =	smul.u32 $0xF7A, s1;
	s8 =	simm.s32 @!p0 $0x1BF5;
	p2 =	por !p2, p0  }
0x20: {  	[sflag:s8] =	ssyncset.s32 @!p0 $0xFFFFF086;
	s6 =	sadd.s32 @!p0 s3, s7;
	s7 =	simm.s32 @!p0 $0x108  }
0x21: {  	s3 =	sadd.s32 s3, s9;
	s6 =	sadd.s32 @!p0 $0x88, s6;
	s7 =	simm.s32 @p2 $0x1082  }
0x22: {  	[simem:s7], [sflag:s8] =	dma.local @!p0 [hbm:s6], $0xF7A  }
0x23: {  	s9 =	sor.u32 $0xD0000000, s2;
	s6 =	simm.s32 $0x108;
	_ =	swait.ge @!p0 [sflag:s8], $0x0  }
0x24: {  	s3 =	sadd.s32 $0x88, s3;
	s6 =	simm.s32 @!p1 $0x1082;
	[sflag:s4] =	ssyncset.s32 $0xFFFFF086  }
0x25: {  	[simem:s6], [sflag:s4] =	dma.local [hbm:s3], $0xF7A  }
0x26: {  	[smem:$0x3F94] =	sst s1;
	(tag) =	ssettag s2;
	_ =	strace s9  }
0x27: {  	s1 =	sld [smem:$0x3FA4]  }
0x28: {  	s2 =	sld [smem:$0x3FA5]  }
0x29: {  	s4 =	sld [smem:$0x3FA7]  }
0x2a: {  	p0 =	seq.s32 s5, $0x0;
	s5 =	sld [smem:$0x3FA8]  }
0x2b: {  	s6 =	sld [smem:$0x3FA9]  }
0x2c: {  	s7 =	sld [smem:$0x3FAA]  }
0x2d: {  	s3 =	simm.s32 $0x108;
	s8 =	sld [smem:$0x3FAB]  }
0x2e: {  	s3 =	simm.s32 @!p0 $0x1082;
	s9 =	sld [smem:$0x3FAC]  }
0x2f: {  	lr =	sadd.s32 s0, s3;
	s0 =	sld [smem:$0x3FA3]  }
0x30: {  	s3 =	sld [smem:$0x3FA6]  }
0x31: {  	[smem:$0x3FAF] =	sst s10  }
0x32: {  	s10 =	sld [smem:$0x3FAD];
	_ =	sdelay $0x3  }
0x33: {  	p0 =	seq.s32 s10, $0x1;
	s10 =	sld [smem:$0x3FAF];
	_ =	sdelay $0x3  }
0x34: {  	[smem:$0x3FAF] =	sst s10  }
0x35: {  	s10 =	sld [smem:$0x3FAE];
	_ =	sdelay $0x3  }
0x36: {  	p1 =	seq.s32 s10, $0x1;
	s10 =	sld [smem:$0x3FAF];
	_ =	sdelay $0x3  }
0x37: {  	[smem:$0x3FAF] =	sst s10  }
0x38: {  	s10 =	sld [smem:$0x3FB0]  }
0x39: {  	_ = 	snop;
	(pc) =	sbr.ind lr, $3  }
0x3a: {  	_ = 	snop  }
0x3b: {  	_ = 	snop  }
0x3c: {  	p2 =	seq.s32 s10, $0x1;
	s10 =	sld [smem:$0x3FAF]  }
0x3d: {  	_ =	shalt  }
0x3e: {  	_ =	shalt  }
0x3f: {  	_ =	shalt  }
0x40: {  	_ =	shalt  }
0x41: {  	_ =	shalt  }
0x42: {  	_ =	shalt  }
0x43: {  	_ =	shalt  }
0x44: {  	_ =	shalt  }
0x45: {  	_ =	shalt  }
0x46: {  	_ =	shalt  }
0x47: {  	_ =	shalt  }
0x48: {  	_ =	shalt  }
0x49: {  	_ =	shalt  }
0x4a: {  	_ =	shalt  }
0x4b: {  	_ =	shalt  }
0x4c: {  	_ =	shalt  }
0x4d: {  	_ =	shalt  }
0x4e: {  	_ =	shalt  }
0x4f: {  	_ =	shalt  }
0x50: {  	_ =	shalt  }
0x51: {  	_ =	shalt  }
0x52: {  	_ =	shalt  }
0x53: {  	_ =	shalt  }
0x54: {  	_ =	shalt  }
0x55: {  	_ =	shalt  }
0x56: {  	_ =	shalt  }
0x57: {  	_ =	shalt  }
0x58: {  	_ =	shalt  }
0x59: {  	_ =	shalt  }
0x5a: {  	_ =	shalt  }
0x5b: {  	_ =	shalt  }
0x5c: {  	_ =	shalt  }
0x5d: {  	_ =	shalt  }
0x5e: {  	_ =	shalt  }
0x5f: {  	_ =	shalt  }
0x60: {  	_ =	shalt  }
0x61: {  	_ =	shalt  }
0x62: {  	_ =	shalt  }
0x63: {  	_ =	shalt  }
0x64: {  	_ =	shalt  }
0x65: {  	_ =	shalt  }
0x66: {  	_ =	shalt  }
0x67: {  	_ =	shalt  }
0x68: {  	_ =	shalt  }
0x69: {  	_ =	shalt  }
0x6a: {  	_ =	shalt  }
0x6b: {  	_ =	shalt  }
0x6c: {  	_ =	shalt  }
0x6d: {  	_ =	shalt  }
0x6e: {  	_ =	shalt  }
0x6f: {  	_ =	shalt  }
0x70: {  	_ =	shalt  }
0x71: {  	_ =	shalt  }
0x72: {  	_ =	shalt  }
0x73: {  	_ =	shalt  }
0x74: {  	_ =	shalt  }
0x75: {  	_ =	shalt  }
0x76: {  	_ =	shalt  }
0x77: {  	_ =	shalt  }
0x78: {  	_ =	shalt  }
0x79: {  	_ =	shalt  }
0x7a: {  	_ =	shalt  }
0x7b: {  	_ =	shalt  }
0x7c: {  	_ =	shalt  }
0x7d: {  	_ =	shalt  }
0x7e: {  	_ =	shalt  }
0x7f: {  	_ =	shalt  }
0x80: {  	_ =	shalt  }
0x81: {  	_ =	shalt  }
0x82: {  	_ =	shalt  }
0x83: {  	_ =	shalt  }
0x84: {  	_ =	shalt  }
0x85: {  	_ =	shalt  }
0x86: {  	_ =	shalt  }
0x87: {  	_ =	shalt  }
.Lfunc_end0:
.L_simem_size_0:
called_computation.2_lowered:
.L_overlay_start_0:
0x88: {  	s2 =	sld [smem:$0x3FD9]  }
0x89: {  	s3 =	sld [smem:$0x3FFE];
	_ =	sdelay $0x1  }
0x8a: {  	s1 =	srdreg.scid  }
0x8b: {  	s0 =	sand.u32 $0x1, s1  }
0x8c: {  	s16 =	sshll.u32 s0, $0xA;
	s2 =	sadd.s32 s3, s2  }
0x8d: {  	s2 =	sadd.s32 s2, s16  }
0x8e: {  	[smem:$0x3FBB] =	sst s2  }
0x8f: {  	_ = 	snop  }
0x90: {  	(tm) =	ssettm $0x1  }
0x91: {  	s17 =	sld [smem:$0x3FFB];
	_ =	sdelay $0x3  }
0x92: {  	_ =	strace s17  }
0x93: {  	s2 =	sld [smem:$0x3FFC];
	_ =	sdelay $0x3  }
0x94: {  	_ =	strace s2  }
0x95: {  	s2 =	sld [smem:$0x3FFD];
	_ =	sdelay $0x3  }
0x96: {  	_ =	strace s2  }
0x97: {  	_ =	strace $0x8FFFFFFF  }
0x98: {  	s18 =	sld [smem:$0x3FDB];
	_ =	sdelay $0x1  }
0x99: {  	s19 =	simm.s32 $_scs_section_size  }
0x9a: {  	s4 =	simm.s32 $_size__tile_overlayer_lowered;
	s5 =	simm.s32 $_tile_overlayer_lowered  }
0x9b: {  	s22 =	simm.s32 $0x1BFF;
	s21 =	sshll.u32 s5, $0x1;
	s2 =	sadd.s32 s19, s18  }
0x9c: {  	s6 =	simm.s32 $0x0;
	s20 =	sshll.u32 s4, $0x1;
	s4 =	sadd.s32 s21, s2  }
0x9d: {  	[timem:s6], [sflag:s22] =	dma.local [hbm:s4], s20  }
0x9e: {  	_ =	swait.ge [sflag:s22], s20  }
0x9f: {  	s3 =	ssub.s32 $0x0, s20;
	[sflag:s22] =	ssyncset.done $0x0  }
0xa0: {  	[sflag:s22] =	ssyncadd.s32 s3;
	_ =	sdelay $0x1  }
0xa1: {  	s23 =	simm.s32 $0x1B8B  }
0xa2: {  	_ =	swait.ge [sflag:s23], $0x1  }
0xa3: {  	[sflag:s23] =	ssyncset.done $0x0  }
0xa4: {  	s25 =	simm.s32 $0x1B8E;
	s24 =	sld [smem:$0x3FFE];
	[sflag:s23] =	ssyncadd.s32 $0xFFFFFFFF  }
0xa5: {  	s26 =	simm.s32 $execute0_lowered;
	[smem:$0x3FD2] =	sst s25  }
0xa6: {  	s4 =	sshll.u32 s26, $0x1;
	_ =	strace $0x8000004C;
	[dreg:$0x1] =	wrdreg $0xFFFFFFFF  }
0xa7: {  	s28 =	simm.s32 $_size_execute0_lowered;
	s2 =	sadd.s32 s2, s4;
	[dreg:$0x0] =	wrdreg $0x0  }
0xa8: {  	s4 =	sshll.u32 s28, $0x1;
	[dreg:$0x2] =	wrdreg s2  }
0xa9: {  	[dreg:$0x3] =	wrdreg s4  }
0xaa: {  	[dreg:$0x4] =	wrdreg $0xC0  }
0xab: {  	_ =	task [dreg:s6], $0x5FFFF  }
0xac: {  	[dreg:$0x1] =	wrdreg $0xFFFFFFFF  }
0xad: {  	[dreg:$0x0] =	wrdreg $0x60  }
0xae: {  	[dreg:$0x2] =	wrdreg s24  }
0xaf: {  	[dreg:$0x3] =	wrdreg $0x148000  }
0xb0: {  	[dreg:$0x4] =	wrdreg $0x9  }
0xb1: {  	_ =	task.clear_ibuf [dreg:s6], $0x5FFFF;
	_ =	strace $0x9000004C  }
0xb2: {  	s29 =	simm.s32 $0x9;
	_ =	strace $0x8000004E  }
0xb3: {  	_ =	swait.ge [sflag:s29], $0x1  }
0xb4: {  	[sflag:s29] =	ssyncadd.s32 $0xFFFFFFFF  }
0xb5: {  	_ =	strace $0x9000004E  }
0xb6: {  	_ =	sfence  }
0xb7: {  	s30 =	sld [smem:$0x0];
	_ =	sdelay $0x2  }
0xb8: {  	s31 =	sshll.u32 s1, $0xD;
	s1 =	sshrl.u32 s1, $0x2  }
0xb9: {  	s3 =	sand.u32 $0x4000, s31;
	s1 =	sadd.s32 s1, s30  }
0xba: {  	s0 =	sor.u32 s3, s0;
	s1 =	sshll.u32 s1, $0x11  }
0xbb: {  	s0 =	sor.u32 s1, s0  }
0xbc: {  	s0 =	sadd.s32 $0x8F2B, s0  }
0xbd: {  	[sflag:s0] =	ssyncadd.remote.s32 $0x1  }
0xbe: {  	_ =	sfence.sel $0xFFFF  }
0xbf: {  	[dreg:$0x0] =	wrdreg $0xFFFFFFFF;
	(pc) =	sbr.abs _section_cstart, $3  }
0xc0: {  	[dreg:$0x1] =	wrdreg $0xFFFFFFFF  }
0xc1: {  	_ =	task.clear_ibuf [dreg:s6], $0x2FFFF;
	_ =	strace $0x9FFFFFFF  }
0xc2: {  	(tm) =	ssettm $0x7FFFFFFF  }
0xc3: {  	_ =	shalt  }
tec
execute0_lowered:
.L_overlay_start_1:
0x0: {  	(tag) =	ssettag $0x1  }
0x1: {  	s1 =	srdreg.scid  }
0x2: {  	s1 =	sand.u32 $0x1, s1  }
0x3: {  	p0 =	seq.s32 s1, $0x1  }
.Ltmp0:
0x4: {  	_ = 	snop;
	(pc) =	sbr.rel @p0 .LBB2_6-.Ltmp0, $4  }
0x5: {  	s3 =	rddreg [dreg:$0x0]  }
0x6: {  	s2 =	rddreg [dreg:$0x1];
	s6 =	simm.s32 $0x0  }
0x7: {  	[smem:$0x7FF] =	sst s6  }
0x8: {  	s0 =	rddreg [dreg:$0x2];
	_ =	strace $0x8000004D;
	s1 =	stileid.u32  }
0x9: {  	s4 =	smul.u32 $0x5000, s1;
	s5 =	sadd.s32 $0x3400, s3  }
0xa: {  	s9 =	smul.u32 $0x14000, s1;
	s10 =	simm.s32 $0x11;
	s23 =	simm.s32 $0x5000  }
0xb: {  	s24 =	simm.s32 $0xA0;
	s25 =	simm.s32 $0xA000;
	s7 =	sshrl.u32 s4, $0x3  }
0xc: {  	s26 =	simm.s32 $0xB400;
	s28 =	simm.s32 $0x140;
	s8 =	sadd.s32 s5, s7  }
0xd: {  	[tilespmem:s6], [sflag:$0x11] =	stream.linear.gather [hbm4b:s8+s6], $0x5000, $0x38;
	[tilespmem:$0x19800] =	vst v63  }
0xe: {  	s29 =	simm.s32 $0xC800;
	s30 =	simm.s32 $0x1E0;
	_ =	swait.ge [sflag:s10], $0x5000  }
0xf: {  	s31 =	simm.s32 $0xDC00;
	s16 =	simm.s32 $0x80;
	[sflag:s10] =	ssyncset.done $0x0  }
0x10: {  	s17 =	simm.s32 $0x0;
	s8 =	sadd.s32 $0xA000, s8;
	[sflag:s10] =	ssyncadd.s32 $0xFFFFB000  }
0x11: {  	[tilespmem:s23], [sflag:$0x11] =	stream.linear.gather [hbm4b:s8+s6], $0x5000, $0x38;
	[tilespmem:$0x19800] =	vst v63  }
0x12: {  	s22 =	sshrl.u32 s9, $0x2;
	s4 =	sadd.s32 s4, s2;
	_ =	swait.ge [sflag:s10], $0x5000  }
0x13: {  	s5 =	sadd.s32 $0x67400, s3;
	s21 =	sadd.s32 s7, s3;
	[sflag:s10] =	ssyncset.done $0x0  }
0x14: {  	s14 =	sadd.s32 s22, s2;
	s3 =	sadd.s32 $0x71400, s21;
	[sflag:s10] =	ssyncadd.s32 $0xFFFFB000  }
0x15: {  	[tilespmem:s25], [sflag:$0x1] =	stream.indirect.gather [hbm4b:s5+s24], $0x20, s6, s24, $0xb8;
	[tilespmem:$0x19800] =	vst v63  }
0x16: {  	s13 =	sadd.s32 $0x800, s14;
	s15 =	sadd.s32 $0x1000, s14;
	s12 =	sadd.s32 $0x1800, s14  }
0x17: {  	[tilespmem:s26], [sflag:$0x2] =	stream.indirect.gather [hbm4b:s5+s24], $0x20, s24, s24, $0xb8;
	[tilespmem:$0x19800] =	vst v63  }
0x18: {  	s9 =	sadd.s32 $0x2000, s14;
	s11 =	sadd.s32 $0x3000, s14;
	s7 =	sadd.s32 $0x4000, s14  }
0x19: {  	[tilespmem:s29], [sflag:$0x3] =	stream.indirect.gather [hbm4b:s5+s24], $0x20, s28, s24, $0xb8;
	[tilespmem:$0x19800] =	vst v63  }
0x1a: {  	s8 =	sadd.s32 $0x3800, s14;
	s10 =	sadd.s32 $0x2800, s14;
	s6 =	sadd.s32 $0x4800, s14  }
0x1b: {  	v0 =	vimm.f32 $0.0e+00;
	[tilespmem:s31], [sflag:$0x4] =	stream.indirect.gather [hbm4b:s5+s24], $0x20, s30, s24, $0xb8;
	[tilespmem:$0x19800] =	vst v63  }
.LBB2_2:
0x1c: {  	p0 =	sne.s32 s16, $0x1F80;
	[tilespmem:s17+$0x14000] =	vst v0;
	s18 =	smov.u32 s16;
	s16 =	sadd.s32 $0x80, s16  }
.Ltmp1:
0x1d: {  	[tilespmem:s17+$0x14010] =	vst v0;
	(pc) =	sbr.rel @p0 .LBB2_2-.Ltmp1, $2  }
0x1e: {  	_ =	sdelay $0x2  }
0x1f: {  	s17 =	sshra.s32 s18, $0x2  }
0x20: {  	[tilespmem:s17+$0x14000] =	vst v0  }
0x21: {  	[tilespmem:s17+$0x14010] =	vst v0;
	s16 =	simm.s32 $0x14000;
	s31 =	simm.s32 $0x11  }
0x22: {  	[spmem:s14] =	stream.linear.scatter [tilespmem:s16], [sflag:$0x11], $0x800, $0x38;
	[tilespmem:$0x19800] =	vst v63  }
0x23: {  	_ =	swait.ge [sflag:s31], $0x800  }
0x24: {  	[sflag:s31] =	ssyncset.done $0x0  }
0x25: {  	[sflag:s31] =	ssyncadd.s32 $0xFFFFF800  }
0x26: {  	[spmem:s13] =	stream.linear.scatter [tilespmem:s16], [sflag:$0x11], $0x800, $0x38;
	[tilespmem:$0x19800] =	vst v63  }
0x27: {  	_ =	swait.ge [sflag:s31], $0x800  }
0x28: {  	[sflag:s31] =	ssyncset.done $0x0  }
0x29: {  	[sflag:s31] =	ssyncadd.s32 $0xFFFFF800  }
0x2a: {  	[spmem:s15] =	stream.linear.scatter [tilespmem:s16], [sflag:$0x11], $0x800, $0x38;
	[tilespmem:$0x19800] =	vst v63  }
0x2b: {  	_ =	swait.ge [sflag:s31], $0x800  }
0x2c: {  	[sflag:s31] =	ssyncset.done $0x0  }
0x2d: {  	[sflag:s31] =	ssyncadd.s32 $0xFFFFF800  }
0x2e: {  	[spmem:s12] =	stream.linear.scatter [tilespmem:s16], [sflag:$0x11], $0x800, $0x38;
	[tilespmem:$0x19800] =	vst v63  }
0x2f: {  	_ =	swait.ge [sflag:s31], $0x800  }
0x30: {  	[sflag:s31] =	ssyncset.done $0x0  }
0x31: {  	[sflag:s31] =	ssyncadd.s32 $0xFFFFF800  }
0x32: {  	[spmem:s9] =	stream.linear.scatter [tilespmem:s16], [sflag:$0x11], $0x800, $0x38;
	[tilespmem:$0x19800] =	vst v63  }
0x33: {  	_ =	swait.ge [sflag:s31], $0x800  }
0x34: {  	[sflag:s31] =	ssyncset.done $0x0  }
0x35: {  	[sflag:s31] =	ssyncadd.s32 $0xFFFFF800  }
0x36: {  	[spmem:s10] =	stream.linear.scatter [tilespmem:s16], [sflag:$0x11], $0x800, $0x38;
	[tilespmem:$0x19800] =	vst v63  }
0x37: {  	_ =	swait.ge [sflag:s31], $0x800  }
0x38: {  	[sflag:s31] =	ssyncset.done $0x0  }
0x39: {  	[sflag:s31] =	ssyncadd.s32 $0xFFFFF800  }
0x3a: {  	[spmem:s11] =	stream.linear.scatter [tilespmem:s16], [sflag:$0x11], $0x800, $0x38;
	[tilespmem:$0x19800] =	vst v63  }
0x3b: {  	_ =	swait.ge [sflag:s31], $0x800  }
0x3c: {  	[sflag:s31] =	ssyncset.done $0x0  }
0x3d: {  	[sflag:s31] =	ssyncadd.s32 $0xFFFFF800  }
0x3e: {  	[spmem:s8] =	stream.linear.scatter [tilespmem:s16], [sflag:$0x11], $0x800, $0x38;
	[tilespmem:$0x19800] =	vst v63  }
0x3f: {  	_ =	swait.ge [sflag:s31], $0x800  }
0x40: {  	[sflag:s31] =	ssyncset.done $0x0  }
0x41: {  	[sflag:s31] =	ssyncadd.s32 $0xFFFFF800  }
0x42: {  	[spmem:s7] =	stream.linear.scatter [tilespmem:s16], [sflag:$0x11], $0x800, $0x38;
	[tilespmem:$0x19800] =	vst v63  }
0x43: {  	_ =	swait.ge [sflag:s31], $0x800  }
0x44: {  	[sflag:s31] =	ssyncset.done $0x0  }
0x45: {  	[sflag:s31] =	ssyncadd.s32 $0xFFFFF800  }
0x46: {  	[spmem:s6] =	stream.linear.scatter [tilespmem:s16], [sflag:$0x11], $0x800, $0x38;
	[tilespmem:$0x19800] =	vst v63  }
0x47: {  	_ =	swait.ge [sflag:s31], $0x800  }
0x48: {  	[sflag:s31] =	ssyncset.done $0x0  }
0x49: {  	[sflag:s31] =	ssyncadd.s32 $0xFFFFF800  }
0x4a: {  	s10 =	simm.s32 $0xF000;
	[bflag:$0x0] =	sbarrier.arrive $0xFFFF  }
0x4b: {  	s11 =	simm.s32 $0xA000;
	[dreg:$0x3] =	wrdreg s10  }
0x4c: {  	s12 =	simm.s32 $0xB400;
	[dreg:$0x4] =	wrdreg s11  }
0x4d: {  	s13 =	simm.s32 $0x11800;
	[dreg:$0x5] =	wrdreg s12  }
0x4e: {  	s14 =	simm.s32 $0xC800;
	[dreg:$0x6] =	wrdreg s13  }
0x4f: {  	p0 =	por $0x1, $0x1;
	s15 =	simm.s32 $0xDC00;
	[dreg:$0x7] =	wrdreg s14  }
0x50: {  	s7 =	simm.s32 @!p0 $0xD;
	[dreg:$0x8] =	wrdreg s15  }
0x51: {  	_ =	swait.ge @!p0 [sflag:s7], $0x1400  }
0x52: {  	s17 =	simm.s32 $0x280;
	s9 =	simm.s32 $0x1;
	[sflag:s7] =	ssyncset.done @!p0 $0x0  }
0x53: {  	s6 =	simm.s32 $0xA0;
	s16 =	rddreg [dreg:$0x3];
	[sflag:s7] =	ssyncadd.s32 @!p0 $0xFFFFEC00  }
0x54: {  	[tilespmem:s16], [sflag:$0x5] =	stream.indirect.gather [hbm4b:s5+s6], $0x20, s17, s6, $0xb8;
	[tilespmem:$0x19800] =	vst v63  }
0x55: {  	_ =	swait.ge [sflag:s9], $0x1400  }
0x56: {  	s19 =	simm.s32 $0x5000;
	[sflag:s9] =	ssyncset.done $0x0  }
0x57: {  	s11 =	simm.s32 @!p0 $0xE;
	s18 =	rddreg [dreg:$0x4];
	[sflag:s9] =	ssyncadd.s32 $0xFFFFEC00  }
0x58: {  	[spmem:s2] =	stream.indirect.scatter.add.f32 [tilespmem:s18], [sflag:$0x9], $0x20, s19, s6, $0xb8;
	[tilespmem:$0x19800] =	vst v63  }
0x59: {  	_ =	swait.ge @!p0 [sflag:s11], $0x1400  }
0x5a: {  	s20 =	simm.s32 $0x320;
	[sflag:s11] =	ssyncset.done @!p0 $0x0  }
0x5b: {  	s8 =	simm.s32 $0x10400;
	s10 =	simm.s32 $0x2;
	[sflag:s11] =	ssyncadd.s32 @!p0 $0xFFFFEC00  }
0x5c: {  	[tilespmem:s8], [sflag:$0x6] =	stream.indirect.gather [hbm4b:s5+s6], $0x20, s20, s6, $0xb8;
	[tilespmem:$0x19800] =	vst v63  }
0x5d: {  	_ =	swait.ge [sflag:s10], $0x1400  }
0x5e: {  	s22 =	simm.s32 $0x50A0;
	[sflag:s10] =	ssyncset.done $0x0  }
0x5f: {  	s12 =	simm.s32 @!p0 $0xF;
	s21 =	rddreg [dreg:$0x5];
	[sflag:s10] =	ssyncadd.s32 $0xFFFFEC00  }
0x60: {  	[spmem:s2] =	stream.indirect.scatter.add.f32 [tilespmem:s21], [sflag:$0xA], $0x20, s22, s6, $0xb8;
	[tilespmem:$0x19800] =	vst v63  }
0x61: {  	_ =	swait.ge @!p0 [sflag:s12], $0x1400  }
0x62: {  	s24 =	simm.s32 $0x3C0;
	[sflag:s12] =	ssyncset.done @!p0 $0x0  }
0x63: {  	s11 =	simm.s32 $0x3;
	s23 =	rddreg [dreg:$0x6];
	[sflag:s12] =	ssyncadd.s32 @!p0 $0xFFFFEC00  }
0x64: {  	[tilespmem:s23], [sflag:$0x7] =	stream.indirect.gather [hbm4b:s5+s6], $0x20, s24, s6, $0xb8;
	[tilespmem:$0x19800] =	vst v63  }
0x65: {  	_ =	swait.ge [sflag:s11], $0x1400  }
0x66: {  	s26 =	simm.s32 $0x5140;
	[sflag:s11] =	ssyncset.done $0x0  }
0x67: {  	s14 =	simm.s32 @!p0 $0x10;
	s25 =	rddreg [dreg:$0x7];
	[sflag:s11] =	ssyncadd.s32 $0xFFFFEC00  }
0x68: {  	[spmem:s2] =	stream.indirect.scatter.add.f32 [tilespmem:s25], [sflag:$0xB], $0x20, s26, s6, $0xb8;
	[tilespmem:$0x19800] =	vst v63  }
0x69: {  	_ =	swait.ge @!p0 [sflag:s14], $0x1400  }
0x6a: {  	s28 =	simm.s32 $0x460;
	[sflag:s14] =	ssyncset.done @!p0 $0x0  }
0x6b: {  	s13 =	simm.s32 $0x4;
	s7 =	simm.s32 $0x12C00;
	[sflag:s14] =	ssyncadd.s32 @!p0 $0xFFFFEC00  }
0x6c: {  	[tilespmem:s7], [sflag:$0x8] =	stream.indirect.gather [hbm4b:s5+s6], $0x20, s28, s6, $0xb8;
	[tilespmem:$0x19800] =	vst v63  }
0x6d: {  	_ =	swait.ge [sflag:s13], $0x1400  }
0x6e: {  	s30 =	simm.s32 $0x51E0;
	[sflag:s13] =	ssyncset.done $0x0  }
0x6f: {  	s15 =	simm.s32 $0x9;
	s29 =	rddreg [dreg:$0x8];
	[sflag:s13] =	ssyncadd.s32 $0xFFFFEC00  }
0x70: {  	[spmem:s2] =	stream.indirect.scatter.add.f32 [tilespmem:s29], [sflag:$0xC], $0x20, s30, s6, $0xb8;
	[tilespmem:$0x19800] =	vst v63  }
0x71: {  	_ =	swait.ge [sflag:s15], $0x1400  }
0x72: {  	p0 =	por $0x0, $0x0;
	[sflag:s15] =	ssyncset.done $0x0  }
0x73: {  	s12 =	simm.s32 @p0 $0x5;
	[sflag:s15] =	ssyncadd.s32 $0xFFFFEC00  }
0x74: {  	_ =	swait.ge @p0 [sflag:s12], $0x1400  }
0x75: {  	s14 =	simm.s32 @p0 $0x5280;
	s16 =	simm.s32 @p0 $0xA;
	[sflag:s12] =	ssyncset.done @p0 $0x0  }
0x76: {  	s17 =	simm.s32 @p0 $0xA0;
	[sflag:s12] =	ssyncadd.s32 @p0 $0xFFFFEC00;
	s12 =	simm.s32 @p0 $0xF000  }
0x77: {  	[spmem:s2] =	stream.indirect.scatter.add.f32 @p0 [tilespmem:s12], [sflag:$0xD], $0x20, s14, s17, $0xb8;
	[tilespmem:$0x19800] =	vst v63  }
0x78: {  	_ =	swait.ge @p0 [sflag:s16], $0x1400  }
0x79: {  	s18 =	simm.s32 @!p0 $0xA0;
	s12 =	simm.s32 @!p0 $0x500;
	[sflag:s16] =	ssyncset.done @p0 $0x0  }
0x7a: {  	s14 =	simm.s32 @!p0 $0x5;
	[sflag:s16] =	ssyncadd.s32 @p0 $0xFFFFEC00;
	s16 =	simm.s32 @!p0 $0xA000  }
0x7b: {  	[tilespmem:s16], [sflag:$0x1] =	stream.indirect.gather @!p0 [hbm4b:s5+s18], $0x20, s12, s18, $0xb8;
	[tilespmem:$0x19800] =	vst v63  }
0x7c: {  	_ =	swait.ge @!p0 [sflag:s14], $0x1400  }
0x7d: {  	s12 =	simm.s32 @!p0 $0x5280;
	[sflag:s14] =	ssyncset.done @!p0 $0x0  }
0x7e: {  	s16 =	simm.s32 @!p0 $0xA;
	[sflag:s14] =	ssyncadd.s32 @!p0 $0xFFFFEC00;
	s14 =	simm.s32 @!p0 $0xF000  }
0x7f: {  	[spmem:s2] =	stream.indirect.scatter.add.f32 @!p0 [tilespmem:s14], [sflag:$0xD], $0x20, s12, s18, $0xb8;
	[tilespmem:$0x19800] =	vst v63  }
0x80: {  	_ =	swait.ge @!p0 [sflag:s16], $0x1400  }
0x81: {  	s12 =	simm.s32 $0x6;
	[sflag:s16] =	ssyncset.done @!p0 $0x0  }
0x82: {  	s14 =	simm.s32 @!p0 $0x5A0;
	[sflag:s16] =	ssyncadd.s32 @!p0 $0xFFFFEC00;
	s16 =	simm.s32 @!p0 $0xB400  }
0x83: {  	[tilespmem:s16], [sflag:$0x2] =	stream.indirect.gather @!p0 [hbm4b:s5+s18], $0x20, s14, s18, $0xb8;
	[tilespmem:$0x19800] =	vst v63  }
0x84: {  	_ =	swait.ge [sflag:s12], $0x1400  }
0x85: {  	[sflag:s12] =	ssyncset.done $0x0  }
0x86: {  	s31 =	simm.s32 $0x5320;
	s16 =	simm.s32 $0xB;
	[sflag:s12] =	ssyncadd.s32 $0xFFFFEC00  }
0x87: {  	[spmem:s2] =	stream.indirect.scatter.add.f32 [tilespmem:s8], [sflag:$0xE], $0x20, s31, s6, $0xb8;
	[tilespmem:$0x19800] =	vst v63  }
0x88: {  	_ =	swait.ge [sflag:s16], $0x1400  }
0x89: {  	[sflag:s16] =	ssyncset.done $0x0  }
0x8a: {  	s14 =	simm.s32 @p0 $0x7;
	[sflag:s16] =	ssyncadd.s32 $0xFFFFEC00  }
0x8b: {  	_ =	swait.ge @p0 [sflag:s14], $0x1400  }
0x8c: {  	s19 =	simm.s32 @p0 $0x53C0;
	[sflag:s14] =	ssyncset.done @p0 $0x0  }
0x8d: {  	s20 =	simm.s32 @p0 $0xC;
	[sflag:s14] =	ssyncadd.s32 @p0 $0xFFFFEC00;
	s14 =	simm.s32 @p0 $0x11800  }
0x8e: {  	[spmem:s2] =	stream.indirect.scatter.add.f32 @p0 [tilespmem:s14], [sflag:$0xF], $0x20, s19, s17, $0xb8;
	[tilespmem:$0x19800] =	vst v63  }
0x8f: {  	_ =	swait.ge @p0 [sflag:s20], $0x1400  }
0x90: {  	s14 =	simm.s32 @!p0 $0x640;
	[sflag:s20] =	ssyncset.done @p0 $0x0  }
0x91: {  	s17 =	simm.s32 @!p0 $0xC800;
	s19 =	simm.s32 @!p0 $0x7;
	[sflag:s20] =	ssyncadd.s32 @p0 $0xFFFFEC00  }
0x92: {  	[tilespmem:s17], [sflag:$0x3] =	stream.indirect.gather @!p0 [hbm4b:s5+s18], $0x20, s14, s18, $0xb8;
	[tilespmem:$0x19800] =	vst v63  }
0x93: {  	_ =	swait.ge @!p0 [sflag:s19], $0x1400  }
0x94: {  	s14 =	simm.s32 @!p0 $0x53C0;
	[sflag:s19] =	ssyncset.done @!p0 $0x0  }
0x95: {  	s17 =	simm.s32 @!p0 $0x11800;
	[sflag:s19] =	ssyncadd.s32 @!p0 $0xFFFFEC00;
	s19 =	simm.s32 @!p0 $0xC  }
0x96: {  	[spmem:s2] =	stream.indirect.scatter.add.f32 @!p0 [tilespmem:s17], [sflag:$0xF], $0x20, s14, s18, $0xb8;
	[tilespmem:$0x19800] =	vst v63  }
0x97: {  	_ =	swait.ge @!p0 [sflag:s19], $0x1400  }
0x98: {  	s14 =	simm.s32 $0x8;
	[sflag:s19] =	ssyncset.done @!p0 $0x0  }
0x99: {  	s17 =	simm.s32 @!p0 $0x6E0;
	[sflag:s19] =	ssyncadd.s32 @!p0 $0xFFFFEC00;
	s19 =	simm.s32 @!p0 $0xDC00  }
0x9a: {  	[tilespmem:s19], [sflag:$0x4] =	stream.indirect.gather @!p0 [hbm4b:s5+s18], $0x20, s17, s18, $0xb8;
	[tilespmem:$0x19800] =	vst v63  }
0x9b: {  	p1 =	por $0x0, $0x0;
	s17 =	simm.s32 $0x1400;
	_ =	swait.ge [sflag:s14], $0x1400  }
0x9c: {  	s18 =	simm.s32 $0x2800;
	s19 =	simm.s32 $0x5460;
	[sflag:s14] =	ssyncset.done $0x0  }
.LBB2_4:
0x9d: {  	s21 =	simm.s32 @!p1 $0xD;
	[sflag:s14] =	ssyncadd.s32 $0xFFFFEC00  }
0x9e: {  	[spmem:s2] =	stream.indirect.scatter.add.f32 [tilespmem:s7], [sflag:$0x10], $0x20, s19, s6, $0xb8;
	[tilespmem:$0x19800] =	vst v63  }
0x9f: {  	_ =	swait.ge @!p1 [sflag:s21], $0x1400  }
0xa0: {  	s19 =	sshra.s32 s17, $0x2;
	[sflag:s21] =	ssyncset.done @!p1 $0x0  }
0xa1: {  	s25 =	sadd.s32 $0x280, s19;
	s22 =	rddreg [dreg:$0x3];
	[sflag:s21] =	ssyncadd.s32 @!p1 $0xFFFFEC00  }
0xa2: {  	[tilespmem:s22], [sflag:$0x5] =	stream.indirect.gather [hbm4b:s5+s6], $0x20, s25, s6, $0xb8;
	[tilespmem:$0x19800] =	vst v63  }
0xa3: {  	_ =	swait.ge [sflag:s9], $0x1400  }
0xa4: {  	s23 =	simm.s32 @!p1 $0xE;
	[sflag:s9] =	ssyncset.done $0x0  }
0xa5: {  	s28 =	sadd.s32 $0x5000, s19;
	s26 =	rddreg [dreg:$0x4];
	[sflag:s9] =	ssyncadd.s32 $0xFFFFEC00  }
0xa6: {  	[spmem:s2] =	stream.indirect.scatter.add.f32 [tilespmem:s26], [sflag:$0x9], $0x20, s28, s6, $0xb8;
	[tilespmem:$0x19800] =	vst v63  }
0xa7: {  	_ =	swait.ge @!p1 [sflag:s23], $0x1400  }
0xa8: {  	[sflag:s23] =	ssyncset.done @!p1 $0x0  }
0xa9: {  	s29 =	sadd.s32 $0x320, s19;
	[sflag:s23] =	ssyncadd.s32 @!p1 $0xFFFFEC00  }
0xaa: {  	[tilespmem:s8], [sflag:$0x6] =	stream.indirect.gather [hbm4b:s5+s6], $0x20, s29, s6, $0xb8;
	[tilespmem:$0x19800] =	vst v63  }
0xab: {  	_ =	swait.ge [sflag:s10], $0x1400  }
0xac: {  	s31 =	sadd.s32 $0x50A0, s19;
	[sflag:s10] =	ssyncset.done $0x0  }
0xad: {  	s23 =	simm.s32 @!p1 $0xF;
	s30 =	rddreg [dreg:$0x5];
	[sflag:s10] =	ssyncadd.s32 $0xFFFFEC00  }
0xae: {  	[spmem:s2] =	stream.indirect.scatter.add.f32 [tilespmem:s30], [sflag:$0xA], $0x20, s31, s6, $0xb8;
	[tilespmem:$0x19800] =	vst v63  }
0xaf: {  	_ =	swait.ge @!p1 [sflag:s23], $0x1400  }
0xb0: {  	[sflag:s23] =	ssyncset.done @!p1 $0x0  }
0xb1: {  	s22 =	rddreg [dreg:$0x6];
	[sflag:s23] =	ssyncadd.s32 @!p1 $0xFFFFEC00;
	s23 =	sadd.s32 $0x3C0, s19  }
0xb2: {  	[tilespmem:s22], [sflag:$0x7] =	stream.indirect.gather [hbm4b:s5+s6], $0x20, s23, s6, $0xb8;
	[tilespmem:$0x19800] =	vst v63  }
0xb3: {  	_ =	swait.ge [sflag:s11], $0x1400  }
0xb4: {  	s25 =	sadd.s32 $0x5140, s19;
	[sflag:s11] =	ssyncset.done $0x0  }
0xb5: {  	s23 =	simm.s32 @!p1 $0x10;
	s24 =	rddreg [dreg:$0x7];
	[sflag:s11] =	ssyncadd.s32 $0xFFFFEC00  }
0xb6: {  	[spmem:s2] =	stream.indirect.scatter.add.f32 [tilespmem:s24], [sflag:$0xB], $0x20, s25, s6, $0xb8;
	[tilespmem:$0x19800] =	vst v63  }
0xb7: {  	_ =	swait.ge @!p1 [sflag:s23], $0x1400  }
0xb8: {  	[sflag:s23] =	ssyncset.done @!p1 $0x0  }
0xb9: {  	s26 =	sadd.s32 $0x460, s19;
	[sflag:s23] =	ssyncadd.s32 @!p1 $0xFFFFEC00  }
0xba: {  	[tilespmem:s7], [sflag:$0x8] =	stream.indirect.gather [hbm4b:s5+s6], $0x20, s26, s6, $0xb8;
	[tilespmem:$0x19800] =	vst v63  }
0xbb: {  	_ =	swait.ge [sflag:s13], $0x1400  }
0xbc: {  	[sflag:s13] =	ssyncset.done $0x0  }
0xbd: {  	s29 =	sadd.s32 $0x51E0, s19;
	s28 =	rddreg [dreg:$0x8];
	[sflag:s13] =	ssyncadd.s32 $0xFFFFEC00  }
0xbe: {  	[spmem:s2] =	stream.indirect.scatter.add.f32 [tilespmem:s28], [sflag:$0xC], $0x20, s29, s6, $0xb8;
	[tilespmem:$0x19800] =	vst v63  }
0xbf: {  	_ =	swait.ge [sflag:s15], $0x1400  }
0xc0: {  	s20 =	smov.u32 s18;
	p1 =	seq.s32 s17, $0x12C00;
	[sflag:s15] =	ssyncset.done $0x0  }
0xc1: {  	s21 =	simm.s32 @p1 $0x5;
	s22 =	sshra.s32 @p1 s17, $0x2;
	[sflag:s15] =	ssyncadd.s32 $0xFFFFEC00  }
0xc2: {  	s17 =	sshra.s32 @!p1 s17, $0x2;
	s25 =	simm.s32 @p1 $0xA;
	_ =	swait.ge @p1 [sflag:s21], $0x1400  }
0xc3: {  	s23 =	simm.s32 @p1 $0xA0;
	s30 =	simm.s32 @!p1 $0x5;
	[sflag:s21] =	ssyncset.done @p1 $0x0  }
0xc4: {  	s24 =	sadd.s32 @p1 $0x5280, s22;
	[sflag:s21] =	ssyncadd.s32 @p1 $0xFFFFEC00;
	s21 =	simm.s32 @p1 $0xF000  }
0xc5: {  	[spmem:s2] =	stream.indirect.scatter.add.f32 @p1 [tilespmem:s21], [sflag:$0xD], $0x20, s24, s23, $0xb8;
	[tilespmem:$0x19800] =	vst v63  }
0xc6: {  	s26 =	sadd.s32 @!p1 $0x500, s17;
	s31 =	sadd.s32 @p1 $0x53C0, s22;
	_ =	swait.ge @p1 [sflag:s25], $0x1400  }
0xc7: {  	s22 =	simm.s32 @!p1 $0xA000;
	s28 =	sadd.s32 @!p1 $0x5280, s17;
	[sflag:s25] =	ssyncset.done @p1 $0x0  }
0xc8: {  	s29 =	sadd.s32 @!p1 $0x5A0, s17;
	s21 =	simm.s32 @!p1 $0xA0;
	[sflag:s25] =	ssyncadd.s32 @p1 $0xFFFFEC00  }
0xc9: {  	[tilespmem:s22], [sflag:$0x1] =	stream.indirect.gather @!p1 [hbm4b:s5+s21], $0x20, s26, s21, $0xb8;
	[tilespmem:$0x19800] =	vst v63  }
0xca: {  	s24 =	sadd.s32 @!p1 $0x53C0, s17;
	s25 =	sadd.s32 @!p1 $0x640, s17;
	_ =	swait.ge @!p1 [sflag:s30], $0x1400  }
0xcb: {  	s22 =	sadd.s32 @!p1 $0x6E0, s17;
	s17 =	smov.u32 s20;
	[sflag:s30] =	ssyncset.done @!p1 $0x0  }
0xcc: {  	s20 =	simm.s32 @!p1 $0xF000;
	s26 =	simm.s32 @!p1 $0xA;
	[sflag:s30] =	ssyncadd.s32 @!p1 $0xFFFFEC00  }
0xcd: {  	[spmem:s2] =	stream.indirect.scatter.add.f32 @!p1 [tilespmem:s20], [sflag:$0xD], $0x20, s28, s21, $0xb8;
	[tilespmem:$0x19800] =	vst v63  }
0xce: {  	_ =	swait.ge @!p1 [sflag:s26], $0x1400  }
0xcf: {  	[sflag:s26] =	ssyncset.done @!p1 $0x0  }
0xd0: {  	s20 =	simm.s32 @!p1 $0xB400;
	[sflag:s26] =	ssyncadd.s32 @!p1 $0xFFFFEC00  }
0xd1: {  	[tilespmem:s20], [sflag:$0x2] =	stream.indirect.gather @!p1 [hbm4b:s5+s21], $0x20, s29, s21, $0xb8;
	[tilespmem:$0x19800] =	vst v63  }
0xd2: {  	_ =	swait.ge [sflag:s12], $0x1400  }
0xd3: {  	[sflag:s12] =	ssyncset.done $0x0  }
0xd4: {  	s30 =	sadd.s32 $0x5320, s19;
	[sflag:s12] =	ssyncadd.s32 $0xFFFFEC00  }
0xd5: {  	[spmem:s2] =	stream.indirect.scatter.add.f32 [tilespmem:s8], [sflag:$0xE], $0x20, s30, s6, $0xb8;
	[tilespmem:$0x19800] =	vst v63  }
0xd6: {  	_ =	swait.ge [sflag:s16], $0x1400  }
0xd7: {  	[sflag:s16] =	ssyncset.done $0x0  }
0xd8: {  	s20 =	simm.s32 @p1 $0x7;
	[sflag:s16] =	ssyncadd.s32 $0xFFFFEC00  }
0xd9: {  	_ =	swait.ge @p1 [sflag:s20], $0x1400  }
0xda: {  	[sflag:s20] =	ssyncset.done @p1 $0x0  }
0xdb: {  	s26 =	simm.s32 @p1 $0xC;
	[sflag:s20] =	ssyncadd.s32 @p1 $0xFFFFEC00;
	s20 =	simm.s32 @p1 $0x11800  }
0xdc: {  	[spmem:s2] =	stream.indirect.scatter.add.f32 @p1 [tilespmem:s20], [sflag:$0xF], $0x20, s31, s23, $0xb8;
	[tilespmem:$0x19800] =	vst v63  }
0xdd: {  	_ =	swait.ge @p1 [sflag:s26], $0x1400  }
0xde: {  	[sflag:s26] =	ssyncset.done @p1 $0x0  }
0xdf: {  	s20 =	simm.s32 @!p1 $0xC800;
	s23 =	simm.s32 @!p1 $0x7;
	[sflag:s26] =	ssyncadd.s32 @p1 $0xFFFFEC00  }
0xe0: {  	[tilespmem:s20], [sflag:$0x3] =	stream.indirect.gather @!p1 [hbm4b:s5+s21], $0x20, s25, s21, $0xb8;
	[tilespmem:$0x19800] =	vst v63  }
0xe1: {  	_ =	swait.ge @!p1 [sflag:s23], $0x1400  }
0xe2: {  	s18 =	sadd.s32 $0x1400, s18;
	[sflag:s23] =	ssyncset.done @!p1 $0x0  }
0xe3: {  	s20 =	simm.s32 @!p1 $0x11800;
	[sflag:s23] =	ssyncadd.s32 @!p1 $0xFFFFEC00;
	s23 =	simm.s32 @!p1 $0xC  }
0xe4: {  	[spmem:s2] =	stream.indirect.scatter.add.f32 @!p1 [tilespmem:s20], [sflag:$0xF], $0x20, s24, s21, $0xb8;
	[tilespmem:$0x19800] =	vst v63  }
0xe5: {  	p0 =	sne.s32 s18, $0x14000;
	_ =	swait.ge @!p1 [sflag:s23], $0x1400  }
.Ltmp2:
0xe6: {  	[sflag:s23] =	ssyncset.done @!p1 $0x0;
	(pc) =	sbr.rel @p0 .LBB2_4-.Ltmp2, $4  }
0xe7: {  	s20 =	simm.s32 @!p1 $0xDC00;
	[sflag:s23] =	ssyncadd.s32 @!p1 $0xFFFFEC00  }
0xe8: {  	[tilespmem:s20], [sflag:$0x4] =	stream.indirect.gather @!p1 [hbm4b:s5+s21], $0x20, s22, s21, $0xb8;
	[tilespmem:$0x19800] =	vst v63  }
0xe9: {  	_ =	swait.ge [sflag:s14], $0x1400  }
0xea: {  	s19 =	sadd.s32 $0x5460, s19;
	p1 =	seq.s32 s17, $0x0;
	[sflag:s14] =	ssyncset.done $0x0  }
0xeb: {  	s20 =	simm.s32 @!p1 $0xD;
	[sflag:s14] =	ssyncadd.s32 $0xFFFFEC00  }
0xec: {  	[spmem:s2] =	stream.indirect.scatter.add.f32 [tilespmem:s7], [sflag:$0x10], $0x20, s19, s6, $0xb8;
	[tilespmem:$0x19800] =	vst v63  }
0xed: {  	_ =	swait.ge @!p1 [sflag:s20], $0x1400  }
0xee: {  	s18 =	sshra.s32 s17, $0x2;
	[sflag:s20] =	ssyncset.done @!p1 $0x0  }
0xef: {  	s23 =	sadd.s32 $0x280, s18;
	s22 =	rddreg [dreg:$0x3];
	[sflag:s20] =	ssyncadd.s32 @!p1 $0xFFFFEC00  }
0xf0: {  	[tilespmem:s22], [sflag:$0x5] =	stream.indirect.gather [hbm4b:s5+s6], $0x20, s23, s6, $0xb8;
	[tilespmem:$0x19800] =	vst v63  }
0xf1: {  	_ =	swait.ge [sflag:s9], $0x1400  }
0xf2: {  	s25 =	sadd.s32 $0x5000, s18;
	[sflag:s9] =	ssyncset.done $0x0  }
0xf3: {  	s20 =	simm.s32 @!p1 $0xE;
	s24 =	rddreg [dreg:$0x4];
	[sflag:s9] =	ssyncadd.s32 $0xFFFFEC00  }
0xf4: {  	[spmem:s2] =	stream.indirect.scatter.add.f32 [tilespmem:s24], [sflag:$0x9], $0x20, s25, s6, $0xb8;
	[tilespmem:$0x19800] =	vst v63  }
0xf5: {  	_ =	swait.ge @!p1 [sflag:s20], $0x1400  }
0xf6: {  	[sflag:s20] =	ssyncset.done @!p1 $0x0  }
0xf7: {  	s26 =	sadd.s32 $0x320, s18;
	[sflag:s20] =	ssyncadd.s32 @!p1 $0xFFFFEC00  }
0xf8: {  	[tilespmem:s8], [sflag:$0x6] =	stream.indirect.gather [hbm4b:s5+s6], $0x20, s26, s6, $0xb8;
	[tilespmem:$0x19800] =	vst v63  }
0xf9: {  	_ =	swait.ge [sflag:s10], $0x1400  }
0xfa: {  	s29 =	sadd.s32 $0x50A0, s18;
	[sflag:s10] =	ssyncset.done $0x0  }
0xfb: {  	s19 =	simm.s32 @!p1 $0xF;
	s28 =	rddreg [dreg:$0x5];
	[sflag:s10] =	ssyncadd.s32 $0xFFFFEC00  }
0xfc: {  	[spmem:s2] =	stream.indirect.scatter.add.f32 [tilespmem:s28], [sflag:$0xA], $0x20, s29, s6, $0xb8;
	[tilespmem:$0x19800] =	vst v63  }
0xfd: {  	_ =	swait.ge @!p1 [sflag:s19], $0x1400  }
0xfe: {  	[sflag:s19] =	ssyncset.done @!p1 $0x0  }
0xff: {  	s31 =	sadd.s32 $0x3C0, s18;
	s30 =	rddreg [dreg:$0x6];
	[sflag:s19] =	ssyncadd.s32 @!p1 $0xFFFFEC00  }
0x100: {  	[tilespmem:s30], [sflag:$0x7] =	stream.indirect.gather [hbm4b:s5+s6], $0x20, s31, s6, $0xb8;
	[tilespmem:$0x19800] =	vst v63  }
0x101: {  	_ =	swait.ge [sflag:s11], $0x1400  }
0x102: {  	s19 =	sadd.s32 $0x5140, s18;
	[sflag:s11] =	ssyncset.done $0x0  }
0x103: {  	s10 =	rddreg [dreg:$0x7];
	[sflag:s11] =	ssyncadd.s32 $0xFFFFEC00;
	s11 =	simm.s32 @!p1 $0x10  }
0x104: {  	[spmem:s2] =	stream.indirect.scatter.add.f32 [tilespmem:s10], [sflag:$0xB], $0x20, s19, s6, $0xb8;
	[tilespmem:$0x19800] =	vst v63  }
0x105: {  	_ =	swait.ge @!p1 [sflag:s11], $0x1400  }
0x106: {  	[sflag:s11] =	ssyncset.done @!p1 $0x0  }
0x107: {  	s20 =	sadd.s32 $0x460, s18;
	[sflag:s11] =	ssyncadd.s32 @!p1 $0xFFFFEC00  }
0x108: {  	[tilespmem:s7], [sflag:$0x8] =	stream.indirect.gather [hbm4b:s5+s6], $0x20, s20, s6, $0xb8;
	[tilespmem:$0x19800] =	vst v63  }
0x109: {  	_ =	swait.ge [sflag:s13], $0x1400  }
0x10a: {  	[sflag:s13] =	ssyncset.done $0x0  }
0x10b: {  	s22 =	sadd.s32 $0x51E0, s18;
	s21 =	rddreg [dreg:$0x8];
	[sflag:s13] =	ssyncadd.s32 $0xFFFFEC00  }
0x10c: {  	[spmem:s2] =	stream.indirect.scatter.add.f32 [tilespmem:s21], [sflag:$0xC], $0x20, s22, s6, $0xb8;
	[tilespmem:$0x19800] =	vst v63  }
0x10d: {  	_ =	swait.ge [sflag:s15], $0x1400  }
0x10e: {  	p0 =	seq.s32 s17, $0x12C00;
	[sflag:s15] =	ssyncset.done $0x0  }
0x10f: {  	s9 =	simm.s32 @p0 $0x5;
	[sflag:s15] =	ssyncadd.s32 $0xFFFFEC00  }
0x110: {  	s10 =	sshra.s32 @p0 s17, $0x2;
	_ =	swait.ge @p0 [sflag:s9], $0x1400  }
0x111: {  	s11 =	sadd.s32 @p0 $0x5280, s10;
	s13 =	simm.s32 @p0 $0xA;
	[sflag:s9] =	ssyncset.done @p0 $0x0  }
0x112: {  	s15 =	simm.s32 @p0 $0xF000;
	[sflag:s9] =	ssyncadd.s32 @p0 $0xFFFFEC00;
	s9 =	simm.s32 @p0 $0xA0  }
0x113: {  	[spmem:s2] =	stream.indirect.scatter.add.f32 @p0 [tilespmem:s15], [sflag:$0xD], $0x20, s11, s9, $0xb8;
	[tilespmem:$0x19800] =	vst v63  }
0x114: {  	s19 =	simm.s32 @!p0 $0xA000;
	_ =	swait.ge @p0 [sflag:s13], $0x1400  }
0x115: {  	s11 =	sshra.s32 @!p0 s17, $0x2;
	s17 =	simm.s32 @!p0 $0x5;
	[sflag:s13] =	ssyncset.done @p0 $0x0  }
0x116: {  	s15 =	sadd.s32 @!p0 $0x500, s11;
	[sflag:s13] =	ssyncadd.s32 @p0 $0xFFFFEC00;
	s13 =	simm.s32 @!p0 $0xA0  }
0x117: {  	[tilespmem:s19], [sflag:$0x1] =	stream.indirect.gather @!p0 [hbm4b:s5+s13], $0x20, s15, s13, $0xb8;
	[tilespmem:$0x19800] =	vst v63  }
0x118: {  	_ =	swait.ge @!p0 [sflag:s17], $0x1400  }
0x119: {  	s15 =	sadd.s32 @!p0 $0x5280, s11;
	[sflag:s17] =	ssyncset.done @!p0 $0x0  }
0x11a: {  	s19 =	simm.s32 @!p0 $0xA;
	[sflag:s17] =	ssyncadd.s32 @!p0 $0xFFFFEC00;
	s17 =	simm.s32 @!p0 $0xF000  }
0x11b: {  	[spmem:s2] =	stream.indirect.scatter.add.f32 @!p0 [tilespmem:s17], [sflag:$0xD], $0x20, s15, s13, $0xb8;
	[tilespmem:$0x19800] =	vst v63  }
0x11c: {  	_ =	swait.ge @!p0 [sflag:s19], $0x1400  }
0x11d: {  	[sflag:s19] =	ssyncset.done @!p0 $0x0  }
0x11e: {  	s15 =	sadd.s32 @!p0 $0x5A0, s11;
	s17 =	simm.s32 @!p0 $0xB400;
	[sflag:s19] =	ssyncadd.s32 @!p0 $0xFFFFEC00  }
0x11f: {  	[tilespmem:s17], [sflag:$0x2] =	stream.indirect.gather @!p0 [hbm4b:s5+s13], $0x20, s15, s13, $0xb8;
	[tilespmem:$0x19800] =	vst v63  }
0x120: {  	_ =	swait.ge [sflag:s12], $0x1400  }
0x121: {  	[sflag:s12] =	ssyncset.done $0x0  }
0x122: {  	s23 =	sadd.s32 $0x5320, s18;
	[sflag:s12] =	ssyncadd.s32 $0xFFFFEC00  }
0x123: {  	[spmem:s2] =	stream.indirect.scatter.add.f32 [tilespmem:s8], [sflag:$0xE], $0x20, s23, s6, $0xb8;
	[tilespmem:$0x19800] =	vst v63  }
0x124: {  	_ =	swait.ge [sflag:s16], $0x1400  }
0x125: {  	[sflag:s16] =	ssyncset.done $0x0  }
0x126: {  	s8 =	simm.s32 @p0 $0x7;
	[sflag:s16] =	ssyncadd.s32 $0xFFFFEC00  }
0x127: {  	_ =	swait.ge @p0 [sflag:s8], $0x1400  }
0x128: {  	s10 =	sadd.s32 @p0 $0x53C0, s10;
	[sflag:s8] =	ssyncset.done @p0 $0x0  }
0x129: {  	s12 =	simm.s32 @p0 $0xC;
	[sflag:s8] =	ssyncadd.s32 @p0 $0xFFFFEC00;
	s8 =	simm.s32 @p0 $0x11800  }
0x12a: {  	[spmem:s2] =	stream.indirect.scatter.add.f32 @p0 [tilespmem:s8], [sflag:$0xF], $0x20, s10, s9, $0xb8;
	[tilespmem:$0x19800] =	vst v63  }
0x12b: {  	_ =	swait.ge @p0 [sflag:s12], $0x1400  }
0x12c: {  	s8 =	sadd.s32 @!p0 $0x640, s11;
	[sflag:s12] =	ssyncset.done @p0 $0x0  }
0x12d: {  	s9 =	simm.s32 @!p0 $0xC800;
	s10 =	simm.s32 @!p0 $0x7;
	[sflag:s12] =	ssyncadd.s32 @p0 $0xFFFFEC00  }
0x12e: {  	[tilespmem:s9], [sflag:$0x3] =	stream.indirect.gather @!p0 [hbm4b:s5+s13], $0x20, s8, s13, $0xb8;
	[tilespmem:$0x19800] =	vst v63  }
0x12f: {  	_ =	swait.ge @!p0 [sflag:s10], $0x1400  }
0x130: {  	s8 =	sadd.s32 @!p0 $0x53C0, s11;
	[sflag:s10] =	ssyncset.done @!p0 $0x0  }
0x131: {  	s9 =	simm.s32 @!p0 $0x11800;
	[sflag:s10] =	ssyncadd.s32 @!p0 $0xFFFFEC00;
	s10 =	simm.s32 @!p0 $0xC  }
0x132: {  	[spmem:s2] =	stream.indirect.scatter.add.f32 @!p0 [tilespmem:s9], [sflag:$0xF], $0x20, s8, s13, $0xb8;
	[tilespmem:$0x19800] =	vst v63  }
0x133: {  	_ =	swait.ge @!p0 [sflag:s10], $0x1400  }
0x134: {  	[sflag:s10] =	ssyncset.done @!p0 $0x0  }
0x135: {  	s8 =	sadd.s32 @!p0 $0x6E0, s11;
	s9 =	simm.s32 @!p0 $0xDC00;
	[sflag:s10] =	ssyncadd.s32 @!p0 $0xFFFFEC00  }
0x136: {  	[tilespmem:s9], [sflag:$0x4] =	stream.indirect.gather @!p0 [hbm4b:s5+s13], $0x20, s8, s13, $0xb8;
	[tilespmem:$0x19800] =	vst v63  }
0x137: {  	_ =	swait.ge [sflag:s14], $0x1400  }
0x138: {  	[sflag:s14] =	ssyncset.done $0x0  }
0x139: {  	s24 =	sadd.s32 $0x5460, s18;
	s25 =	simm.s32 $0xD;
	[sflag:s14] =	ssyncadd.s32 $0xFFFFEC00  }
0x13a: {  	[spmem:s2] =	stream.indirect.scatter.add.f32 [tilespmem:s7], [sflag:$0x10], $0x20, s24, s6, $0xb8;
	[tilespmem:$0x19800] =	vst v63  }
0x13b: {  	_ =	swait.ge [sflag:s25], $0x1400  }
0x13c: {  	[sflag:s25] =	ssyncset.done $0x0  }
0x13d: {  	s26 =	simm.s32 $0xE;
	[sflag:s25] =	ssyncadd.s32 $0xFFFFEC00  }
0x13e: {  	_ =	swait.ge [sflag:s26], $0x1400  }
0x13f: {  	[sflag:s26] =	ssyncset.done $0x0  }
0x140: {  	s28 =	simm.s32 $0xF;
	[sflag:s26] =	ssyncadd.s32 $0xFFFFEC00  }
0x141: {  	_ =	swait.ge [sflag:s28], $0x1400  }
0x142: {  	[sflag:s28] =	ssyncset.done $0x0  }
0x143: {  	s29 =	simm.s32 $0x10;
	[sflag:s28] =	ssyncadd.s32 $0xFFFFEC00  }
0x144: {  	_ =	swait.ge [sflag:s29], $0x1400  }
0x145: {  	[sflag:s29] =	ssyncset.done $0x0  }
0x146: {  	s4 =	sshrl.u32 s4, $0x3;
	s30 =	sshll.u32 s1, $0x6;
	[sflag:s29] =	ssyncadd.s32 $0xFFFFEC00  }
0x147: {  	s31 =	simm.s32 $0x11;
	s2 =	sor.u32 $0x1C11, s30;
	[bflag:$0x0] =	sbarrier.arrive $0xFFFF  }
0x148: {  	[hbm:s3], [sflag:s2] =	dma.local [spmem:s4], $0xA00  }
0x149: {  	_ =	swait.ge [sflag:s31], $0xA00  }
0x14a: {  	[sflag:s31] =	ssyncset.done $0x0  }
0x14b: {  	[sflag:s31] =	ssyncadd.s32 $0xFFFFF600  }
.LBB2_6:
0x14c: {  	_ =	sfence.sel $0x180000  }
0x14d: {  	[bflag:$0x0] =	sbarrier.arrive $0xFFFF  }
0x14e: {  	p0 =	sne.s32 s1, $0x0;
	_ =	strace $0x9000004D  }
0x14f: {  	s0 =	sadd.s32 @!p0 $0x100000, s0;
	[bflag:$0x2] =	sbarrier.arrive $0xFFFF  }
0x150: {  	[sflag:s0] =	ssyncadd.tile.s32 @!p0 $0x1;
	_ =	shalt  }
.Lfunc_end2:
_tile_overlayer_lowered:
.L_overlay_start_2:
0x151: {  	(tag) =	ssettag $0x2  }
0x152: {  	s0 =	rddreg [dreg:$0x0];
	s2 =	stileid.u32  }
0x153: {  	s1 =	rddreg [dreg:$0x1];
	p0 =	sne.s32 s2, $0x0  }
0x154: {  	s3 =	rddreg [dreg:$0x2];
	[bflag:$0x3] =	sbarrier.arrive $0xFFFF;
	s2 =	simm.s32 @!p0 $0x1C11  }
0x155: {  	[timem:s3], [sflag:s2] =	dma.local @!p0 [hbm:s0], s1  }
0x156: {  	s0 =	simm.s32 @!p0 $0x11  }
0x157: {  	_ =	swait.ge @!p0 [sflag:s0], s1  }
0x158: {  	s1 =	ssub.s32 @!p0 $0x0, s1;
	[sflag:s0] =	ssyncset.done @!p0 $0x0  }
0x159: {  	[sflag:s0] =	ssyncadd.s32 @!p0 s1  }
0x15a: {  	[bflag:$0x3] =	sbarrier.arrive $0xFFFF  }
0x15b: {  	_ =	shalt  }

// kernel: kernel.20.cloned.1.call-start
scs
__scs_entry_jumppad:
0x0: {  	(pc) =	sbr.rel $0x88, $3  }
0x1: {  	(tag) =	ssettag $0x0;
	lr =	simm.s32 $0x1  }
0x2: {  	[smem:$0x3F94] =	sst lr;
	_ =	strace $0xD0000000  }
0x3: {  	_ = 	snop  }
0x4: {  	_ = 	snop  }
0x5: {  	_ = 	snop  }
0x6: {  	_ = 	snop  }
0x7: {  	_ = 	snop  }
__scs_overlays_trampoline_lowered:
0x8: {  	[smem:$0x3FA3] =	sst s0  }
0x9: {  	[smem:$0x3FA4] =	sst s1  }
0xa: {  	[smem:$0x3FA5] =	sst s2  }
0xb: {  	[smem:$0x3FA6] =	sst s3  }
0xc: {  	[smem:$0x3FA7] =	sst s4  }
0xd: {  	[smem:$0x3FA8] =	sst s5  }
0xe: {  	[smem:$0x3FA9] =	sst s6  }
0xf: {  	[smem:$0x3FAA] =	sst s7  }
0x10: {  	[smem:$0x3FAB] =	sst s8  }
0x11: {  	[smem:$0x3FAC] =	sst s9;
	s0 =	simm.s32 @!p0 $0x0  }
0x12: {  	s1 =	sld [smem:$0x3F92];
	s0 =	simm.s32 @p0 $0x1  }
0x13: {  	[smem:$0x3FAD] =	sst s0;
	s0 =	simm.s32 @!p1 $0x0  }
0x14: {  	s2 =	sld [smem:$0x3F91];
	s0 =	simm.s32 @p1 $0x1  }
0x15: {  	[smem:$0x3FAE] =	sst s0;
	s0 =	simm.s32 @!p2 $0x0  }
0x16: {  	s3 =	sld [smem:$0x3FDB];
	s0 =	simm.s32 @p2 $0x1  }
0x17: {  	s4 =	simm.s32 $0x1BF5;
	[smem:$0x3FB0] =	sst s0  }
0x18: {  	s0 =	sld [smem:$0x3F93];
	_ =	swait.ge [sflag:s4], $0x0  }
0x19: {  	s7 =	sld [smem:$0x3F94]  }
0x1a: {  	s8 =	sadd.s32 $0xFFFFE003, lr  }
0x1b: {  	s9 =	sadd.s32 $0xFFFFFEF7, lr;
	s5 =	simm.s32 $0xFFFFFFFF;
	p2 =	slt.u32 s8, $0xFFFFF086  }
0x1c: {  	p1 =	slt.u32 s9, $0xF7A;
	s5 =	simm.s32 @!p2 $0x0  }
0x1d: {  	s5 =	simm.s32 @p1 $0x1;
	p0 =	seq.s32 s7, s2  }
0x1e: {  	s7 =	smul.u32 @!p0 $0xF7A, s2;
	p2 =	seq.s32 @!p0 s5, $0x0  }
0x1f: {  	s9 =	smul.u32 $0xF7A, s1;
	s8 =	simm.s32 @!p0 $0x1BF5;
	p2 =	por !p2, p0  }
0x20: {  	[sflag:s8] =	ssyncset.s32 @!p0 $0xFFFFF086;
	s6 =	sadd.s32 @!p0 s3, s7;
	s7 =	simm.s32 @!p0 $0x108  }
0x21: {  	s3 =	sadd.s32 s3, s9;
	s6 =	sadd.s32 @!p0 $0x88, s6;
	s7 =	simm.s32 @p2 $0x1082  }
0x22: {  	[simem:s7], [sflag:s8] =	dma.local @!p0 [hbm:s6], $0xF7A  }
0x23: {  	s9 =	sor.u32 $0xD0000000, s2;
	s6 =	simm.s32 $0x108;
	_ =	swait.ge @!p0 [sflag:s8], $0x0  }
0x24: {  	s3 =	sadd.s32 $0x88, s3;
	s6 =	simm.s32 @!p1 $0x1082;
	[sflag:s4] =	ssyncset.s32 $0xFFFFF086  }
0x25: {  	[simem:s6], [sflag:s4] =	dma.local [hbm:s3], $0xF7A  }
0x26: {  	[smem:$0x3F94] =	sst s1;
	(tag) =	ssettag s2;
	_ =	strace s9  }
0x27: {  	s1 =	sld [smem:$0x3FA4]  }
0x28: {  	s2 =	sld [smem:$0x3FA5]  }
0x29: {  	s4 =	sld [smem:$0x3FA7]  }
0x2a: {  	p0 =	seq.s32 s5, $0x0;
	s5 =	sld [smem:$0x3FA8]  }
0x2b: {  	s6 =	sld [smem:$0x3FA9]  }
0x2c: {  	s7 =	sld [smem:$0x3FAA]  }
0x2d: {  	s3 =	simm.s32 $0x108;
	s8 =	sld [smem:$0x3FAB]  }
0x2e: {  	s3 =	simm.s32 @!p0 $0x1082;
	s9 =	sld [smem:$0x3FAC]  }
0x2f: {  	lr =	sadd.s32 s0, s3;
	s0 =	sld [smem:$0x3FA3]  }
0x30: {  	s3 =	sld [smem:$0x3FA6]  }
0x31: {  	[smem:$0x3FAF] =	sst s10  }
0x32: {  	s10 =	sld [smem:$0x3FAD];
	_ =	sdelay $0x3  }
0x33: {  	p0 =	seq.s32 s10, $0x1;
	s10 =	sld [smem:$0x3FAF];
	_ =	sdelay $0x3  }
0x34: {  	[smem:$0x3FAF] =	sst s10  }
0x35: {  	s10 =	sld [smem:$0x3FAE];
	_ =	sdelay $0x3  }
0x36: {  	p1 =	seq.s32 s10, $0x1;
	s10 =	sld [smem:$0x3FAF];
	_ =	sdelay $0x3  }
0x37: {  	[smem:$0x3FAF] =	sst s10  }
0x38: {  	s10 =	sld [smem:$0x3FB0]  }
0x39: {  	_ = 	snop;
	(pc) =	sbr.ind lr, $3  }
0x3a: {  	_ = 	snop  }
0x3b: {  	_ = 	snop  }
0x3c: {  	p2 =	seq.s32 s10, $0x1;
	s10 =	sld [smem:$0x3FAF]  }
0x3d: {  	_ =	shalt  }
0x3e: {  	_ =	shalt  }
0x3f: {  	_ =	shalt  }
0x40: {  	_ =	shalt  }
0x41: {  	_ =	shalt  }
0x42: {  	_ =	shalt  }
0x43: {  	_ =	shalt  }
0x44: {  	_ =	shalt  }
0x45: {  	_ =	shalt  }
0x46: {  	_ =	shalt  }
0x47: {  	_ =	shalt  }
0x48: {  	_ =	shalt  }
0x49: {  	_ =	shalt  }
0x4a: {  	_ =	shalt  }
0x4b: {  	_ =	shalt  }
0x4c: {  	_ =	shalt  }
0x4d: {  	_ =	shalt  }
0x4e: {  	_ =	shalt  }
0x4f: {  	_ =	shalt  }
0x50: {  	_ =	shalt  }
0x51: {  	_ =	shalt  }
0x52: {  	_ =	shalt  }
0x53: {  	_ =	shalt  }
0x54: {  	_ =	shalt  }
0x55: {  	_ =	shalt  }
0x56: {  	_ =	shalt  }
0x57: {  	_ =	shalt  }
0x58: {  	_ =	shalt  }
0x59: {  	_ =	shalt  }
0x5a: {  	_ =	shalt  }
0x5b: {  	_ =	shalt  }
0x5c: {  	_ =	shalt  }
0x5d: {  	_ =	shalt  }
0x5e: {  	_ =	shalt  }
0x5f: {  	_ =	shalt  }
0x60: {  	_ =	shalt  }
0x61: {  	_ =	shalt  }
0x62: {  	_ =	shalt  }
0x63: {  	_ =	shalt  }
0x64: {  	_ =	shalt  }
0x65: {  	_ =	shalt  }
0x66: {  	_ =	shalt  }
0x67: {  	_ =	shalt  }
0x68: {  	_ =	shalt  }
0x69: {  	_ =	shalt  }
0x6a: {  	_ =	shalt  }
0x6b: {  	_ =	shalt  }
0x6c: {  	_ =	shalt  }
0x6d: {  	_ =	shalt  }
0x6e: {  	_ =	shalt  }
0x6f: {  	_ =	shalt  }
0x70: {  	_ =	shalt  }
0x71: {  	_ =	shalt  }
0x72: {  	_ =	shalt  }
0x73: {  	_ =	shalt  }
0x74: {  	_ =	shalt  }
0x75: {  	_ =	shalt  }
0x76: {  	_ =	shalt  }
0x77: {  	_ =	shalt  }
0x78: {  	_ =	shalt  }
0x79: {  	_ =	shalt  }
0x7a: {  	_ =	shalt  }
0x7b: {  	_ =	shalt  }
0x7c: {  	_ =	shalt  }
0x7d: {  	_ =	shalt  }
0x7e: {  	_ =	shalt  }
0x7f: {  	_ =	shalt  }
0x80: {  	_ =	shalt  }
0x81: {  	_ =	shalt  }
0x82: {  	_ =	shalt  }
0x83: {  	_ =	shalt  }
0x84: {  	_ =	shalt  }
0x85: {  	_ =	shalt  }
0x86: {  	_ =	shalt  }
0x87: {  	_ =	shalt  }
.Lfunc_end0:
.L_simem_size_0:
called_computation.3_lowered:
.L_overlay_start_0:
0x88: {  	s2 =	sld [smem:$0x3FD9]  }
0x89: {  	s3 =	sld [smem:$0x3FFE];
	_ =	sdelay $0x1  }
0x8a: {  	s1 =	srdreg.scid  }
0x8b: {  	s0 =	sand.u32 $0x1, s1  }
0x8c: {  	s16 =	sshll.u32 s0, $0xA;
	s2 =	sadd.s32 s3, s2  }
0x8d: {  	s2 =	sadd.s32 s2, s16  }
0x8e: {  	[smem:$0x3FBB] =	sst s2  }
0x8f: {  	_ = 	snop  }
0x90: {  	(tm) =	ssettm $0x1  }
0x91: {  	s17 =	sld [smem:$0x3FFB];
	_ =	sdelay $0x3  }
0x92: {  	_ =	strace s17  }
0x93: {  	s2 =	sld [smem:$0x3FFC];
	_ =	sdelay $0x3  }
0x94: {  	_ =	strace s2  }
0x95: {  	s2 =	sld [smem:$0x3FFD];
	_ =	sdelay $0x3  }
0x96: {  	_ =	strace s2  }
0x97: {  	_ =	strace $0x8FFFFFFF  }
0x98: {  	s18 =	sld [smem:$0x3FDB];
	_ =	sdelay $0x1  }
0x99: {  	s19 =	simm.s32 $_scs_section_size  }
0x9a: {  	s4 =	simm.s32 $_size__tile_overlayer_lowered;
	s5 =	simm.s32 $_tile_overlayer_lowered  }
0x9b: {  	s22 =	simm.s32 $0x1BFF;
	s21 =	sshll.u32 s5, $0x1;
	s2 =	sadd.s32 s19, s18  }
0x9c: {  	s6 =	simm.s32 $0x0;
	s20 =	sshll.u32 s4, $0x1;
	s4 =	sadd.s32 s21, s2  }
0x9d: {  	[timem:s6], [sflag:s22] =	dma.local [hbm:s4], s20  }
0x9e: {  	_ =	swait.ge [sflag:s22], s20  }
0x9f: {  	s3 =	ssub.s32 $0x0, s20;
	[sflag:s22] =	ssyncset.done $0x0  }
0xa0: {  	[sflag:s22] =	ssyncadd.s32 s3;
	_ =	sdelay $0x1  }
0xa1: {  	s23 =	simm.s32 $0x1B8B  }
0xa2: {  	_ =	swait.ge [sflag:s23], $0x1  }
0xa3: {  	[sflag:s23] =	ssyncset.done $0x0  }
0xa4: {  	s25 =	simm.s32 $0x1B8E;
	s24 =	sld [smem:$0x3FFE];
	[sflag:s23] =	ssyncadd.s32 $0xFFFFFFFF  }
0xa5: {  	s26 =	simm.s32 $execute0_lowered;
	[smem:$0x3FD2] =	sst s25  }
0xa6: {  	s4 =	sshll.u32 s26, $0x1;
	_ =	strace $0x8000004F;
	[dreg:$0x1] =	wrdreg $0xFFFFFFFF  }
0xa7: {  	s28 =	simm.s32 $_size_execute0_lowered;
	s2 =	sadd.s32 s2, s4;
	[dreg:$0x0] =	wrdreg $0x0  }
0xa8: {  	s4 =	sshll.u32 s28, $0x1;
	[dreg:$0x2] =	wrdreg s2  }
0xa9: {  	[dreg:$0x3] =	wrdreg s4  }
0xaa: {  	[dreg:$0x4] =	wrdreg $0xC0  }
0xab: {  	_ =	task [dreg:s6], $0x5FFFF  }
0xac: {  	[dreg:$0x1] =	wrdreg $0xFFFFFFFF  }
0xad: {  	[dreg:$0x0] =	wrdreg $0x60  }
0xae: {  	[dreg:$0x2] =	wrdreg s24  }
0xaf: {  	[dreg:$0x3] =	wrdreg $0x148000  }
0xb0: {  	[dreg:$0x4] =	wrdreg $0x9  }
0xb1: {  	_ =	task.clear_ibuf [dreg:s6], $0x5FFFF;
	_ =	strace $0x9000004F  }
0xb2: {  	s29 =	simm.s32 $0x9;
	_ =	strace $0x80000051  }
0xb3: {  	_ =	swait.ge [sflag:s29], $0x1  }
0xb4: {  	[sflag:s29] =	ssyncadd.s32 $0xFFFFFFFF  }
0xb5: {  	_ =	strace $0x90000051  }
0xb6: {  	_ =	sfence  }
0xb7: {  	s30 =	sld [smem:$0x0];
	_ =	sdelay $0x2  }
0xb8: {  	s31 =	sshll.u32 s1, $0xD;
	s1 =	sshrl.u32 s1, $0x2  }
0xb9: {  	s3 =	sand.u32 $0x4000, s31;
	s1 =	sadd.s32 s1, s30  }
0xba: {  	s0 =	sor.u32 s3, s0;
	s1 =	sshll.u32 s1, $0x11  }
0xbb: {  	s0 =	sor.u32 s1, s0  }
0xbc: {  	s0 =	sadd.s32 $0x8F2B, s0  }
0xbd: {  	[sflag:s0] =	ssyncadd.remote.s32 $0x1  }
0xbe: {  	_ =	sfence.sel $0xFFFF  }
0xbf: {  	[dreg:$0x0] =	wrdreg $0xFFFFFFFF;
	(pc) =	sbr.abs _section_cstart, $3  }
0xc0: {  	[dreg:$0x1] =	wrdreg $0xFFFFFFFF  }
0xc1: {  	_ =	task.clear_ibuf [dreg:s6], $0x2FFFF;
	_ =	strace $0x9FFFFFFF  }
0xc2: {  	(tm) =	ssettm $0x7FFFFFFF  }
0xc3: {  	_ =	shalt  }
tec
execute0_lowered:
.L_overlay_start_1:
0x0: {  	(tag) =	ssettag $0x1  }
0x1: {  	s1 =	srdreg.scid  }
0x2: {  	s1 =	sand.u32 $0x1, s1  }
0x3: {  	p0 =	seq.s32 s1, $0x1  }
.Ltmp0:
0x4: {  	_ = 	snop;
	(pc) =	sbr.rel @p0 .LBB2_6-.Ltmp0, $4  }
0x5: {  	s3 =	rddreg [dreg:$0x0]  }
0x6: {  	s2 =	rddreg [dreg:$0x1];
	s6 =	simm.s32 $0x0  }
0x7: {  	[smem:$0x7FF] =	sst s6  }
0x8: {  	s0 =	rddreg [dreg:$0x2];
	_ =	strace $0x80000050;
	s1 =	stileid.u32  }
0x9: {  	s4 =	smul.u32 $0x5000, s1;
	s5 =	sadd.s32 $0x3400, s3  }
0xa: {  	s9 =	smul.u32 $0x14000, s1;
	s10 =	simm.s32 $0x11;
	s23 =	simm.s32 $0x5000  }
0xb: {  	s24 =	simm.s32 $0xA0;
	s25 =	simm.s32 $0xA000;
	s7 =	sshrl.u32 s4, $0x3  }
0xc: {  	s26 =	simm.s32 $0xB400;
	s28 =	simm.s32 $0x140;
	s8 =	sadd.s32 s5, s7  }
0xd: {  	[tilespmem:s6], [sflag:$0x11] =	stream.linear.gather [hbm4b:s8+s6], $0x5000, $0x38;
	[tilespmem:$0x19800] =	vst v63  }
0xe: {  	s29 =	simm.s32 $0xC800;
	s30 =	simm.s32 $0x1E0;
	_ =	swait.ge [sflag:s10], $0x5000  }
0xf: {  	s31 =	simm.s32 $0xDC00;
	s16 =	simm.s32 $0x80;
	[sflag:s10] =	ssyncset.done $0x0  }
0x10: {  	s17 =	simm.s32 $0x0;
	s8 =	sadd.s32 $0xA000, s8;
	[sflag:s10] =	ssyncadd.s32 $0xFFFFB000  }
0x11: {  	[tilespmem:s23], [sflag:$0x11] =	stream.linear.gather [hbm4b:s8+s6], $0x5000, $0x38;
	[tilespmem:$0x19800] =	vst v63  }
0x12: {  	s22 =	sshrl.u32 s9, $0x2;
	s4 =	sadd.s32 s4, s2;
	_ =	swait.ge [sflag:s10], $0x5000  }
0x13: {  	s5 =	sadd.s32 $0xB7400, s3;
	s21 =	sadd.s32 s7, s3;
	[sflag:s10] =	ssyncset.done $0x0  }
0x14: {  	s14 =	sadd.s32 s22, s2;
	s3 =	sadd.s32 $0xC1400, s21;
	[sflag:s10] =	ssyncadd.s32 $0xFFFFB000  }
0x15: {  	[tilespmem:s25], [sflag:$0x1] =	stream.indirect.gather [hbm4b:s5+s24], $0x20, s6, s24, $0xb8;
	[tilespmem:$0x19800] =	vst v63  }
0x16: {  	s13 =	sadd.s32 $0x800, s14;
	s15 =	sadd.s32 $0x1000, s14;
	s12 =	sadd.s32 $0x1800, s14  }
0x17: {  	[tilespmem:s26], [sflag:$0x2] =	stream.indirect.gather [hbm4b:s5+s24], $0x20, s24, s24, $0xb8;
	[tilespmem:$0x19800] =	vst v63  }
0x18: {  	s9 =	sadd.s32 $0x2000, s14;
	s11 =	sadd.s32 $0x3000, s14;
	s7 =	sadd.s32 $0x4000, s14  }
0x19: {  	[tilespmem:s29], [sflag:$0x3] =	stream.indirect.gather [hbm4b:s5+s24], $0x20, s28, s24, $0xb8;
	[tilespmem:$0x19800] =	vst v63  }
0x1a: {  	s8 =	sadd.s32 $0x3800, s14;
	s10 =	sadd.s32 $0x2800, s14;
	s6 =	sadd.s32 $0x4800, s14  }
0x1b: {  	v0 =	vimm.f32 $0.0e+00;
	[tilespmem:s31], [sflag:$0x4] =	stream.indirect.gather [hbm4b:s5+s24], $0x20, s30, s24, $0xb8;
	[tilespmem:$0x19800] =	vst v63  }
.LBB2_2:
0x1c: {  	p0 =	sne.s32 s16, $0x1F80;
	[tilespmem:s17+$0x14000] =	vst v0;
	s18 =	smov.u32 s16;
	s16 =	sadd.s32 $0x80, s16  }
.Ltmp1:
0x1d: {  	[tilespmem:s17+$0x14010] =	vst v0;
	(pc) =	sbr.rel @p0 .LBB2_2-.Ltmp1, $2  }
0x1e: {  	_ =	sdelay $0x2  }
0x1f: {  	s17 =	sshra.s32 s18, $0x2  }
0x20: {  	[tilespmem:s17+$0x14000] =	vst v0  }
0x21: {  	[tilespmem:s17+$0x14010] =	vst v0;
	s16 =	simm.s32 $0x14000;
	s31 =	simm.s32 $0x11  }
0x22: {  	[spmem:s14] =	stream.linear.scatter [tilespmem:s16], [sflag:$0x11], $0x800, $0x38;
	[tilespmem:$0x19800] =	vst v63  }
0x23: {  	_ =	swait.ge [sflag:s31], $0x800  }
0x24: {  	[sflag:s31] =	ssyncset.done $0x0  }
0x25: {  	[sflag:s31] =	ssyncadd.s32 $0xFFFFF800  }
0x26: {  	[spmem:s13] =	stream.linear.scatter [tilespmem:s16], [sflag:$0x11], $0x800, $0x38;
	[tilespmem:$0x19800] =	vst v63  }
0x27: {  	_ =	swait.ge [sflag:s31], $0x800  }
0x28: {  	[sflag:s31] =	ssyncset.done $0x0  }
0x29: {  	[sflag:s31] =	ssyncadd.s32 $0xFFFFF800  }
0x2a: {  	[spmem:s15] =	stream.linear.scatter [tilespmem:s16], [sflag:$0x11], $0x800, $0x38;
	[tilespmem:$0x19800] =	vst v63  }
0x2b: {  	_ =	swait.ge [sflag:s31], $0x800  }
0x2c: {  	[sflag:s31] =	ssyncset.done $0x0  }
0x2d: {  	[sflag:s31] =	ssyncadd.s32 $0xFFFFF800  }
0x2e: {  	[spmem:s12] =	stream.linear.scatter [tilespmem:s16], [sflag:$0x11], $0x800, $0x38;
	[tilespmem:$0x19800] =	vst v63  }
0x2f: {  	_ =	swait.ge [sflag:s31], $0x800  }
0x30: {  	[sflag:s31] =	ssyncset.done $0x0  }
0x31: {  	[sflag:s31] =	ssyncadd.s32 $0xFFFFF800  }
0x32: {  	[spmem:s9] =	stream.linear.scatter [tilespmem:s16], [sflag:$0x11], $0x800, $0x38;
	[tilespmem:$0x19800] =	vst v63  }
0x33: {  	_ =	swait.ge [sflag:s31], $0x800  }
0x34: {  	[sflag:s31] =	ssyncset.done $0x0  }
0x35: {  	[sflag:s31] =	ssyncadd.s32 $0xFFFFF800  }
0x36: {  	[spmem:s10] =	stream.linear.scatter [tilespmem:s16], [sflag:$0x11], $0x800, $0x38;
	[tilespmem:$0x19800] =	vst v63  }
0x37: {  	_ =	swait.ge [sflag:s31], $0x800  }
0x38: {  	[sflag:s31] =	ssyncset.done $0x0  }
0x39: {  	[sflag:s31] =	ssyncadd.s32 $0xFFFFF800  }
0x3a: {  	[spmem:s11] =	stream.linear.scatter [tilespmem:s16], [sflag:$0x11], $0x800, $0x38;
	[tilespmem:$0x19800] =	vst v63  }
0x3b: {  	_ =	swait.ge [sflag:s31], $0x800  }
0x3c: {  	[sflag:s31] =	ssyncset.done $0x0  }
0x3d: {  	[sflag:s31] =	ssyncadd.s32 $0xFFFFF800  }
0x3e: {  	[spmem:s8] =	stream.linear.scatter [tilespmem:s16], [sflag:$0x11], $0x800, $0x38;
	[tilespmem:$0x19800] =	vst v63  }
0x3f: {  	_ =	swait.ge [sflag:s31], $0x800  }
0x40: {  	[sflag:s31] =	ssyncset.done $0x0  }
0x41: {  	[sflag:s31] =	ssyncadd.s32 $0xFFFFF800  }
0x42: {  	[spmem:s7] =	stream.linear.scatter [tilespmem:s16], [sflag:$0x11], $0x800, $0x38;
	[tilespmem:$0x19800] =	vst v63  }
0x43: {  	_ =	swait.ge [sflag:s31], $0x800  }
0x44: {  	[sflag:s31] =	ssyncset.done $0x0  }
0x45: {  	[sflag:s31] =	ssyncadd.s32 $0xFFFFF800  }
0x46: {  	[spmem:s6] =	stream.linear.scatter [tilespmem:s16], [sflag:$0x11], $0x800, $0x38;
	[tilespmem:$0x19800] =	vst v63  }
0x47: {  	_ =	swait.ge [sflag:s31], $0x800  }
0x48: {  	[sflag:s31] =	ssyncset.done $0x0  }
0x49: {  	[sflag:s31] =	ssyncadd.s32 $0xFFFFF800  }
0x4a: {  	s10 =	simm.s32 $0xF000;
	[bflag:$0x0] =	sbarrier.arrive $0xFFFF  }
0x4b: {  	s11 =	simm.s32 $0xA000;
	[dreg:$0x3] =	wrdreg s10  }
0x4c: {  	s12 =	simm.s32 $0xB400;
	[dreg:$0x4] =	wrdreg s11  }
0x4d: {  	s13 =	simm.s32 $0x11800;
	[dreg:$0x5] =	wrdreg s12  }
0x4e: {  	s14 =	simm.s32 $0xC800;
	[dreg:$0x6] =	wrdreg s13  }
0x4f: {  	p0 =	por $0x1, $0x1;
	s15 =	simm.s32 $0xDC00;
	[dreg:$0x7] =	wrdreg s14  }
0x50: {  	s7 =	simm.s32 @!p0 $0xD;
	[dreg:$0x8] =	wrdreg s15  }
0x51: {  	_ =	swait.ge @!p0 [sflag:s7], $0x1400  }
0x52: {  	s17 =	simm.s32 $0x280;
	s9 =	simm.s32 $0x1;
	[sflag:s7] =	ssyncset.done @!p0 $0x0  }
0x53: {  	s6 =	simm.s32 $0xA0;
	s16 =	rddreg [dreg:$0x3];
	[sflag:s7] =	ssyncadd.s32 @!p0 $0xFFFFEC00  }
0x54: {  	[tilespmem:s16], [sflag:$0x5] =	stream.indirect.gather [hbm4b:s5+s6], $0x20, s17, s6, $0xb8;
	[tilespmem:$0x19800] =	vst v63  }
0x55: {  	_ =	swait.ge [sflag:s9], $0x1400  }
0x56: {  	s19 =	simm.s32 $0x5000;
	[sflag:s9] =	ssyncset.done $0x0  }
0x57: {  	s11 =	simm.s32 @!p0 $0xE;
	s18 =	rddreg [dreg:$0x4];
	[sflag:s9] =	ssyncadd.s32 $0xFFFFEC00  }
0x58: {  	[spmem:s2] =	stream.indirect.scatter.add.f32 [tilespmem:s18], [sflag:$0x9], $0x20, s19, s6, $0xb8;
	[tilespmem:$0x19800] =	vst v63  }
0x59: {  	_ =	swait.ge @!p0 [sflag:s11], $0x1400  }
0x5a: {  	s20 =	simm.s32 $0x320;
	[sflag:s11] =	ssyncset.done @!p0 $0x0  }
0x5b: {  	s8 =	simm.s32 $0x10400;
	s10 =	simm.s32 $0x2;
	[sflag:s11] =	ssyncadd.s32 @!p0 $0xFFFFEC00  }
0x5c: {  	[tilespmem:s8], [sflag:$0x6] =	stream.indirect.gather [hbm4b:s5+s6], $0x20, s20, s6, $0xb8;
	[tilespmem:$0x19800] =	vst v63  }
0x5d: {  	_ =	swait.ge [sflag:s10], $0x1400  }
0x5e: {  	s22 =	simm.s32 $0x50A0;
	[sflag:s10] =	ssyncset.done $0x0  }
0x5f: {  	s12 =	simm.s32 @!p0 $0xF;
	s21 =	rddreg [dreg:$0x5];
	[sflag:s10] =	ssyncadd.s32 $0xFFFFEC00  }
0x60: {  	[spmem:s2] =	stream.indirect.scatter.add.f32 [tilespmem:s21], [sflag:$0xA], $0x20, s22, s6, $0xb8;
	[tilespmem:$0x19800] =	vst v63  }
0x61: {  	_ =	swait.ge @!p0 [sflag:s12], $0x1400  }
0x62: {  	s24 =	simm.s32 $0x3C0;
	[sflag:s12] =	ssyncset.done @!p0 $0x0  }
0x63: {  	s11 =	simm.s32 $0x3;
	s23 =	rddreg [dreg:$0x6];
	[sflag:s12] =	ssyncadd.s32 @!p0 $0xFFFFEC00  }
0x64: {  	[tilespmem:s23], [sflag:$0x7] =	stream.indirect.gather [hbm4b:s5+s6], $0x20, s24, s6, $0xb8;
	[tilespmem:$0x19800] =	vst v63  }
0x65: {  	_ =	swait.ge [sflag:s11], $0x1400  }
0x66: {  	s26 =	simm.s32 $0x5140;
	[sflag:s11] =	ssyncset.done $0x0  }
0x67: {  	s14 =	simm.s32 @!p0 $0x10;
	s25 =	rddreg [dreg:$0x7];
	[sflag:s11] =	ssyncadd.s32 $0xFFFFEC00  }
0x68: {  	[spmem:s2] =	stream.indirect.scatter.add.f32 [tilespmem:s25], [sflag:$0xB], $0x20, s26, s6, $0xb8;
	[tilespmem:$0x19800] =	vst v63  }
0x69: {  	_ =	swait.ge @!p0 [sflag:s14], $0x1400  }
0x6a: {  	s28 =	simm.s32 $0x460;
	[sflag:s14] =	ssyncset.done @!p0 $0x0  }
0x6b: {  	s13 =	simm.s32 $0x4;
	s7 =	simm.s32 $0x12C00;
	[sflag:s14] =	ssyncadd.s32 @!p0 $0xFFFFEC00  }
0x6c: {  	[tilespmem:s7], [sflag:$0x8] =	stream.indirect.gather [hbm4b:s5+s6], $0x20, s28, s6, $0xb8;
	[tilespmem:$0x19800] =	vst v63  }
0x6d: {  	_ =	swait.ge [sflag:s13], $0x1400  }
0x6e: {  	s30 =	simm.s32 $0x51E0;
	[sflag:s13] =	ssyncset.done $0x0  }
0x6f: {  	s15 =	simm.s32 $0x9;
	s29 =	rddreg [dreg:$0x8];
	[sflag:s13] =	ssyncadd.s32 $0xFFFFEC00  }
0x70: {  	[spmem:s2] =	stream.indirect.scatter.add.f32 [tilespmem:s29], [sflag:$0xC], $0x20, s30, s6, $0xb8;
	[tilespmem:$0x19800] =	vst v63  }
0x71: {  	_ =	swait.ge [sflag:s15], $0x1400  }
0x72: {  	p0 =	por $0x0, $0x0;
	[sflag:s15] =	ssyncset.done $0x0  }
0x73: {  	s12 =	simm.s32 @p0 $0x5;
	[sflag:s15] =	ssyncadd.s32 $0xFFFFEC00  }
0x74: {  	_ =	swait.ge @p0 [sflag:s12], $0x1400  }
0x75: {  	s14 =	simm.s32 @p0 $0x5280;
	s16 =	simm.s32 @p0 $0xA;
	[sflag:s12] =	ssyncset.done @p0 $0x0  }
0x76: {  	s17 =	simm.s32 @p0 $0xA0;
	[sflag:s12] =	ssyncadd.s32 @p0 $0xFFFFEC00;
	s12 =	simm.s32 @p0 $0xF000  }
0x77: {  	[spmem:s2] =	stream.indirect.scatter.add.f32 @p0 [tilespmem:s12], [sflag:$0xD], $0x20, s14, s17, $0xb8;
	[tilespmem:$0x19800] =	vst v63  }
0x78: {  	_ =	swait.ge @p0 [sflag:s16], $0x1400  }
0x79: {  	s18 =	simm.s32 @!p0 $0xA0;
	s12 =	simm.s32 @!p0 $0x500;
	[sflag:s16] =	ssyncset.done @p0 $0x0  }
0x7a: {  	s14 =	simm.s32 @!p0 $0x5;
	[sflag:s16] =	ssyncadd.s32 @p0 $0xFFFFEC00;
	s16 =	simm.s32 @!p0 $0xA000  }
0x7b: {  	[tilespmem:s16], [sflag:$0x1] =	stream.indirect.gather @!p0 [hbm4b:s5+s18], $0x20, s12, s18, $0xb8;
	[tilespmem:$0x19800] =	vst v63  }
0x7c: {  	_ =	swait.ge @!p0 [sflag:s14], $0x1400  }
0x7d: {  	s12 =	simm.s32 @!p0 $0x5280;
	[sflag:s14] =	ssyncset.done @!p0 $0x0  }
0x7e: {  	s16 =	simm.s32 @!p0 $0xA;
	[sflag:s14] =	ssyncadd.s32 @!p0 $0xFFFFEC00;
	s14 =	simm.s32 @!p0 $0xF000  }
0x7f: {  	[spmem:s2] =	stream.indirect.scatter.add.f32 @!p0 [tilespmem:s14], [sflag:$0xD], $0x20, s12, s18, $0xb8;
	[tilespmem:$0x19800] =	vst v63  }
0x80: {  	_ =	swait.ge @!p0 [sflag:s16], $0x1400  }
0x81: {  	s12 =	simm.s32 $0x6;
	[sflag:s16] =	ssyncset.done @!p0 $0x0  }
0x82: {  	s14 =	simm.s32 @!p0 $0x5A0;
	[sflag:s16] =	ssyncadd.s32 @!p0 $0xFFFFEC00;
	s16 =	simm.s32 @!p0 $0xB400  }
0x83: {  	[tilespmem:s16], [sflag:$0x2] =	stream.indirect.gather @!p0 [hbm4b:s5+s18], $0x20, s14, s18, $0xb8;
	[tilespmem:$0x19800] =	vst v63  }
0x84: {  	_ =	swait.ge [sflag:s12], $0x1400  }
0x85: {  	[sflag:s12] =	ssyncset.done $0x0  }
0x86: {  	s31 =	simm.s32 $0x5320;
	s16 =	simm.s32 $0xB;
	[sflag:s12] =	ssyncadd.s32 $0xFFFFEC00  }
0x87: {  	[spmem:s2] =	stream.indirect.scatter.add.f32 [tilespmem:s8], [sflag:$0xE], $0x20, s31, s6, $0xb8;
	[tilespmem:$0x19800] =	vst v63  }
0x88: {  	_ =	swait.ge [sflag:s16], $0x1400  }
0x89: {  	[sflag:s16] =	ssyncset.done $0x0  }
0x8a: {  	s14 =	simm.s32 @p0 $0x7;
	[sflag:s16] =	ssyncadd.s32 $0xFFFFEC00  }
0x8b: {  	_ =	swait.ge @p0 [sflag:s14], $0x1400  }
0x8c: {  	s19 =	simm.s32 @p0 $0x53C0;
	[sflag:s14] =	ssyncset.done @p0 $0x0  }
0x8d: {  	s20 =	simm.s32 @p0 $0xC;
	[sflag:s14] =	ssyncadd.s32 @p0 $0xFFFFEC00;
	s14 =	simm.s32 @p0 $0x11800  }
0x8e: {  	[spmem:s2] =	stream.indirect.scatter.add.f32 @p0 [tilespmem:s14], [sflag:$0xF], $0x20, s19, s17, $0xb8;
	[tilespmem:$0x19800] =	vst v63  }
0x8f: {  	_ =	swait.ge @p0 [sflag:s20], $0x1400  }
0x90: {  	s14 =	simm.s32 @!p0 $0x640;
	[sflag:s20] =	ssyncset.done @p0 $0x0  }
0x91: {  	s17 =	simm.s32 @!p0 $0xC800;
	s19 =	simm.s32 @!p0 $0x7;
	[sflag:s20] =	ssyncadd.s32 @p0 $0xFFFFEC00  }
0x92: {  	[tilespmem:s17], [sflag:$0x3] =	stream.indirect.gather @!p0 [hbm4b:s5+s18], $0x20, s14, s18, $0xb8;
	[tilespmem:$0x19800] =	vst v63  }
0x93: {  	_ =	swait.ge @!p0 [sflag:s19], $0x1400  }
0x94: {  	s14 =	simm.s32 @!p0 $0x53C0;
	[sflag:s19] =	ssyncset.done @!p0 $0x0  }
0x95: {  	s17 =	simm.s32 @!p0 $0x11800;
	[sflag:s19] =	ssyncadd.s32 @!p0 $0xFFFFEC00;
	s19 =	simm.s32 @!p0 $0xC  }
0x96: {  	[spmem:s2] =	stream.indirect.scatter.add.f32 @!p0 [tilespmem:s17], [sflag:$0xF], $0x20, s14, s18, $0xb8;
	[tilespmem:$0x19800] =	vst v63  }
0x97: {  	_ =	swait.ge @!p0 [sflag:s19], $0x1400  }
0x98: {  	s14 =	simm.s32 $0x8;
	[sflag:s19] =	ssyncset.done @!p0 $0x0  }
0x99: {  	s17 =	simm.s32 @!p0 $0x6E0;
	[sflag:s19] =	ssyncadd.s32 @!p0 $0xFFFFEC00;
	s19 =	simm.s32 @!p0 $0xDC00  }
0x9a: {  	[tilespmem:s19], [sflag:$0x4] =	stream.indirect.gather @!p0 [hbm4b:s5+s18], $0x20, s17, s18, $0xb8;
	[tilespmem:$0x19800] =	vst v63  }
0x9b: {  	p1 =	por $0x0, $0x0;
	s17 =	simm.s32 $0x1400;
	_ =	swait.ge [sflag:s14], $0x1400  }
0x9c: {  	s18 =	simm.s32 $0x2800;
	s19 =	simm.s32 $0x5460;
	[sflag:s14] =	ssyncset.done $0x0  }
.LBB2_4:
0x9d: {  	s21 =	simm.s32 @!p1 $0xD;
	[sflag:s14] =	ssyncadd.s32 $0xFFFFEC00  }
0x9e: {  	[spmem:s2] =	stream.indirect.scatter.add.f32 [tilespmem:s7], [sflag:$0x10], $0x20, s19, s6, $0xb8;
	[tilespmem:$0x19800] =	vst v63  }
0x9f: {  	_ =	swait.ge @!p1 [sflag:s21], $0x1400  }
0xa0: {  	s19 =	sshra.s32 s17, $0x2;
	[sflag:s21] =	ssyncset.done @!p1 $0x0  }
0xa1: {  	s25 =	sadd.s32 $0x280, s19;
	s22 =	rddreg [dreg:$0x3];
	[sflag:s21] =	ssyncadd.s32 @!p1 $0xFFFFEC00  }
0xa2: {  	[tilespmem:s22], [sflag:$0x5] =	stream.indirect.gather [hbm4b:s5+s6], $0x20, s25, s6, $0xb8;
	[tilespmem:$0x19800] =	vst v63  }
0xa3: {  	_ =	swait.ge [sflag:s9], $0x1400  }
0xa4: {  	s23 =	simm.s32 @!p1 $0xE;
	[sflag:s9] =	ssyncset.done $0x0  }
0xa5: {  	s28 =	sadd.s32 $0x5000, s19;
	s26 =	rddreg [dreg:$0x4];
	[sflag:s9] =	ssyncadd.s32 $0xFFFFEC00  }
0xa6: {  	[spmem:s2] =	stream.indirect.scatter.add.f32 [tilespmem:s26], [sflag:$0x9], $0x20, s28, s6, $0xb8;
	[tilespmem:$0x19800] =	vst v63  }
0xa7: {  	_ =	swait.ge @!p1 [sflag:s23], $0x1400  }
0xa8: {  	[sflag:s23] =	ssyncset.done @!p1 $0x0  }
0xa9: {  	s29 =	sadd.s32 $0x320, s19;
	[sflag:s23] =	ssyncadd.s32 @!p1 $0xFFFFEC00  }
0xaa: {  	[tilespmem:s8], [sflag:$0x6] =	stream.indirect.gather [hbm4b:s5+s6], $0x20, s29, s6, $0xb8;
	[tilespmem:$0x19800] =	vst v63  }
0xab: {  	_ =	swait.ge [sflag:s10], $0x1400  }
0xac: {  	s31 =	sadd.s32 $0x50A0, s19;
	[sflag:s10] =	ssyncset.done $0x0  }
0xad: {  	s23 =	simm.s32 @!p1 $0xF;
	s30 =	rddreg [dreg:$0x5];
	[sflag:s10] =	ssyncadd.s32 $0xFFFFEC00  }
0xae: {  	[spmem:s2] =	stream.indirect.scatter.add.f32 [tilespmem:s30], [sflag:$0xA], $0x20, s31, s6, $0xb8;
	[tilespmem:$0x19800] =	vst v63  }
0xaf: {  	_ =	swait.ge @!p1 [sflag:s23], $0x1400  }
0xb0: {  	[sflag:s23] =	ssyncset.done @!p1 $0x0  }
0xb1: {  	s22 =	rddreg [dreg:$0x6];
	[sflag:s23] =	ssyncadd.s32 @!p1 $0xFFFFEC00;
	s23 =	sadd.s32 $0x3C0, s19  }
0xb2: {  	[tilespmem:s22], [sflag:$0x7] =	stream.indirect.gather [hbm4b:s5+s6], $0x20, s23, s6, $0xb8;
	[tilespmem:$0x19800] =	vst v63  }
0xb3: {  	_ =	swait.ge [sflag:s11], $0x1400  }
0xb4: {  	s25 =	sadd.s32 $0x5140, s19;
	[sflag:s11] =	ssyncset.done $0x0  }
0xb5: {  	s23 =	simm.s32 @!p1 $0x10;
	s24 =	rddreg [dreg:$0x7];
	[sflag:s11] =	ssyncadd.s32 $0xFFFFEC00  }
0xb6: {  	[spmem:s2] =	stream.indirect.scatter.add.f32 [tilespmem:s24], [sflag:$0xB], $0x20, s25, s6, $0xb8;
	[tilespmem:$0x19800] =	vst v63  }
0xb7: {  	_ =	swait.ge @!p1 [sflag:s23], $0x1400  }
0xb8: {  	[sflag:s23] =	ssyncset.done @!p1 $0x0  }
0xb9: {  	s26 =	sadd.s32 $0x460, s19;
	[sflag:s23] =	ssyncadd.s32 @!p1 $0xFFFFEC00  }
0xba: {  	[tilespmem:s7], [sflag:$0x8] =	stream.indirect.gather [hbm4b:s5+s6], $0x20, s26, s6, $0xb8;
	[tilespmem:$0x19800] =	vst v63  }
0xbb: {  	_ =	swait.ge [sflag:s13], $0x1400  }
0xbc: {  	[sflag:s13] =	ssyncset.done $0x0  }
0xbd: {  	s29 =	sadd.s32 $0x51E0, s19;
	s28 =	rddreg [dreg:$0x8];
	[sflag:s13] =	ssyncadd.s32 $0xFFFFEC00  }
0xbe: {  	[spmem:s2] =	stream.indirect.scatter.add.f32 [tilespmem:s28], [sflag:$0xC], $0x20, s29, s6, $0xb8;
	[tilespmem:$0x19800] =	vst v63  }
0xbf: {  	_ =	swait.ge [sflag:s15], $0x1400  }
0xc0: {  	s20 =	smov.u32 s18;
	p1 =	seq.s32 s17, $0x12C00;
	[sflag:s15] =	ssyncset.done $0x0  }
0xc1: {  	s21 =	simm.s32 @p1 $0x5;
	s22 =	sshra.s32 @p1 s17, $0x2;
	[sflag:s15] =	ssyncadd.s32 $0xFFFFEC00  }
0xc2: {  	s17 =	sshra.s32 @!p1 s17, $0x2;
	s25 =	simm.s32 @p1 $0xA;
	_ =	swait.ge @p1 [sflag:s21], $0x1400  }
0xc3: {  	s23 =	simm.s32 @p1 $0xA0;
	s30 =	simm.s32 @!p1 $0x5;
	[sflag:s21] =	ssyncset.done @p1 $0x0  }
0xc4: {  	s24 =	sadd.s32 @p1 $0x5280, s22;
	[sflag:s21] =	ssyncadd.s32 @p1 $0xFFFFEC00;
	s21 =	simm.s32 @p1 $0xF000  }
0xc5: {  	[spmem:s2] =	stream.indirect.scatter.add.f32 @p1 [tilespmem:s21], [sflag:$0xD], $0x20, s24, s23, $0xb8;
	[tilespmem:$0x19800] =	vst v63  }
0xc6: {  	s26 =	sadd.s32 @!p1 $0x500, s17;
	s31 =	sadd.s32 @p1 $0x53C0, s22;
	_ =	swait.ge @p1 [sflag:s25], $0x1400  }
0xc7: {  	s22 =	simm.s32 @!p1 $0xA000;
	s28 =	sadd.s32 @!p1 $0x5280, s17;
	[sflag:s25] =	ssyncset.done @p1 $0x0  }
0xc8: {  	s29 =	sadd.s32 @!p1 $0x5A0, s17;
	s21 =	simm.s32 @!p1 $0xA0;
	[sflag:s25] =	ssyncadd.s32 @p1 $0xFFFFEC00  }
0xc9: {  	[tilespmem:s22], [sflag:$0x1] =	stream.indirect.gather @!p1 [hbm4b:s5+s21], $0x20, s26, s21, $0xb8;
	[tilespmem:$0x19800] =	vst v63  }
0xca: {  	s24 =	sadd.s32 @!p1 $0x53C0, s17;
	s25 =	sadd.s32 @!p1 $0x640, s17;
	_ =	swait.ge @!p1 [sflag:s30], $0x1400  }
0xcb: {  	s22 =	sadd.s32 @!p1 $0x6E0, s17;
	s17 =	smov.u32 s20;
	[sflag:s30] =	ssyncset.done @!p1 $0x0  }
0xcc: {  	s20 =	simm.s32 @!p1 $0xF000;
	s26 =	simm.s32 @!p1 $0xA;
	[sflag:s30] =	ssyncadd.s32 @!p1 $0xFFFFEC00  }
0xcd: {  	[spmem:s2] =	stream.indirect.scatter.add.f32 @!p1 [tilespmem:s20], [sflag:$0xD], $0x20, s28, s21, $0xb8;
	[tilespmem:$0x19800] =	vst v63  }
0xce: {  	_ =	swait.ge @!p1 [sflag:s26], $0x1400  }
0xcf: {  	[sflag:s26] =	ssyncset.done @!p1 $0x0  }
0xd0: {  	s20 =	simm.s32 @!p1 $0xB400;
	[sflag:s26] =	ssyncadd.s32 @!p1 $0xFFFFEC00  }
0xd1: {  	[tilespmem:s20], [sflag:$0x2] =	stream.indirect.gather @!p1 [hbm4b:s5+s21], $0x20, s29, s21, $0xb8;
	[tilespmem:$0x19800] =	vst v63  }
0xd2: {  	_ =	swait.ge [sflag:s12], $0x1400  }
0xd3: {  	[sflag:s12] =	ssyncset.done $0x0  }
0xd4: {  	s30 =	sadd.s32 $0x5320, s19;
	[sflag:s12] =	ssyncadd.s32 $0xFFFFEC00  }
0xd5: {  	[spmem:s2] =	stream.indirect.scatter.add.f32 [tilespmem:s8], [sflag:$0xE], $0x20, s30, s6, $0xb8;
	[tilespmem:$0x19800] =	vst v63  }
0xd6: {  	_ =	swait.ge [sflag:s16], $0x1400  }
0xd7: {  	[sflag:s16] =	ssyncset.done $0x0  }
0xd8: {  	s20 =	simm.s32 @p1 $0x7;
	[sflag:s16] =	ssyncadd.s32 $0xFFFFEC00  }
0xd9: {  	_ =	swait.ge @p1 [sflag:s20], $0x1400  }
0xda: {  	[sflag:s20] =	ssyncset.done @p1 $0x0  }
0xdb: {  	s26 =	simm.s32 @p1 $0xC;
	[sflag:s20] =	ssyncadd.s32 @p1 $0xFFFFEC00;
	s20 =	simm.s32 @p1 $0x11800  }
0xdc: {  	[spmem:s2] =	stream.indirect.scatter.add.f32 @p1 [tilespmem:s20], [sflag:$0xF], $0x20, s31, s23, $0xb8;
	[tilespmem:$0x19800] =	vst v63  }
0xdd: {  	_ =	swait.ge @p1 [sflag:s26], $0x1400  }
0xde: {  	[sflag:s26] =	ssyncset.done @p1 $0x0  }
0xdf: {  	s20 =	simm.s32 @!p1 $0xC800;
	s23 =	simm.s32 @!p1 $0x7;
	[sflag:s26] =	ssyncadd.s32 @p1 $0xFFFFEC00  }
0xe0: {  	[tilespmem:s20], [sflag:$0x3] =	stream.indirect.gather @!p1 [hbm4b:s5+s21], $0x20, s25, s21, $0xb8;
	[tilespmem:$0x19800] =	vst v63  }
0xe1: {  	_ =	swait.ge @!p1 [sflag:s23], $0x1400  }
0xe2: {  	s18 =	sadd.s32 $0x1400, s18;
	[sflag:s23] =	ssyncset.done @!p1 $0x0  }
0xe3: {  	s20 =	simm.s32 @!p1 $0x11800;
	[sflag:s23] =	ssyncadd.s32 @!p1 $0xFFFFEC00;
	s23 =	simm.s32 @!p1 $0xC  }
0xe4: {  	[spmem:s2] =	stream.indirect.scatter.add.f32 @!p1 [tilespmem:s20], [sflag:$0xF], $0x20, s24, s21, $0xb8;
	[tilespmem:$0x19800] =	vst v63  }
0xe5: {  	p0 =	sne.s32 s18, $0x14000;
	_ =	swait.ge @!p1 [sflag:s23], $0x1400  }
.Ltmp2:
0xe6: {  	[sflag:s23] =	ssyncset.done @!p1 $0x0;
	(pc) =	sbr.rel @p0 .LBB2_4-.Ltmp2, $4  }
0xe7: {  	s20 =	simm.s32 @!p1 $0xDC00;
	[sflag:s23] =	ssyncadd.s32 @!p1 $0xFFFFEC00  }
0xe8: {  	[tilespmem:s20], [sflag:$0x4] =	stream.indirect.gather @!p1 [hbm4b:s5+s21], $0x20, s22, s21, $0xb8;
	[tilespmem:$0x19800] =	vst v63  }
0xe9: {  	_ =	swait.ge [sflag:s14], $0x1400  }
0xea: {  	s19 =	sadd.s32 $0x5460, s19;
	p1 =	seq.s32 s17, $0x0;
	[sflag:s14] =	ssyncset.done $0x0  }
0xeb: {  	s20 =	simm.s32 @!p1 $0xD;
	[sflag:s14] =	ssyncadd.s32 $0xFFFFEC00  }
0xec: {  	[spmem:s2] =	stream.indirect.scatter.add.f32 [tilespmem:s7], [sflag:$0x10], $0x20, s19, s6, $0xb8;
	[tilespmem:$0x19800] =	vst v63  }
0xed: {  	_ =	swait.ge @!p1 [sflag:s20], $0x1400  }
0xee: {  	s18 =	sshra.s32 s17, $0x2;
	[sflag:s20] =	ssyncset.done @!p1 $0x0  }
0xef: {  	s23 =	sadd.s32 $0x280, s18;
	s22 =	rddreg [dreg:$0x3];
	[sflag:s20] =	ssyncadd.s32 @!p1 $0xFFFFEC00  }
0xf0: {  	[tilespmem:s22], [sflag:$0x5] =	stream.indirect.gather [hbm4b:s5+s6], $0x20, s23, s6, $0xb8;
	[tilespmem:$0x19800] =	vst v63  }
0xf1: {  	_ =	swait.ge [sflag:s9], $0x1400  }
0xf2: {  	s25 =	sadd.s32 $0x5000, s18;
	[sflag:s9] =	ssyncset.done $0x0  }
0xf3: {  	s20 =	simm.s32 @!p1 $0xE;
	s24 =	rddreg [dreg:$0x4];
	[sflag:s9] =	ssyncadd.s32 $0xFFFFEC00  }
0xf4: {  	[spmem:s2] =	stream.indirect.scatter.add.f32 [tilespmem:s24], [sflag:$0x9], $0x20, s25, s6, $0xb8;
	[tilespmem:$0x19800] =	vst v63  }
0xf5: {  	_ =	swait.ge @!p1 [sflag:s20], $0x1400  }
0xf6: {  	[sflag:s20] =	ssyncset.done @!p1 $0x0  }
0xf7: {  	s26 =	sadd.s32 $0x320, s18;
	[sflag:s20] =	ssyncadd.s32 @!p1 $0xFFFFEC00  }
0xf8: {  	[tilespmem:s8], [sflag:$0x6] =	stream.indirect.gather [hbm4b:s5+s6], $0x20, s26, s6, $0xb8;
	[tilespmem:$0x19800] =	vst v63  }
0xf9: {  	_ =	swait.ge [sflag:s10], $0x1400  }
0xfa: {  	s29 =	sadd.s32 $0x50A0, s18;
	[sflag:s10] =	ssyncset.done $0x0  }
0xfb: {  	s19 =	simm.s32 @!p1 $0xF;
	s28 =	rddreg [dreg:$0x5];
	[sflag:s10] =	ssyncadd.s32 $0xFFFFEC00  }
0xfc: {  	[spmem:s2] =	stream.indirect.scatter.add.f32 [tilespmem:s28], [sflag:$0xA], $0x20, s29, s6, $0xb8;
	[tilespmem:$0x19800] =	vst v63  }
0xfd: {  	_ =	swait.ge @!p1 [sflag:s19], $0x1400  }
0xfe: {  	[sflag:s19] =	ssyncset.done @!p1 $0x0  }
0xff: {  	s31 =	sadd.s32 $0x3C0, s18;
	s30 =	rddreg [dreg:$0x6];
	[sflag:s19] =	ssyncadd.s32 @!p1 $0xFFFFEC00  }
0x100: {  	[tilespmem:s30], [sflag:$0x7] =	stream.indirect.gather [hbm4b:s5+s6], $0x20, s31, s6, $0xb8;
	[tilespmem:$0x19800] =	vst v63  }
0x101: {  	_ =	swait.ge [sflag:s11], $0x1400  }
0x102: {  	s19 =	sadd.s32 $0x5140, s18;
	[sflag:s11] =	ssyncset.done $0x0  }
0x103: {  	s10 =	rddreg [dreg:$0x7];
	[sflag:s11] =	ssyncadd.s32 $0xFFFFEC00;
	s11 =	simm.s32 @!p1 $0x10  }
0x104: {  	[spmem:s2] =	stream.indirect.scatter.add.f32 [tilespmem:s10], [sflag:$0xB], $0x20, s19, s6, $0xb8;
	[tilespmem:$0x19800] =	vst v63  }
0x105: {  	_ =	swait.ge @!p1 [sflag:s11], $0x1400  }
0x106: {  	[sflag:s11] =	ssyncset.done @!p1 $0x0  }
0x107: {  	s20 =	sadd.s32 $0x460, s18;
	[sflag:s11] =	ssyncadd.s32 @!p1 $0xFFFFEC00  }
0x108: {  	[tilespmem:s7], [sflag:$0x8] =	stream.indirect.gather [hbm4b:s5+s6], $0x20, s20, s6, $0xb8;
	[tilespmem:$0x19800] =	vst v63  }
0x109: {  	_ =	swait.ge [sflag:s13], $0x1400  }
0x10a: {  	[sflag:s13] =	ssyncset.done $0x0  }
0x10b: {  	s22 =	sadd.s32 $0x51E0, s18;
	s21 =	rddreg [dreg:$0x8];
	[sflag:s13] =	ssyncadd.s32 $0xFFFFEC00  }
0x10c: {  	[spmem:s2] =	stream.indirect.scatter.add.f32 [tilespmem:s21], [sflag:$0xC], $0x20, s22, s6, $0xb8;
	[tilespmem:$0x19800] =	vst v63  }
0x10d: {  	_ =	swait.ge [sflag:s15], $0x1400  }
0x10e: {  	p0 =	seq.s32 s17, $0x12C00;
	[sflag:s15] =	ssyncset.done $0x0  }
0x10f: {  	s9 =	simm.s32 @p0 $0x5;
	[sflag:s15] =	ssyncadd.s32 $0xFFFFEC00  }
0x110: {  	s10 =	sshra.s32 @p0 s17, $0x2;
	_ =	swait.ge @p0 [sflag:s9], $0x1400  }
0x111: {  	s11 =	sadd.s32 @p0 $0x5280, s10;
	s13 =	simm.s32 @p0 $0xA;
	[sflag:s9] =	ssyncset.done @p0 $0x0  }
0x112: {  	s15 =	simm.s32 @p0 $0xF000;
	[sflag:s9] =	ssyncadd.s32 @p0 $0xFFFFEC00;
	s9 =	simm.s32 @p0 $0xA0  }
0x113: {  	[spmem:s2] =	stream.indirect.scatter.add.f32 @p0 [tilespmem:s15], [sflag:$0xD], $0x20, s11, s9, $0xb8;
	[tilespmem:$0x19800] =	vst v63  }
0x114: {  	s19 =	simm.s32 @!p0 $0xA000;
	_ =	swait.ge @p0 [sflag:s13], $0x1400  }
0x115: {  	s11 =	sshra.s32 @!p0 s17, $0x2;
	s17 =	simm.s32 @!p0 $0x5;
	[sflag:s13] =	ssyncset.done @p0 $0x0  }
0x116: {  	s15 =	sadd.s32 @!p0 $0x500, s11;
	[sflag:s13] =	ssyncadd.s32 @p0 $0xFFFFEC00;
	s13 =	simm.s32 @!p0 $0xA0  }
0x117: {  	[tilespmem:s19], [sflag:$0x1] =	stream.indirect.gather @!p0 [hbm4b:s5+s13], $0x20, s15, s13, $0xb8;
	[tilespmem:$0x19800] =	vst v63  }
0x118: {  	_ =	swait.ge @!p0 [sflag:s17], $0x1400  }
0x119: {  	s15 =	sadd.s32 @!p0 $0x5280, s11;
	[sflag:s17] =	ssyncset.done @!p0 $0x0  }
0x11a: {  	s19 =	simm.s32 @!p0 $0xA;
	[sflag:s17] =	ssyncadd.s32 @!p0 $0xFFFFEC00;
	s17 =	simm.s32 @!p0 $0xF000  }
0x11b: {  	[spmem:s2] =	stream.indirect.scatter.add.f32 @!p0 [tilespmem:s17], [sflag:$0xD], $0x20, s15, s13, $0xb8;
	[tilespmem:$0x19800] =	vst v63  }
0x11c: {  	_ =	swait.ge @!p0 [sflag:s19], $0x1400  }
0x11d: {  	[sflag:s19] =	ssyncset.done @!p0 $0x0  }
0x11e: {  	s15 =	sadd.s32 @!p0 $0x5A0, s11;
	s17 =	simm.s32 @!p0 $0xB400;
	[sflag:s19] =	ssyncadd.s32 @!p0 $0xFFFFEC00  }
0x11f: {  	[tilespmem:s17], [sflag:$0x2] =	stream.indirect.gather @!p0 [hbm4b:s5+s13], $0x20, s15, s13, $0xb8;
	[tilespmem:$0x19800] =	vst v63  }
0x120: {  	_ =	swait.ge [sflag:s12], $0x1400  }
0x121: {  	[sflag:s12] =	ssyncset.done $0x0  }
0x122: {  	s23 =	sadd.s32 $0x5320, s18;
	[sflag:s12] =	ssyncadd.s32 $0xFFFFEC00  }
0x123: {  	[spmem:s2] =	stream.indirect.scatter.add.f32 [tilespmem:s8], [sflag:$0xE], $0x20, s23, s6, $0xb8;
	[tilespmem:$0x19800] =	vst v63  }
0x124: {  	_ =	swait.ge [sflag:s16], $0x1400  }
0x125: {  	[sflag:s16] =	ssyncset.done $0x0  }
0x126: {  	s8 =	simm.s32 @p0 $0x7;
	[sflag:s16] =	ssyncadd.s32 $0xFFFFEC00  }
0x127: {  	_ =	swait.ge @p0 [sflag:s8], $0x1400  }
0x128: {  	s10 =	sadd.s32 @p0 $0x53C0, s10;
	[sflag:s8] =	ssyncset.done @p0 $0x0  }
0x129: {  	s12 =	simm.s32 @p0 $0xC;
	[sflag:s8] =	ssyncadd.s32 @p0 $0xFFFFEC00;
	s8 =	simm.s32 @p0 $0x11800  }
0x12a: {  	[spmem:s2] =	stream.indirect.scatter.add.f32 @p0 [tilespmem:s8], [sflag:$0xF], $0x20, s10, s9, $0xb8;
	[tilespmem:$0x19800] =	vst v63  }
0x12b: {  	_ =	swait.ge @p0 [sflag:s12], $0x1400  }
0x12c: {  	s8 =	sadd.s32 @!p0 $0x640, s11;
	[sflag:s12] =	ssyncset.done @p0 $0x0  }
0x12d: {  	s9 =	simm.s32 @!p0 $0xC800;
	s10 =	simm.s32 @!p0 $0x7;
	[sflag:s12] =	ssyncadd.s32 @p0 $0xFFFFEC00  }
0x12e: {  	[tilespmem:s9], [sflag:$0x3] =	stream.indirect.gather @!p0 [hbm4b:s5+s13], $0x20, s8, s13, $0xb8;
	[tilespmem:$0x19800] =	vst v63  }
0x12f: {  	_ =	swait.ge @!p0 [sflag:s10], $0x1400  }
0x130: {  	s8 =	sadd.s32 @!p0 $0x53C0, s11;
	[sflag:s10] =	ssyncset.done @!p0 $0x0  }
0x131: {  	s9 =	simm.s32 @!p0 $0x11800;
	[sflag:s10] =	ssyncadd.s32 @!p0 $0xFFFFEC00;
	s10 =	simm.s32 @!p0 $0xC  }
0x132: {  	[spmem:s2] =	stream.indirect.scatter.add.f32 @!p0 [tilespmem:s9], [sflag:$0xF], $0x20, s8, s13, $0xb8;
	[tilespmem:$0x19800] =	vst v63  }
0x133: {  	_ =	swait.ge @!p0 [sflag:s10], $0x1400  }
0x134: {  	[sflag:s10] =	ssyncset.done @!p0 $0x0  }
0x135: {  	s8 =	sadd.s32 @!p0 $0x6E0, s11;
	s9 =	simm.s32 @!p0 $0xDC00;
	[sflag:s10] =	ssyncadd.s32 @!p0 $0xFFFFEC00  }
0x136: {  	[tilespmem:s9], [sflag:$0x4] =	stream.indirect.gather @!p0 [hbm4b:s5+s13], $0x20, s8, s13, $0xb8;
	[tilespmem:$0x19800] =	vst v63  }
0x137: {  	_ =	swait.ge [sflag:s14], $0x1400  }
0x138: {  	[sflag:s14] =	ssyncset.done $0x0  }
0x139: {  	s24 =	sadd.s32 $0x5460, s18;
	s25 =	simm.s32 $0xD;
	[sflag:s14] =	ssyncadd.s32 $0xFFFFEC00  }
0x13a: {  	[spmem:s2] =	stream.indirect.scatter.add.f32 [tilespmem:s7], [sflag:$0x10], $0x20, s24, s6, $0xb8;
	[tilespmem:$0x19800] =	vst v63  }
0x13b: {  	_ =	swait.ge [sflag:s25], $0x1400  }
0x13c: {  	[sflag:s25] =	ssyncset.done $0x0  }
0x13d: {  	s26 =	simm.s32 $0xE;
	[sflag:s25] =	ssyncadd.s32 $0xFFFFEC00  }
0x13e: {  	_ =	swait.ge [sflag:s26], $0x1400  }
0x13f: {  	[sflag:s26] =	ssyncset.done $0x0  }
0x140: {  	s28 =	simm.s32 $0xF;
	[sflag:s26] =	ssyncadd.s32 $0xFFFFEC00  }
0x141: {  	_ =	swait.ge [sflag:s28], $0x1400  }
0x142: {  	[sflag:s28] =	ssyncset.done $0x0  }
0x143: {  	s29 =	simm.s32 $0x10;
	[sflag:s28] =	ssyncadd.s32 $0xFFFFEC00  }
0x144: {  	_ =	swait.ge [sflag:s29], $0x1400  }
0x145: {  	[sflag:s29] =	ssyncset.done $0x0  }
0x146: {  	s4 =	sshrl.u32 s4, $0x3;
	s30 =	sshll.u32 s1, $0x6;
	[sflag:s29] =	ssyncadd.s32 $0xFFFFEC00  }
0x147: {  	s31 =	simm.s32 $0x11;
	s2 =	sor.u32 $0x1C11, s30;
	[bflag:$0x0] =	sbarrier.arrive $0xFFFF  }
0x148: {  	[hbm:s3], [sflag:s2] =	dma.local [spmem:s4], $0xA00  }
0x149: {  	_ =	swait.ge [sflag:s31], $0xA00  }
0x14a: {  	[sflag:s31] =	ssyncset.done $0x0  }
0x14b: {  	[sflag:s31] =	ssyncadd.s32 $0xFFFFF600  }
.LBB2_6:
0x14c: {  	_ =	sfence.sel $0x180000  }
0x14d: {  	[bflag:$0x0] =	sbarrier.arrive $0xFFFF  }
0x14e: {  	p0 =	sne.s32 s1, $0x0;
	_ =	strace $0x90000050  }
0x14f: {  	s0 =	sadd.s32 @!p0 $0x100000, s0;
	[bflag:$0x2] =	sbarrier.arrive $0xFFFF  }
0x150: {  	[sflag:s0] =	ssyncadd.tile.s32 @!p0 $0x1;
	_ =	shalt  }
.Lfunc_end2:
_tile_overlayer_lowered:
.L_overlay_start_2:
0x151: {  	(tag) =	ssettag $0x2  }
0x152: {  	s0 =	rddreg [dreg:$0x0];
	s2 =	stileid.u32  }
0x153: {  	s1 =	rddreg [dreg:$0x1];
	p0 =	sne.s32 s2, $0x0  }
0x154: {  	s3 =	rddreg [dreg:$0x2];
	[bflag:$0x3] =	sbarrier.arrive $0xFFFF;
	s2 =	simm.s32 @!p0 $0x1C11  }
0x155: {  	[timem:s3], [sflag:s2] =	dma.local @!p0 [hbm:s0], s1  }
0x156: {  	s0 =	simm.s32 @!p0 $0x11  }
0x157: {  	_ =	swait.ge @!p0 [sflag:s0], s1  }
0x158: {  	s1 =	ssub.s32 @!p0 $0x0, s1;
	[sflag:s0] =	ssyncset.done @!p0 $0x0  }
0x159: {  	[sflag:s0] =	ssyncadd.s32 @!p0 s1  }
0x15a: {  	[bflag:$0x3] =	sbarrier.arrive $0xFFFF  }
0x15b: {  	_ =	shalt  }

</sc_bundles>
